<compile_context>
chip_gen: v7x
topology: tpu7x:2x2x1
jax: 0.10.2.dev20260603
libtpu: 0.0.44.dev20260713+nightly
codegen_flags: <defaults>
</compile_context>

<pallas_src>
import functools

import jax
import jax.numpy as jnp
from jax import lax
from jax.experimental import pallas as pl
from jax.experimental.pallas import tpu as pltpu
from jax.experimental.pallas import tpu_sc as plsc

_L = 16
_NW = 32


def _sqrt16(x):
    xc = jnp.maximum(x, jnp.float32(1e-30))
    i = lax.bitcast_convert_type(xc, jnp.int32)
    y = lax.bitcast_convert_type(
        jnp.int32(0x5F3759DF) - lax.shift_right_arithmetic(i, 1), jnp.float32)
    xh = xc * jnp.float32(0.5)
    for _ in range(3):
        y = y * (jnp.float32(1.5) - xh * y * y)
    return xc * y


def make_sc_chamfer(scb: int, n: int, tcb: int):
    g = _NW // scb
    qpw = n // g
    nkv = n // _L
    qv_n = qpw // _L

    mesh = plsc.VectorSubcoreMesh(core_axis_name="c", subcore_axis_name="s")

    @functools.partial(
        pl.kernel,
        mesh=mesh,
        out_type=[
            jax.ShapeDtypeStruct((_NW, _L), jnp.float32),
            jax.ShapeDtypeStruct((scb, _L), jnp.float32),
        ],
        scratch_types=[
            pltpu.VMEM((3, n), jnp.float32),
            pltpu.VMEM((3, n), jnp.float32),
            pltpu.VMEM((3, n), jnp.float32),
            pltpu.VMEM((n,), jnp.float32),
            pltpu.VMEM((_L,), jnp.float32),
            pltpu.VMEM((_L,), jnp.float32),
            pltpu.VMEM((g, n), jnp.float32),
            pltpu.VMEM_SHARED((16, n), jnp.float32),
        ],
    )
    def sc_chamfer(pc1t_hbm, flowt_hbm, pc2t_hbm, rowp_hbm, colp_hbm,
                   keys_v, qs_v, qf_v, cmin_v, racc_v, cacc_v,
                   tmp_v, shared):
        c = lax.axis_index("c")
        s = lax.axis_index("s")
        wid = c * 16 + s
        b = wid // g
        chunk = wid % g

        pltpu.sync_copy(pc2t_hbm.at[tcb + b], keys_v)
        pltpu.sync_copy(pc1t_hbm.at[tcb + b], qs_v)
        pltpu.sync_copy(flowt_hbm.at[tcb + b], qf_v)

        qbase = chunk * qpw
        for d in range(3):
            def add_body(i, _, d=d):
                sl = pl.ds(qbase + i * _L, _L)
                qs_v[d, sl] = qs_v[d, sl] + qf_v[d, sl]
                return 0
            lax.fori_loop(0, qpw // _L, add_body, 0)

        inf16 = jnp.full((_L,), jnp.inf, jnp.float32)
        lane_iota = lax.iota(jnp.int32, _L)

        def lanemin(x):
            for k in (8, 4, 2, 1):
                perm = jnp.bitwise_xor(lane_iota, jnp.int32(k))
                x = jnp.minimum(x, x.at[perm].get(mode="promise_in_bounds"))
            return x

        def splat(vec, l):
            idx = jnp.full((_L,), l, jnp.int32)
            return vec.at[idx].get(mode="promise_in_bounds")

        def init_body(i, _):
            cmin_v[pl.ds(i * _L, _L)] = inf16
            return 0
        lax.fori_loop(0, nkv, init_body, 0)

        nkb = nkv // 4

        def qv_body(qv, racc):
            qvx = qs_v[0, pl.ds(qbase + qv * _L, _L)]
            qvy = qs_v[1, pl.ds(qbase + qv * _L, _L)]
            qvz = qs_v[2, pl.ds(qbase + qv * _L, _L)]

            def make_kb_body(l0):
                def kb_body(kb, rms):
                    base = kb * 4 * _L
                    kx = [keys_v[0, pl.ds(base + v * _L, _L)] for v in range(4)]
                    ky = [keys_v[1, pl.ds(base + v * _L, _L)] for v in range(4)]
                    kz = [keys_v[2, pl.ds(base + v * _L, _L)] for v in range(4)]
                    cm = [cmin_v[pl.ds(base + v * _L, _L)] for v in range(4)]
                    new_rms = []
                    for l in range(l0, l0 + 8):
                        qx = splat(qvx, l)
                        qy = splat(qvy, l)
                        qz = splat(qvz, l)
                        rm = rms[l - l0]
                        for v in range(4):
                            dx = qx - kx[v]
                            t = dx * dx
                            dy = qy - ky[v]
                            t = dy * dy + t
                            dz = qz - kz[v]
                            t = dz * dz + t
                            rm = jnp.minimum(rm, t)
                            cm[v] = jnp.minimum(cm[v], t)
                        new_rms.append(rm)
                    for v in range(4):
                        cmin_v[pl.ds(base + v * _L, _L)] = cm[v]
                    return tuple(new_rms)
                return kb_body

            for l0 in (0, 8):
                rms = lax.fori_loop(0, nkb, make_kb_body(l0), (inf16,) * 8)
                for l in range(8):
                    racc = racc + _sqrt16(lanemin(rms[l]))
            return racc

        racc = lax.fori_loop(0, qv_n, qv_body, jnp.zeros((_L,), jnp.float32))
        racc_v[...] = racc
        pltpu.sync_copy(racc_v, rowp_hbm.at[wid])

        pltpu.sync_copy(cmin_v, shared.at[s])
        plsc.subcore_barrier()

        @pl.when(s % g == 0)
        def _():
            for j in range(g):
                pltpu.sync_copy(shared.at[s + j], tmp_v.at[j])

            def c_body(i, acc):
                sl = pl.ds(i * _L, _L)
                m = tmp_v[0, sl]
                for j in range(1, g):
                    m = jnp.minimum(m, tmp_v[j, sl])
                return acc + _sqrt16(m)

            cacc = lax.fori_loop(0, nkv, c_body, jnp.zeros((_L,), jnp.float32))
            cacc_v[...] = cacc
            pltpu.sync_copy(cacc_v, colp_hbm.at[b])

    return sc_chamfer


_TM = 256


def _tc_chamfer_body(pc1t_ref, flowt_ref, pc2t_ref, out_ref):
    n = pc1t_ref.shape[2]
    p1t = pc1t_ref[0] + flowt_ref[0]
    p1 = jnp.transpose(p1t)
    c2x = pc2t_ref[0, 0:1, :]
    c2y = pc2t_ref[0, 1:2, :]
    c2z = pc2t_ref[0, 2:3, :]

    row_sum = jnp.zeros((), dtype=jnp.float32)
    col_min = jnp.full((1, n), jnp.inf, dtype=jnp.float32)
    for i in range(n // _TM):
        sl = p1[i * _TM:(i + 1) * _TM]
        dx = sl[:, 0:1] - c2x
        d = dx * dx
        dy = sl[:, 1:2] - c2y
        d += dy * dy
        dz = sl[:, 2:3] - c2z
        d += dz * dz
        row_min = jnp.min(d, axis=1)
        row_sum += jnp.sum(jnp.sqrt(row_min))
        col_min = jnp.minimum(col_min, jnp.min(d, axis=0, keepdims=True))

    total = row_sum + jnp.sum(jnp.sqrt(col_min))
    out_ref[0] = total.reshape(1, 1)


def _tc_chamfer(pc1t, pc2t, flowt):
    b, _, n = pc1t.shape
    return pl.pallas_call(
        _tc_chamfer_body,
        grid=(b,),
        in_specs=[
            pl.BlockSpec((1, 3, n), lambda i: (i, 0, 0)),
            pl.BlockSpec((1, 3, n), lambda i: (i, 0, 0)),
            pl.BlockSpec((1, 3, n), lambda i: (i, 0, 0)),
        ],
        out_specs=pl.BlockSpec((1, 1, 1), lambda i: (i, 0, 0)),
        out_shape=jax.ShapeDtypeStruct((b, 1, 1), jnp.float32),
        compiler_params=pltpu.CompilerParams(
            dimension_semantics=("parallel",),
        ),
    )(pc1t, flowt, pc2t)


_SCB = 2


def kernel(pc1, pc2, flow):
    b, n, _ = pc1.shape
    tcb = b - _SCB
    pc2t = jnp.transpose(pc2, (0, 2, 1))
    pc1t = jnp.transpose(pc1, (0, 2, 1))
    flowt = jnp.transpose(flow, (0, 2, 1))

    rowp, colp = make_sc_chamfer(_SCB, n, tcb)(pc1t, flowt, pc2t)

    tc_part = _tc_chamfer(pc1t[:tcb], pc2t[:tcb], flowt[:tcb])

    return (jnp.sum(tc_part) + jnp.sum(rowp) / _L + jnp.sum(colp)) / (b * n)

# --- scband reference (transcript-rebuilt; emitter-appended) ---
"""Pipeline reference for scband-chamfer-loss-15762529976904 (READ-ONLY COPY).

The authoritative reference and input builder live on the scoring server;
editing this copy changes nothing except your own understanding.
"""

import jax, jax.numpy as jnp
import numpy as np

B, N = 8, 2048

def setup_inputs(seed: int = 0) -> dict:
    key = jax.random.key(seed)
    k1, k2, k3 = jax.random.split(key, 3)
    pc1 = jax.random.normal(k1, (B, N, 3), dtype=jnp.float32)
    pc2 = jax.random.normal(k2, (B, N, 3), dtype=jnp.float32)
    flow = jax.random.normal(k3, (B, N, 3), dtype=jnp.float32) * 0.1
    return {"pc1": pc1, "pc2": pc2, "flow": flow}

def reference(pc1, pc2, flow):
    loss_norm = 2
    p1 = pc1 + flow  # (B, N, 3) warped source cloud
    # Pairwise squared distances (B, N, N): d[b, i, j] = ||p1[b,i] - pc2[b,j]||^2
    d = jnp.sum((p1[:, :, None, :] - pc2[:, None, :, :]) ** 2, axis=-1)
    # knn(1, pc1, pc2): nearest neighbor in pc2 for each point of p1
    idx1 = jnp.argmin(d, axis=2)  # (B, N)
    nn1 = jnp.take_along_axis(pc2, idx1[:, :, None], axis=1)  # (B, N, 3)
    dist1 = jnp.sum(jnp.abs(p1 - nn1) ** loss_norm, axis=-1) ** (1.0 / loss_norm)
    # knn(1, pc2, pc1): nearest neighbor in p1 for each point of pc2
    idx2 = jnp.argmin(d, axis=1)  # (B, N)
    nn2 = jnp.take_along_axis(p1, idx2[:, :, None], axis=1)  # (B, N, 3)
    dist2 = jnp.sum(jnp.abs(pc2 - nn2) ** loss_norm, axis=-1) ** (1.0 / loss_norm)
    loss = jnp.mean(dist1 + dist2)
    return loss

if __name__ == "__main__":
    import jax
    _d = setup_inputs()
    print(jax.jit(kernel)(*tuple(_d.values())))

</pallas_src>

<mosaic_0001>
#map = affine_map<(d0, d1) -> (0, 0, 0)>
#map1 = affine_map<(d0, d1) -> (0, 0)>
module attributes {stable_mosaic.version = 14 : i64} {
  func.func @sc_chamfer(%arg0: i32, %arg1: i32, %arg2: memref<8x3x2048xf32, #tpu.memory_space<hbm>>, %arg3: memref<8x3x2048xf32, #tpu.memory_space<hbm>>, %arg4: memref<8x3x2048xf32, #tpu.memory_space<hbm>>, %arg5: memref<32x16xf32, #tpu.memory_space<hbm>>, %arg6: memref<2x16xf32, #tpu.memory_space<hbm>>, %arg7: memref<3x2048xf32, #tpu.memory_space<vmem>>, %arg8: memref<3x2048xf32, #tpu.memory_space<vmem>>, %arg9: memref<3x2048xf32, #tpu.memory_space<vmem>>, %arg10: memref<2048xf32, #tpu.memory_space<vmem>>, %arg11: memref<16xf32, #tpu.memory_space<vmem>>, %arg12: memref<16xf32, #tpu.memory_space<vmem>>, %arg13: memref<16x2048xf32, #tpu.memory_space<vmem>>, %arg14: memref<16x2048xf32, #tpu.memory_space<vmem_shared>>) attributes {dimension_semantics = [#tpu.dimension_semantics<core_parallel>, #tpu.dimension_semantics<subcore_parallel>], iteration_bounds = array<i64: 2, 16>, scalar_prefetch = 0 : i64, scratch_operands = 8 : i64, tpu.core_type = #tpu.core_type<sc_vector_subcore>, window_params = [{transform_indices = #map}, {transform_indices = #map}, {transform_indices = #map}, {transform_indices = #map1}, {transform_indices = #map1}]} {
    %mul3A = arith.constant 16 : i32
    %mul3A_0 = arith.muli %arg0, %mul3A : i32
    %add3A = arith.addi %mul3A_0, %arg1 : i32
    %jit3A = arith.constant 16 : i32
    %div3A = arith.divsi %add3A, %jit3A : i32
    %sign3A = arith.constant 0 : i32
    %sign3A_1 = arith.cmpi sgt, %add3A, %sign3A : i32
    %sign3A_2 = arith.extui %sign3A_1 : i1 to i32
    %sign3A_3 = arith.constant 0 : i32
    %sign3A_4 = arith.cmpi slt, %add3A, %sign3A_3 : i32
    %sign3A_5 = arith.extui %sign3A_4 : i1 to i32
    %sign3A_6 = arith.subi %sign3A_2, %sign3A_5 : i32
    %sign3A_7 = arith.constant 0 : i32
    %sign3A_8 = arith.cmpi sgt, %jit3A, %sign3A_7 : i32
    %sign3A_9 = arith.extui %sign3A_8 : i1 to i32
    %sign3A_10 = arith.constant 0 : i32
    %sign3A_11 = arith.cmpi slt, %jit3A, %sign3A_10 : i32
    %sign3A_12 = arith.extui %sign3A_11 : i1 to i32
    %sign3A_13 = arith.subi %sign3A_9, %sign3A_12 : i32
    %ne3A = arith.cmpi ne, %sign3A_6, %sign3A_13 : i32
    %rem3A = arith.remsi %add3A, %jit3A : i32
    %ne3A_14 = arith.constant 0 : i32
    %ne3A_15 = arith.cmpi ne, %rem3A, %ne3A_14 : i32
    %and3A = arith.andi %ne3A, %ne3A_15 : i1
    %sub3A = arith.constant 1 : i32
    %sub3A_16 = arith.subi %div3A, %sub3A : i32
    %select_n3A = arith.select %and3A, %sub3A_16, %div3A : i32
    %jit3A_17 = arith.constant 16 : i32
    %eq3A = arith.constant 0 : i32
    %eq3A_18 = arith.cmpi eq, %jit3A_17, %eq3A : i32
    %jit3A_19 = arith.constant 1 : i32
    %select_n3A_20 = arith.select %eq3A_18, %jit3A_19, %jit3A_17 : i32
    %rem3A_21 = arith.remsi %add3A, %select_n3A_20 : i32
    %ne3A_22 = arith.constant 0 : i32
    %ne3A_23 = arith.cmpi ne, %rem3A_21, %ne3A_22 : i32
    %lt3A = arith.constant 0 : i32
    %lt3A_24 = arith.cmpi slt, %rem3A_21, %lt3A : i32
    %lt3A_25 = arith.constant 0 : i32
    %lt3A_26 = arith.cmpi slt, %select_n3A_20, %lt3A_25 : i32
    %ne3A_27 = arith.xori %lt3A_24, %lt3A_26 : i1
    %and3A_28 = arith.andi %ne3A_27, %ne3A_23 : i1
    %add3A_29 = arith.addi %rem3A_21, %select_n3A_20 : i32
    %select_n3A_30 = arith.select %and3A_28, %add3A_29, %rem3A_21 : i32
    %add3A_31 = arith.constant 6 : i32
    %add3A_32 = arith.addi %add3A_31, %select_n3A : i32
    "tpu.region"() ({
      %run_scoped3A = tpu.sem_alloc : memref<!tpu.dma_semaphore, #tpu.memory_space<semaphore_mem>>
      %dma_start3A = arith.constant 0 : i32
      %dma_start3A_97 = arith.constant 0 : i32
      %dma_start3A_98 = tpu.memref_slice %arg4[%add3A_32, %dma_start3A, %dma_start3A_97] : memref<8x3x2048xf32, #tpu.memory_space<hbm>> -> memref<1x3x2048xf32, #tpu.memory_space<hbm>>
      %dma_start3A_99 = tpu.memref_squeeze %dma_start3A_98 : memref<1x3x2048xf32, #tpu.memory_space<hbm>> -> memref<3x2048xf32, #tpu.memory_space<hbm>>
      %dma_start3A_100 = arith.constant 0 : i32
      %dma_start3A_101 = arith.constant 0 : i32
      %dma_start3A_102 = tpu.memref_slice %arg4[%add3A_32, %dma_start3A_100, %dma_start3A_101] : memref<8x3x2048xf32, #tpu.memory_space<hbm>> -> memref<1x3x2048xf32, #tpu.memory_space<hbm>>
      %dma_start3A_103 = tpu.memref_squeeze %dma_start3A_102 : memref<1x3x2048xf32, #tpu.memory_space<hbm>> -> memref<3x2048xf32, #tpu.memory_space<hbm>>
      tpu.enqueue_dma source(%dma_start3A_103 : memref<3x2048xf32, #tpu.memory_space<hbm>>) target(%arg7 : memref<3x2048xf32, #tpu.memory_space<vmem>>) target_semaphore(%run_scoped3A : memref<!tpu.dma_semaphore, #tpu.memory_space<semaphore_mem>>)
      %dma_wait3A = arith.constant 0 : i32
      %dma_wait3A_104 = arith.constant 0 : i32
      %dma_wait3A_105 = tpu.memref_slice %arg4[%add3A_32, %dma_wait3A, %dma_wait3A_104] : memref<8x3x2048xf32, #tpu.memory_space<hbm>> -> memref<1x3x2048xf32, #tpu.memory_space<hbm>>
      %dma_wait3A_106 = tpu.memref_squeeze %dma_wait3A_105 : memref<1x3x2048xf32, #tpu.memory_space<hbm>> -> memref<3x2048xf32, #tpu.memory_space<hbm>>
      %dma_wait3A_107 = arith.constant 0 : i32
      %dma_wait3A_108 = arith.constant 0 : i32
      %dma_wait3A_109 = tpu.memref_slice %arg4[%add3A_32, %dma_wait3A_107, %dma_wait3A_108] : memref<8x3x2048xf32, #tpu.memory_space<hbm>> -> memref<1x3x2048xf32, #tpu.memory_space<hbm>>
      %dma_wait3A_110 = tpu.memref_squeeze %dma_wait3A_109 : memref<1x3x2048xf32, #tpu.memory_space<hbm>> -> memref<3x2048xf32, #tpu.memory_space<hbm>>
      tpu.wait_dma2 semaphore(%run_scoped3A : memref<!tpu.dma_semaphore, #tpu.memory_space<semaphore_mem>>) src(%dma_wait3A_110 : memref<3x2048xf32, #tpu.memory_space<hbm>>) dst(%arg7 : memref<3x2048xf32, #tpu.memory_space<vmem>>)
      tpu.yield
    }) : () -> ()
    %add3A_33 = arith.constant 6 : i32
    %add3A_34 = arith.addi %add3A_33, %select_n3A : i32
    "tpu.region"() ({
      %run_scoped3A = tpu.sem_alloc : memref<!tpu.dma_semaphore, #tpu.memory_space<semaphore_mem>>
      %dma_start3A = arith.constant 0 : i32
      %dma_start3A_97 = arith.constant 0 : i32
      %dma_start3A_98 = tpu.memref_slice %arg2[%add3A_34, %dma_start3A, %dma_start3A_97] : memref<8x3x2048xf32, #tpu.memory_space<hbm>> -> memref<1x3x2048xf32, #tpu.memory_space<hbm>>
      %dma_start3A_99 = tpu.memref_squeeze %dma_start3A_98 : memref<1x3x2048xf32, #tpu.memory_space<hbm>> -> memref<3x2048xf32, #tpu.memory_space<hbm>>
      %dma_start3A_100 = arith.constant 0 : i32
      %dma_start3A_101 = arith.constant 0 : i32
      %dma_start3A_102 = tpu.memref_slice %arg2[%add3A_34, %dma_start3A_100, %dma_start3A_101] : memref<8x3x2048xf32, #tpu.memory_space<hbm>> -> memref<1x3x2048xf32, #tpu.memory_space<hbm>>
      %dma_start3A_103 = tpu.memref_squeeze %dma_start3A_102 : memref<1x3x2048xf32, #tpu.memory_space<hbm>> -> memref<3x2048xf32, #tpu.memory_space<hbm>>
      tpu.enqueue_dma source(%dma_start3A_103 : memref<3x2048xf32, #tpu.memory_space<hbm>>) target(%arg8 : memref<3x2048xf32, #tpu.memory_space<vmem>>) target_semaphore(%run_scoped3A : memref<!tpu.dma_semaphore, #tpu.memory_space<semaphore_mem>>)
      %dma_wait3A = arith.constant 0 : i32
      %dma_wait3A_104 = arith.constant 0 : i32
      %dma_wait3A_105 = tpu.memref_slice %arg2[%add3A_34, %dma_wait3A, %dma_wait3A_104] : memref<8x3x2048xf32, #tpu.memory_space<hbm>> -> memref<1x3x2048xf32, #tpu.memory_space<hbm>>
      %dma_wait3A_106 = tpu.memref_squeeze %dma_wait3A_105 : memref<1x3x2048xf32, #tpu.memory_space<hbm>> -> memref<3x2048xf32, #tpu.memory_space<hbm>>
      %dma_wait3A_107 = arith.constant 0 : i32
      %dma_wait3A_108 = arith.constant 0 : i32
      %dma_wait3A_109 = tpu.memref_slice %arg2[%add3A_34, %dma_wait3A_107, %dma_wait3A_108] : memref<8x3x2048xf32, #tpu.memory_space<hbm>> -> memref<1x3x2048xf32, #tpu.memory_space<hbm>>
      %dma_wait3A_110 = tpu.memref_squeeze %dma_wait3A_109 : memref<1x3x2048xf32, #tpu.memory_space<hbm>> -> memref<3x2048xf32, #tpu.memory_space<hbm>>
      tpu.wait_dma2 semaphore(%run_scoped3A : memref<!tpu.dma_semaphore, #tpu.memory_space<semaphore_mem>>) src(%dma_wait3A_110 : memref<3x2048xf32, #tpu.memory_space<hbm>>) dst(%arg8 : memref<3x2048xf32, #tpu.memory_space<vmem>>)
      tpu.yield
    }) : () -> ()
    %add3A_35 = arith.constant 6 : i32
    %add3A_36 = arith.addi %add3A_35, %select_n3A : i32
    "tpu.region"() ({
      %run_scoped3A = tpu.sem_alloc : memref<!tpu.dma_semaphore, #tpu.memory_space<semaphore_mem>>
      %dma_start3A = arith.constant 0 : i32
      %dma_start3A_97 = arith.constant 0 : i32
      %dma_start3A_98 = tpu.memref_slice %arg3[%add3A_36, %dma_start3A, %dma_start3A_97] : memref<8x3x2048xf32, #tpu.memory_space<hbm>> -> memref<1x3x2048xf32, #tpu.memory_space<hbm>>
      %dma_start3A_99 = tpu.memref_squeeze %dma_start3A_98 : memref<1x3x2048xf32, #tpu.memory_space<hbm>> -> memref<3x2048xf32, #tpu.memory_space<hbm>>
      %dma_start3A_100 = arith.constant 0 : i32
      %dma_start3A_101 = arith.constant 0 : i32
      %dma_start3A_102 = tpu.memref_slice %arg3[%add3A_36, %dma_start3A_100, %dma_start3A_101] : memref<8x3x2048xf32, #tpu.memory_space<hbm>> -> memref<1x3x2048xf32, #tpu.memory_space<hbm>>
      %dma_start3A_103 = tpu.memref_squeeze %dma_start3A_102 : memref<1x3x2048xf32, #tpu.memory_space<hbm>> -> memref<3x2048xf32, #tpu.memory_space<hbm>>
      tpu.enqueue_dma source(%dma_start3A_103 : memref<3x2048xf32, #tpu.memory_space<hbm>>) target(%arg9 : memref<3x2048xf32, #tpu.memory_space<vmem>>) target_semaphore(%run_scoped3A : memref<!tpu.dma_semaphore, #tpu.memory_space<semaphore_mem>>)
      %dma_wait3A = arith.constant 0 : i32
      %dma_wait3A_104 = arith.constant 0 : i32
      %dma_wait3A_105 = tpu.memref_slice %arg3[%add3A_36, %dma_wait3A, %dma_wait3A_104] : memref<8x3x2048xf32, #tpu.memory_space<hbm>> -> memref<1x3x2048xf32, #tpu.memory_space<hbm>>
      %dma_wait3A_106 = tpu.memref_squeeze %dma_wait3A_105 : memref<1x3x2048xf32, #tpu.memory_space<hbm>> -> memref<3x2048xf32, #tpu.memory_space<hbm>>
      %dma_wait3A_107 = arith.constant 0 : i32
      %dma_wait3A_108 = arith.constant 0 : i32
      %dma_wait3A_109 = tpu.memref_slice %arg3[%add3A_36, %dma_wait3A_107, %dma_wait3A_108] : memref<8x3x2048xf32, #tpu.memory_space<hbm>> -> memref<1x3x2048xf32, #tpu.memory_space<hbm>>
      %dma_wait3A_110 = tpu.memref_squeeze %dma_wait3A_109 : memref<1x3x2048xf32, #tpu.memory_space<hbm>> -> memref<3x2048xf32, #tpu.memory_space<hbm>>
      tpu.wait_dma2 semaphore(%run_scoped3A : memref<!tpu.dma_semaphore, #tpu.memory_space<semaphore_mem>>) src(%dma_wait3A_110 : memref<3x2048xf32, #tpu.memory_space<hbm>>) dst(%arg9 : memref<3x2048xf32, #tpu.memory_space<vmem>>)
      tpu.yield
    }) : () -> ()
    %mul3A_37 = arith.constant 128 : i32
    %mul3A_38 = arith.muli %select_n3A_30, %mul3A_37 : i32
    %scan3A = arith.constant 0 : i32
    %scan3A_39 = arith.constant 0 : i32
    %scan3A_40 = arith.constant 8 : i32
    %scan3A_41 = arith.addi %scan3A_39, %scan3A_40 : i32
    %scan3A_42 = arith.constant 1 : i32
    %scan3A_43 = scf.for %scan3A_97 = %scan3A_39 to %scan3A_41 step %scan3A_42 iter_args(%scan3A_98 = %scan3A) -> (i32)  : i32 {
      %mul3A_99 = arith.constant 16 : i32
      %mul3A_100 = arith.muli %scan3A_97, %mul3A_99 : i32
      %add3A_101 = arith.addi %mul3A_38, %mul3A_100 : i32
      %get3A = arith.constant 0 : i32
      %get3A_102 = arith.index_cast %get3A : i32 to index
      %get3A_103 = arith.index_cast %add3A_101 : i32 to index
      %get3A_104 = tpu.vector_load %arg8[%get3A_102, %get3A_103] {strides = array<i32>} : memref<3x2048xf32, #tpu.memory_space<vmem>>, vector<1x16xf32>,
      %get3A_105 = vector.shape_cast %get3A_104 : vector<1x16xf32> to vector<16xf32>
      %get3A_106 = arith.constant 0 : i32
      %get3A_107 = arith.index_cast %get3A_106 : i32 to index
      %get3A_108 = arith.index_cast %add3A_101 : i32 to index
      %get3A_109 = tpu.vector_load %arg9[%get3A_107, %get3A_108] {strides = array<i32>} : memref<3x2048xf32, #tpu.memory_space<vmem>>, vector<1x16xf32>,
      %get3A_110 = vector.shape_cast %get3A_109 : vector<1x16xf32> to vector<16xf32>
      %add3A_111 = arith.addf %get3A_105, %get3A_110 : vector<16xf32>
      %swap3A_112 = arith.constant 0 : i32
      %swap3A_113 = arith.index_cast %swap3A_112 : i32 to index
      %swap3A_114 = arith.index_cast %add3A_101 : i32 to index
      %swap3A_115 = tpu.vector_load %arg8[%swap3A_113, %swap3A_114] {strides = array<i32>} : memref<3x2048xf32, #tpu.memory_space<vmem>>, vector<1x16xf32>,
      %swap3A_116 = vector.shape_cast %swap3A_115 : vector<1x16xf32> to vector<16xf32>
      %swap3A_117 = vector.shape_cast %add3A_111 : vector<16xf32> to vector<1x16xf32>
      tpu.vector_store %arg8[%swap3A_113, %swap3A_114], %swap3A_117 {strides = array<i32>} : memref<3x2048xf32, #tpu.memory_space<vmem>>, vector<1x16xf32>,
      %scan3A_118 = arith.constant 0 : i32
      scf.yield %scan3A_118 : i32
    }
    %scan3A_44 = arith.constant 8 : i32
    %scan3A_45 = arith.constant 0 : i32
    %scan3A_46 = arith.constant 0 : i32
    %scan3A_47 = arith.constant 8 : i32
    %scan3A_48 = arith.addi %scan3A_46, %scan3A_47 : i32
    %scan3A_49 = arith.constant 1 : i32
    %scan3A_50 = scf.for %scan3A_97 = %scan3A_46 to %scan3A_48 step %scan3A_49 iter_args(%scan3A_98 = %scan3A_45) -> (i32)  : i32 {
      %mul3A_99 = arith.constant 16 : i32
      %mul3A_100 = arith.muli %scan3A_97, %mul3A_99 : i32
      %add3A_101 = arith.addi %mul3A_38, %mul3A_100 : i32
      %get3A = arith.constant 1 : i32
      %get3A_102 = arith.index_cast %get3A : i32 to index
      %get3A_103 = arith.index_cast %add3A_101 : i32 to index
      %get3A_104 = tpu.vector_load %arg8[%get3A_102, %get3A_103] {strides = array<i32>} : memref<3x2048xf32, #tpu.memory_space<vmem>>, vector<1x16xf32>,
      %get3A_105 = vector.shape_cast %get3A_104 : vector<1x16xf32> to vector<16xf32>
      %get3A_106 = arith.constant 1 : i32
      %get3A_107 = arith.index_cast %get3A_106 : i32 to index
      %get3A_108 = arith.index_cast %add3A_101 : i32 to index
      %get3A_109 = tpu.vector_load %arg9[%get3A_107, %get3A_108] {strides = array<i32>} : memref<3x2048xf32, #tpu.memory_space<vmem>>, vector<1x16xf32>,
      %get3A_110 = vector.shape_cast %get3A_109 : vector<1x16xf32> to vector<16xf32>
      %add3A_111 = arith.addf %get3A_105, %get3A_110 : vector<16xf32>
      %swap3A_112 = arith.constant 1 : i32
      %swap3A_113 = arith.index_cast %swap3A_112 : i32 to index
      %swap3A_114 = arith.index_cast %add3A_101 : i32 to index
      %swap3A_115 = tpu.vector_load %arg8[%swap3A_113, %swap3A_114] {strides = array<i32>} : memref<3x2048xf32, #tpu.memory_space<vmem>>, vector<1x16xf32>,
      %swap3A_116 = vector.shape_cast %swap3A_115 : vector<1x16xf32> to vector<16xf32>
      %swap3A_117 = vector.shape_cast %add3A_111 : vector<16xf32> to vector<1x16xf32>
      tpu.vector_store %arg8[%swap3A_113, %swap3A_114], %swap3A_117 {strides = array<i32>} : memref<3x2048xf32, #tpu.memory_space<vmem>>, vector<1x16xf32>,
      %scan3A_118 = arith.constant 0 : i32
      scf.yield %scan3A_118 : i32
    }
    %scan3A_51 = arith.constant 8 : i32
    %scan3A_52 = arith.constant 0 : i32
    %scan3A_53 = arith.constant 0 : i32
    %scan3A_54 = arith.constant 8 : i32
    %scan3A_55 = arith.addi %scan3A_53, %scan3A_54 : i32
    %scan3A_56 = arith.constant 1 : i32
    %scan3A_57 = scf.for %scan3A_97 = %scan3A_53 to %scan3A_55 step %scan3A_56 iter_args(%scan3A_98 = %scan3A_52) -> (i32)  : i32 {
      %mul3A_99 = arith.constant 16 : i32
      %mul3A_100 = arith.muli %scan3A_97, %mul3A_99 : i32
      %add3A_101 = arith.addi %mul3A_38, %mul3A_100 : i32
      %get3A = arith.constant 2 : i32
      %get3A_102 = arith.index_cast %get3A : i32 to index
      %get3A_103 = arith.index_cast %add3A_101 : i32 to index
      %get3A_104 = tpu.vector_load %arg8[%get3A_102, %get3A_103] {strides = array<i32>} : memref<3x2048xf32, #tpu.memory_space<vmem>>, vector<1x16xf32>,
      %get3A_105 = vector.shape_cast %get3A_104 : vector<1x16xf32> to vector<16xf32>
      %get3A_106 = arith.constant 2 : i32
      %get3A_107 = arith.index_cast %get3A_106 : i32 to index
      %get3A_108 = arith.index_cast %add3A_101 : i32 to index
      %get3A_109 = tpu.vector_load %arg9[%get3A_107, %get3A_108] {strides = array<i32>} : memref<3x2048xf32, #tpu.memory_space<vmem>>, vector<1x16xf32>,
      %get3A_110 = vector.shape_cast %get3A_109 : vector<1x16xf32> to vector<16xf32>
      %add3A_111 = arith.addf %get3A_105, %get3A_110 : vector<16xf32>
      %swap3A_112 = arith.constant 2 : i32
      %swap3A_113 = arith.index_cast %swap3A_112 : i32 to index
      %swap3A_114 = arith.index_cast %add3A_101 : i32 to index
      %swap3A_115 = tpu.vector_load %arg8[%swap3A_113, %swap3A_114] {strides = array<i32>} : memref<3x2048xf32, #tpu.memory_space<vmem>>, vector<1x16xf32>,
      %swap3A_116 = vector.shape_cast %swap3A_115 : vector<1x16xf32> to vector<16xf32>
      %swap3A_117 = vector.shape_cast %add3A_111 : vector<16xf32> to vector<1x16xf32>
      tpu.vector_store %arg8[%swap3A_113, %swap3A_114], %swap3A_117 {strides = array<i32>} : memref<3x2048xf32, #tpu.memory_space<vmem>>, vector<1x16xf32>,
      %scan3A_118 = arith.constant 0 : i32
      scf.yield %scan3A_118 : i32
    }
    %scan3A_58 = arith.constant 8 : i32
    %broadcast_in_dim3A = arith.constant 0x7F800000 : f32
    %broadcast_in_dim3A_59 = vector.broadcast %broadcast_in_dim3A : f32 to vector<16xf32>
    %iota3A = tpu.iota {dimensions = array<i32: 0>} : vector<16xi32>
    %scan3A_60 = arith.constant 0 : i32
    %scan3A_61 = arith.constant 0 : i32
    %scan3A_62 = arith.constant 128 : i32
    %scan3A_63 = arith.addi %scan3A_61, %scan3A_62 : i32
    %scan3A_64 = arith.constant 1 : i32
    %scan3A_65 = scf.for %scan3A_97 = %scan3A_61 to %scan3A_63 step %scan3A_64 iter_args(%scan3A_98 = %scan3A_60) -> (i32)  : i32 {
      %mul3A_99 = arith.constant 16 : i32
      %mul3A_100 = arith.muli %scan3A_97, %mul3A_99 : i32
      %swap3A_101 = arith.index_cast %mul3A_100 : i32 to index
      %swap3A_102 = tpu.vector_load %arg10[%swap3A_101] {strides = array<i32>} : memref<2048xf32, #tpu.memory_space<vmem>>, vector<16xf32>,
      %swap3A_103 = vector.shape_cast %swap3A_102 : vector<16xf32> to vector<16xf32>
      %swap3A_104 = vector.shape_cast %broadcast_in_dim3A_59 : vector<16xf32> to vector<16xf32>
      tpu.vector_store %arg10[%swap3A_101], %swap3A_104 {strides = array<i32>} : memref<2048xf32, #tpu.memory_space<vmem>>, vector<16xf32>,
      %scan3A_105 = arith.constant 0 : i32
      scf.yield %scan3A_105 : i32
    }
    %scan3A_66 = arith.constant 128 : i32
    %broadcast_in_dim3A_67 = arith.constant 0.000000e+00 : f32
    %broadcast_in_dim3A_68 = vector.broadcast %broadcast_in_dim3A_67 : f32 to vector<16xf32>
    %scan3A_69 = arith.constant 0 : i32
    %scan3A_70 = arith.constant 8 : i32
    %scan3A_71 = arith.addi %scan3A_69, %scan3A_70 : i32
    %scan3A_72 = arith.constant 1 : i32
    %scan3A_73 = scf.for %scan3A_97 = %scan3A_69 to %scan3A_71 step %scan3A_72 iter_args(%scan3A_98 = %broadcast_in_dim3A_68) -> (vector<16xf32>)  : i32 {
      %mul3A_99 = arith.constant 16 : i32
      %mul3A_100 = arith.muli %scan3A_97, %mul3A_99 : i32
      %add3A_101 = arith.addi %mul3A_38, %mul3A_100 : i32
      %get3A = arith.constant 0 : i32
      %get3A_102 = arith.index_cast %get3A : i32 to index
      %get3A_103 = arith.index_cast %add3A_101 : i32 to index
      %get3A_104 = tpu.vector_load %arg8[%get3A_102, %get3A_103] {strides = array<i32>} : memref<3x2048xf32, #tpu.memory_space<vmem>>, vector<1x16xf32>,
      %get3A_105 = vector.shape_cast %get3A_104 : vector<1x16xf32> to vector<16xf32>
      %mul3A_106 = arith.constant 16 : i32
      %mul3A_107 = arith.muli %scan3A_97, %mul3A_106 : i32
      %add3A_108 = arith.addi %mul3A_38, %mul3A_107 : i32
      %get3A_109 = arith.constant 1 : i32
      %get3A_110 = arith.index_cast %get3A_109 : i32 to index
      %get3A_111 = arith.index_cast %add3A_108 : i32 to index
      %get3A_112 = tpu.vector_load %arg8[%get3A_110, %get3A_111] {strides = array<i32>} : memref<3x2048xf32, #tpu.memory_space<vmem>>, vector<1x16xf32>,
      %get3A_113 = vector.shape_cast %get3A_112 : vector<1x16xf32> to vector<16xf32>
      %mul3A_114 = arith.constant 16 : i32
      %mul3A_115 = arith.muli %scan3A_97, %mul3A_114 : i32
      %add3A_116 = arith.addi %mul3A_38, %mul3A_115 : i32
      %get3A_117 = arith.constant 2 : i32
      %get3A_118 = arith.index_cast %get3A_117 : i32 to index
      %get3A_119 = arith.index_cast %add3A_116 : i32 to index
      %get3A_120 = tpu.vector_load %arg8[%get3A_118, %get3A_119] {strides = array<i32>} : memref<3x2048xf32, #tpu.memory_space<vmem>>, vector<1x16xf32>,
      %get3A_121 = vector.shape_cast %get3A_120 : vector<1x16xf32> to vector<16xf32>
      %scan3A_122 = arith.constant 0 : i32
      %scan3A_123 = arith.constant 32 : i32
      %scan3A_124 = arith.addi %scan3A_122, %scan3A_123 : i32
      %scan3A_125 = arith.constant 1 : i32
      %scan3A_126:8 = scf.for %scan3A_1568 = %scan3A_122 to %scan3A_124 step %scan3A_125 iter_args(%scan3A_1569 = %broadcast_in_dim3A_59, %scan3A_1570 = %broadcast_in_dim3A_59, %scan3A_1571 = %broadcast_in_dim3A_59, %scan3A_1572 = %broadcast_in_dim3A_59, %scan3A_1573 = %broadcast_in_dim3A_59, %scan3A_1574 = %broadcast_in_dim3A_59, %scan3A_1575 = %broadcast_in_dim3A_59, %scan3A_1576 = %broadcast_in_dim3A_59) -> (vector<16xf32>, vector<16xf32>, vector<16xf32>, vector<16xf32>, vector<16xf32>, vector<16xf32>, vector<16xf32>, vector<16xf32>)  : i32 {
        %mul3A_1577 = arith.constant 4 : i32
        %mul3A_1578 = arith.muli %scan3A_1568, %mul3A_1577 : i32
        %mul3A_1579 = arith.constant 16 : i32
        %mul3A_1580 = arith.muli %mul3A_1578, %mul3A_1579 : i32
        %add3A_1581 = arith.constant 0 : i32
        %add3A_1582 = arith.addi %mul3A_1580, %add3A_1581 : i32
        %get3A_1583 = arith.constant 0 : i32
        %get3A_1584 = arith.index_cast %get3A_1583 : i32 to index
        %get3A_1585 = arith.index_cast %add3A_1582 : i32 to index
        %get3A_1586 = tpu.vector_load %arg7[%get3A_1584, %get3A_1585] {strides = array<i32>} : memref<3x2048xf32, #tpu.memory_space<vmem>>, vector<1x16xf32>,
        %get3A_1587 = vector.shape_cast %get3A_1586 : vector<1x16xf32> to vector<16xf32>
        %add3A_1588 = arith.constant 16 : i32
        %add3A_1589 = arith.addi %mul3A_1580, %add3A_1588 : i32
        %get3A_1590 = arith.constant 0 : i32
        %get3A_1591 = arith.index_cast %get3A_1590 : i32 to index
        %get3A_1592 = arith.index_cast %add3A_1589 : i32 to index
        %get3A_1593 = tpu.vector_load %arg7[%get3A_1591, %get3A_1592] {strides = array<i32>} : memref<3x2048xf32, #tpu.memory_space<vmem>>, vector<1x16xf32>,
        %get3A_1594 = vector.shape_cast %get3A_1593 : vector<1x16xf32> to vector<16xf32>
        %add3A_1595 = arith.constant 32 : i32
        %add3A_1596 = arith.addi %mul3A_1580, %add3A_1595 : i32
        %get3A_1597 = arith.constant 0 : i32
        %get3A_1598 = arith.index_cast %get3A_1597 : i32 to index
        %get3A_1599 = arith.index_cast %add3A_1596 : i32 to index
        %get3A_1600 = tpu.vector_load %arg7[%get3A_1598, %get3A_1599] {strides = array<i32>} : memref<3x2048xf32, #tpu.memory_space<vmem>>, vector<1x16xf32>,
        %get3A_1601 = vector.shape_cast %get3A_1600 : vector<1x16xf32> to vector<16xf32>
        %add3A_1602 = arith.constant 48 : i32
        %add3A_1603 = arith.addi %mul3A_1580, %add3A_1602 : i32
        %get3A_1604 = arith.constant 0 : i32
        %get3A_1605 = arith.index_cast %get3A_1604 : i32 to index
        %get3A_1606 = arith.index_cast %add3A_1603 : i32 to index
        %get3A_1607 = tpu.vector_load %arg7[%get3A_1605, %get3A_1606] {strides = array<i32>} : memref<3x2048xf32, #tpu.memory_space<vmem>>, vector<1x16xf32>,
        %get3A_1608 = vector.shape_cast %get3A_1607 : vector<1x16xf32> to vector<16xf32>
        %add3A_1609 = arith.constant 0 : i32
        %add3A_1610 = arith.addi %mul3A_1580, %add3A_1609 : i32
        %get3A_1611 = arith.constant 1 : i32
        %get3A_1612 = arith.index_cast %get3A_1611 : i32 to index
        %get3A_1613 = arith.index_cast %add3A_1610 : i32 to index
        %get3A_1614 = tpu.vector_load %arg7[%get3A_1612, %get3A_1613] {strides = array<i32>} : memref<3x2048xf32, #tpu.memory_space<vmem>>, vector<1x16xf32>,
        %get3A_1615 = vector.shape_cast %get3A_1614 : vector<1x16xf32> to vector<16xf32>
        %add3A_1616 = arith.constant 16 : i32
        %add3A_1617 = arith.addi %mul3A_1580, %add3A_1616 : i32
        %get3A_1618 = arith.constant 1 : i32
        %get3A_1619 = arith.index_cast %get3A_1618 : i32 to index
        %get3A_1620 = arith.index_cast %add3A_1617 : i32 to index
        %get3A_1621 = tpu.vector_load %arg7[%get3A_1619, %get3A_1620] {strides = array<i32>} : memref<3x2048xf32, #tpu.memory_space<vmem>>, vector<1x16xf32>,
        %get3A_1622 = vector.shape_cast %get3A_1621 : vector<1x16xf32> to vector<16xf32>
        %add3A_1623 = arith.constant 32 : i32
        %add3A_1624 = arith.addi %mul3A_1580, %add3A_1623 : i32
        %get3A_1625 = arith.constant 1 : i32
        %get3A_1626 = arith.index_cast %get3A_1625 : i32 to index
        %get3A_1627 = arith.index_cast %add3A_1624 : i32 to index
        %get3A_1628 = tpu.vector_load %arg7[%get3A_1626, %get3A_1627] {strides = array<i32>} : memref<3x2048xf32, #tpu.memory_space<vmem>>, vector<1x16xf32>,
        %get3A_1629 = vector.shape_cast %get3A_1628 : vector<1x16xf32> to vector<16xf32>
        %add3A_1630 = arith.constant 48 : i32
        %add3A_1631 = arith.addi %mul3A_1580, %add3A_1630 : i32
        %get3A_1632 = arith.constant 1 : i32
        %get3A_1633 = arith.index_cast %get3A_1632 : i32 to index
        %get3A_1634 = arith.index_cast %add3A_1631 : i32 to index
        %get3A_1635 = tpu.vector_load %arg7[%get3A_1633, %get3A_1634] {strides = array<i32>} : memref<3x2048xf32, #tpu.memory_space<vmem>>, vector<1x16xf32>,
        %get3A_1636 = vector.shape_cast %get3A_1635 : vector<1x16xf32> to vector<16xf32>
        %add3A_1637 = arith.constant 0 : i32
        %add3A_1638 = arith.addi %mul3A_1580, %add3A_1637 : i32
        %get3A_1639 = arith.constant 2 : i32
        %get3A_1640 = arith.index_cast %get3A_1639 : i32 to index
        %get3A_1641 = arith.index_cast %add3A_1638 : i32 to index
        %get3A_1642 = tpu.vector_load %arg7[%get3A_1640, %get3A_1641] {strides = array<i32>} : memref<3x2048xf32, #tpu.memory_space<vmem>>, vector<1x16xf32>,
        %get3A_1643 = vector.shape_cast %get3A_1642 : vector<1x16xf32> to vector<16xf32>
        %add3A_1644 = arith.constant 16 : i32
        %add3A_1645 = arith.addi %mul3A_1580, %add3A_1644 : i32
        %get3A_1646 = arith.constant 2 : i32
        %get3A_1647 = arith.index_cast %get3A_1646 : i32 to index
        %get3A_1648 = arith.index_cast %add3A_1645 : i32 to index
        %get3A_1649 = tpu.vector_load %arg7[%get3A_1647, %get3A_1648] {strides = array<i32>} : memref<3x2048xf32, #tpu.memory_space<vmem>>, vector<1x16xf32>,
        %get3A_1650 = vector.shape_cast %get3A_1649 : vector<1x16xf32> to vector<16xf32>
        %add3A_1651 = arith.constant 32 : i32
        %add3A_1652 = arith.addi %mul3A_1580, %add3A_1651 : i32
        %get3A_1653 = arith.constant 2 : i32
        %get3A_1654 = arith.index_cast %get3A_1653 : i32 to index
        %get3A_1655 = arith.index_cast %add3A_1652 : i32 to index
        %get3A_1656 = tpu.vector_load %arg7[%get3A_1654, %get3A_1655] {strides = array<i32>} : memref<3x2048xf32, #tpu.memory_space<vmem>>, vector<1x16xf32>,
        %get3A_1657 = vector.shape_cast %get3A_1656 : vector<1x16xf32> to vector<16xf32>
        %add3A_1658 = arith.constant 48 : i32
        %add3A_1659 = arith.addi %mul3A_1580, %add3A_1658 : i32
        %get3A_1660 = arith.constant 2 : i32
        %get3A_1661 = arith.index_cast %get3A_1660 : i32 to index
        %get3A_1662 = arith.index_cast %add3A_1659 : i32 to index
        %get3A_1663 = tpu.vector_load %arg7[%get3A_1661, %get3A_1662] {strides = array<i32>} : memref<3x2048xf32, #tpu.memory_space<vmem>>, vector<1x16xf32>,
        %get3A_1664 = vector.shape_cast %get3A_1663 : vector<1x16xf32> to vector<16xf32>
        %add3A_1665 = arith.constant 0 : i32
        %add3A_1666 = arith.addi %mul3A_1580, %add3A_1665 : i32
        %get3A_1667 = arith.index_cast %add3A_1666 : i32 to index
        %get3A_1668 = tpu.vector_load %arg10[%get3A_1667] {strides = array<i32>} : memref<2048xf32, #tpu.memory_space<vmem>>, vector<16xf32>,
        %get3A_1669 = vector.shape_cast %get3A_1668 : vector<16xf32> to vector<16xf32>
        %add3A_1670 = arith.constant 16 : i32
        %add3A_1671 = arith.addi %mul3A_1580, %add3A_1670 : i32
        %get3A_1672 = arith.index_cast %add3A_1671 : i32 to index
        %get3A_1673 = tpu.vector_load %arg10[%get3A_1672] {strides = array<i32>} : memref<2048xf32, #tpu.memory_space<vmem>>, vector<16xf32>,
        %get3A_1674 = vector.shape_cast %get3A_1673 : vector<16xf32> to vector<16xf32>
        %add3A_1675 = arith.constant 32 : i32
        %add3A_1676 = arith.addi %mul3A_1580, %add3A_1675 : i32
        %get3A_1677 = arith.index_cast %add3A_1676 : i32 to index
        %get3A_1678 = tpu.vector_load %arg10[%get3A_1677] {strides = array<i32>} : memref<2048xf32, #tpu.memory_space<vmem>>, vector<16xf32>,
        %get3A_1679 = vector.shape_cast %get3A_1678 : vector<16xf32> to vector<16xf32>
        %add3A_1680 = arith.constant 48 : i32
        %add3A_1681 = arith.addi %mul3A_1580, %add3A_1680 : i32
        %get3A_1682 = arith.index_cast %add3A_1681 : i32 to index
        %get3A_1683 = tpu.vector_load %arg10[%get3A_1682] {strides = array<i32>} : memref<2048xf32, #tpu.memory_space<vmem>>, vector<16xf32>,
        %get3A_1684 = vector.shape_cast %get3A_1683 : vector<16xf32> to vector<16xf32>
        %broadcast_in_dim3A_1685 = arith.constant 0 : i32
        %broadcast_in_dim3A_1686 = vector.broadcast %broadcast_in_dim3A_1685 : i32 to vector<16xi32>
        %lt3A_1687 = arith.constant 0 : i32
        %lt3A_1688 = vector.broadcast %lt3A_1687 : i32 to vector<16xi32>
        %lt3A_1689 = arith.cmpi slt, %broadcast_in_dim3A_1686, %lt3A_1688 : vector<16xi32>
        %add3A_1690 = arith.constant 16 : i32
        %add3A_1691 = vector.broadcast %add3A_1690 : i32 to vector<16xi32>
        %add3A_1692 = arith.addi %broadcast_in_dim3A_1686, %add3A_1691 : vector<16xi32>
        %select_n3A_1693 = arith.select %lt3A_1689, %add3A_1692, %broadcast_in_dim3A_1686 : vector<16xi1>, vector<16xi32>
        %broadcast_in_dim3A_1694 = vector.shape_cast %select_n3A_1693 : vector<16xi32> to vector<16x1xi32>
        %gather3A_1695 = vector.shape_cast %broadcast_in_dim3A_1694 : vector<16x1xi32> to vector<16xi32>
        %gather3A_1696 = tpu.dynamic_gather %get3A_105[%gather3A_1695] in [0] : vector<16xf32>, vector<16xi32> -> vector<16xf32>
        %broadcast_in_dim3A_1697 = arith.constant 0 : i32
        %broadcast_in_dim3A_1698 = vector.broadcast %broadcast_in_dim3A_1697 : i32 to vector<16xi32>
        %lt3A_1699 = arith.constant 0 : i32
        %lt3A_1700 = vector.broadcast %lt3A_1699 : i32 to vector<16xi32>
        %lt3A_1701 = arith.cmpi slt, %broadcast_in_dim3A_1698, %lt3A_1700 : vector<16xi32>
        %add3A_1702 = arith.constant 16 : i32
        %add3A_1703 = vector.broadcast %add3A_1702 : i32 to vector<16xi32>
        %add3A_1704 = arith.addi %broadcast_in_dim3A_1698, %add3A_1703 : vector<16xi32>
        %select_n3A_1705 = arith.select %lt3A_1701, %add3A_1704, %broadcast_in_dim3A_1698 : vector<16xi1>, vector<16xi32>
        %broadcast_in_dim3A_1706 = vector.shape_cast %select_n3A_1705 : vector<16xi32> to vector<16x1xi32>
        %gather3A_1707 = vector.shape_cast %broadcast_in_dim3A_1706 : vector<16x1xi32> to vector<16xi32>
        %gather3A_1708 = tpu.dynamic_gather %get3A_113[%gather3A_1707] in [0] : vector<16xf32>, vector<16xi32> -> vector<16xf32>
        %broadcast_in_dim3A_1709 = arith.constant 0 : i32
        %broadcast_in_dim3A_1710 = vector.broadcast %broadcast_in_dim3A_1709 : i32 to vector<16xi32>
        %lt3A_1711 = arith.constant 0 : i32
        %lt3A_1712 = vector.broadcast %lt3A_1711 : i32 to vector<16xi32>
        %lt3A_1713 = arith.cmpi slt, %broadcast_in_dim3A_1710, %lt3A_1712 : vector<16xi32>
        %add3A_1714 = arith.constant 16 : i32
        %add3A_1715 = vector.broadcast %add3A_1714 : i32 to vector<16xi32>
        %add3A_1716 = arith.addi %broadcast_in_dim3A_1710, %add3A_1715 : vector<16xi32>
        %select_n3A_1717 = arith.select %lt3A_1713, %add3A_1716, %broadcast_in_dim3A_1710 : vector<16xi1>, vector<16xi32>
        %broadcast_in_dim3A_1718 = vector.shape_cast %select_n3A_1717 : vector<16xi32> to vector<16x1xi32>
        %gather3A_1719 = vector.shape_cast %broadcast_in_dim3A_1718 : vector<16x1xi32> to vector<16xi32>
        %gather3A_1720 = tpu.dynamic_gather %get3A_121[%gather3A_1719] in [0] : vector<16xf32>, vector<16xi32> -> vector<16xf32>
        %sub3A_1721 = arith.subf %gather3A_1696, %get3A_1587 : vector<16xf32>
        %mul3A_1722 = arith.mulf %sub3A_1721, %sub3A_1721 : vector<16xf32>
        %sub3A_1723 = arith.subf %gather3A_1708, %get3A_1615 : vector<16xf32>
        %mul3A_1724 = arith.mulf %sub3A_1723, %sub3A_1723 : vector<16xf32>
        %add3A_1725 = arith.addf %mul3A_1724, %mul3A_1722 : vector<16xf32>
        %sub3A_1726 = arith.subf %gather3A_1720, %get3A_1643 : vector<16xf32>
        %mul3A_1727 = arith.mulf %sub3A_1726, %sub3A_1726 : vector<16xf32>
        %add3A_1728 = arith.addf %mul3A_1727, %add3A_1725 : vector<16xf32>
        %min3A_1729 = arith.minimumf %scan3A_1569, %add3A_1728 : vector<16xf32>
        %min3A_1730 = arith.minimumf %get3A_1669, %add3A_1728 : vector<16xf32>
        %sub3A_1731 = arith.subf %gather3A_1696, %get3A_1594 : vector<16xf32>
        %mul3A_1732 = arith.mulf %sub3A_1731, %sub3A_1731 : vector<16xf32>
        %sub3A_1733 = arith.subf %gather3A_1708, %get3A_1622 : vector<16xf32>
        %mul3A_1734 = arith.mulf %sub3A_1733, %sub3A_1733 : vector<16xf32>
        %add3A_1735 = arith.addf %mul3A_1734, %mul3A_1732 : vector<16xf32>
        %sub3A_1736 = arith.subf %gather3A_1720, %get3A_1650 : vector<16xf32>
        %mul3A_1737 = arith.mulf %sub3A_1736, %sub3A_1736 : vector<16xf32>
        %add3A_1738 = arith.addf %mul3A_1737, %add3A_1735 : vector<16xf32>
        %min3A_1739 = arith.minimumf %min3A_1729, %add3A_1738 : vector<16xf32>
        %min3A_1740 = arith.minimumf %get3A_1674, %add3A_1738 : vector<16xf32>
        %sub3A_1741 = arith.subf %gather3A_1696, %get3A_1601 : vector<16xf32>
        %mul3A_1742 = arith.mulf %sub3A_1741, %sub3A_1741 : vector<16xf32>
        %sub3A_1743 = arith.subf %gather3A_1708, %get3A_1629 : vector<16xf32>
        %mul3A_1744 = arith.mulf %sub3A_1743, %sub3A_1743 : vector<16xf32>
        %add3A_1745 = arith.addf %mul3A_1744, %mul3A_1742 : vector<16xf32>
        %sub3A_1746 = arith.subf %gather3A_1720, %get3A_1657 : vector<16xf32>
        %mul3A_1747 = arith.mulf %sub3A_1746, %sub3A_1746 : vector<16xf32>
        %add3A_1748 = arith.addf %mul3A_1747, %add3A_1745 : vector<16xf32>
        %min3A_1749 = arith.minimumf %min3A_1739, %add3A_1748 : vector<16xf32>
        %min3A_1750 = arith.minimumf %get3A_1679, %add3A_1748 : vector<16xf32>
        %sub3A_1751 = arith.subf %gather3A_1696, %get3A_1608 : vector<16xf32>
        %mul3A_1752 = arith.mulf %sub3A_1751, %sub3A_1751 : vector<16xf32>
        %sub3A_1753 = arith.subf %gather3A_1708, %get3A_1636 : vector<16xf32>
        %mul3A_1754 = arith.mulf %sub3A_1753, %sub3A_1753 : vector<16xf32>
        %add3A_1755 = arith.addf %mul3A_1754, %mul3A_1752 : vector<16xf32>
        %sub3A_1756 = arith.subf %gather3A_1720, %get3A_1664 : vector<16xf32>
        %mul3A_1757 = arith.mulf %sub3A_1756, %sub3A_1756 : vector<16xf32>
        %add3A_1758 = arith.addf %mul3A_1757, %add3A_1755 : vector<16xf32>
        %min3A_1759 = arith.minimumf %min3A_1749, %add3A_1758 : vector<16xf32>
        %min3A_1760 = arith.minimumf %get3A_1684, %add3A_1758 : vector<16xf32>
        %broadcast_in_dim3A_1761 = arith.constant 1 : i32
        %broadcast_in_dim3A_1762 = vector.broadcast %broadcast_in_dim3A_1761 : i32 to vector<16xi32>
        %lt3A_1763 = arith.constant 0 : i32
        %lt3A_1764 = vector.broadcast %lt3A_1763 : i32 to vector<16xi32>
        %lt3A_1765 = arith.cmpi slt, %broadcast_in_dim3A_1762, %lt3A_1764 : vector<16xi32>
        %add3A_1766 = arith.constant 16 : i32
        %add3A_1767 = vector.broadcast %add3A_1766 : i32 to vector<16xi32>
        %add3A_1768 = arith.addi %broadcast_in_dim3A_1762, %add3A_1767 : vector<16xi32>
        %select_n3A_1769 = arith.select %lt3A_1765, %add3A_1768, %broadcast_in_dim3A_1762 : vector<16xi1>, vector<16xi32>
        %broadcast_in_dim3A_1770 = vector.shape_cast %select_n3A_1769 : vector<16xi32> to vector<16x1xi32>
        %gather3A_1771 = vector.shape_cast %broadcast_in_dim3A_1770 : vector<16x1xi32> to vector<16xi32>
        %gather3A_1772 = tpu.dynamic_gather %get3A_105[%gather3A_1771] in [0] : vector<16xf32>, vector<16xi32> -> vector<16xf32>
        %broadcast_in_dim3A_1773 = arith.constant 1 : i32
        %broadcast_in_dim3A_1774 = vector.broadcast %broadcast_in_dim3A_1773 : i32 to vector<16xi32>
        %lt3A_1775 = arith.constant 0 : i32
        %lt3A_1776 = vector.broadcast %lt3A_1775 : i32 to vector<16xi32>
        %lt3A_1777 = arith.cmpi slt, %broadcast_in_dim3A_1774, %lt3A_1776 : vector<16xi32>
        %add3A_1778 = arith.constant 16 : i32
        %add3A_1779 = vector.broadcast %add3A_1778 : i32 to vector<16xi32>
        %add3A_1780 = arith.addi %broadcast_in_dim3A_1774, %add3A_1779 : vector<16xi32>
        %select_n3A_1781 = arith.select %lt3A_1777, %add3A_1780, %broadcast_in_dim3A_1774 : vector<16xi1>, vector<16xi32>
        %broadcast_in_dim3A_1782 = vector.shape_cast %select_n3A_1781 : vector<16xi32> to vector<16x1xi32>
        %gather3A_1783 = vector.shape_cast %broadcast_in_dim3A_1782 : vector<16x1xi32> to vector<16xi32>
        %gather3A_1784 = tpu.dynamic_gather %get3A_113[%gather3A_1783] in [0] : vector<16xf32>, vector<16xi32> -> vector<16xf32>
        %broadcast_in_dim3A_1785 = arith.constant 1 : i32
        %broadcast_in_dim3A_1786 = vector.broadcast %broadcast_in_dim3A_1785 : i32 to vector<16xi32>
        %lt3A_1787 = arith.constant 0 : i32
        %lt3A_1788 = vector.broadcast %lt3A_1787 : i32 to vector<16xi32>
        %lt3A_1789 = arith.cmpi slt, %broadcast_in_dim3A_1786, %lt3A_1788 : vector<16xi32>
        %add3A_1790 = arith.constant 16 : i32
        %add3A_1791 = vector.broadcast %add3A_1790 : i32 to vector<16xi32>
        %add3A_1792 = arith.addi %broadcast_in_dim3A_1786, %add3A_1791 : vector<16xi32>
        %select_n3A_1793 = arith.select %lt3A_1789, %add3A_1792, %broadcast_in_dim3A_1786 : vector<16xi1>, vector<16xi32>
        %broadcast_in_dim3A_1794 = vector.shape_cast %select_n3A_1793 : vector<16xi32> to vector<16x1xi32>
        %gather3A_1795 = vector.shape_cast %broadcast_in_dim3A_1794 : vector<16x1xi32> to vector<16xi32>
        %gather3A_1796 = tpu.dynamic_gather %get3A_121[%gather3A_1795] in [0] : vector<16xf32>, vector<16xi32> -> vector<16xf32>
        %sub3A_1797 = arith.subf %gather3A_1772, %get3A_1587 : vector<16xf32>
        %mul3A_1798 = arith.mulf %sub3A_1797, %sub3A_1797 : vector<16xf32>
        %sub3A_1799 = arith.subf %gather3A_1784, %get3A_1615 : vector<16xf32>
        %mul3A_1800 = arith.mulf %sub3A_1799, %sub3A_1799 : vector<16xf32>
        %add3A_1801 = arith.addf %mul3A_1800, %mul3A_1798 : vector<16xf32>
        %sub3A_1802 = arith.subf %gather3A_1796, %get3A_1643 : vector<16xf32>
        %mul3A_1803 = arith.mulf %sub3A_1802, %sub3A_1802 : vector<16xf32>
        %add3A_1804 = arith.addf %mul3A_1803, %add3A_1801 : vector<16xf32>
        %min3A_1805 = arith.minimumf %scan3A_1570, %add3A_1804 : vector<16xf32>
        %min3A_1806 = arith.minimumf %min3A_1730, %add3A_1804 : vector<16xf32>
        %sub3A_1807 = arith.subf %gather3A_1772, %get3A_1594 : vector<16xf32>
        %mul3A_1808 = arith.mulf %sub3A_1807, %sub3A_1807 : vector<16xf32>
        %sub3A_1809 = arith.subf %gather3A_1784, %get3A_1622 : vector<16xf32>
        %mul3A_1810 = arith.mulf %sub3A_1809, %sub3A_1809 : vector<16xf32>
        %add3A_1811 = arith.addf %mul3A_1810, %mul3A_1808 : vector<16xf32>
        %sub3A_1812 = arith.subf %gather3A_1796, %get3A_1650 : vector<16xf32>
        %mul3A_1813 = arith.mulf %sub3A_1812, %sub3A_1812 : vector<16xf32>
        %add3A_1814 = arith.addf %mul3A_1813, %add3A_1811 : vector<16xf32>
        %min3A_1815 = arith.minimumf %min3A_1805, %add3A_1814 : vector<16xf32>
        %min3A_1816 = arith.minimumf %min3A_1740, %add3A_1814 : vector<16xf32>
        %sub3A_1817 = arith.subf %gather3A_1772, %get3A_1601 : vector<16xf32>
        %mul3A_1818 = arith.mulf %sub3A_1817, %sub3A_1817 : vector<16xf32>
        %sub3A_1819 = arith.subf %gather3A_1784, %get3A_1629 : vector<16xf32>
        %mul3A_1820 = arith.mulf %sub3A_1819, %sub3A_1819 : vector<16xf32>
        %add3A_1821 = arith.addf %mul3A_1820, %mul3A_1818 : vector<16xf32>
        %sub3A_1822 = arith.subf %gather3A_1796, %get3A_1657 : vector<16xf32>
        %mul3A_1823 = arith.mulf %sub3A_1822, %sub3A_1822 : vector<16xf32>
        %add3A_1824 = arith.addf %mul3A_1823, %add3A_1821 : vector<16xf32>
        %min3A_1825 = arith.minimumf %min3A_1815, %add3A_1824 : vector<16xf32>
        %min3A_1826 = arith.minimumf %min3A_1750, %add3A_1824 : vector<16xf32>
        %sub3A_1827 = arith.subf %gather3A_1772, %get3A_1608 : vector<16xf32>
        %mul3A_1828 = arith.mulf %sub3A_1827, %sub3A_1827 : vector<16xf32>
        %sub3A_1829 = arith.subf %gather3A_1784, %get3A_1636 : vector<16xf32>
        %mul3A_1830 = arith.mulf %sub3A_1829, %sub3A_1829 : vector<16xf32>
        %add3A_1831 = arith.addf %mul3A_1830, %mul3A_1828 : vector<16xf32>
        %sub3A_1832 = arith.subf %gather3A_1796, %get3A_1664 : vector<16xf32>
        %mul3A_1833 = arith.mulf %sub3A_1832, %sub3A_1832 : vector<16xf32>
        %add3A_1834 = arith.addf %mul3A_1833, %add3A_1831 : vector<16xf32>
        %min3A_1835 = arith.minimumf %min3A_1825, %add3A_1834 : vector<16xf32>
        %min3A_1836 = arith.minimumf %min3A_1760, %add3A_1834 : vector<16xf32>
        %broadcast_in_dim3A_1837 = arith.constant 2 : i32
        %broadcast_in_dim3A_1838 = vector.broadcast %broadcast_in_dim3A_1837 : i32 to vector<16xi32>
        %lt3A_1839 = arith.constant 0 : i32
        %lt3A_1840 = vector.broadcast %lt3A_1839 : i32 to vector<16xi32>
        %lt3A_1841 = arith.cmpi slt, %broadcast_in_dim3A_1838, %lt3A_1840 : vector<16xi32>
        %add3A_1842 = arith.constant 16 : i32
        %add3A_1843 = vector.broadcast %add3A_1842 : i32 to vector<16xi32>
        %add3A_1844 = arith.addi %broadcast_in_dim3A_1838, %add3A_1843 : vector<16xi32>
        %select_n3A_1845 = arith.select %lt3A_1841, %add3A_1844, %broadcast_in_dim3A_1838 : vector<16xi1>, vector<16xi32>
        %broadcast_in_dim3A_1846 = vector.shape_cast %select_n3A_1845 : vector<16xi32> to vector<16x1xi32>
        %gather3A_1847 = vector.shape_cast %broadcast_in_dim3A_1846 : vector<16x1xi32> to vector<16xi32>
        %gather3A_1848 = tpu.dynamic_gather %get3A_105[%gather3A_1847] in [0] : vector<16xf32>, vector<16xi32> -> vector<16xf32>
        %broadcast_in_dim3A_1849 = arith.constant 2 : i32
        %broadcast_in_dim3A_1850 = vector.broadcast %broadcast_in_dim3A_1849 : i32 to vector<16xi32>
        %lt3A_1851 = arith.constant 0 : i32
        %lt3A_1852 = vector.broadcast %lt3A_1851 : i32 to vector<16xi32>
        %lt3A_1853 = arith.cmpi slt, %broadcast_in_dim3A_1850, %lt3A_1852 : vector<16xi32>
        %add3A_1854 = arith.constant 16 : i32
        %add3A_1855 = vector.broadcast %add3A_1854 : i32 to vector<16xi32>
        %add3A_1856 = arith.addi %broadcast_in_dim3A_1850, %add3A_1855 : vector<16xi32>
        %select_n3A_1857 = arith.select %lt3A_1853, %add3A_1856, %broadcast_in_dim3A_1850 : vector<16xi1>, vector<16xi32>
        %broadcast_in_dim3A_1858 = vector.shape_cast %select_n3A_1857 : vector<16xi32> to vector<16x1xi32>
        %gather3A_1859 = vector.shape_cast %broadcast_in_dim3A_1858 : vector<16x1xi32> to vector<16xi32>
        %gather3A_1860 = tpu.dynamic_gather %get3A_113[%gather3A_1859] in [0] : vector<16xf32>, vector<16xi32> -> vector<16xf32>
        %broadcast_in_dim3A_1861 = arith.constant 2 : i32
        %broadcast_in_dim3A_1862 = vector.broadcast %broadcast_in_dim3A_1861 : i32 to vector<16xi32>
        %lt3A_1863 = arith.constant 0 : i32
        %lt3A_1864 = vector.broadcast %lt3A_1863 : i32 to vector<16xi32>
        %lt3A_1865 = arith.cmpi slt, %broadcast_in_dim3A_1862, %lt3A_1864 : vector<16xi32>
        %add3A_1866 = arith.constant 16 : i32
        %add3A_1867 = vector.broadcast %add3A_1866 : i32 to vector<16xi32>
        %add3A_1868 = arith.addi %broadcast_in_dim3A_1862, %add3A_1867 : vector<16xi32>
        %select_n3A_1869 = arith.select %lt3A_1865, %add3A_1868, %broadcast_in_dim3A_1862 : vector<16xi1>, vector<16xi32>
        %broadcast_in_dim3A_1870 = vector.shape_cast %select_n3A_1869 : vector<16xi32> to vector<16x1xi32>
        %gather3A_1871 = vector.shape_cast %broadcast_in_dim3A_1870 : vector<16x1xi32> to vector<16xi32>
        %gather3A_1872 = tpu.dynamic_gather %get3A_121[%gather3A_1871] in [0] : vector<16xf32>, vector<16xi32> -> vector<16xf32>
        %sub3A_1873 = arith.subf %gather3A_1848, %get3A_1587 : vector<16xf32>
        %mul3A_1874 = arith.mulf %sub3A_1873, %sub3A_1873 : vector<16xf32>
        %sub3A_1875 = arith.subf %gather3A_1860, %get3A_1615 : vector<16xf32>
        %mul3A_1876 = arith.mulf %sub3A_1875, %sub3A_1875 : vector<16xf32>
        %add3A_1877 = arith.addf %mul3A_1876, %mul3A_1874 : vector<16xf32>
        %sub3A_1878 = arith.subf %gather3A_1872, %get3A_1643 : vector<16xf32>
        %mul3A_1879 = arith.mulf %sub3A_1878, %sub3A_1878 : vector<16xf32>
        %add3A_1880 = arith.addf %mul3A_1879, %add3A_1877 : vector<16xf32>
        %min3A_1881 = arith.minimumf %scan3A_1571, %add3A_1880 : vector<16xf32>
        %min3A_1882 = arith.minimumf %min3A_1806, %add3A_1880 : vector<16xf32>
        %sub3A_1883 = arith.subf %gather3A_1848, %get3A_1594 : vector<16xf32>
        %mul3A_1884 = arith.mulf %sub3A_1883, %sub3A_1883 : vector<16xf32>
        %sub3A_1885 = arith.subf %gather3A_1860, %get3A_1622 : vector<16xf32>
        %mul3A_1886 = arith.mulf %sub3A_1885, %sub3A_1885 : vector<16xf32>
        %add3A_1887 = arith.addf %mul3A_1886, %mul3A_1884 : vector<16xf32>
        %sub3A_1888 = arith.subf %gather3A_1872, %get3A_1650 : vector<16xf32>
        %mul3A_1889 = arith.mulf %sub3A_1888, %sub3A_1888 : vector<16xf32>
        %add3A_1890 = arith.addf %mul3A_1889, %add3A_1887 : vector<16xf32>
        %min3A_1891 = arith.minimumf %min3A_1881, %add3A_1890 : vector<16xf32>
        %min3A_1892 = arith.minimumf %min3A_1816, %add3A_1890 : vector<16xf32>
        %sub3A_1893 = arith.subf %gather3A_1848, %get3A_1601 : vector<16xf32>
        %mul3A_1894 = arith.mulf %sub3A_1893, %sub3A_1893 : vector<16xf32>
        %sub3A_1895 = arith.subf %gather3A_1860, %get3A_1629 : vector<16xf32>
        %mul3A_1896 = arith.mulf %sub3A_1895, %sub3A_1895 : vector<16xf32>
        %add3A_1897 = arith.addf %mul3A_1896, %mul3A_1894 : vector<16xf32>
        %sub3A_1898 = arith.subf %gather3A_1872, %get3A_1657 : vector<16xf32>
        %mul3A_1899 = arith.mulf %sub3A_1898, %sub3A_1898 : vector<16xf32>
        %add3A_1900 = arith.addf %mul3A_1899, %add3A_1897 : vector<16xf32>
        %min3A_1901 = arith.minimumf %min3A_1891, %add3A_1900 : vector<16xf32>
        %min3A_1902 = arith.minimumf %min3A_1826, %add3A_1900 : vector<16xf32>
        %sub3A_1903 = arith.subf %gather3A_1848, %get3A_1608 : vector<16xf32>
        %mul3A_1904 = arith.mulf %sub3A_1903, %sub3A_1903 : vector<16xf32>
        %sub3A_1905 = arith.subf %gather3A_1860, %get3A_1636 : vector<16xf32>
        %mul3A_1906 = arith.mulf %sub3A_1905, %sub3A_1905 : vector<16xf32>
        %add3A_1907 = arith.addf %mul3A_1906, %mul3A_1904 : vector<16xf32>
        %sub3A_1908 = arith.subf %gather3A_1872, %get3A_1664 : vector<16xf32>
        %mul3A_1909 = arith.mulf %sub3A_1908, %sub3A_1908 : vector<16xf32>
        %add3A_1910 = arith.addf %mul3A_1909, %add3A_1907 : vector<16xf32>
        %min3A_1911 = arith.minimumf %min3A_1901, %add3A_1910 : vector<16xf32>
        %min3A_1912 = arith.minimumf %min3A_1836, %add3A_1910 : vector<16xf32>
        %broadcast_in_dim3A_1913 = arith.constant 3 : i32
        %broadcast_in_dim3A_1914 = vector.broadcast %broadcast_in_dim3A_1913 : i32 to vector<16xi32>
        %lt3A_1915 = arith.constant 0 : i32
        %lt3A_1916 = vector.broadcast %lt3A_1915 : i32 to vector<16xi32>
        %lt3A_1917 = arith.cmpi slt, %broadcast_in_dim3A_1914, %lt3A_1916 : vector<16xi32>
        %add3A_1918 = arith.constant 16 : i32
        %add3A_1919 = vector.broadcast %add3A_1918 : i32 to vector<16xi32>
        %add3A_1920 = arith.addi %broadcast_in_dim3A_1914, %add3A_1919 : vector<16xi32>
        %select_n3A_1921 = arith.select %lt3A_1917, %add3A_1920, %broadcast_in_dim3A_1914 : vector<16xi1>, vector<16xi32>
        %broadcast_in_dim3A_1922 = vector.shape_cast %select_n3A_1921 : vector<16xi32> to vector<16x1xi32>
        %gather3A_1923 = vector.shape_cast %broadcast_in_dim3A_1922 : vector<16x1xi32> to vector<16xi32>
        %gather3A_1924 = tpu.dynamic_gather %get3A_105[%gather3A_1923] in [0] : vector<16xf32>, vector<16xi32> -> vector<16xf32>
        %broadcast_in_dim3A_1925 = arith.constant 3 : i32
        %broadcast_in_dim3A_1926 = vector.broadcast %broadcast_in_dim3A_1925 : i32 to vector<16xi32>
        %lt3A_1927 = arith.constant 0 : i32
        %lt3A_1928 = vector.broadcast %lt3A_1927 : i32 to vector<16xi32>
        %lt3A_1929 = arith.cmpi slt, %broadcast_in_dim3A_1926, %lt3A_1928 : vector<16xi32>
        %add3A_1930 = arith.constant 16 : i32
        %add3A_1931 = vector.broadcast %add3A_1930 : i32 to vector<16xi32>
        %add3A_1932 = arith.addi %broadcast_in_dim3A_1926, %add3A_1931 : vector<16xi32>
        %select_n3A_1933 = arith.select %lt3A_1929, %add3A_1932, %broadcast_in_dim3A_1926 : vector<16xi1>, vector<16xi32>
        %broadcast_in_dim3A_1934 = vector.shape_cast %select_n3A_1933 : vector<16xi32> to vector<16x1xi32>
        %gather3A_1935 = vector.shape_cast %broadcast_in_dim3A_1934 : vector<16x1xi32> to vector<16xi32>
        %gather3A_1936 = tpu.dynamic_gather %get3A_113[%gather3A_1935] in [0] : vector<16xf32>, vector<16xi32> -> vector<16xf32>
        %broadcast_in_dim3A_1937 = arith.constant 3 : i32
        %broadcast_in_dim3A_1938 = vector.broadcast %broadcast_in_dim3A_1937 : i32 to vector<16xi32>
        %lt3A_1939 = arith.constant 0 : i32
        %lt3A_1940 = vector.broadcast %lt3A_1939 : i32 to vector<16xi32>
        %lt3A_1941 = arith.cmpi slt, %broadcast_in_dim3A_1938, %lt3A_1940 : vector<16xi32>
        %add3A_1942 = arith.constant 16 : i32
        %add3A_1943 = vector.broadcast %add3A_1942 : i32 to vector<16xi32>
        %add3A_1944 = arith.addi %broadcast_in_dim3A_1938, %add3A_1943 : vector<16xi32>
        %select_n3A_1945 = arith.select %lt3A_1941, %add3A_1944, %broadcast_in_dim3A_1938 : vector<16xi1>, vector<16xi32>
        %broadcast_in_dim3A_1946 = vector.shape_cast %select_n3A_1945 : vector<16xi32> to vector<16x1xi32>
        %gather3A_1947 = vector.shape_cast %broadcast_in_dim3A_1946 : vector<16x1xi32> to vector<16xi32>
        %gather3A_1948 = tpu.dynamic_gather %get3A_121[%gather3A_1947] in [0] : vector<16xf32>, vector<16xi32> -> vector<16xf32>
        %sub3A_1949 = arith.subf %gather3A_1924, %get3A_1587 : vector<16xf32>
        %mul3A_1950 = arith.mulf %sub3A_1949, %sub3A_1949 : vector<16xf32>
        %sub3A_1951 = arith.subf %gather3A_1936, %get3A_1615 : vector<16xf32>
        %mul3A_1952 = arith.mulf %sub3A_1951, %sub3A_1951 : vector<16xf32>
        %add3A_1953 = arith.addf %mul3A_1952, %mul3A_1950 : vector<16xf32>
        %sub3A_1954 = arith.subf %gather3A_1948, %get3A_1643 : vector<16xf32>
        %mul3A_1955 = arith.mulf %sub3A_1954, %sub3A_1954 : vector<16xf32>
        %add3A_1956 = arith.addf %mul3A_1955, %add3A_1953 : vector<16xf32>
        %min3A_1957 = arith.minimumf %scan3A_1572, %add3A_1956 : vector<16xf32>
        %min3A_1958 = arith.minimumf %min3A_1882, %add3A_1956 : vector<16xf32>
        %sub3A_1959 = arith.subf %gather3A_1924, %get3A_1594 : vector<16xf32>
        %mul3A_1960 = arith.mulf %sub3A_1959, %sub3A_1959 : vector<16xf32>
        %sub3A_1961 = arith.subf %gather3A_1936, %get3A_1622 : vector<16xf32>
        %mul3A_1962 = arith.mulf %sub3A_1961, %sub3A_1961 : vector<16xf32>
        %add3A_1963 = arith.addf %mul3A_1962, %mul3A_1960 : vector<16xf32>
        %sub3A_1964 = arith.subf %gather3A_1948, %get3A_1650 : vector<16xf32>
        %mul3A_1965 = arith.mulf %sub3A_1964, %sub3A_1964 : vector<16xf32>
        %add3A_1966 = arith.addf %mul3A_1965, %add3A_1963 : vector<16xf32>
        %min3A_1967 = arith.minimumf %min3A_1957, %add3A_1966 : vector<16xf32>
        %min3A_1968 = arith.minimumf %min3A_1892, %add3A_1966 : vector<16xf32>
        %sub3A_1969 = arith.subf %gather3A_1924, %get3A_1601 : vector<16xf32>
        %mul3A_1970 = arith.mulf %sub3A_1969, %sub3A_1969 : vector<16xf32>
        %sub3A_1971 = arith.subf %gather3A_1936, %get3A_1629 : vector<16xf32>
        %mul3A_1972 = arith.mulf %sub3A_1971, %sub3A_1971 : vector<16xf32>
        %add3A_1973 = arith.addf %mul3A_1972, %mul3A_1970 : vector<16xf32>
        %sub3A_1974 = arith.subf %gather3A_1948, %get3A_1657 : vector<16xf32>
        %mul3A_1975 = arith.mulf %sub3A_1974, %sub3A_1974 : vector<16xf32>
        %add3A_1976 = arith.addf %mul3A_1975, %add3A_1973 : vector<16xf32>
        %min3A_1977 = arith.minimumf %min3A_1967, %add3A_1976 : vector<16xf32>
        %min3A_1978 = arith.minimumf %min3A_1902, %add3A_1976 : vector<16xf32>
        %sub3A_1979 = arith.subf %gather3A_1924, %get3A_1608 : vector<16xf32>
        %mul3A_1980 = arith.mulf %sub3A_1979, %sub3A_1979 : vector<16xf32>
        %sub3A_1981 = arith.subf %gather3A_1936, %get3A_1636 : vector<16xf32>
        %mul3A_1982 = arith.mulf %sub3A_1981, %sub3A_1981 : vector<16xf32>
        %add3A_1983 = arith.addf %mul3A_1982, %mul3A_1980 : vector<16xf32>
        %sub3A_1984 = arith.subf %gather3A_1948, %get3A_1664 : vector<16xf32>
        %mul3A_1985 = arith.mulf %sub3A_1984, %sub3A_1984 : vector<16xf32>
        %add3A_1986 = arith.addf %mul3A_1985, %add3A_1983 : vector<16xf32>
        %min3A_1987 = arith.minimumf %min3A_1977, %add3A_1986 : vector<16xf32>
        %min3A_1988 = arith.minimumf %min3A_1912, %add3A_1986 : vector<16xf32>
        %broadcast_in_dim3A_1989 = arith.constant 4 : i32
        %broadcast_in_dim3A_1990 = vector.broadcast %broadcast_in_dim3A_1989 : i32 to vector<16xi32>
        %lt3A_1991 = arith.constant 0 : i32
        %lt3A_1992 = vector.broadcast %lt3A_1991 : i32 to vector<16xi32>
        %lt3A_1993 = arith.cmpi slt, %broadcast_in_dim3A_1990, %lt3A_1992 : vector<16xi32>
        %add3A_1994 = arith.constant 16 : i32
        %add3A_1995 = vector.broadcast %add3A_1994 : i32 to vector<16xi32>
        %add3A_1996 = arith.addi %broadcast_in_dim3A_1990, %add3A_1995 : vector<16xi32>
        %select_n3A_1997 = arith.select %lt3A_1993, %add3A_1996, %broadcast_in_dim3A_1990 : vector<16xi1>, vector<16xi32>
        %broadcast_in_dim3A_1998 = vector.shape_cast %select_n3A_1997 : vector<16xi32> to vector<16x1xi32>
        %gather3A_1999 = vector.shape_cast %broadcast_in_dim3A_1998 : vector<16x1xi32> to vector<16xi32>
        %gather3A_2000 = tpu.dynamic_gather %get3A_105[%gather3A_1999] in [0] : vector<16xf32>, vector<16xi32> -> vector<16xf32>
        %broadcast_in_dim3A_2001 = arith.constant 4 : i32
        %broadcast_in_dim3A_2002 = vector.broadcast %broadcast_in_dim3A_2001 : i32 to vector<16xi32>
        %lt3A_2003 = arith.constant 0 : i32
        %lt3A_2004 = vector.broadcast %lt3A_2003 : i32 to vector<16xi32>
        %lt3A_2005 = arith.cmpi slt, %broadcast_in_dim3A_2002, %lt3A_2004 : vector<16xi32>
        %add3A_2006 = arith.constant 16 : i32
        %add3A_2007 = vector.broadcast %add3A_2006 : i32 to vector<16xi32>
        %add3A_2008 = arith.addi %broadcast_in_dim3A_2002, %add3A_2007 : vector<16xi32>
        %select_n3A_2009 = arith.select %lt3A_2005, %add3A_2008, %broadcast_in_dim3A_2002 : vector<16xi1>, vector<16xi32>
        %broadcast_in_dim3A_2010 = vector.shape_cast %select_n3A_2009 : vector<16xi32> to vector<16x1xi32>
        %gather3A_2011 = vector.shape_cast %broadcast_in_dim3A_2010 : vector<16x1xi32> to vector<16xi32>
        %gather3A_2012 = tpu.dynamic_gather %get3A_113[%gather3A_2011] in [0] : vector<16xf32>, vector<16xi32> -> vector<16xf32>
        %broadcast_in_dim3A_2013 = arith.constant 4 : i32
        %broadcast_in_dim3A_2014 = vector.broadcast %broadcast_in_dim3A_2013 : i32 to vector<16xi32>
        %lt3A_2015 = arith.constant 0 : i32
        %lt3A_2016 = vector.broadcast %lt3A_2015 : i32 to vector<16xi32>
        %lt3A_2017 = arith.cmpi slt, %broadcast_in_dim3A_2014, %lt3A_2016 : vector<16xi32>
        %add3A_2018 = arith.constant 16 : i32
        %add3A_2019 = vector.broadcast %add3A_2018 : i32 to vector<16xi32>
        %add3A_2020 = arith.addi %broadcast_in_dim3A_2014, %add3A_2019 : vector<16xi32>
        %select_n3A_2021 = arith.select %lt3A_2017, %add3A_2020, %broadcast_in_dim3A_2014 : vector<16xi1>, vector<16xi32>
        %broadcast_in_dim3A_2022 = vector.shape_cast %select_n3A_2021 : vector<16xi32> to vector<16x1xi32>
        %gather3A_2023 = vector.shape_cast %broadcast_in_dim3A_2022 : vector<16x1xi32> to vector<16xi32>
        %gather3A_2024 = tpu.dynamic_gather %get3A_121[%gather3A_2023] in [0] : vector<16xf32>, vector<16xi32> -> vector<16xf32>
        %sub3A_2025 = arith.subf %gather3A_2000, %get3A_1587 : vector<16xf32>
        %mul3A_2026 = arith.mulf %sub3A_2025, %sub3A_2025 : vector<16xf32>
        %sub3A_2027 = arith.subf %gather3A_2012, %get3A_1615 : vector<16xf32>
        %mul3A_2028 = arith.mulf %sub3A_2027, %sub3A_2027 : vector<16xf32>
        %add3A_2029 = arith.addf %mul3A_2028, %mul3A_2026 : vector<16xf32>
        %sub3A_2030 = arith.subf %gather3A_2024, %get3A_1643 : vector<16xf32>
        %mul3A_2031 = arith.mulf %sub3A_2030, %sub3A_2030 : vector<16xf32>
        %add3A_2032 = arith.addf %mul3A_2031, %add3A_2029 : vector<16xf32>
        %min3A_2033 = arith.minimumf %scan3A_1573, %add3A_2032 : vector<16xf32>
        %min3A_2034 = arith.minimumf %min3A_1958, %add3A_2032 : vector<16xf32>
        %sub3A_2035 = arith.subf %gather3A_2000, %get3A_1594 : vector<16xf32>
        %mul3A_2036 = arith.mulf %sub3A_2035, %sub3A_2035 : vector<16xf32>
        %sub3A_2037 = arith.subf %gather3A_2012, %get3A_1622 : vector<16xf32>
        %mul3A_2038 = arith.mulf %sub3A_2037, %sub3A_2037 : vector<16xf32>
        %add3A_2039 = arith.addf %mul3A_2038, %mul3A_2036 : vector<16xf32>
        %sub3A_2040 = arith.subf %gather3A_2024, %get3A_1650 : vector<16xf32>
        %mul3A_2041 = arith.mulf %sub3A_2040, %sub3A_2040 : vector<16xf32>
        %add3A_2042 = arith.addf %mul3A_2041, %add3A_2039 : vector<16xf32>
        %min3A_2043 = arith.minimumf %min3A_2033, %add3A_2042 : vector<16xf32>
        %min3A_2044 = arith.minimumf %min3A_1968, %add3A_2042 : vector<16xf32>
        %sub3A_2045 = arith.subf %gather3A_2000, %get3A_1601 : vector<16xf32>
        %mul3A_2046 = arith.mulf %sub3A_2045, %sub3A_2045 : vector<16xf32>
        %sub3A_2047 = arith.subf %gather3A_2012, %get3A_1629 : vector<16xf32>
        %mul3A_2048 = arith.mulf %sub3A_2047, %sub3A_2047 : vector<16xf32>
        %add3A_2049 = arith.addf %mul3A_2048, %mul3A_2046 : vector<16xf32>
        %sub3A_2050 = arith.subf %gather3A_2024, %get3A_1657 : vector<16xf32>
        %mul3A_2051 = arith.mulf %sub3A_2050, %sub3A_2050 : vector<16xf32>
        %add3A_2052 = arith.addf %mul3A_2051, %add3A_2049 : vector<16xf32>
        %min3A_2053 = arith.minimumf %min3A_2043, %add3A_2052 : vector<16xf32>
        %min3A_2054 = arith.minimumf %min3A_1978, %add3A_2052 : vector<16xf32>
        %sub3A_2055 = arith.subf %gather3A_2000, %get3A_1608 : vector<16xf32>
        %mul3A_2056 = arith.mulf %sub3A_2055, %sub3A_2055 : vector<16xf32>
        %sub3A_2057 = arith.subf %gather3A_2012, %get3A_1636 : vector<16xf32>
        %mul3A_2058 = arith.mulf %sub3A_2057, %sub3A_2057 : vector<16xf32>
        %add3A_2059 = arith.addf %mul3A_2058, %mul3A_2056 : vector<16xf32>
        %sub3A_2060 = arith.subf %gather3A_2024, %get3A_1664 : vector<16xf32>
        %mul3A_2061 = arith.mulf %sub3A_2060, %sub3A_2060 : vector<16xf32>
        %add3A_2062 = arith.addf %mul3A_2061, %add3A_2059 : vector<16xf32>
        %min3A_2063 = arith.minimumf %min3A_2053, %add3A_2062 : vector<16xf32>
        %min3A_2064 = arith.minimumf %min3A_1988, %add3A_2062 : vector<16xf32>
        %broadcast_in_dim3A_2065 = arith.constant 5 : i32
        %broadcast_in_dim3A_2066 = vector.broadcast %broadcast_in_dim3A_2065 : i32 to vector<16xi32>
        %lt3A_2067 = arith.constant 0 : i32
        %lt3A_2068 = vector.broadcast %lt3A_2067 : i32 to vector<16xi32>
        %lt3A_2069 = arith.cmpi slt, %broadcast_in_dim3A_2066, %lt3A_2068 : vector<16xi32>
        %add3A_2070 = arith.constant 16 : i32
        %add3A_2071 = vector.broadcast %add3A_2070 : i32 to vector<16xi32>
        %add3A_2072 = arith.addi %broadcast_in_dim3A_2066, %add3A_2071 : vector<16xi32>
        %select_n3A_2073 = arith.select %lt3A_2069, %add3A_2072, %broadcast_in_dim3A_2066 : vector<16xi1>, vector<16xi32>
        %broadcast_in_dim3A_2074 = vector.shape_cast %select_n3A_2073 : vector<16xi32> to vector<16x1xi32>
        %gather3A_2075 = vector.shape_cast %broadcast_in_dim3A_2074 : vector<16x1xi32> to vector<16xi32>
        %gather3A_2076 = tpu.dynamic_gather %get3A_105[%gather3A_2075] in [0] : vector<16xf32>, vector<16xi32> -> vector<16xf32>
        %broadcast_in_dim3A_2077 = arith.constant 5 : i32
        %broadcast_in_dim3A_2078 = vector.broadcast %broadcast_in_dim3A_2077 : i32 to vector<16xi32>
        %lt3A_2079 = arith.constant 0 : i32
        %lt3A_2080 = vector.broadcast %lt3A_2079 : i32 to vector<16xi32>
        %lt3A_2081 = arith.cmpi slt, %broadcast_in_dim3A_2078, %lt3A_2080 : vector<16xi32>
        %add3A_2082 = arith.constant 16 : i32
        %add3A_2083 = vector.broadcast %add3A_2082 : i32 to vector<16xi32>
        %add3A_2084 = arith.addi %broadcast_in_dim3A_2078, %add3A_2083 : vector<16xi32>
        %select_n3A_2085 = arith.select %lt3A_2081, %add3A_2084, %broadcast_in_dim3A_2078 : vector<16xi1>, vector<16xi32>
        %broadcast_in_dim3A_2086 = vector.shape_cast %select_n3A_2085 : vector<16xi32> to vector<16x1xi32>
        %gather3A_2087 = vector.shape_cast %broadcast_in_dim3A_2086 : vector<16x1xi32> to vector<16xi32>
        %gather3A_2088 = tpu.dynamic_gather %get3A_113[%gather3A_2087] in [0] : vector<16xf32>, vector<16xi32> -> vector<16xf32>
        %broadcast_in_dim3A_2089 = arith.constant 5 : i32
        %broadcast_in_dim3A_2090 = vector.broadcast %broadcast_in_dim3A_2089 : i32 to vector<16xi32>
        %lt3A_2091 = arith.constant 0 : i32
        %lt3A_2092 = vector.broadcast %lt3A_2091 : i32 to vector<16xi32>
        %lt3A_2093 = arith.cmpi slt, %broadcast_in_dim3A_2090, %lt3A_2092 : vector<16xi32>
        %add3A_2094 = arith.constant 16 : i32
        %add3A_2095 = vector.broadcast %add3A_2094 : i32 to vector<16xi32>
        %add3A_2096 = arith.addi %broadcast_in_dim3A_2090, %add3A_2095 : vector<16xi32>
        %select_n3A_2097 = arith.select %lt3A_2093, %add3A_2096, %broadcast_in_dim3A_2090 : vector<16xi1>, vector<16xi32>
        %broadcast_in_dim3A_2098 = vector.shape_cast %select_n3A_2097 : vector<16xi32> to vector<16x1xi32>
        %gather3A_2099 = vector.shape_cast %broadcast_in_dim3A_2098 : vector<16x1xi32> to vector<16xi32>
        %gather3A_2100 = tpu.dynamic_gather %get3A_121[%gather3A_2099] in [0] : vector<16xf32>, vector<16xi32> -> vector<16xf32>
        %sub3A_2101 = arith.subf %gather3A_2076, %get3A_1587 : vector<16xf32>
        %mul3A_2102 = arith.mulf %sub3A_2101, %sub3A_2101 : vector<16xf32>
        %sub3A_2103 = arith.subf %gather3A_2088, %get3A_1615 : vector<16xf32>
        %mul3A_2104 = arith.mulf %sub3A_2103, %sub3A_2103 : vector<16xf32>
        %add3A_2105 = arith.addf %mul3A_2104, %mul3A_2102 : vector<16xf32>
        %sub3A_2106 = arith.subf %gather3A_2100, %get3A_1643 : vector<16xf32>
        %mul3A_2107 = arith.mulf %sub3A_2106, %sub3A_2106 : vector<16xf32>
        %add3A_2108 = arith.addf %mul3A_2107, %add3A_2105 : vector<16xf32>
        %min3A_2109 = arith.minimumf %scan3A_1574, %add3A_2108 : vector<16xf32>
        %min3A_2110 = arith.minimumf %min3A_2034, %add3A_2108 : vector<16xf32>
        %sub3A_2111 = arith.subf %gather3A_2076, %get3A_1594 : vector<16xf32>
        %mul3A_2112 = arith.mulf %sub3A_2111, %sub3A_2111 : vector<16xf32>
        %sub3A_2113 = arith.subf %gather3A_2088, %get3A_1622 : vector<16xf32>
        %mul3A_2114 = arith.mulf %sub3A_2113, %sub3A_2113 : vector<16xf32>
        %add3A_2115 = arith.addf %mul3A_2114, %mul3A_2112 : vector<16xf32>
        %sub3A_2116 = arith.subf %gather3A_2100, %get3A_1650 : vector<16xf32>
        %mul3A_2117 = arith.mulf %sub3A_2116, %sub3A_2116 : vector<16xf32>
        %add3A_2118 = arith.addf %mul3A_2117, %add3A_2115 : vector<16xf32>
        %min3A_2119 = arith.minimumf %min3A_2109, %add3A_2118 : vector<16xf32>
        %min3A_2120 = arith.minimumf %min3A_2044, %add3A_2118 : vector<16xf32>
        %sub3A_2121 = arith.subf %gather3A_2076, %get3A_1601 : vector<16xf32>
        %mul3A_2122 = arith.mulf %sub3A_2121, %sub3A_2121 : vector<16xf32>
        %sub3A_2123 = arith.subf %gather3A_2088, %get3A_1629 : vector<16xf32>
        %mul3A_2124 = arith.mulf %sub3A_2123, %sub3A_2123 : vector<16xf32>
        %add3A_2125 = arith.addf %mul3A_2124, %mul3A_2122 : vector<16xf32>
        %sub3A_2126 = arith.subf %gather3A_2100, %get3A_1657 : vector<16xf32>
        %mul3A_2127 = arith.mulf %sub3A_2126, %sub3A_2126 : vector<16xf32>
        %add3A_2128 = arith.addf %mul3A_2127, %add3A_2125 : vector<16xf32>
        %min3A_2129 = arith.minimumf %min3A_2119, %add3A_2128 : vector<16xf32>
        %min3A_2130 = arith.minimumf %min3A_2054, %add3A_2128 : vector<16xf32>
        %sub3A_2131 = arith.subf %gather3A_2076, %get3A_1608 : vector<16xf32>
        %mul3A_2132 = arith.mulf %sub3A_2131, %sub3A_2131 : vector<16xf32>
        %sub3A_2133 = arith.subf %gather3A_2088, %get3A_1636 : vector<16xf32>
        %mul3A_2134 = arith.mulf %sub3A_2133, %sub3A_2133 : vector<16xf32>
        %add3A_2135 = arith.addf %mul3A_2134, %mul3A_2132 : vector<16xf32>
        %sub3A_2136 = arith.subf %gather3A_2100, %get3A_1664 : vector<16xf32>
        %mul3A_2137 = arith.mulf %sub3A_2136, %sub3A_2136 : vector<16xf32>
        %add3A_2138 = arith.addf %mul3A_2137, %add3A_2135 : vector<16xf32>
        %min3A_2139 = arith.minimumf %min3A_2129, %add3A_2138 : vector<16xf32>
        %min3A_2140 = arith.minimumf %min3A_2064, %add3A_2138 : vector<16xf32>
        %broadcast_in_dim3A_2141 = arith.constant 6 : i32
        %broadcast_in_dim3A_2142 = vector.broadcast %broadcast_in_dim3A_2141 : i32 to vector<16xi32>
        %lt3A_2143 = arith.constant 0 : i32
        %lt3A_2144 = vector.broadcast %lt3A_2143 : i32 to vector<16xi32>
        %lt3A_2145 = arith.cmpi slt, %broadcast_in_dim3A_2142, %lt3A_2144 : vector<16xi32>
        %add3A_2146 = arith.constant 16 : i32
        %add3A_2147 = vector.broadcast %add3A_2146 : i32 to vector<16xi32>
        %add3A_2148 = arith.addi %broadcast_in_dim3A_2142, %add3A_2147 : vector<16xi32>
        %select_n3A_2149 = arith.select %lt3A_2145, %add3A_2148, %broadcast_in_dim3A_2142 : vector<16xi1>, vector<16xi32>
        %broadcast_in_dim3A_2150 = vector.shape_cast %select_n3A_2149 : vector<16xi32> to vector<16x1xi32>
        %gather3A_2151 = vector.shape_cast %broadcast_in_dim3A_2150 : vector<16x1xi32> to vector<16xi32>
        %gather3A_2152 = tpu.dynamic_gather %get3A_105[%gather3A_2151] in [0] : vector<16xf32>, vector<16xi32> -> vector<16xf32>
        %broadcast_in_dim3A_2153 = arith.constant 6 : i32
        %broadcast_in_dim3A_2154 = vector.broadcast %broadcast_in_dim3A_2153 : i32 to vector<16xi32>
        %lt3A_2155 = arith.constant 0 : i32
        %lt3A_2156 = vector.broadcast %lt3A_2155 : i32 to vector<16xi32>
        %lt3A_2157 = arith.cmpi slt, %broadcast_in_dim3A_2154, %lt3A_2156 : vector<16xi32>
        %add3A_2158 = arith.constant 16 : i32
        %add3A_2159 = vector.broadcast %add3A_2158 : i32 to vector<16xi32>
        %add3A_2160 = arith.addi %broadcast_in_dim3A_2154, %add3A_2159 : vector<16xi32>
        %select_n3A_2161 = arith.select %lt3A_2157, %add3A_2160, %broadcast_in_dim3A_2154 : vector<16xi1>, vector<16xi32>
        %broadcast_in_dim3A_2162 = vector.shape_cast %select_n3A_2161 : vector<16xi32> to vector<16x1xi32>
        %gather3A_2163 = vector.shape_cast %broadcast_in_dim3A_2162 : vector<16x1xi32> to vector<16xi32>
        %gather3A_2164 = tpu.dynamic_gather %get3A_113[%gather3A_2163] in [0] : vector<16xf32>, vector<16xi32> -> vector<16xf32>
        %broadcast_in_dim3A_2165 = arith.constant 6 : i32
        %broadcast_in_dim3A_2166 = vector.broadcast %broadcast_in_dim3A_2165 : i32 to vector<16xi32>
        %lt3A_2167 = arith.constant 0 : i32
        %lt3A_2168 = vector.broadcast %lt3A_2167 : i32 to vector<16xi32>
        %lt3A_2169 = arith.cmpi slt, %broadcast_in_dim3A_2166, %lt3A_2168 : vector<16xi32>
        %add3A_2170 = arith.constant 16 : i32
        %add3A_2171 = vector.broadcast %add3A_2170 : i32 to vector<16xi32>
        %add3A_2172 = arith.addi %broadcast_in_dim3A_2166, %add3A_2171 : vector<16xi32>
        %select_n3A_2173 = arith.select %lt3A_2169, %add3A_2172, %broadcast_in_dim3A_2166 : vector<16xi1>, vector<16xi32>
        %broadcast_in_dim3A_2174 = vector.shape_cast %select_n3A_2173 : vector<16xi32> to vector<16x1xi32>
        %gather3A_2175 = vector.shape_cast %broadcast_in_dim3A_2174 : vector<16x1xi32> to vector<16xi32>
        %gather3A_2176 = tpu.dynamic_gather %get3A_121[%gather3A_2175] in [0] : vector<16xf32>, vector<16xi32> -> vector<16xf32>
        %sub3A_2177 = arith.subf %gather3A_2152, %get3A_1587 : vector<16xf32>
        %mul3A_2178 = arith.mulf %sub3A_2177, %sub3A_2177 : vector<16xf32>
        %sub3A_2179 = arith.subf %gather3A_2164, %get3A_1615 : vector<16xf32>
        %mul3A_2180 = arith.mulf %sub3A_2179, %sub3A_2179 : vector<16xf32>
        %add3A_2181 = arith.addf %mul3A_2180, %mul3A_2178 : vector<16xf32>
        %sub3A_2182 = arith.subf %gather3A_2176, %get3A_1643 : vector<16xf32>
        %mul3A_2183 = arith.mulf %sub3A_2182, %sub3A_2182 : vector<16xf32>
        %add3A_2184 = arith.addf %mul3A_2183, %add3A_2181 : vector<16xf32>
        %min3A_2185 = arith.minimumf %scan3A_1575, %add3A_2184 : vector<16xf32>
        %min3A_2186 = arith.minimumf %min3A_2110, %add3A_2184 : vector<16xf32>
        %sub3A_2187 = arith.subf %gather3A_2152, %get3A_1594 : vector<16xf32>
        %mul3A_2188 = arith.mulf %sub3A_2187, %sub3A_2187 : vector<16xf32>
        %sub3A_2189 = arith.subf %gather3A_2164, %get3A_1622 : vector<16xf32>
        %mul3A_2190 = arith.mulf %sub3A_2189, %sub3A_2189 : vector<16xf32>
        %add3A_2191 = arith.addf %mul3A_2190, %mul3A_2188 : vector<16xf32>
        %sub3A_2192 = arith.subf %gather3A_2176, %get3A_1650 : vector<16xf32>
        %mul3A_2193 = arith.mulf %sub3A_2192, %sub3A_2192 : vector<16xf32>
        %add3A_2194 = arith.addf %mul3A_2193, %add3A_2191 : vector<16xf32>
        %min3A_2195 = arith.minimumf %min3A_2185, %add3A_2194 : vector<16xf32>
        %min3A_2196 = arith.minimumf %min3A_2120, %add3A_2194 : vector<16xf32>
        %sub3A_2197 = arith.subf %gather3A_2152, %get3A_1601 : vector<16xf32>
        %mul3A_2198 = arith.mulf %sub3A_2197, %sub3A_2197 : vector<16xf32>
        %sub3A_2199 = arith.subf %gather3A_2164, %get3A_1629 : vector<16xf32>
        %mul3A_2200 = arith.mulf %sub3A_2199, %sub3A_2199 : vector<16xf32>
        %add3A_2201 = arith.addf %mul3A_2200, %mul3A_2198 : vector<16xf32>
        %sub3A_2202 = arith.subf %gather3A_2176, %get3A_1657 : vector<16xf32>
        %mul3A_2203 = arith.mulf %sub3A_2202, %sub3A_2202 : vector<16xf32>
        %add3A_2204 = arith.addf %mul3A_2203, %add3A_2201 : vector<16xf32>
        %min3A_2205 = arith.minimumf %min3A_2195, %add3A_2204 : vector<16xf32>
        %min3A_2206 = arith.minimumf %min3A_2130, %add3A_2204 : vector<16xf32>
        %sub3A_2207 = arith.subf %gather3A_2152, %get3A_1608 : vector<16xf32>
        %mul3A_2208 = arith.mulf %sub3A_2207, %sub3A_2207 : vector<16xf32>
        %sub3A_2209 = arith.subf %gather3A_2164, %get3A_1636 : vector<16xf32>
        %mul3A_2210 = arith.mulf %sub3A_2209, %sub3A_2209 : vector<16xf32>
        %add3A_2211 = arith.addf %mul3A_2210, %mul3A_2208 : vector<16xf32>
        %sub3A_2212 = arith.subf %gather3A_2176, %get3A_1664 : vector<16xf32>
        %mul3A_2213 = arith.mulf %sub3A_2212, %sub3A_2212 : vector<16xf32>
        %add3A_2214 = arith.addf %mul3A_2213, %add3A_2211 : vector<16xf32>
        %min3A_2215 = arith.minimumf %min3A_2205, %add3A_2214 : vector<16xf32>
        %min3A_2216 = arith.minimumf %min3A_2140, %add3A_2214 : vector<16xf32>
        %broadcast_in_dim3A_2217 = arith.constant 7 : i32
        %broadcast_in_dim3A_2218 = vector.broadcast %broadcast_in_dim3A_2217 : i32 to vector<16xi32>
        %lt3A_2219 = arith.constant 0 : i32
        %lt3A_2220 = vector.broadcast %lt3A_2219 : i32 to vector<16xi32>
        %lt3A_2221 = arith.cmpi slt, %broadcast_in_dim3A_2218, %lt3A_2220 : vector<16xi32>
        %add3A_2222 = arith.constant 16 : i32
        %add3A_2223 = vector.broadcast %add3A_2222 : i32 to vector<16xi32>
        %add3A_2224 = arith.addi %broadcast_in_dim3A_2218, %add3A_2223 : vector<16xi32>
        %select_n3A_2225 = arith.select %lt3A_2221, %add3A_2224, %broadcast_in_dim3A_2218 : vector<16xi1>, vector<16xi32>
        %broadcast_in_dim3A_2226 = vector.shape_cast %select_n3A_2225 : vector<16xi32> to vector<16x1xi32>
        %gather3A_2227 = vector.shape_cast %broadcast_in_dim3A_2226 : vector<16x1xi32> to vector<16xi32>
        %gather3A_2228 = tpu.dynamic_gather %get3A_105[%gather3A_2227] in [0] : vector<16xf32>, vector<16xi32> -> vector<16xf32>
        %broadcast_in_dim3A_2229 = arith.constant 7 : i32
        %broadcast_in_dim3A_2230 = vector.broadcast %broadcast_in_dim3A_2229 : i32 to vector<16xi32>
        %lt3A_2231 = arith.constant 0 : i32
        %lt3A_2232 = vector.broadcast %lt3A_2231 : i32 to vector<16xi32>
        %lt3A_2233 = arith.cmpi slt, %broadcast_in_dim3A_2230, %lt3A_2232 : vector<16xi32>
        %add3A_2234 = arith.constant 16 : i32
        %add3A_2235 = vector.broadcast %add3A_2234 : i32 to vector<16xi32>
        %add3A_2236 = arith.addi %broadcast_in_dim3A_2230, %add3A_2235 : vector<16xi32>
        %select_n3A_2237 = arith.select %lt3A_2233, %add3A_2236, %broadcast_in_dim3A_2230 : vector<16xi1>, vector<16xi32>
        %broadcast_in_dim3A_2238 = vector.shape_cast %select_n3A_2237 : vector<16xi32> to vector<16x1xi32>
        %gather3A_2239 = vector.shape_cast %broadcast_in_dim3A_2238 : vector<16x1xi32> to vector<16xi32>
        %gather3A_2240 = tpu.dynamic_gather %get3A_113[%gather3A_2239] in [0] : vector<16xf32>, vector<16xi32> -> vector<16xf32>
        %broadcast_in_dim3A_2241 = arith.constant 7 : i32
        %broadcast_in_dim3A_2242 = vector.broadcast %broadcast_in_dim3A_2241 : i32 to vector<16xi32>
        %lt3A_2243 = arith.constant 0 : i32
        %lt3A_2244 = vector.broadcast %lt3A_2243 : i32 to vector<16xi32>
        %lt3A_2245 = arith.cmpi slt, %broadcast_in_dim3A_2242, %lt3A_2244 : vector<16xi32>
        %add3A_2246 = arith.constant 16 : i32
        %add3A_2247 = vector.broadcast %add3A_2246 : i32 to vector<16xi32>
        %add3A_2248 = arith.addi %broadcast_in_dim3A_2242, %add3A_2247 : vector<16xi32>
        %select_n3A_2249 = arith.select %lt3A_2245, %add3A_2248, %broadcast_in_dim3A_2242 : vector<16xi1>, vector<16xi32>
        %broadcast_in_dim3A_2250 = vector.shape_cast %select_n3A_2249 : vector<16xi32> to vector<16x1xi32>
        %gather3A_2251 = vector.shape_cast %broadcast_in_dim3A_2250 : vector<16x1xi32> to vector<16xi32>
        %gather3A_2252 = tpu.dynamic_gather %get3A_121[%gather3A_2251] in [0] : vector<16xf32>, vector<16xi32> -> vector<16xf32>
        %sub3A_2253 = arith.subf %gather3A_2228, %get3A_1587 : vector<16xf32>
        %mul3A_2254 = arith.mulf %sub3A_2253, %sub3A_2253 : vector<16xf32>
        %sub3A_2255 = arith.subf %gather3A_2240, %get3A_1615 : vector<16xf32>
        %mul3A_2256 = arith.mulf %sub3A_2255, %sub3A_2255 : vector<16xf32>
        %add3A_2257 = arith.addf %mul3A_2256, %mul3A_2254 : vector<16xf32>
        %sub3A_2258 = arith.subf %gather3A_2252, %get3A_1643 : vector<16xf32>
        %mul3A_2259 = arith.mulf %sub3A_2258, %sub3A_2258 : vector<16xf32>
        %add3A_2260 = arith.addf %mul3A_2259, %add3A_2257 : vector<16xf32>
        %min3A_2261 = arith.minimumf %scan3A_1576, %add3A_2260 : vector<16xf32>
        %min3A_2262 = arith.minimumf %min3A_2186, %add3A_2260 : vector<16xf32>
        %sub3A_2263 = arith.subf %gather3A_2228, %get3A_1594 : vector<16xf32>
        %mul3A_2264 = arith.mulf %sub3A_2263, %sub3A_2263 : vector<16xf32>
        %sub3A_2265 = arith.subf %gather3A_2240, %get3A_1622 : vector<16xf32>
        %mul3A_2266 = arith.mulf %sub3A_2265, %sub3A_2265 : vector<16xf32>
        %add3A_2267 = arith.addf %mul3A_2266, %mul3A_2264 : vector<16xf32>
        %sub3A_2268 = arith.subf %gather3A_2252, %get3A_1650 : vector<16xf32>
        %mul3A_2269 = arith.mulf %sub3A_2268, %sub3A_2268 : vector<16xf32>
        %add3A_2270 = arith.addf %mul3A_2269, %add3A_2267 : vector<16xf32>
        %min3A_2271 = arith.minimumf %min3A_2261, %add3A_2270 : vector<16xf32>
        %min3A_2272 = arith.minimumf %min3A_2196, %add3A_2270 : vector<16xf32>
        %sub3A_2273 = arith.subf %gather3A_2228, %get3A_1601 : vector<16xf32>
        %mul3A_2274 = arith.mulf %sub3A_2273, %sub3A_2273 : vector<16xf32>
        %sub3A_2275 = arith.subf %gather3A_2240, %get3A_1629 : vector<16xf32>
        %mul3A_2276 = arith.mulf %sub3A_2275, %sub3A_2275 : vector<16xf32>
        %add3A_2277 = arith.addf %mul3A_2276, %mul3A_2274 : vector<16xf32>
        %sub3A_2278 = arith.subf %gather3A_2252, %get3A_1657 : vector<16xf32>
        %mul3A_2279 = arith.mulf %sub3A_2278, %sub3A_2278 : vector<16xf32>
        %add3A_2280 = arith.addf %mul3A_2279, %add3A_2277 : vector<16xf32>
        %min3A_2281 = arith.minimumf %min3A_2271, %add3A_2280 : vector<16xf32>
        %min3A_2282 = arith.minimumf %min3A_2206, %add3A_2280 : vector<16xf32>
        %sub3A_2283 = arith.subf %gather3A_2228, %get3A_1608 : vector<16xf32>
        %mul3A_2284 = arith.mulf %sub3A_2283, %sub3A_2283 : vector<16xf32>
        %sub3A_2285 = arith.subf %gather3A_2240, %get3A_1636 : vector<16xf32>
        %mul3A_2286 = arith.mulf %sub3A_2285, %sub3A_2285 : vector<16xf32>
        %add3A_2287 = arith.addf %mul3A_2286, %mul3A_2284 : vector<16xf32>
        %sub3A_2288 = arith.subf %gather3A_2252, %get3A_1664 : vector<16xf32>
        %mul3A_2289 = arith.mulf %sub3A_2288, %sub3A_2288 : vector<16xf32>
        %add3A_2290 = arith.addf %mul3A_2289, %add3A_2287 : vector<16xf32>
        %min3A_2291 = arith.minimumf %min3A_2281, %add3A_2290 : vector<16xf32>
        %min3A_2292 = arith.minimumf %min3A_2216, %add3A_2290 : vector<16xf32>
        %add3A_2293 = arith.constant 0 : i32
        %add3A_2294 = arith.addi %mul3A_1580, %add3A_2293 : i32
        %swap3A_2295 = arith.index_cast %add3A_2294 : i32 to index
        %swap3A_2296 = tpu.vector_load %arg10[%swap3A_2295] {strides = array<i32>} : memref<2048xf32, #tpu.memory_space<vmem>>, vector<16xf32>,
        %swap3A_2297 = vector.shape_cast %swap3A_2296 : vector<16xf32> to vector<16xf32>
        %swap3A_2298 = vector.shape_cast %min3A_2262 : vector<16xf32> to vector<16xf32>
        tpu.vector_store %arg10[%swap3A_2295], %swap3A_2298 {strides = array<i32>} : memref<2048xf32, #tpu.memory_space<vmem>>, vector<16xf32>,
        %add3A_2299 = arith.constant 16 : i32
        %add3A_2300 = arith.addi %mul3A_1580, %add3A_2299 : i32
        %swap3A_2301 = arith.index_cast %add3A_2300 : i32 to index
        %swap3A_2302 = tpu.vector_load %arg10[%swap3A_2301] {strides = array<i32>} : memref<2048xf32, #tpu.memory_space<vmem>>, vector<16xf32>,
        %swap3A_2303 = vector.shape_cast %swap3A_2302 : vector<16xf32> to vector<16xf32>
        %swap3A_2304 = vector.shape_cast %min3A_2272 : vector<16xf32> to vector<16xf32>
        tpu.vector_store %arg10[%swap3A_2301], %swap3A_2304 {strides = array<i32>} : memref<2048xf32, #tpu.memory_space<vmem>>, vector<16xf32>,
        %add3A_2305 = arith.constant 32 : i32
        %add3A_2306 = arith.addi %mul3A_1580, %add3A_2305 : i32
        %swap3A_2307 = arith.index_cast %add3A_2306 : i32 to index
        %swap3A_2308 = tpu.vector_load %arg10[%swap3A_2307] {strides = array<i32>} : memref<2048xf32, #tpu.memory_space<vmem>>, vector<16xf32>,
        %swap3A_2309 = vector.shape_cast %swap3A_2308 : vector<16xf32> to vector<16xf32>
        %swap3A_2310 = vector.shape_cast %min3A_2282 : vector<16xf32> to vector<16xf32>
        tpu.vector_store %arg10[%swap3A_2307], %swap3A_2310 {strides = array<i32>} : memref<2048xf32, #tpu.memory_space<vmem>>, vector<16xf32>,
        %add3A_2311 = arith.constant 48 : i32
        %add3A_2312 = arith.addi %mul3A_1580, %add3A_2311 : i32
        %swap3A_2313 = arith.index_cast %add3A_2312 : i32 to index
        %swap3A_2314 = tpu.vector_load %arg10[%swap3A_2313] {strides = array<i32>} : memref<2048xf32, #tpu.memory_space<vmem>>, vector<16xf32>,
        %swap3A_2315 = vector.shape_cast %swap3A_2314 : vector<16xf32> to vector<16xf32>
        %swap3A_2316 = vector.shape_cast %min3A_2292 : vector<16xf32> to vector<16xf32>
        tpu.vector_store %arg10[%swap3A_2313], %swap3A_2316 {strides = array<i32>} : memref<2048xf32, #tpu.memory_space<vmem>>, vector<16xf32>,
        scf.yield %min3A_1759, %min3A_1835, %min3A_1911, %min3A_1987, %min3A_2063, %min3A_2139, %min3A_2215, %min3A_2291 : vector<16xf32>, vector<16xf32>, vector<16xf32>, vector<16xf32>, vector<16xf32>, vector<16xf32>, vector<16xf32>, vector<16xf32>
      }
      %scan3A_127 = arith.constant 32 : i32
      %xor3A = arith.constant 8 : i32
      %xor3A_128 = vector.broadcast %xor3A : i32 to vector<16xi32>
      %xor3A_129 = arith.xori %iota3A, %xor3A_128 : vector<16xi32>
      %lt3A_130 = arith.constant 0 : i32
      %lt3A_131 = vector.broadcast %lt3A_130 : i32 to vector<16xi32>
      %lt3A_132 = arith.cmpi slt, %xor3A_129, %lt3A_131 : vector<16xi32>
      %add3A_133 = arith.constant 16 : i32
      %add3A_134 = vector.broadcast %add3A_133 : i32 to vector<16xi32>
      %add3A_135 = arith.addi %xor3A_129, %add3A_134 : vector<16xi32>
      %select_n3A_136 = arith.select %lt3A_132, %add3A_135, %xor3A_129 : vector<16xi1>, vector<16xi32>
      %broadcast_in_dim3A_137 = vector.shape_cast %select_n3A_136 : vector<16xi32> to vector<16x1xi32>
      %gather3A = vector.shape_cast %broadcast_in_dim3A_137 : vector<16x1xi32> to vector<16xi32>
      %gather3A_138 = tpu.dynamic_gather %scan3A_126#0[%gather3A] in [0] : vector<16xf32>, vector<16xi32> -> vector<16xf32>
      %min3A = arith.minimumf %scan3A_126#0, %gather3A_138 : vector<16xf32>
      %xor3A_139 = arith.constant 4 : i32
      %xor3A_140 = vector.broadcast %xor3A_139 : i32 to vector<16xi32>
      %xor3A_141 = arith.xori %iota3A, %xor3A_140 : vector<16xi32>
      %lt3A_142 = arith.constant 0 : i32
      %lt3A_143 = vector.broadcast %lt3A_142 : i32 to vector<16xi32>
      %lt3A_144 = arith.cmpi slt, %xor3A_141, %lt3A_143 : vector<16xi32>
      %add3A_145 = arith.constant 16 : i32
      %add3A_146 = vector.broadcast %add3A_145 : i32 to vector<16xi32>
      %add3A_147 = arith.addi %xor3A_141, %add3A_146 : vector<16xi32>
      %select_n3A_148 = arith.select %lt3A_144, %add3A_147, %xor3A_141 : vector<16xi1>, vector<16xi32>
      %broadcast_in_dim3A_149 = vector.shape_cast %select_n3A_148 : vector<16xi32> to vector<16x1xi32>
      %gather3A_150 = vector.shape_cast %broadcast_in_dim3A_149 : vector<16x1xi32> to vector<16xi32>
      %gather3A_151 = tpu.dynamic_gather %min3A[%gather3A_150] in [0] : vector<16xf32>, vector<16xi32> -> vector<16xf32>
      %min3A_152 = arith.minimumf %min3A, %gather3A_151 : vector<16xf32>
      %xor3A_153 = arith.constant 2 : i32
      %xor3A_154 = vector.broadcast %xor3A_153 : i32 to vector<16xi32>
      %xor3A_155 = arith.xori %iota3A, %xor3A_154 : vector<16xi32>
      %lt3A_156 = arith.constant 0 : i32
      %lt3A_157 = vector.broadcast %lt3A_156 : i32 to vector<16xi32>
      %lt3A_158 = arith.cmpi slt, %xor3A_155, %lt3A_157 : vector<16xi32>
      %add3A_159 = arith.constant 16 : i32
      %add3A_160 = vector.broadcast %add3A_159 : i32 to vector<16xi32>
      %add3A_161 = arith.addi %xor3A_155, %add3A_160 : vector<16xi32>
      %select_n3A_162 = arith.select %lt3A_158, %add3A_161, %xor3A_155 : vector<16xi1>, vector<16xi32>
      %broadcast_in_dim3A_163 = vector.shape_cast %select_n3A_162 : vector<16xi32> to vector<16x1xi32>
      %gather3A_164 = vector.shape_cast %broadcast_in_dim3A_163 : vector<16x1xi32> to vector<16xi32>
      %gather3A_165 = tpu.dynamic_gather %min3A_152[%gather3A_164] in [0] : vector<16xf32>, vector<16xi32> -> vector<16xf32>
      %min3A_166 = arith.minimumf %min3A_152, %gather3A_165 : vector<16xf32>
      %xor3A_167 = arith.constant 1 : i32
      %xor3A_168 = vector.broadcast %xor3A_167 : i32 to vector<16xi32>
      %xor3A_169 = arith.xori %iota3A, %xor3A_168 : vector<16xi32>
      %lt3A_170 = arith.constant 0 : i32
      %lt3A_171 = vector.broadcast %lt3A_170 : i32 to vector<16xi32>
      %lt3A_172 = arith.cmpi slt, %xor3A_169, %lt3A_171 : vector<16xi32>
      %add3A_173 = arith.constant 16 : i32
      %add3A_174 = vector.broadcast %add3A_173 : i32 to vector<16xi32>
      %add3A_175 = arith.addi %xor3A_169, %add3A_174 : vector<16xi32>
      %select_n3A_176 = arith.select %lt3A_172, %add3A_175, %xor3A_169 : vector<16xi1>, vector<16xi32>
      %broadcast_in_dim3A_177 = vector.shape_cast %select_n3A_176 : vector<16xi32> to vector<16x1xi32>
      %gather3A_178 = vector.shape_cast %broadcast_in_dim3A_177 : vector<16x1xi32> to vector<16xi32>
      %gather3A_179 = tpu.dynamic_gather %min3A_166[%gather3A_178] in [0] : vector<16xf32>, vector<16xi32> -> vector<16xf32>
      %min3A_180 = arith.minimumf %min3A_166, %gather3A_179 : vector<16xf32>
      %max3A = arith.constant 1.000000e-30 : f32
      %max3A_181 = vector.broadcast %max3A : f32 to vector<16xf32>
      %max3A_182 = arith.maximumf %min3A_180, %max3A_181 : vector<16xf32>
      %bitcast_convert_type3A = tpu.bitcast %max3A_182 : vector<16xf32> -> vector<16xi32>
      %shift_right_arithmetic3A = arith.constant 1 : i32
      %shift_right_arithmetic3A_183 = vector.broadcast %shift_right_arithmetic3A : i32 to vector<16xi32>
      %shift_right_arithmetic3A_184 = arith.shrsi %bitcast_convert_type3A, %shift_right_arithmetic3A_183 : vector<16xi32>
      %sub3A_185 = arith.constant 1597463007 : i32
      %sub3A_186 = vector.broadcast %sub3A_185 : i32 to vector<16xi32>
      %sub3A_187 = arith.subi %sub3A_186, %shift_right_arithmetic3A_184 : vector<16xi32>
      %bitcast_convert_type3A_188 = tpu.bitcast %sub3A_187 : vector<16xi32> -> vector<16xf32>
      %mul3A_189 = arith.constant 5.000000e-01 : f32
      %mul3A_190 = vector.broadcast %mul3A_189 : f32 to vector<16xf32>
      %mul3A_191 = arith.mulf %max3A_182, %mul3A_190 : vector<16xf32>
      %mul3A_192 = arith.mulf %mul3A_191, %bitcast_convert_type3A_188 : vector<16xf32>
      %mul3A_193 = arith.mulf %mul3A_192, %bitcast_convert_type3A_188 : vector<16xf32>
      %sub3A_194 = arith.constant 1.500000e+00 : f32
      %sub3A_195 = vector.broadcast %sub3A_194 : f32 to vector<16xf32>
      %sub3A_196 = arith.subf %sub3A_195, %mul3A_193 : vector<16xf32>
      %mul3A_197 = arith.mulf %bitcast_convert_type3A_188, %sub3A_196 : vector<16xf32>
      %mul3A_198 = arith.mulf %mul3A_191, %mul3A_197 : vector<16xf32>
      %mul3A_199 = arith.mulf %mul3A_198, %mul3A_197 : vector<16xf32>
      %sub3A_200 = arith.constant 1.500000e+00 : f32
      %sub3A_201 = vector.broadcast %sub3A_200 : f32 to vector<16xf32>
      %sub3A_202 = arith.subf %sub3A_201, %mul3A_199 : vector<16xf32>
      %mul3A_203 = arith.mulf %mul3A_197, %sub3A_202 : vector<16xf32>
      %mul3A_204 = arith.mulf %mul3A_191, %mul3A_203 : vector<16xf32>
      %mul3A_205 = arith.mulf %mul3A_204, %mul3A_203 : vector<16xf32>
      %sub3A_206 = arith.constant 1.500000e+00 : f32
      %sub3A_207 = vector.broadcast %sub3A_206 : f32 to vector<16xf32>
      %sub3A_208 = arith.subf %sub3A_207, %mul3A_205 : vector<16xf32>
      %mul3A_209 = arith.mulf %mul3A_203, %sub3A_208 : vector<16xf32>
      %mul3A_210 = arith.mulf %max3A_182, %mul3A_209 : vector<16xf32>
      %add3A_211 = arith.addf %scan3A_98, %mul3A_210 : vector<16xf32>
      %xor3A_212 = arith.constant 8 : i32
      %xor3A_213 = vector.broadcast %xor3A_212 : i32 to vector<16xi32>
      %xor3A_214 = arith.xori %iota3A, %xor3A_213 : vector<16xi32>
      %lt3A_215 = arith.constant 0 : i32
      %lt3A_216 = vector.broadcast %lt3A_215 : i32 to vector<16xi32>
      %lt3A_217 = arith.cmpi slt, %xor3A_214, %lt3A_216 : vector<16xi32>
      %add3A_218 = arith.constant 16 : i32
      %add3A_219 = vector.broadcast %add3A_218 : i32 to vector<16xi32>
      %add3A_220 = arith.addi %xor3A_214, %add3A_219 : vector<16xi32>
      %select_n3A_221 = arith.select %lt3A_217, %add3A_220, %xor3A_214 : vector<16xi1>, vector<16xi32>
      %broadcast_in_dim3A_222 = vector.shape_cast %select_n3A_221 : vector<16xi32> to vector<16x1xi32>
      %gather3A_223 = vector.shape_cast %broadcast_in_dim3A_222 : vector<16x1xi32> to vector<16xi32>
      %gather3A_224 = tpu.dynamic_gather %scan3A_126#1[%gather3A_223] in [0] : vector<16xf32>, vector<16xi32> -> vector<16xf32>
      %min3A_225 = arith.minimumf %scan3A_126#1, %gather3A_224 : vector<16xf32>
      %xor3A_226 = arith.constant 4 : i32
      %xor3A_227 = vector.broadcast %xor3A_226 : i32 to vector<16xi32>
      %xor3A_228 = arith.xori %iota3A, %xor3A_227 : vector<16xi32>
      %lt3A_229 = arith.constant 0 : i32
      %lt3A_230 = vector.broadcast %lt3A_229 : i32 to vector<16xi32>
      %lt3A_231 = arith.cmpi slt, %xor3A_228, %lt3A_230 : vector<16xi32>
      %add3A_232 = arith.constant 16 : i32
      %add3A_233 = vector.broadcast %add3A_232 : i32 to vector<16xi32>
      %add3A_234 = arith.addi %xor3A_228, %add3A_233 : vector<16xi32>
      %select_n3A_235 = arith.select %lt3A_231, %add3A_234, %xor3A_228 : vector<16xi1>, vector<16xi32>
      %broadcast_in_dim3A_236 = vector.shape_cast %select_n3A_235 : vector<16xi32> to vector<16x1xi32>
      %gather3A_237 = vector.shape_cast %broadcast_in_dim3A_236 : vector<16x1xi32> to vector<16xi32>
      %gather3A_238 = tpu.dynamic_gather %min3A_225[%gather3A_237] in [0] : vector<16xf32>, vector<16xi32> -> vector<16xf32>
      %min3A_239 = arith.minimumf %min3A_225, %gather3A_238 : vector<16xf32>
      %xor3A_240 = arith.constant 2 : i32
      %xor3A_241 = vector.broadcast %xor3A_240 : i32 to vector<16xi32>
      %xor3A_242 = arith.xori %iota3A, %xor3A_241 : vector<16xi32>
      %lt3A_243 = arith.constant 0 : i32
      %lt3A_244 = vector.broadcast %lt3A_243 : i32 to vector<16xi32>
      %lt3A_245 = arith.cmpi slt, %xor3A_242, %lt3A_244 : vector<16xi32>
      %add3A_246 = arith.constant 16 : i32
      %add3A_247 = vector.broadcast %add3A_246 : i32 to vector<16xi32>
      %add3A_248 = arith.addi %xor3A_242, %add3A_247 : vector<16xi32>
      %select_n3A_249 = arith.select %lt3A_245, %add3A_248, %xor3A_242 : vector<16xi1>, vector<16xi32>
      %broadcast_in_dim3A_250 = vector.shape_cast %select_n3A_249 : vector<16xi32> to vector<16x1xi32>
      %gather3A_251 = vector.shape_cast %broadcast_in_dim3A_250 : vector<16x1xi32> to vector<16xi32>
      %gather3A_252 = tpu.dynamic_gather %min3A_239[%gather3A_251] in [0] : vector<16xf32>, vector<16xi32> -> vector<16xf32>
      %min3A_253 = arith.minimumf %min3A_239, %gather3A_252 : vector<16xf32>
      %xor3A_254 = arith.constant 1 : i32
      %xor3A_255 = vector.broadcast %xor3A_254 : i32 to vector<16xi32>
      %xor3A_256 = arith.xori %iota3A, %xor3A_255 : vector<16xi32>
      %lt3A_257 = arith.constant 0 : i32
      %lt3A_258 = vector.broadcast %lt3A_257 : i32 to vector<16xi32>
      %lt3A_259 = arith.cmpi slt, %xor3A_256, %lt3A_258 : vector<16xi32>
      %add3A_260 = arith.constant 16 : i32
      %add3A_261 = vector.broadcast %add3A_260 : i32 to vector<16xi32>
      %add3A_262 = arith.addi %xor3A_256, %add3A_261 : vector<16xi32>
      %select_n3A_263 = arith.select %lt3A_259, %add3A_262, %xor3A_256 : vector<16xi1>, vector<16xi32>
      %broadcast_in_dim3A_264 = vector.shape_cast %select_n3A_263 : vector<16xi32> to vector<16x1xi32>
      %gather3A_265 = vector.shape_cast %broadcast_in_dim3A_264 : vector<16x1xi32> to vector<16xi32>
      %gather3A_266 = tpu.dynamic_gather %min3A_253[%gather3A_265] in [0] : vector<16xf32>, vector<16xi32> -> vector<16xf32>
      %min3A_267 = arith.minimumf %min3A_253, %gather3A_266 : vector<16xf32>
      %max3A_268 = arith.constant 1.000000e-30 : f32
      %max3A_269 = vector.broadcast %max3A_268 : f32 to vector<16xf32>
      %max3A_270 = arith.maximumf %min3A_267, %max3A_269 : vector<16xf32>
      %bitcast_convert_type3A_271 = tpu.bitcast %max3A_270 : vector<16xf32> -> vector<16xi32>
      %shift_right_arithmetic3A_272 = arith.constant 1 : i32
      %shift_right_arithmetic3A_273 = vector.broadcast %shift_right_arithmetic3A_272 : i32 to vector<16xi32>
      %shift_right_arithmetic3A_274 = arith.shrsi %bitcast_convert_type3A_271, %shift_right_arithmetic3A_273 : vector<16xi32>
      %sub3A_275 = arith.constant 1597463007 : i32
      %sub3A_276 = vector.broadcast %sub3A_275 : i32 to vector<16xi32>
      %sub3A_277 = arith.subi %sub3A_276, %shift_right_arithmetic3A_274 : vector<16xi32>
      %bitcast_convert_type3A_278 = tpu.bitcast %sub3A_277 : vector<16xi32> -> vector<16xf32>
      %mul3A_279 = arith.constant 5.000000e-01 : f32
      %mul3A_280 = vector.broadcast %mul3A_279 : f32 to vector<16xf32>
      %mul3A_281 = arith.mulf %max3A_270, %mul3A_280 : vector<16xf32>
      %mul3A_282 = arith.mulf %mul3A_281, %bitcast_convert_type3A_278 : vector<16xf32>
      %mul3A_283 = arith.mulf %mul3A_282, %bitcast_convert_type3A_278 : vector<16xf32>
      %sub3A_284 = arith.constant 1.500000e+00 : f32
      %sub3A_285 = vector.broadcast %sub3A_284 : f32 to vector<16xf32>
      %sub3A_286 = arith.subf %sub3A_285, %mul3A_283 : vector<16xf32>
      %mul3A_287 = arith.mulf %bitcast_convert_type3A_278, %sub3A_286 : vector<16xf32>
      %mul3A_288 = arith.mulf %mul3A_281, %mul3A_287 : vector<16xf32>
      %mul3A_289 = arith.mulf %mul3A_288, %mul3A_287 : vector<16xf32>
      %sub3A_290 = arith.constant 1.500000e+00 : f32
      %sub3A_291 = vector.broadcast %sub3A_290 : f32 to vector<16xf32>
      %sub3A_292 = arith.subf %sub3A_291, %mul3A_289 : vector<16xf32>
      %mul3A_293 = arith.mulf %mul3A_287, %sub3A_292 : vector<16xf32>
      %mul3A_294 = arith.mulf %mul3A_281, %mul3A_293 : vector<16xf32>
      %mul3A_295 = arith.mulf %mul3A_294, %mul3A_293 : vector<16xf32>
      %sub3A_296 = arith.constant 1.500000e+00 : f32
      %sub3A_297 = vector.broadcast %sub3A_296 : f32 to vector<16xf32>
      %sub3A_298 = arith.subf %sub3A_297, %mul3A_295 : vector<16xf32>
      %mul3A_299 = arith.mulf %mul3A_293, %sub3A_298 : vector<16xf32>
      %mul3A_300 = arith.mulf %max3A_270, %mul3A_299 : vector<16xf32>
      %add3A_301 = arith.addf %add3A_211, %mul3A_300 : vector<16xf32>
      %xor3A_302 = arith.constant 8 : i32
      %xor3A_303 = vector.broadcast %xor3A_302 : i32 to vector<16xi32>
      %xor3A_304 = arith.xori %iota3A, %xor3A_303 : vector<16xi32>
      %lt3A_305 = arith.constant 0 : i32
      %lt3A_306 = vector.broadcast %lt3A_305 : i32 to vector<16xi32>
      %lt3A_307 = arith.cmpi slt, %xor3A_304, %lt3A_306 : vector<16xi32>
      %add3A_308 = arith.constant 16 : i32
      %add3A_309 = vector.broadcast %add3A_308 : i32 to vector<16xi32>
      %add3A_310 = arith.addi %xor3A_304, %add3A_309 : vector<16xi32>
      %select_n3A_311 = arith.select %lt3A_307, %add3A_310, %xor3A_304 : vector<16xi1>, vector<16xi32>
      %broadcast_in_dim3A_312 = vector.shape_cast %select_n3A_311 : vector<16xi32> to vector<16x1xi32>
      %gather3A_313 = vector.shape_cast %broadcast_in_dim3A_312 : vector<16x1xi32> to vector<16xi32>
      %gather3A_314 = tpu.dynamic_gather %scan3A_126#2[%gather3A_313] in [0] : vector<16xf32>, vector<16xi32> -> vector<16xf32>
      %min3A_315 = arith.minimumf %scan3A_126#2, %gather3A_314 : vector<16xf32>
      %xor3A_316 = arith.constant 4 : i32
      %xor3A_317 = vector.broadcast %xor3A_316 : i32 to vector<16xi32>
      %xor3A_318 = arith.xori %iota3A, %xor3A_317 : vector<16xi32>
      %lt3A_319 = arith.constant 0 : i32
      %lt3A_320 = vector.broadcast %lt3A_319 : i32 to vector<16xi32>
      %lt3A_321 = arith.cmpi slt, %xor3A_318, %lt3A_320 : vector<16xi32>
      %add3A_322 = arith.constant 16 : i32
      %add3A_323 = vector.broadcast %add3A_322 : i32 to vector<16xi32>
      %add3A_324 = arith.addi %xor3A_318, %add3A_323 : vector<16xi32>
      %select_n3A_325 = arith.select %lt3A_321, %add3A_324, %xor3A_318 : vector<16xi1>, vector<16xi32>
      %broadcast_in_dim3A_326 = vector.shape_cast %select_n3A_325 : vector<16xi32> to vector<16x1xi32>
      %gather3A_327 = vector.shape_cast %broadcast_in_dim3A_326 : vector<16x1xi32> to vector<16xi32>
      %gather3A_328 = tpu.dynamic_gather %min3A_315[%gather3A_327] in [0] : vector<16xf32>, vector<16xi32> -> vector<16xf32>
      %min3A_329 = arith.minimumf %min3A_315, %gather3A_328 : vector<16xf32>
      %xor3A_330 = arith.constant 2 : i32
      %xor3A_331 = vector.broadcast %xor3A_330 : i32 to vector<16xi32>
      %xor3A_332 = arith.xori %iota3A, %xor3A_331 : vector<16xi32>
      %lt3A_333 = arith.constant 0 : i32
      %lt3A_334 = vector.broadcast %lt3A_333 : i32 to vector<16xi32>
      %lt3A_335 = arith.cmpi slt, %xor3A_332, %lt3A_334 : vector<16xi32>
      %add3A_336 = arith.constant 16 : i32
      %add3A_337 = vector.broadcast %add3A_336 : i32 to vector<16xi32>
      %add3A_338 = arith.addi %xor3A_332, %add3A_337 : vector<16xi32>
      %select_n3A_339 = arith.select %lt3A_335, %add3A_338, %xor3A_332 : vector<16xi1>, vector<16xi32>
      %broadcast_in_dim3A_340 = vector.shape_cast %select_n3A_339 : vector<16xi32> to vector<16x1xi32>
      %gather3A_341 = vector.shape_cast %broadcast_in_dim3A_340 : vector<16x1xi32> to vector<16xi32>
      %gather3A_342 = tpu.dynamic_gather %min3A_329[%gather3A_341] in [0] : vector<16xf32>, vector<16xi32> -> vector<16xf32>
      %min3A_343 = arith.minimumf %min3A_329, %gather3A_342 : vector<16xf32>
      %xor3A_344 = arith.constant 1 : i32
      %xor3A_345 = vector.broadcast %xor3A_344 : i32 to vector<16xi32>
      %xor3A_346 = arith.xori %iota3A, %xor3A_345 : vector<16xi32>
      %lt3A_347 = arith.constant 0 : i32
      %lt3A_348 = vector.broadcast %lt3A_347 : i32 to vector<16xi32>
      %lt3A_349 = arith.cmpi slt, %xor3A_346, %lt3A_348 : vector<16xi32>
      %add3A_350 = arith.constant 16 : i32
      %add3A_351 = vector.broadcast %add3A_350 : i32 to vector<16xi32>
      %add3A_352 = arith.addi %xor3A_346, %add3A_351 : vector<16xi32>
      %select_n3A_353 = arith.select %lt3A_349, %add3A_352, %xor3A_346 : vector<16xi1>, vector<16xi32>
      %broadcast_in_dim3A_354 = vector.shape_cast %select_n3A_353 : vector<16xi32> to vector<16x1xi32>
      %gather3A_355 = vector.shape_cast %broadcast_in_dim3A_354 : vector<16x1xi32> to vector<16xi32>
      %gather3A_356 = tpu.dynamic_gather %min3A_343[%gather3A_355] in [0] : vector<16xf32>, vector<16xi32> -> vector<16xf32>
      %min3A_357 = arith.minimumf %min3A_343, %gather3A_356 : vector<16xf32>
      %max3A_358 = arith.constant 1.000000e-30 : f32
      %max3A_359 = vector.broadcast %max3A_358 : f32 to vector<16xf32>
      %max3A_360 = arith.maximumf %min3A_357, %max3A_359 : vector<16xf32>
      %bitcast_convert_type3A_361 = tpu.bitcast %max3A_360 : vector<16xf32> -> vector<16xi32>
      %shift_right_arithmetic3A_362 = arith.constant 1 : i32
      %shift_right_arithmetic3A_363 = vector.broadcast %shift_right_arithmetic3A_362 : i32 to vector<16xi32>
      %shift_right_arithmetic3A_364 = arith.shrsi %bitcast_convert_type3A_361, %shift_right_arithmetic3A_363 : vector<16xi32>
      %sub3A_365 = arith.constant 1597463007 : i32
      %sub3A_366 = vector.broadcast %sub3A_365 : i32 to vector<16xi32>
      %sub3A_367 = arith.subi %sub3A_366, %shift_right_arithmetic3A_364 : vector<16xi32>
      %bitcast_convert_type3A_368 = tpu.bitcast %sub3A_367 : vector<16xi32> -> vector<16xf32>
      %mul3A_369 = arith.constant 5.000000e-01 : f32
      %mul3A_370 = vector.broadcast %mul3A_369 : f32 to vector<16xf32>
      %mul3A_371 = arith.mulf %max3A_360, %mul3A_370 : vector<16xf32>
      %mul3A_372 = arith.mulf %mul3A_371, %bitcast_convert_type3A_368 : vector<16xf32>
      %mul3A_373 = arith.mulf %mul3A_372, %bitcast_convert_type3A_368 : vector<16xf32>
      %sub3A_374 = arith.constant 1.500000e+00 : f32
      %sub3A_375 = vector.broadcast %sub3A_374 : f32 to vector<16xf32>
      %sub3A_376 = arith.subf %sub3A_375, %mul3A_373 : vector<16xf32>
      %mul3A_377 = arith.mulf %bitcast_convert_type3A_368, %sub3A_376 : vector<16xf32>
      %mul3A_378 = arith.mulf %mul3A_371, %mul3A_377 : vector<16xf32>
      %mul3A_379 = arith.mulf %mul3A_378, %mul3A_377 : vector<16xf32>
      %sub3A_380 = arith.constant 1.500000e+00 : f32
      %sub3A_381 = vector.broadcast %sub3A_380 : f32 to vector<16xf32>
      %sub3A_382 = arith.subf %sub3A_381, %mul3A_379 : vector<16xf32>
      %mul3A_383 = arith.mulf %mul3A_377, %sub3A_382 : vector<16xf32>
      %mul3A_384 = arith.mulf %mul3A_371, %mul3A_383 : vector<16xf32>
      %mul3A_385 = arith.mulf %mul3A_384, %mul3A_383 : vector<16xf32>
      %sub3A_386 = arith.constant 1.500000e+00 : f32
      %sub3A_387 = vector.broadcast %sub3A_386 : f32 to vector<16xf32>
      %sub3A_388 = arith.subf %sub3A_387, %mul3A_385 : vector<16xf32>
      %mul3A_389 = arith.mulf %mul3A_383, %sub3A_388 : vector<16xf32>
      %mul3A_390 = arith.mulf %max3A_360, %mul3A_389 : vector<16xf32>
      %add3A_391 = arith.addf %add3A_301, %mul3A_390 : vector<16xf32>
      %xor3A_392 = arith.constant 8 : i32
      %xor3A_393 = vector.broadcast %xor3A_392 : i32 to vector<16xi32>
      %xor3A_394 = arith.xori %iota3A, %xor3A_393 : vector<16xi32>
      %lt3A_395 = arith.constant 0 : i32
      %lt3A_396 = vector.broadcast %lt3A_395 : i32 to vector<16xi32>
      %lt3A_397 = arith.cmpi slt, %xor3A_394, %lt3A_396 : vector<16xi32>
      %add3A_398 = arith.constant 16 : i32
      %add3A_399 = vector.broadcast %add3A_398 : i32 to vector<16xi32>
      %add3A_400 = arith.addi %xor3A_394, %add3A_399 : vector<16xi32>
      %select_n3A_401 = arith.select %lt3A_397, %add3A_400, %xor3A_394 : vector<16xi1>, vector<16xi32>
      %broadcast_in_dim3A_402 = vector.shape_cast %select_n3A_401 : vector<16xi32> to vector<16x1xi32>
      %gather3A_403 = vector.shape_cast %broadcast_in_dim3A_402 : vector<16x1xi32> to vector<16xi32>
      %gather3A_404 = tpu.dynamic_gather %scan3A_126#3[%gather3A_403] in [0] : vector<16xf32>, vector<16xi32> -> vector<16xf32>
      %min3A_405 = arith.minimumf %scan3A_126#3, %gather3A_404 : vector<16xf32>
      %xor3A_406 = arith.constant 4 : i32
      %xor3A_407 = vector.broadcast %xor3A_406 : i32 to vector<16xi32>
      %xor3A_408 = arith.xori %iota3A, %xor3A_407 : vector<16xi32>
      %lt3A_409 = arith.constant 0 : i32
      %lt3A_410 = vector.broadcast %lt3A_409 : i32 to vector<16xi32>
      %lt3A_411 = arith.cmpi slt, %xor3A_408, %lt3A_410 : vector<16xi32>
      %add3A_412 = arith.constant 16 : i32
      %add3A_413 = vector.broadcast %add3A_412 : i32 to vector<16xi32>
      %add3A_414 = arith.addi %xor3A_408, %add3A_413 : vector<16xi32>
      %select_n3A_415 = arith.select %lt3A_411, %add3A_414, %xor3A_408 : vector<16xi1>, vector<16xi32>
      %broadcast_in_dim3A_416 = vector.shape_cast %select_n3A_415 : vector<16xi32> to vector<16x1xi32>
      %gather3A_417 = vector.shape_cast %broadcast_in_dim3A_416 : vector<16x1xi32> to vector<16xi32>
      %gather3A_418 = tpu.dynamic_gather %min3A_405[%gather3A_417] in [0] : vector<16xf32>, vector<16xi32> -> vector<16xf32>
      %min3A_419 = arith.minimumf %min3A_405, %gather3A_418 : vector<16xf32>
      %xor3A_420 = arith.constant 2 : i32
      %xor3A_421 = vector.broadcast %xor3A_420 : i32 to vector<16xi32>
      %xor3A_422 = arith.xori %iota3A, %xor3A_421 : vector<16xi32>
      %lt3A_423 = arith.constant 0 : i32
      %lt3A_424 = vector.broadcast %lt3A_423 : i32 to vector<16xi32>
      %lt3A_425 = arith.cmpi slt, %xor3A_422, %lt3A_424 : vector<16xi32>
      %add3A_426 = arith.constant 16 : i32
      %add3A_427 = vector.broadcast %add3A_426 : i32 to vector<16xi32>
      %add3A_428 = arith.addi %xor3A_422, %add3A_427 : vector<16xi32>
      %select_n3A_429 = arith.select %lt3A_425, %add3A_428, %xor3A_422 : vector<16xi1>, vector<16xi32>
      %broadcast_in_dim3A_430 = vector.shape_cast %select_n3A_429 : vector<16xi32> to vector<16x1xi32>
      %gather3A_431 = vector.shape_cast %broadcast_in_dim3A_430 : vector<16x1xi32> to vector<16xi32>
      %gather3A_432 = tpu.dynamic_gather %min3A_419[%gather3A_431] in [0] : vector<16xf32>, vector<16xi32> -> vector<16xf32>
      %min3A_433 = arith.minimumf %min3A_419, %gather3A_432 : vector<16xf32>
      %xor3A_434 = arith.constant 1 : i32
      %xor3A_435 = vector.broadcast %xor3A_434 : i32 to vector<16xi32>
      %xor3A_436 = arith.xori %iota3A, %xor3A_435 : vector<16xi32>
      %lt3A_437 = arith.constant 0 : i32
      %lt3A_438 = vector.broadcast %lt3A_437 : i32 to vector<16xi32>
      %lt3A_439 = arith.cmpi slt, %xor3A_436, %lt3A_438 : vector<16xi32>
      %add3A_440 = arith.constant 16 : i32
      %add3A_441 = vector.broadcast %add3A_440 : i32 to vector<16xi32>
      %add3A_442 = arith.addi %xor3A_436, %add3A_441 : vector<16xi32>
      %select_n3A_443 = arith.select %lt3A_439, %add3A_442, %xor3A_436 : vector<16xi1>, vector<16xi32>
      %broadcast_in_dim3A_444 = vector.shape_cast %select_n3A_443 : vector<16xi32> to vector<16x1xi32>
      %gather3A_445 = vector.shape_cast %broadcast_in_dim3A_444 : vector<16x1xi32> to vector<16xi32>
      %gather3A_446 = tpu.dynamic_gather %min3A_433[%gather3A_445] in [0] : vector<16xf32>, vector<16xi32> -> vector<16xf32>
      %min3A_447 = arith.minimumf %min3A_433, %gather3A_446 : vector<16xf32>
      %max3A_448 = arith.constant 1.000000e-30 : f32
      %max3A_449 = vector.broadcast %max3A_448 : f32 to vector<16xf32>
      %max3A_450 = arith.maximumf %min3A_447, %max3A_449 : vector<16xf32>
      %bitcast_convert_type3A_451 = tpu.bitcast %max3A_450 : vector<16xf32> -> vector<16xi32>
      %shift_right_arithmetic3A_452 = arith.constant 1 : i32
      %shift_right_arithmetic3A_453 = vector.broadcast %shift_right_arithmetic3A_452 : i32 to vector<16xi32>
      %shift_right_arithmetic3A_454 = arith.shrsi %bitcast_convert_type3A_451, %shift_right_arithmetic3A_453 : vector<16xi32>
      %sub3A_455 = arith.constant 1597463007 : i32
      %sub3A_456 = vector.broadcast %sub3A_455 : i32 to vector<16xi32>
      %sub3A_457 = arith.subi %sub3A_456, %shift_right_arithmetic3A_454 : vector<16xi32>
      %bitcast_convert_type3A_458 = tpu.bitcast %sub3A_457 : vector<16xi32> -> vector<16xf32>
      %mul3A_459 = arith.constant 5.000000e-01 : f32
      %mul3A_460 = vector.broadcast %mul3A_459 : f32 to vector<16xf32>
      %mul3A_461 = arith.mulf %max3A_450, %mul3A_460 : vector<16xf32>
      %mul3A_462 = arith.mulf %mul3A_461, %bitcast_convert_type3A_458 : vector<16xf32>
      %mul3A_463 = arith.mulf %mul3A_462, %bitcast_convert_type3A_458 : vector<16xf32>
      %sub3A_464 = arith.constant 1.500000e+00 : f32
      %sub3A_465 = vector.broadcast %sub3A_464 : f32 to vector<16xf32>
      %sub3A_466 = arith.subf %sub3A_465, %mul3A_463 : vector<16xf32>
      %mul3A_467 = arith.mulf %bitcast_convert_type3A_458, %sub3A_466 : vector<16xf32>
      %mul3A_468 = arith.mulf %mul3A_461, %mul3A_467 : vector<16xf32>
      %mul3A_469 = arith.mulf %mul3A_468, %mul3A_467 : vector<16xf32>
      %sub3A_470 = arith.constant 1.500000e+00 : f32
      %sub3A_471 = vector.broadcast %sub3A_470 : f32 to vector<16xf32>
      %sub3A_472 = arith.subf %sub3A_471, %mul3A_469 : vector<16xf32>
      %mul3A_473 = arith.mulf %mul3A_467, %sub3A_472 : vector<16xf32>
      %mul3A_474 = arith.mulf %mul3A_461, %mul3A_473 : vector<16xf32>
      %mul3A_475 = arith.mulf %mul3A_474, %mul3A_473 : vector<16xf32>
      %sub3A_476 = arith.constant 1.500000e+00 : f32
      %sub3A_477 = vector.broadcast %sub3A_476 : f32 to vector<16xf32>
      %sub3A_478 = arith.subf %sub3A_477, %mul3A_475 : vector<16xf32>
      %mul3A_479 = arith.mulf %mul3A_473, %sub3A_478 : vector<16xf32>
      %mul3A_480 = arith.mulf %max3A_450, %mul3A_479 : vector<16xf32>
      %add3A_481 = arith.addf %add3A_391, %mul3A_480 : vector<16xf32>
      %xor3A_482 = arith.constant 8 : i32
      %xor3A_483 = vector.broadcast %xor3A_482 : i32 to vector<16xi32>
      %xor3A_484 = arith.xori %iota3A, %xor3A_483 : vector<16xi32>
      %lt3A_485 = arith.constant 0 : i32
      %lt3A_486 = vector.broadcast %lt3A_485 : i32 to vector<16xi32>
      %lt3A_487 = arith.cmpi slt, %xor3A_484, %lt3A_486 : vector<16xi32>
      %add3A_488 = arith.constant 16 : i32
      %add3A_489 = vector.broadcast %add3A_488 : i32 to vector<16xi32>
      %add3A_490 = arith.addi %xor3A_484, %add3A_489 : vector<16xi32>
      %select_n3A_491 = arith.select %lt3A_487, %add3A_490, %xor3A_484 : vector<16xi1>, vector<16xi32>
      %broadcast_in_dim3A_492 = vector.shape_cast %select_n3A_491 : vector<16xi32> to vector<16x1xi32>
      %gather3A_493 = vector.shape_cast %broadcast_in_dim3A_492 : vector<16x1xi32> to vector<16xi32>
      %gather3A_494 = tpu.dynamic_gather %scan3A_126#4[%gather3A_493] in [0] : vector<16xf32>, vector<16xi32> -> vector<16xf32>
      %min3A_495 = arith.minimumf %scan3A_126#4, %gather3A_494 : vector<16xf32>
      %xor3A_496 = arith.constant 4 : i32
      %xor3A_497 = vector.broadcast %xor3A_496 : i32 to vector<16xi32>
      %xor3A_498 = arith.xori %iota3A, %xor3A_497 : vector<16xi32>
      %lt3A_499 = arith.constant 0 : i32
      %lt3A_500 = vector.broadcast %lt3A_499 : i32 to vector<16xi32>
      %lt3A_501 = arith.cmpi slt, %xor3A_498, %lt3A_500 : vector<16xi32>
      %add3A_502 = arith.constant 16 : i32
      %add3A_503 = vector.broadcast %add3A_502 : i32 to vector<16xi32>
      %add3A_504 = arith.addi %xor3A_498, %add3A_503 : vector<16xi32>
      %select_n3A_505 = arith.select %lt3A_501, %add3A_504, %xor3A_498 : vector<16xi1>, vector<16xi32>
      %broadcast_in_dim3A_506 = vector.shape_cast %select_n3A_505 : vector<16xi32> to vector<16x1xi32>
      %gather3A_507 = vector.shape_cast %broadcast_in_dim3A_506 : vector<16x1xi32> to vector<16xi32>
      %gather3A_508 = tpu.dynamic_gather %min3A_495[%gather3A_507] in [0] : vector<16xf32>, vector<16xi32> -> vector<16xf32>
      %min3A_509 = arith.minimumf %min3A_495, %gather3A_508 : vector<16xf32>
      %xor3A_510 = arith.constant 2 : i32
      %xor3A_511 = vector.broadcast %xor3A_510 : i32 to vector<16xi32>
      %xor3A_512 = arith.xori %iota3A, %xor3A_511 : vector<16xi32>
      %lt3A_513 = arith.constant 0 : i32
      %lt3A_514 = vector.broadcast %lt3A_513 : i32 to vector<16xi32>
      %lt3A_515 = arith.cmpi slt, %xor3A_512, %lt3A_514 : vector<16xi32>
      %add3A_516 = arith.constant 16 : i32
      %add3A_517 = vector.broadcast %add3A_516 : i32 to vector<16xi32>
      %add3A_518 = arith.addi %xor3A_512, %add3A_517 : vector<16xi32>
      %select_n3A_519 = arith.select %lt3A_515, %add3A_518, %xor3A_512 : vector<16xi1>, vector<16xi32>
      %broadcast_in_dim3A_520 = vector.shape_cast %select_n3A_519 : vector<16xi32> to vector<16x1xi32>
      %gather3A_521 = vector.shape_cast %broadcast_in_dim3A_520 : vector<16x1xi32> to vector<16xi32>
      %gather3A_522 = tpu.dynamic_gather %min3A_509[%gather3A_521] in [0] : vector<16xf32>, vector<16xi32> -> vector<16xf32>
      %min3A_523 = arith.minimumf %min3A_509, %gather3A_522 : vector<16xf32>
      %xor3A_524 = arith.constant 1 : i32
      %xor3A_525 = vector.broadcast %xor3A_524 : i32 to vector<16xi32>
      %xor3A_526 = arith.xori %iota3A, %xor3A_525 : vector<16xi32>
      %lt3A_527 = arith.constant 0 : i32
      %lt3A_528 = vector.broadcast %lt3A_527 : i32 to vector<16xi32>
      %lt3A_529 = arith.cmpi slt, %xor3A_526, %lt3A_528 : vector<16xi32>
      %add3A_530 = arith.constant 16 : i32
      %add3A_531 = vector.broadcast %add3A_530 : i32 to vector<16xi32>
      %add3A_532 = arith.addi %xor3A_526, %add3A_531 : vector<16xi32>
      %select_n3A_533 = arith.select %lt3A_529, %add3A_532, %xor3A_526 : vector<16xi1>, vector<16xi32>
      %broadcast_in_dim3A_534 = vector.shape_cast %select_n3A_533 : vector<16xi32> to vector<16x1xi32>
      %gather3A_535 = vector.shape_cast %broadcast_in_dim3A_534 : vector<16x1xi32> to vector<16xi32>
      %gather3A_536 = tpu.dynamic_gather %min3A_523[%gather3A_535] in [0] : vector<16xf32>, vector<16xi32> -> vector<16xf32>
      %min3A_537 = arith.minimumf %min3A_523, %gather3A_536 : vector<16xf32>
      %max3A_538 = arith.constant 1.000000e-30 : f32
      %max3A_539 = vector.broadcast %max3A_538 : f32 to vector<16xf32>
      %max3A_540 = arith.maximumf %min3A_537, %max3A_539 : vector<16xf32>
      %bitcast_convert_type3A_541 = tpu.bitcast %max3A_540 : vector<16xf32> -> vector<16xi32>
      %shift_right_arithmetic3A_542 = arith.constant 1 : i32
      %shift_right_arithmetic3A_543 = vector.broadcast %shift_right_arithmetic3A_542 : i32 to vector<16xi32>
      %shift_right_arithmetic3A_544 = arith.shrsi %bitcast_convert_type3A_541, %shift_right_arithmetic3A_543 : vector<16xi32>
      %sub3A_545 = arith.constant 1597463007 : i32
      %sub3A_546 = vector.broadcast %sub3A_545 : i32 to vector<16xi32>
      %sub3A_547 = arith.subi %sub3A_546, %shift_right_arithmetic3A_544 : vector<16xi32>
      %bitcast_convert_type3A_548 = tpu.bitcast %sub3A_547 : vector<16xi32> -> vector<16xf32>
      %mul3A_549 = arith.constant 5.000000e-01 : f32
      %mul3A_550 = vector.broadcast %mul3A_549 : f32 to vector<16xf32>
      %mul3A_551 = arith.mulf %max3A_540, %mul3A_550 : vector<16xf32>
      %mul3A_552 = arith.mulf %mul3A_551, %bitcast_convert_type3A_548 : vector<16xf32>
      %mul3A_553 = arith.mulf %mul3A_552, %bitcast_convert_type3A_548 : vector<16xf32>
      %sub3A_554 = arith.constant 1.500000e+00 : f32
      %sub3A_555 = vector.broadcast %sub3A_554 : f32 to vector<16xf32>
      %sub3A_556 = arith.subf %sub3A_555, %mul3A_553 : vector<16xf32>
      %mul3A_557 = arith.mulf %bitcast_convert_type3A_548, %sub3A_556 : vector<16xf32>
      %mul3A_558 = arith.mulf %mul3A_551, %mul3A_557 : vector<16xf32>
      %mul3A_559 = arith.mulf %mul3A_558, %mul3A_557 : vector<16xf32>
      %sub3A_560 = arith.constant 1.500000e+00 : f32
      %sub3A_561 = vector.broadcast %sub3A_560 : f32 to vector<16xf32>
      %sub3A_562 = arith.subf %sub3A_561, %mul3A_559 : vector<16xf32>
      %mul3A_563 = arith.mulf %mul3A_557, %sub3A_562 : vector<16xf32>
      %mul3A_564 = arith.mulf %mul3A_551, %mul3A_563 : vector<16xf32>
      %mul3A_565 = arith.mulf %mul3A_564, %mul3A_563 : vector<16xf32>
      %sub3A_566 = arith.constant 1.500000e+00 : f32
      %sub3A_567 = vector.broadcast %sub3A_566 : f32 to vector<16xf32>
      %sub3A_568 = arith.subf %sub3A_567, %mul3A_565 : vector<16xf32>
      %mul3A_569 = arith.mulf %mul3A_563, %sub3A_568 : vector<16xf32>
      %mul3A_570 = arith.mulf %max3A_540, %mul3A_569 : vector<16xf32>
      %add3A_571 = arith.addf %add3A_481, %mul3A_570 : vector<16xf32>
      %xor3A_572 = arith.constant 8 : i32
      %xor3A_573 = vector.broadcast %xor3A_572 : i32 to vector<16xi32>
      %xor3A_574 = arith.xori %iota3A, %xor3A_573 : vector<16xi32>
      %lt3A_575 = arith.constant 0 : i32
      %lt3A_576 = vector.broadcast %lt3A_575 : i32 to vector<16xi32>
      %lt3A_577 = arith.cmpi slt, %xor3A_574, %lt3A_576 : vector<16xi32>
      %add3A_578 = arith.constant 16 : i32
      %add3A_579 = vector.broadcast %add3A_578 : i32 to vector<16xi32>
      %add3A_580 = arith.addi %xor3A_574, %add3A_579 : vector<16xi32>
      %select_n3A_581 = arith.select %lt3A_577, %add3A_580, %xor3A_574 : vector<16xi1>, vector<16xi32>
      %broadcast_in_dim3A_582 = vector.shape_cast %select_n3A_581 : vector<16xi32> to vector<16x1xi32>
      %gather3A_583 = vector.shape_cast %broadcast_in_dim3A_582 : vector<16x1xi32> to vector<16xi32>
      %gather3A_584 = tpu.dynamic_gather %scan3A_126#5[%gather3A_583] in [0] : vector<16xf32>, vector<16xi32> -> vector<16xf32>
      %min3A_585 = arith.minimumf %scan3A_126#5, %gather3A_584 : vector<16xf32>
      %xor3A_586 = arith.constant 4 : i32
      %xor3A_587 = vector.broadcast %xor3A_586 : i32 to vector<16xi32>
      %xor3A_588 = arith.xori %iota3A, %xor3A_587 : vector<16xi32>
      %lt3A_589 = arith.constant 0 : i32
      %lt3A_590 = vector.broadcast %lt3A_589 : i32 to vector<16xi32>
      %lt3A_591 = arith.cmpi slt, %xor3A_588, %lt3A_590 : vector<16xi32>
      %add3A_592 = arith.constant 16 : i32
      %add3A_593 = vector.broadcast %add3A_592 : i32 to vector<16xi32>
      %add3A_594 = arith.addi %xor3A_588, %add3A_593 : vector<16xi32>
      %select_n3A_595 = arith.select %lt3A_591, %add3A_594, %xor3A_588 : vector<16xi1>, vector<16xi32>
      %broadcast_in_dim3A_596 = vector.shape_cast %select_n3A_595 : vector<16xi32> to vector<16x1xi32>
      %gather3A_597 = vector.shape_cast %broadcast_in_dim3A_596 : vector<16x1xi32> to vector<16xi32>
      %gather3A_598 = tpu.dynamic_gather %min3A_585[%gather3A_597] in [0] : vector<16xf32>, vector<16xi32> -> vector<16xf32>
      %min3A_599 = arith.minimumf %min3A_585, %gather3A_598 : vector<16xf32>
      %xor3A_600 = arith.constant 2 : i32
      %xor3A_601 = vector.broadcast %xor3A_600 : i32 to vector<16xi32>
      %xor3A_602 = arith.xori %iota3A, %xor3A_601 : vector<16xi32>
      %lt3A_603 = arith.constant 0 : i32
      %lt3A_604 = vector.broadcast %lt3A_603 : i32 to vector<16xi32>
      %lt3A_605 = arith.cmpi slt, %xor3A_602, %lt3A_604 : vector<16xi32>
      %add3A_606 = arith.constant 16 : i32
      %add3A_607 = vector.broadcast %add3A_606 : i32 to vector<16xi32>
      %add3A_608 = arith.addi %xor3A_602, %add3A_607 : vector<16xi32>
      %select_n3A_609 = arith.select %lt3A_605, %add3A_608, %xor3A_602 : vector<16xi1>, vector<16xi32>
      %broadcast_in_dim3A_610 = vector.shape_cast %select_n3A_609 : vector<16xi32> to vector<16x1xi32>
      %gather3A_611 = vector.shape_cast %broadcast_in_dim3A_610 : vector<16x1xi32> to vector<16xi32>
      %gather3A_612 = tpu.dynamic_gather %min3A_599[%gather3A_611] in [0] : vector<16xf32>, vector<16xi32> -> vector<16xf32>
      %min3A_613 = arith.minimumf %min3A_599, %gather3A_612 : vector<16xf32>
      %xor3A_614 = arith.constant 1 : i32
      %xor3A_615 = vector.broadcast %xor3A_614 : i32 to vector<16xi32>
      %xor3A_616 = arith.xori %iota3A, %xor3A_615 : vector<16xi32>
      %lt3A_617 = arith.constant 0 : i32
      %lt3A_618 = vector.broadcast %lt3A_617 : i32 to vector<16xi32>
      %lt3A_619 = arith.cmpi slt, %xor3A_616, %lt3A_618 : vector<16xi32>
      %add3A_620 = arith.constant 16 : i32
      %add3A_621 = vector.broadcast %add3A_620 : i32 to vector<16xi32>
      %add3A_622 = arith.addi %xor3A_616, %add3A_621 : vector<16xi32>
      %select_n3A_623 = arith.select %lt3A_619, %add3A_622, %xor3A_616 : vector<16xi1>, vector<16xi32>
      %broadcast_in_dim3A_624 = vector.shape_cast %select_n3A_623 : vector<16xi32> to vector<16x1xi32>
      %gather3A_625 = vector.shape_cast %broadcast_in_dim3A_624 : vector<16x1xi32> to vector<16xi32>
      %gather3A_626 = tpu.dynamic_gather %min3A_613[%gather3A_625] in [0] : vector<16xf32>, vector<16xi32> -> vector<16xf32>
      %min3A_627 = arith.minimumf %min3A_613, %gather3A_626 : vector<16xf32>
      %max3A_628 = arith.constant 1.000000e-30 : f32
      %max3A_629 = vector.broadcast %max3A_628 : f32 to vector<16xf32>
      %max3A_630 = arith.maximumf %min3A_627, %max3A_629 : vector<16xf32>
      %bitcast_convert_type3A_631 = tpu.bitcast %max3A_630 : vector<16xf32> -> vector<16xi32>
      %shift_right_arithmetic3A_632 = arith.constant 1 : i32
      %shift_right_arithmetic3A_633 = vector.broadcast %shift_right_arithmetic3A_632 : i32 to vector<16xi32>
      %shift_right_arithmetic3A_634 = arith.shrsi %bitcast_convert_type3A_631, %shift_right_arithmetic3A_633 : vector<16xi32>
      %sub3A_635 = arith.constant 1597463007 : i32
      %sub3A_636 = vector.broadcast %sub3A_635 : i32 to vector<16xi32>
      %sub3A_637 = arith.subi %sub3A_636, %shift_right_arithmetic3A_634 : vector<16xi32>
      %bitcast_convert_type3A_638 = tpu.bitcast %sub3A_637 : vector<16xi32> -> vector<16xf32>
      %mul3A_639 = arith.constant 5.000000e-01 : f32
      %mul3A_640 = vector.broadcast %mul3A_639 : f32 to vector<16xf32>
      %mul3A_641 = arith.mulf %max3A_630, %mul3A_640 : vector<16xf32>
      %mul3A_642 = arith.mulf %mul3A_641, %bitcast_convert_type3A_638 : vector<16xf32>
      %mul3A_643 = arith.mulf %mul3A_642, %bitcast_convert_type3A_638 : vector<16xf32>
      %sub3A_644 = arith.constant 1.500000e+00 : f32
      %sub3A_645 = vector.broadcast %sub3A_644 : f32 to vector<16xf32>
      %sub3A_646 = arith.subf %sub3A_645, %mul3A_643 : vector<16xf32>
      %mul3A_647 = arith.mulf %bitcast_convert_type3A_638, %sub3A_646 : vector<16xf32>
      %mul3A_648 = arith.mulf %mul3A_641, %mul3A_647 : vector<16xf32>
      %mul3A_649 = arith.mulf %mul3A_648, %mul3A_647 : vector<16xf32>
      %sub3A_650 = arith.constant 1.500000e+00 : f32
      %sub3A_651 = vector.broadcast %sub3A_650 : f32 to vector<16xf32>
      %sub3A_652 = arith.subf %sub3A_651, %mul3A_649 : vector<16xf32>
      %mul3A_653 = arith.mulf %mul3A_647, %sub3A_652 : vector<16xf32>
      %mul3A_654 = arith.mulf %mul3A_641, %mul3A_653 : vector<16xf32>
      %mul3A_655 = arith.mulf %mul3A_654, %mul3A_653 : vector<16xf32>
      %sub3A_656 = arith.constant 1.500000e+00 : f32
      %sub3A_657 = vector.broadcast %sub3A_656 : f32 to vector<16xf32>
      %sub3A_658 = arith.subf %sub3A_657, %mul3A_655 : vector<16xf32>
      %mul3A_659 = arith.mulf %mul3A_653, %sub3A_658 : vector<16xf32>
      %mul3A_660 = arith.mulf %max3A_630, %mul3A_659 : vector<16xf32>
      %add3A_661 = arith.addf %add3A_571, %mul3A_660 : vector<16xf32>
      %xor3A_662 = arith.constant 8 : i32
      %xor3A_663 = vector.broadcast %xor3A_662 : i32 to vector<16xi32>
      %xor3A_664 = arith.xori %iota3A, %xor3A_663 : vector<16xi32>
      %lt3A_665 = arith.constant 0 : i32
      %lt3A_666 = vector.broadcast %lt3A_665 : i32 to vector<16xi32>
      %lt3A_667 = arith.cmpi slt, %xor3A_664, %lt3A_666 : vector<16xi32>
      %add3A_668 = arith.constant 16 : i32
      %add3A_669 = vector.broadcast %add3A_668 : i32 to vector<16xi32>
      %add3A_670 = arith.addi %xor3A_664, %add3A_669 : vector<16xi32>
      %select_n3A_671 = arith.select %lt3A_667, %add3A_670, %xor3A_664 : vector<16xi1>, vector<16xi32>
      %broadcast_in_dim3A_672 = vector.shape_cast %select_n3A_671 : vector<16xi32> to vector<16x1xi32>
      %gather3A_673 = vector.shape_cast %broadcast_in_dim3A_672 : vector<16x1xi32> to vector<16xi32>
      %gather3A_674 = tpu.dynamic_gather %scan3A_126#6[%gather3A_673] in [0] : vector<16xf32>, vector<16xi32> -> vector<16xf32>
      %min3A_675 = arith.minimumf %scan3A_126#6, %gather3A_674 : vector<16xf32>
      %xor3A_676 = arith.constant 4 : i32
      %xor3A_677 = vector.broadcast %xor3A_676 : i32 to vector<16xi32>
      %xor3A_678 = arith.xori %iota3A, %xor3A_677 : vector<16xi32>
      %lt3A_679 = arith.constant 0 : i32
      %lt3A_680 = vector.broadcast %lt3A_679 : i32 to vector<16xi32>
      %lt3A_681 = arith.cmpi slt, %xor3A_678, %lt3A_680 : vector<16xi32>
      %add3A_682 = arith.constant 16 : i32
      %add3A_683 = vector.broadcast %add3A_682 : i32 to vector<16xi32>
      %add3A_684 = arith.addi %xor3A_678, %add3A_683 : vector<16xi32>
      %select_n3A_685 = arith.select %lt3A_681, %add3A_684, %xor3A_678 : vector<16xi1>, vector<16xi32>
      %broadcast_in_dim3A_686 = vector.shape_cast %select_n3A_685 : vector<16xi32> to vector<16x1xi32>
      %gather3A_687 = vector.shape_cast %broadcast_in_dim3A_686 : vector<16x1xi32> to vector<16xi32>
      %gather3A_688 = tpu.dynamic_gather %min3A_675[%gather3A_687] in [0] : vector<16xf32>, vector<16xi32> -> vector<16xf32>
      %min3A_689 = arith.minimumf %min3A_675, %gather3A_688 : vector<16xf32>
      %xor3A_690 = arith.constant 2 : i32
      %xor3A_691 = vector.broadcast %xor3A_690 : i32 to vector<16xi32>
      %xor3A_692 = arith.xori %iota3A, %xor3A_691 : vector<16xi32>
      %lt3A_693 = arith.constant 0 : i32
      %lt3A_694 = vector.broadcast %lt3A_693 : i32 to vector<16xi32>
      %lt3A_695 = arith.cmpi slt, %xor3A_692, %lt3A_694 : vector<16xi32>
      %add3A_696 = arith.constant 16 : i32
      %add3A_697 = vector.broadcast %add3A_696 : i32 to vector<16xi32>
      %add3A_698 = arith.addi %xor3A_692, %add3A_697 : vector<16xi32>
      %select_n3A_699 = arith.select %lt3A_695, %add3A_698, %xor3A_692 : vector<16xi1>, vector<16xi32>
      %broadcast_in_dim3A_700 = vector.shape_cast %select_n3A_699 : vector<16xi32> to vector<16x1xi32>
      %gather3A_701 = vector.shape_cast %broadcast_in_dim3A_700 : vector<16x1xi32> to vector<16xi32>
      %gather3A_702 = tpu.dynamic_gather %min3A_689[%gather3A_701] in [0] : vector<16xf32>, vector<16xi32> -> vector<16xf32>
      %min3A_703 = arith.minimumf %min3A_689, %gather3A_702 : vector<16xf32>
      %xor3A_704 = arith.constant 1 : i32
      %xor3A_705 = vector.broadcast %xor3A_704 : i32 to vector<16xi32>
      %xor3A_706 = arith.xori %iota3A, %xor3A_705 : vector<16xi32>
      %lt3A_707 = arith.constant 0 : i32
      %lt3A_708 = vector.broadcast %lt3A_707 : i32 to vector<16xi32>
      %lt3A_709 = arith.cmpi slt, %xor3A_706, %lt3A_708 : vector<16xi32>
      %add3A_710 = arith.constant 16 : i32
      %add3A_711 = vector.broadcast %add3A_710 : i32 to vector<16xi32>
      %add3A_712 = arith.addi %xor3A_706, %add3A_711 : vector<16xi32>
      %select_n3A_713 = arith.select %lt3A_709, %add3A_712, %xor3A_706 : vector<16xi1>, vector<16xi32>
      %broadcast_in_dim3A_714 = vector.shape_cast %select_n3A_713 : vector<16xi32> to vector<16x1xi32>
      %gather3A_715 = vector.shape_cast %broadcast_in_dim3A_714 : vector<16x1xi32> to vector<16xi32>
      %gather3A_716 = tpu.dynamic_gather %min3A_703[%gather3A_715] in [0] : vector<16xf32>, vector<16xi32> -> vector<16xf32>
      %min3A_717 = arith.minimumf %min3A_703, %gather3A_716 : vector<16xf32>
      %max3A_718 = arith.constant 1.000000e-30 : f32
      %max3A_719 = vector.broadcast %max3A_718 : f32 to vector<16xf32>
      %max3A_720 = arith.maximumf %min3A_717, %max3A_719 : vector<16xf32>
      %bitcast_convert_type3A_721 = tpu.bitcast %max3A_720 : vector<16xf32> -> vector<16xi32>
      %shift_right_arithmetic3A_722 = arith.constant 1 : i32
      %shift_right_arithmetic3A_723 = vector.broadcast %shift_right_arithmetic3A_722 : i32 to vector<16xi32>
      %shift_right_arithmetic3A_724 = arith.shrsi %bitcast_convert_type3A_721, %shift_right_arithmetic3A_723 : vector<16xi32>
      %sub3A_725 = arith.constant 1597463007 : i32
      %sub3A_726 = vector.broadcast %sub3A_725 : i32 to vector<16xi32>
      %sub3A_727 = arith.subi %sub3A_726, %shift_right_arithmetic3A_724 : vector<16xi32>
      %bitcast_convert_type3A_728 = tpu.bitcast %sub3A_727 : vector<16xi32> -> vector<16xf32>
      %mul3A_729 = arith.constant 5.000000e-01 : f32
      %mul3A_730 = vector.broadcast %mul3A_729 : f32 to vector<16xf32>
      %mul3A_731 = arith.mulf %max3A_720, %mul3A_730 : vector<16xf32>
      %mul3A_732 = arith.mulf %mul3A_731, %bitcast_convert_type3A_728 : vector<16xf32>
      %mul3A_733 = arith.mulf %mul3A_732, %bitcast_convert_type3A_728 : vector<16xf32>
      %sub3A_734 = arith.constant 1.500000e+00 : f32
      %sub3A_735 = vector.broadcast %sub3A_734 : f32 to vector<16xf32>
      %sub3A_736 = arith.subf %sub3A_735, %mul3A_733 : vector<16xf32>
      %mul3A_737 = arith.mulf %bitcast_convert_type3A_728, %sub3A_736 : vector<16xf32>
      %mul3A_738 = arith.mulf %mul3A_731, %mul3A_737 : vector<16xf32>
      %mul3A_739 = arith.mulf %mul3A_738, %mul3A_737 : vector<16xf32>
      %sub3A_740 = arith.constant 1.500000e+00 : f32
      %sub3A_741 = vector.broadcast %sub3A_740 : f32 to vector<16xf32>
      %sub3A_742 = arith.subf %sub3A_741, %mul3A_739 : vector<16xf32>
      %mul3A_743 = arith.mulf %mul3A_737, %sub3A_742 : vector<16xf32>
      %mul3A_744 = arith.mulf %mul3A_731, %mul3A_743 : vector<16xf32>
      %mul3A_745 = arith.mulf %mul3A_744, %mul3A_743 : vector<16xf32>
      %sub3A_746 = arith.constant 1.500000e+00 : f32
      %sub3A_747 = vector.broadcast %sub3A_746 : f32 to vector<16xf32>
      %sub3A_748 = arith.subf %sub3A_747, %mul3A_745 : vector<16xf32>
      %mul3A_749 = arith.mulf %mul3A_743, %sub3A_748 : vector<16xf32>
      %mul3A_750 = arith.mulf %max3A_720, %mul3A_749 : vector<16xf32>
      %add3A_751 = arith.addf %add3A_661, %mul3A_750 : vector<16xf32>
      %xor3A_752 = arith.constant 8 : i32
      %xor3A_753 = vector.broadcast %xor3A_752 : i32 to vector<16xi32>
      %xor3A_754 = arith.xori %iota3A, %xor3A_753 : vector<16xi32>
      %lt3A_755 = arith.constant 0 : i32
      %lt3A_756 = vector.broadcast %lt3A_755 : i32 to vector<16xi32>
      %lt3A_757 = arith.cmpi slt, %xor3A_754, %lt3A_756 : vector<16xi32>
      %add3A_758 = arith.constant 16 : i32
      %add3A_759 = vector.broadcast %add3A_758 : i32 to vector<16xi32>
      %add3A_760 = arith.addi %xor3A_754, %add3A_759 : vector<16xi32>
      %select_n3A_761 = arith.select %lt3A_757, %add3A_760, %xor3A_754 : vector<16xi1>, vector<16xi32>
      %broadcast_in_dim3A_762 = vector.shape_cast %select_n3A_761 : vector<16xi32> to vector<16x1xi32>
      %gather3A_763 = vector.shape_cast %broadcast_in_dim3A_762 : vector<16x1xi32> to vector<16xi32>
      %gather3A_764 = tpu.dynamic_gather %scan3A_126#7[%gather3A_763] in [0] : vector<16xf32>, vector<16xi32> -> vector<16xf32>
      %min3A_765 = arith.minimumf %scan3A_126#7, %gather3A_764 : vector<16xf32>
      %xor3A_766 = arith.constant 4 : i32
      %xor3A_767 = vector.broadcast %xor3A_766 : i32 to vector<16xi32>
      %xor3A_768 = arith.xori %iota3A, %xor3A_767 : vector<16xi32>
      %lt3A_769 = arith.constant 0 : i32
      %lt3A_770 = vector.broadcast %lt3A_769 : i32 to vector<16xi32>
      %lt3A_771 = arith.cmpi slt, %xor3A_768, %lt3A_770 : vector<16xi32>
      %add3A_772 = arith.constant 16 : i32
      %add3A_773 = vector.broadcast %add3A_772 : i32 to vector<16xi32>
      %add3A_774 = arith.addi %xor3A_768, %add3A_773 : vector<16xi32>
      %select_n3A_775 = arith.select %lt3A_771, %add3A_774, %xor3A_768 : vector<16xi1>, vector<16xi32>
      %broadcast_in_dim3A_776 = vector.shape_cast %select_n3A_775 : vector<16xi32> to vector<16x1xi32>
      %gather3A_777 = vector.shape_cast %broadcast_in_dim3A_776 : vector<16x1xi32> to vector<16xi32>
      %gather3A_778 = tpu.dynamic_gather %min3A_765[%gather3A_777] in [0] : vector<16xf32>, vector<16xi32> -> vector<16xf32>
      %min3A_779 = arith.minimumf %min3A_765, %gather3A_778 : vector<16xf32>
      %xor3A_780 = arith.constant 2 : i32
      %xor3A_781 = vector.broadcast %xor3A_780 : i32 to vector<16xi32>
      %xor3A_782 = arith.xori %iota3A, %xor3A_781 : vector<16xi32>
      %lt3A_783 = arith.constant 0 : i32
      %lt3A_784 = vector.broadcast %lt3A_783 : i32 to vector<16xi32>
      %lt3A_785 = arith.cmpi slt, %xor3A_782, %lt3A_784 : vector<16xi32>
      %add3A_786 = arith.constant 16 : i32
      %add3A_787 = vector.broadcast %add3A_786 : i32 to vector<16xi32>
      %add3A_788 = arith.addi %xor3A_782, %add3A_787 : vector<16xi32>
      %select_n3A_789 = arith.select %lt3A_785, %add3A_788, %xor3A_782 : vector<16xi1>, vector<16xi32>
      %broadcast_in_dim3A_790 = vector.shape_cast %select_n3A_789 : vector<16xi32> to vector<16x1xi32>
      %gather3A_791 = vector.shape_cast %broadcast_in_dim3A_790 : vector<16x1xi32> to vector<16xi32>
      %gather3A_792 = tpu.dynamic_gather %min3A_779[%gather3A_791] in [0] : vector<16xf32>, vector<16xi32> -> vector<16xf32>
      %min3A_793 = arith.minimumf %min3A_779, %gather3A_792 : vector<16xf32>
      %xor3A_794 = arith.constant 1 : i32
      %xor3A_795 = vector.broadcast %xor3A_794 : i32 to vector<16xi32>
      %xor3A_796 = arith.xori %iota3A, %xor3A_795 : vector<16xi32>
      %lt3A_797 = arith.constant 0 : i32
      %lt3A_798 = vector.broadcast %lt3A_797 : i32 to vector<16xi32>
      %lt3A_799 = arith.cmpi slt, %xor3A_796, %lt3A_798 : vector<16xi32>
      %add3A_800 = arith.constant 16 : i32
      %add3A_801 = vector.broadcast %add3A_800 : i32 to vector<16xi32>
      %add3A_802 = arith.addi %xor3A_796, %add3A_801 : vector<16xi32>
      %select_n3A_803 = arith.select %lt3A_799, %add3A_802, %xor3A_796 : vector<16xi1>, vector<16xi32>
      %broadcast_in_dim3A_804 = vector.shape_cast %select_n3A_803 : vector<16xi32> to vector<16x1xi32>
      %gather3A_805 = vector.shape_cast %broadcast_in_dim3A_804 : vector<16x1xi32> to vector<16xi32>
      %gather3A_806 = tpu.dynamic_gather %min3A_793[%gather3A_805] in [0] : vector<16xf32>, vector<16xi32> -> vector<16xf32>
      %min3A_807 = arith.minimumf %min3A_793, %gather3A_806 : vector<16xf32>
      %max3A_808 = arith.constant 1.000000e-30 : f32
      %max3A_809 = vector.broadcast %max3A_808 : f32 to vector<16xf32>
      %max3A_810 = arith.maximumf %min3A_807, %max3A_809 : vector<16xf32>
      %bitcast_convert_type3A_811 = tpu.bitcast %max3A_810 : vector<16xf32> -> vector<16xi32>
      %shift_right_arithmetic3A_812 = arith.constant 1 : i32
      %shift_right_arithmetic3A_813 = vector.broadcast %shift_right_arithmetic3A_812 : i32 to vector<16xi32>
      %shift_right_arithmetic3A_814 = arith.shrsi %bitcast_convert_type3A_811, %shift_right_arithmetic3A_813 : vector<16xi32>
      %sub3A_815 = arith.constant 1597463007 : i32
      %sub3A_816 = vector.broadcast %sub3A_815 : i32 to vector<16xi32>
      %sub3A_817 = arith.subi %sub3A_816, %shift_right_arithmetic3A_814 : vector<16xi32>
      %bitcast_convert_type3A_818 = tpu.bitcast %sub3A_817 : vector<16xi32> -> vector<16xf32>
      %mul3A_819 = arith.constant 5.000000e-01 : f32
      %mul3A_820 = vector.broadcast %mul3A_819 : f32 to vector<16xf32>
      %mul3A_821 = arith.mulf %max3A_810, %mul3A_820 : vector<16xf32>
      %mul3A_822 = arith.mulf %mul3A_821, %bitcast_convert_type3A_818 : vector<16xf32>
      %mul3A_823 = arith.mulf %mul3A_822, %bitcast_convert_type3A_818 : vector<16xf32>
      %sub3A_824 = arith.constant 1.500000e+00 : f32
      %sub3A_825 = vector.broadcast %sub3A_824 : f32 to vector<16xf32>
      %sub3A_826 = arith.subf %sub3A_825, %mul3A_823 : vector<16xf32>
      %mul3A_827 = arith.mulf %bitcast_convert_type3A_818, %sub3A_826 : vector<16xf32>
      %mul3A_828 = arith.mulf %mul3A_821, %mul3A_827 : vector<16xf32>
      %mul3A_829 = arith.mulf %mul3A_828, %mul3A_827 : vector<16xf32>
      %sub3A_830 = arith.constant 1.500000e+00 : f32
      %sub3A_831 = vector.broadcast %sub3A_830 : f32 to vector<16xf32>
      %sub3A_832 = arith.subf %sub3A_831, %mul3A_829 : vector<16xf32>
      %mul3A_833 = arith.mulf %mul3A_827, %sub3A_832 : vector<16xf32>
      %mul3A_834 = arith.mulf %mul3A_821, %mul3A_833 : vector<16xf32>
      %mul3A_835 = arith.mulf %mul3A_834, %mul3A_833 : vector<16xf32>
      %sub3A_836 = arith.constant 1.500000e+00 : f32
      %sub3A_837 = vector.broadcast %sub3A_836 : f32 to vector<16xf32>
      %sub3A_838 = arith.subf %sub3A_837, %mul3A_835 : vector<16xf32>
      %mul3A_839 = arith.mulf %mul3A_833, %sub3A_838 : vector<16xf32>
      %mul3A_840 = arith.mulf %max3A_810, %mul3A_839 : vector<16xf32>
      %add3A_841 = arith.addf %add3A_751, %mul3A_840 : vector<16xf32>
      %scan3A_842 = arith.constant 0 : i32
      %scan3A_843 = arith.constant 32 : i32
      %scan3A_844 = arith.addi %scan3A_842, %scan3A_843 : i32
      %scan3A_845 = arith.constant 1 : i32
      %scan3A_846:8 = scf.for %scan3A_1568 = %scan3A_842 to %scan3A_844 step %scan3A_845 iter_args(%scan3A_1569 = %broadcast_in_dim3A_59, %scan3A_1570 = %broadcast_in_dim3A_59, %scan3A_1571 = %broadcast_in_dim3A_59, %scan3A_1572 = %broadcast_in_dim3A_59, %scan3A_1573 = %broadcast_in_dim3A_59, %scan3A_1574 = %broadcast_in_dim3A_59, %scan3A_1575 = %broadcast_in_dim3A_59, %scan3A_1576 = %broadcast_in_dim3A_59) -> (vector<16xf32>, vector<16xf32>, vector<16xf32>, vector<16xf32>, vector<16xf32>, vector<16xf32>, vector<16xf32>, vector<16xf32>)  : i32 {
        %mul3A_1577 = arith.constant 4 : i32
        %mul3A_1578 = arith.muli %scan3A_1568, %mul3A_1577 : i32
        %mul3A_1579 = arith.constant 16 : i32
        %mul3A_1580 = arith.muli %mul3A_1578, %mul3A_1579 : i32
        %add3A_1581 = arith.constant 0 : i32
        %add3A_1582 = arith.addi %mul3A_1580, %add3A_1581 : i32
        %get3A_1583 = arith.constant 0 : i32
        %get3A_1584 = arith.index_cast %get3A_1583 : i32 to index
        %get3A_1585 = arith.index_cast %add3A_1582 : i32 to index
        %get3A_1586 = tpu.vector_load %arg7[%get3A_1584, %get3A_1585] {strides = array<i32>} : memref<3x2048xf32, #tpu.memory_space<vmem>>, vector<1x16xf32>,
        %get3A_1587 = vector.shape_cast %get3A_1586 : vector<1x16xf32> to vector<16xf32>
        %add3A_1588 = arith.constant 16 : i32
        %add3A_1589 = arith.addi %mul3A_1580, %add3A_1588 : i32
        %get3A_1590 = arith.constant 0 : i32
        %get3A_1591 = arith.index_cast %get3A_1590 : i32 to index
        %get3A_1592 = arith.index_cast %add3A_1589 : i32 to index
        %get3A_1593 = tpu.vector_load %arg7[%get3A_1591, %get3A_1592] {strides = array<i32>} : memref<3x2048xf32, #tpu.memory_space<vmem>>, vector<1x16xf32>,
        %get3A_1594 = vector.shape_cast %get3A_1593 : vector<1x16xf32> to vector<16xf32>
        %add3A_1595 = arith.constant 32 : i32
        %add3A_1596 = arith.addi %mul3A_1580, %add3A_1595 : i32
        %get3A_1597 = arith.constant 0 : i32
        %get3A_1598 = arith.index_cast %get3A_1597 : i32 to index
        %get3A_1599 = arith.index_cast %add3A_1596 : i32 to index
        %get3A_1600 = tpu.vector_load %arg7[%get3A_1598, %get3A_1599] {strides = array<i32>} : memref<3x2048xf32, #tpu.memory_space<vmem>>, vector<1x16xf32>,
        %get3A_1601 = vector.shape_cast %get3A_1600 : vector<1x16xf32> to vector<16xf32>
        %add3A_1602 = arith.constant 48 : i32
        %add3A_1603 = arith.addi %mul3A_1580, %add3A_1602 : i32
        %get3A_1604 = arith.constant 0 : i32
        %get3A_1605 = arith.index_cast %get3A_1604 : i32 to index
        %get3A_1606 = arith.index_cast %add3A_1603 : i32 to index
        %get3A_1607 = tpu.vector_load %arg7[%get3A_1605, %get3A_1606] {strides = array<i32>} : memref<3x2048xf32, #tpu.memory_space<vmem>>, vector<1x16xf32>,
        %get3A_1608 = vector.shape_cast %get3A_1607 : vector<1x16xf32> to vector<16xf32>
        %add3A_1609 = arith.constant 0 : i32
        %add3A_1610 = arith.addi %mul3A_1580, %add3A_1609 : i32
        %get3A_1611 = arith.constant 1 : i32
        %get3A_1612 = arith.index_cast %get3A_1611 : i32 to index
        %get3A_1613 = arith.index_cast %add3A_1610 : i32 to index
        %get3A_1614 = tpu.vector_load %arg7[%get3A_1612, %get3A_1613] {strides = array<i32>} : memref<3x2048xf32, #tpu.memory_space<vmem>>, vector<1x16xf32>,
        %get3A_1615 = vector.shape_cast %get3A_1614 : vector<1x16xf32> to vector<16xf32>
        %add3A_1616 = arith.constant 16 : i32
        %add3A_1617 = arith.addi %mul3A_1580, %add3A_1616 : i32
        %get3A_1618 = arith.constant 1 : i32
        %get3A_1619 = arith.index_cast %get3A_1618 : i32 to index
        %get3A_1620 = arith.index_cast %add3A_1617 : i32 to index
        %get3A_1621 = tpu.vector_load %arg7[%get3A_1619, %get3A_1620] {strides = array<i32>} : memref<3x2048xf32, #tpu.memory_space<vmem>>, vector<1x16xf32>,
        %get3A_1622 = vector.shape_cast %get3A_1621 : vector<1x16xf32> to vector<16xf32>
        %add3A_1623 = arith.constant 32 : i32
        %add3A_1624 = arith.addi %mul3A_1580, %add3A_1623 : i32
        %get3A_1625 = arith.constant 1 : i32
        %get3A_1626 = arith.index_cast %get3A_1625 : i32 to index
        %get3A_1627 = arith.index_cast %add3A_1624 : i32 to index
        %get3A_1628 = tpu.vector_load %arg7[%get3A_1626, %get3A_1627] {strides = array<i32>} : memref<3x2048xf32, #tpu.memory_space<vmem>>, vector<1x16xf32>,
        %get3A_1629 = vector.shape_cast %get3A_1628 : vector<1x16xf32> to vector<16xf32>
        %add3A_1630 = arith.constant 48 : i32
        %add3A_1631 = arith.addi %mul3A_1580, %add3A_1630 : i32
        %get3A_1632 = arith.constant 1 : i32
        %get3A_1633 = arith.index_cast %get3A_1632 : i32 to index
        %get3A_1634 = arith.index_cast %add3A_1631 : i32 to index
        %get3A_1635 = tpu.vector_load %arg7[%get3A_1633, %get3A_1634] {strides = array<i32>} : memref<3x2048xf32, #tpu.memory_space<vmem>>, vector<1x16xf32>,
        %get3A_1636 = vector.shape_cast %get3A_1635 : vector<1x16xf32> to vector<16xf32>
        %add3A_1637 = arith.constant 0 : i32
        %add3A_1638 = arith.addi %mul3A_1580, %add3A_1637 : i32
        %get3A_1639 = arith.constant 2 : i32
        %get3A_1640 = arith.index_cast %get3A_1639 : i32 to index
        %get3A_1641 = arith.index_cast %add3A_1638 : i32 to index
        %get3A_1642 = tpu.vector_load %arg7[%get3A_1640, %get3A_1641] {strides = array<i32>} : memref<3x2048xf32, #tpu.memory_space<vmem>>, vector<1x16xf32>,
        %get3A_1643 = vector.shape_cast %get3A_1642 : vector<1x16xf32> to vector<16xf32>
        %add3A_1644 = arith.constant 16 : i32
        %add3A_1645 = arith.addi %mul3A_1580, %add3A_1644 : i32
        %get3A_1646 = arith.constant 2 : i32
        %get3A_1647 = arith.index_cast %get3A_1646 : i32 to index
        %get3A_1648 = arith.index_cast %add3A_1645 : i32 to index
        %get3A_1649 = tpu.vector_load %arg7[%get3A_1647, %get3A_1648] {strides = array<i32>} : memref<3x2048xf32, #tpu.memory_space<vmem>>, vector<1x16xf32>,
        %get3A_1650 = vector.shape_cast %get3A_1649 : vector<1x16xf32> to vector<16xf32>
        %add3A_1651 = arith.constant 32 : i32
        %add3A_1652 = arith.addi %mul3A_1580, %add3A_1651 : i32
        %get3A_1653 = arith.constant 2 : i32
        %get3A_1654 = arith.index_cast %get3A_1653 : i32 to index
        %get3A_1655 = arith.index_cast %add3A_1652 : i32 to index
        %get3A_1656 = tpu.vector_load %arg7[%get3A_1654, %get3A_1655] {strides = array<i32>} : memref<3x2048xf32, #tpu.memory_space<vmem>>, vector<1x16xf32>,
        %get3A_1657 = vector.shape_cast %get3A_1656 : vector<1x16xf32> to vector<16xf32>
        %add3A_1658 = arith.constant 48 : i32
        %add3A_1659 = arith.addi %mul3A_1580, %add3A_1658 : i32
        %get3A_1660 = arith.constant 2 : i32
        %get3A_1661 = arith.index_cast %get3A_1660 : i32 to index
        %get3A_1662 = arith.index_cast %add3A_1659 : i32 to index
        %get3A_1663 = tpu.vector_load %arg7[%get3A_1661, %get3A_1662] {strides = array<i32>} : memref<3x2048xf32, #tpu.memory_space<vmem>>, vector<1x16xf32>,
        %get3A_1664 = vector.shape_cast %get3A_1663 : vector<1x16xf32> to vector<16xf32>
        %add3A_1665 = arith.constant 0 : i32
        %add3A_1666 = arith.addi %mul3A_1580, %add3A_1665 : i32
        %get3A_1667 = arith.index_cast %add3A_1666 : i32 to index
        %get3A_1668 = tpu.vector_load %arg10[%get3A_1667] {strides = array<i32>} : memref<2048xf32, #tpu.memory_space<vmem>>, vector<16xf32>,
        %get3A_1669 = vector.shape_cast %get3A_1668 : vector<16xf32> to vector<16xf32>
        %add3A_1670 = arith.constant 16 : i32
        %add3A_1671 = arith.addi %mul3A_1580, %add3A_1670 : i32
        %get3A_1672 = arith.index_cast %add3A_1671 : i32 to index
        %get3A_1673 = tpu.vector_load %arg10[%get3A_1672] {strides = array<i32>} : memref<2048xf32, #tpu.memory_space<vmem>>, vector<16xf32>,
        %get3A_1674 = vector.shape_cast %get3A_1673 : vector<16xf32> to vector<16xf32>
        %add3A_1675 = arith.constant 32 : i32
        %add3A_1676 = arith.addi %mul3A_1580, %add3A_1675 : i32
        %get3A_1677 = arith.index_cast %add3A_1676 : i32 to index
        %get3A_1678 = tpu.vector_load %arg10[%get3A_1677] {strides = array<i32>} : memref<2048xf32, #tpu.memory_space<vmem>>, vector<16xf32>,
        %get3A_1679 = vector.shape_cast %get3A_1678 : vector<16xf32> to vector<16xf32>
        %add3A_1680 = arith.constant 48 : i32
        %add3A_1681 = arith.addi %mul3A_1580, %add3A_1680 : i32
        %get3A_1682 = arith.index_cast %add3A_1681 : i32 to index
        %get3A_1683 = tpu.vector_load %arg10[%get3A_1682] {strides = array<i32>} : memref<2048xf32, #tpu.memory_space<vmem>>, vector<16xf32>,
        %get3A_1684 = vector.shape_cast %get3A_1683 : vector<16xf32> to vector<16xf32>
        %broadcast_in_dim3A_1685 = arith.constant 8 : i32
        %broadcast_in_dim3A_1686 = vector.broadcast %broadcast_in_dim3A_1685 : i32 to vector<16xi32>
        %lt3A_1687 = arith.constant 0 : i32
        %lt3A_1688 = vector.broadcast %lt3A_1687 : i32 to vector<16xi32>
        %lt3A_1689 = arith.cmpi slt, %broadcast_in_dim3A_1686, %lt3A_1688 : vector<16xi32>
        %add3A_1690 = arith.constant 16 : i32
        %add3A_1691 = vector.broadcast %add3A_1690 : i32 to vector<16xi32>
        %add3A_1692 = arith.addi %broadcast_in_dim3A_1686, %add3A_1691 : vector<16xi32>
        %select_n3A_1693 = arith.select %lt3A_1689, %add3A_1692, %broadcast_in_dim3A_1686 : vector<16xi1>, vector<16xi32>
        %broadcast_in_dim3A_1694 = vector.shape_cast %select_n3A_1693 : vector<16xi32> to vector<16x1xi32>
        %gather3A_1695 = vector.shape_cast %broadcast_in_dim3A_1694 : vector<16x1xi32> to vector<16xi32>
        %gather3A_1696 = tpu.dynamic_gather %get3A_105[%gather3A_1695] in [0] : vector<16xf32>, vector<16xi32> -> vector<16xf32>
        %broadcast_in_dim3A_1697 = arith.constant 8 : i32
        %broadcast_in_dim3A_1698 = vector.broadcast %broadcast_in_dim3A_1697 : i32 to vector<16xi32>
        %lt3A_1699 = arith.constant 0 : i32
        %lt3A_1700 = vector.broadcast %lt3A_1699 : i32 to vector<16xi32>
        %lt3A_1701 = arith.cmpi slt, %broadcast_in_dim3A_1698, %lt3A_1700 : vector<16xi32>
        %add3A_1702 = arith.constant 16 : i32
        %add3A_1703 = vector.broadcast %add3A_1702 : i32 to vector<16xi32>
        %add3A_1704 = arith.addi %broadcast_in_dim3A_1698, %add3A_1703 : vector<16xi32>
        %select_n3A_1705 = arith.select %lt3A_1701, %add3A_1704, %broadcast_in_dim3A_1698 : vector<16xi1>, vector<16xi32>
        %broadcast_in_dim3A_1706 = vector.shape_cast %select_n3A_1705 : vector<16xi32> to vector<16x1xi32>
        %gather3A_1707 = vector.shape_cast %broadcast_in_dim3A_1706 : vector<16x1xi32> to vector<16xi32>
        %gather3A_1708 = tpu.dynamic_gather %get3A_113[%gather3A_1707] in [0] : vector<16xf32>, vector<16xi32> -> vector<16xf32>
        %broadcast_in_dim3A_1709 = arith.constant 8 : i32
        %broadcast_in_dim3A_1710 = vector.broadcast %broadcast_in_dim3A_1709 : i32 to vector<16xi32>
        %lt3A_1711 = arith.constant 0 : i32
        %lt3A_1712 = vector.broadcast %lt3A_1711 : i32 to vector<16xi32>
        %lt3A_1713 = arith.cmpi slt, %broadcast_in_dim3A_1710, %lt3A_1712 : vector<16xi32>
        %add3A_1714 = arith.constant 16 : i32
        %add3A_1715 = vector.broadcast %add3A_1714 : i32 to vector<16xi32>
        %add3A_1716 = arith.addi %broadcast_in_dim3A_1710, %add3A_1715 : vector<16xi32>
        %select_n3A_1717 = arith.select %lt3A_1713, %add3A_1716, %broadcast_in_dim3A_1710 : vector<16xi1>, vector<16xi32>
        %broadcast_in_dim3A_1718 = vector.shape_cast %select_n3A_1717 : vector<16xi32> to vector<16x1xi32>
        %gather3A_1719 = vector.shape_cast %broadcast_in_dim3A_1718 : vector<16x1xi32> to vector<16xi32>
        %gather3A_1720 = tpu.dynamic_gather %get3A_121[%gather3A_1719] in [0] : vector<16xf32>, vector<16xi32> -> vector<16xf32>
        %sub3A_1721 = arith.subf %gather3A_1696, %get3A_1587 : vector<16xf32>
        %mul3A_1722 = arith.mulf %sub3A_1721, %sub3A_1721 : vector<16xf32>
        %sub3A_1723 = arith.subf %gather3A_1708, %get3A_1615 : vector<16xf32>
        %mul3A_1724 = arith.mulf %sub3A_1723, %sub3A_1723 : vector<16xf32>
        %add3A_1725 = arith.addf %mul3A_1724, %mul3A_1722 : vector<16xf32>
        %sub3A_1726 = arith.subf %gather3A_1720, %get3A_1643 : vector<16xf32>
        %mul3A_1727 = arith.mulf %sub3A_1726, %sub3A_1726 : vector<16xf32>
        %add3A_1728 = arith.addf %mul3A_1727, %add3A_1725 : vector<16xf32>
        %min3A_1729 = arith.minimumf %scan3A_1569, %add3A_1728 : vector<16xf32>
        %min3A_1730 = arith.minimumf %get3A_1669, %add3A_1728 : vector<16xf32>
        %sub3A_1731 = arith.subf %gather3A_1696, %get3A_1594 : vector<16xf32>
        %mul3A_1732 = arith.mulf %sub3A_1731, %sub3A_1731 : vector<16xf32>
        %sub3A_1733 = arith.subf %gather3A_1708, %get3A_1622 : vector<16xf32>
        %mul3A_1734 = arith.mulf %sub3A_1733, %sub3A_1733 : vector<16xf32>
        %add3A_1735 = arith.addf %mul3A_1734, %mul3A_1732 : vector<16xf32>
        %sub3A_1736 = arith.subf %gather3A_1720, %get3A_1650 : vector<16xf32>
        %mul3A_1737 = arith.mulf %sub3A_1736, %sub3A_1736 : vector<16xf32>
        %add3A_1738 = arith.addf %mul3A_1737, %add3A_1735 : vector<16xf32>
        %min3A_1739 = arith.minimumf %min3A_1729, %add3A_1738 : vector<16xf32>
        %min3A_1740 = arith.minimumf %get3A_1674, %add3A_1738 : vector<16xf32>
        %sub3A_1741 = arith.subf %gather3A_1696, %get3A_1601 : vector<16xf32>
        %mul3A_1742 = arith.mulf %sub3A_1741, %sub3A_1741 : vector<16xf32>
        %sub3A_1743 = arith.subf %gather3A_1708, %get3A_1629 : vector<16xf32>
        %mul3A_1744 = arith.mulf %sub3A_1743, %sub3A_1743 : vector<16xf32>
        %add3A_1745 = arith.addf %mul3A_1744, %mul3A_1742 : vector<16xf32>
        %sub3A_1746 = arith.subf %gather3A_1720, %get3A_1657 : vector<16xf32>
        %mul3A_1747 = arith.mulf %sub3A_1746, %sub3A_1746 : vector<16xf32>
        %add3A_1748 = arith.addf %mul3A_1747, %add3A_1745 : vector<16xf32>
        %min3A_1749 = arith.minimumf %min3A_1739, %add3A_1748 : vector<16xf32>
        %min3A_1750 = arith.minimumf %get3A_1679, %add3A_1748 : vector<16xf32>
        %sub3A_1751 = arith.subf %gather3A_1696, %get3A_1608 : vector<16xf32>
        %mul3A_1752 = arith.mulf %sub3A_1751, %sub3A_1751 : vector<16xf32>
        %sub3A_1753 = arith.subf %gather3A_1708, %get3A_1636 : vector<16xf32>
        %mul3A_1754 = arith.mulf %sub3A_1753, %sub3A_1753 : vector<16xf32>
        %add3A_1755 = arith.addf %mul3A_1754, %mul3A_1752 : vector<16xf32>
        %sub3A_1756 = arith.subf %gather3A_1720, %get3A_1664 : vector<16xf32>
        %mul3A_1757 = arith.mulf %sub3A_1756, %sub3A_1756 : vector<16xf32>
        %add3A_1758 = arith.addf %mul3A_1757, %add3A_1755 : vector<16xf32>
        %min3A_1759 = arith.minimumf %min3A_1749, %add3A_1758 : vector<16xf32>
        %min3A_1760 = arith.minimumf %get3A_1684, %add3A_1758 : vector<16xf32>
        %broadcast_in_dim3A_1761 = arith.constant 9 : i32
        %broadcast_in_dim3A_1762 = vector.broadcast %broadcast_in_dim3A_1761 : i32 to vector<16xi32>
        %lt3A_1763 = arith.constant 0 : i32
        %lt3A_1764 = vector.broadcast %lt3A_1763 : i32 to vector<16xi32>
        %lt3A_1765 = arith.cmpi slt, %broadcast_in_dim3A_1762, %lt3A_1764 : vector<16xi32>
        %add3A_1766 = arith.constant 16 : i32
        %add3A_1767 = vector.broadcast %add3A_1766 : i32 to vector<16xi32>
        %add3A_1768 = arith.addi %broadcast_in_dim3A_1762, %add3A_1767 : vector<16xi32>
        %select_n3A_1769 = arith.select %lt3A_1765, %add3A_1768, %broadcast_in_dim3A_1762 : vector<16xi1>, vector<16xi32>
        %broadcast_in_dim3A_1770 = vector.shape_cast %select_n3A_1769 : vector<16xi32> to vector<16x1xi32>
        %gather3A_1771 = vector.shape_cast %broadcast_in_dim3A_1770 : vector<16x1xi32> to vector<16xi32>
        %gather3A_1772 = tpu.dynamic_gather %get3A_105[%gather3A_1771] in [0] : vector<16xf32>, vector<16xi32> -> vector<16xf32>
        %broadcast_in_dim3A_1773 = arith.constant 9 : i32
        %broadcast_in_dim3A_1774 = vector.broadcast %broadcast_in_dim3A_1773 : i32 to vector<16xi32>
        %lt3A_1775 = arith.constant 0 : i32
        %lt3A_1776 = vector.broadcast %lt3A_1775 : i32 to vector<16xi32>
        %lt3A_1777 = arith.cmpi slt, %broadcast_in_dim3A_1774, %lt3A_1776 : vector<16xi32>
        %add3A_1778 = arith.constant 16 : i32
        %add3A_1779 = vector.broadcast %add3A_1778 : i32 to vector<16xi32>
        %add3A_1780 = arith.addi %broadcast_in_dim3A_1774, %add3A_1779 : vector<16xi32>
        %select_n3A_1781 = arith.select %lt3A_1777, %add3A_1780, %broadcast_in_dim3A_1774 : vector<16xi1>, vector<16xi32>
        %broadcast_in_dim3A_1782 = vector.shape_cast %select_n3A_1781 : vector<16xi32> to vector<16x1xi32>
        %gather3A_1783 = vector.shape_cast %broadcast_in_dim3A_1782 : vector<16x1xi32> to vector<16xi32>
        %gather3A_1784 = tpu.dynamic_gather %get3A_113[%gather3A_1783] in [0] : vector<16xf32>, vector<16xi32> -> vector<16xf32>
        %broadcast_in_dim3A_1785 = arith.constant 9 : i32
        %broadcast_in_dim3A_1786 = vector.broadcast %broadcast_in_dim3A_1785 : i32 to vector<16xi32>
        %lt3A_1787 = arith.constant 0 : i32
        %lt3A_1788 = vector.broadcast %lt3A_1787 : i32 to vector<16xi32>
        %lt3A_1789 = arith.cmpi slt, %broadcast_in_dim3A_1786, %lt3A_1788 : vector<16xi32>
        %add3A_1790 = arith.constant 16 : i32
        %add3A_1791 = vector.broadcast %add3A_1790 : i32 to vector<16xi32>
        %add3A_1792 = arith.addi %broadcast_in_dim3A_1786, %add3A_1791 : vector<16xi32>
        %select_n3A_1793 = arith.select %lt3A_1789, %add3A_1792, %broadcast_in_dim3A_1786 : vector<16xi1>, vector<16xi32>
        %broadcast_in_dim3A_1794 = vector.shape_cast %select_n3A_1793 : vector<16xi32> to vector<16x1xi32>
        %gather3A_1795 = vector.shape_cast %broadcast_in_dim3A_1794 : vector<16x1xi32> to vector<16xi32>
        %gather3A_1796 = tpu.dynamic_gather %get3A_121[%gather3A_1795] in [0] : vector<16xf32>, vector<16xi32> -> vector<16xf32>
        %sub3A_1797 = arith.subf %gather3A_1772, %get3A_1587 : vector<16xf32>
        %mul3A_1798 = arith.mulf %sub3A_1797, %sub3A_1797 : vector<16xf32>
        %sub3A_1799 = arith.subf %gather3A_1784, %get3A_1615 : vector<16xf32>
        %mul3A_1800 = arith.mulf %sub3A_1799, %sub3A_1799 : vector<16xf32>
        %add3A_1801 = arith.addf %mul3A_1800, %mul3A_1798 : vector<16xf32>
        %sub3A_1802 = arith.subf %gather3A_1796, %get3A_1643 : vector<16xf32>
        %mul3A_1803 = arith.mulf %sub3A_1802, %sub3A_1802 : vector<16xf32>
        %add3A_1804 = arith.addf %mul3A_1803, %add3A_1801 : vector<16xf32>
        %min3A_1805 = arith.minimumf %scan3A_1570, %add3A_1804 : vector<16xf32>
        %min3A_1806 = arith.minimumf %min3A_1730, %add3A_1804 : vector<16xf32>
        %sub3A_1807 = arith.subf %gather3A_1772, %get3A_1594 : vector<16xf32>
        %mul3A_1808 = arith.mulf %sub3A_1807, %sub3A_1807 : vector<16xf32>
        %sub3A_1809 = arith.subf %gather3A_1784, %get3A_1622 : vector<16xf32>
        %mul3A_1810 = arith.mulf %sub3A_1809, %sub3A_1809 : vector<16xf32>
        %add3A_1811 = arith.addf %mul3A_1810, %mul3A_1808 : vector<16xf32>
        %sub3A_1812 = arith.subf %gather3A_1796, %get3A_1650 : vector<16xf32>
        %mul3A_1813 = arith.mulf %sub3A_1812, %sub3A_1812 : vector<16xf32>
        %add3A_1814 = arith.addf %mul3A_1813, %add3A_1811 : vector<16xf32>
        %min3A_1815 = arith.minimumf %min3A_1805, %add3A_1814 : vector<16xf32>
        %min3A_1816 = arith.minimumf %min3A_1740, %add3A_1814 : vector<16xf32>
        %sub3A_1817 = arith.subf %gather3A_1772, %get3A_1601 : vector<16xf32>
        %mul3A_1818 = arith.mulf %sub3A_1817, %sub3A_1817 : vector<16xf32>
        %sub3A_1819 = arith.subf %gather3A_1784, %get3A_1629 : vector<16xf32>
        %mul3A_1820 = arith.mulf %sub3A_1819, %sub3A_1819 : vector<16xf32>
        %add3A_1821 = arith.addf %mul3A_1820, %mul3A_1818 : vector<16xf32>
        %sub3A_1822 = arith.subf %gather3A_1796, %get3A_1657 : vector<16xf32>
        %mul3A_1823 = arith.mulf %sub3A_1822, %sub3A_1822 : vector<16xf32>
        %add3A_1824 = arith.addf %mul3A_1823, %add3A_1821 : vector<16xf32>
        %min3A_1825 = arith.minimumf %min3A_1815, %add3A_1824 : vector<16xf32>
        %min3A_1826 = arith.minimumf %min3A_1750, %add3A_1824 : vector<16xf32>
        %sub3A_1827 = arith.subf %gather3A_1772, %get3A_1608 : vector<16xf32>
        %mul3A_1828 = arith.mulf %sub3A_1827, %sub3A_1827 : vector<16xf32>
        %sub3A_1829 = arith.subf %gather3A_1784, %get3A_1636 : vector<16xf32>
        %mul3A_1830 = arith.mulf %sub3A_1829, %sub3A_1829 : vector<16xf32>
        %add3A_1831 = arith.addf %mul3A_1830, %mul3A_1828 : vector<16xf32>
        %sub3A_1832 = arith.subf %gather3A_1796, %get3A_1664 : vector<16xf32>
        %mul3A_1833 = arith.mulf %sub3A_1832, %sub3A_1832 : vector<16xf32>
        %add3A_1834 = arith.addf %mul3A_1833, %add3A_1831 : vector<16xf32>
        %min3A_1835 = arith.minimumf %min3A_1825, %add3A_1834 : vector<16xf32>
        %min3A_1836 = arith.minimumf %min3A_1760, %add3A_1834 : vector<16xf32>
        %broadcast_in_dim3A_1837 = arith.constant 10 : i32
        %broadcast_in_dim3A_1838 = vector.broadcast %broadcast_in_dim3A_1837 : i32 to vector<16xi32>
        %lt3A_1839 = arith.constant 0 : i32
        %lt3A_1840 = vector.broadcast %lt3A_1839 : i32 to vector<16xi32>
        %lt3A_1841 = arith.cmpi slt, %broadcast_in_dim3A_1838, %lt3A_1840 : vector<16xi32>
        %add3A_1842 = arith.constant 16 : i32
        %add3A_1843 = vector.broadcast %add3A_1842 : i32 to vector<16xi32>
        %add3A_1844 = arith.addi %broadcast_in_dim3A_1838, %add3A_1843 : vector<16xi32>
        %select_n3A_1845 = arith.select %lt3A_1841, %add3A_1844, %broadcast_in_dim3A_1838 : vector<16xi1>, vector<16xi32>
        %broadcast_in_dim3A_1846 = vector.shape_cast %select_n3A_1845 : vector<16xi32> to vector<16x1xi32>
        %gather3A_1847 = vector.shape_cast %broadcast_in_dim3A_1846 : vector<16x1xi32> to vector<16xi32>
        %gather3A_1848 = tpu.dynamic_gather %get3A_105[%gather3A_1847] in [0] : vector<16xf32>, vector<16xi32> -> vector<16xf32>
        %broadcast_in_dim3A_1849 = arith.constant 10 : i32
        %broadcast_in_dim3A_1850 = vector.broadcast %broadcast_in_dim3A_1849 : i32 to vector<16xi32>
        %lt3A_1851 = arith.constant 0 : i32
        %lt3A_1852 = vector.broadcast %lt3A_1851 : i32 to vector<16xi32>
        %lt3A_1853 = arith.cmpi slt, %broadcast_in_dim3A_1850, %lt3A_1852 : vector<16xi32>
        %add3A_1854 = arith.constant 16 : i32
        %add3A_1855 = vector.broadcast %add3A_1854 : i32 to vector<16xi32>
        %add3A_1856 = arith.addi %broadcast_in_dim3A_1850, %add3A_1855 : vector<16xi32>
        %select_n3A_1857 = arith.select %lt3A_1853, %add3A_1856, %broadcast_in_dim3A_1850 : vector<16xi1>, vector<16xi32>
        %broadcast_in_dim3A_1858 = vector.shape_cast %select_n3A_1857 : vector<16xi32> to vector<16x1xi32>
        %gather3A_1859 = vector.shape_cast %broadcast_in_dim3A_1858 : vector<16x1xi32> to vector<16xi32>
        %gather3A_1860 = tpu.dynamic_gather %get3A_113[%gather3A_1859] in [0] : vector<16xf32>, vector<16xi32> -> vector<16xf32>
        %broadcast_in_dim3A_1861 = arith.constant 10 : i32
        %broadcast_in_dim3A_1862 = vector.broadcast %broadcast_in_dim3A_1861 : i32 to vector<16xi32>
        %lt3A_1863 = arith.constant 0 : i32
        %lt3A_1864 = vector.broadcast %lt3A_1863 : i32 to vector<16xi32>
        %lt3A_1865 = arith.cmpi slt, %broadcast_in_dim3A_1862, %lt3A_1864 : vector<16xi32>
        %add3A_1866 = arith.constant 16 : i32
        %add3A_1867 = vector.broadcast %add3A_1866 : i32 to vector<16xi32>
        %add3A_1868 = arith.addi %broadcast_in_dim3A_1862, %add3A_1867 : vector<16xi32>
        %select_n3A_1869 = arith.select %lt3A_1865, %add3A_1868, %broadcast_in_dim3A_1862 : vector<16xi1>, vector<16xi32>
        %broadcast_in_dim3A_1870 = vector.shape_cast %select_n3A_1869 : vector<16xi32> to vector<16x1xi32>
        %gather3A_1871 = vector.shape_cast %broadcast_in_dim3A_1870 : vector<16x1xi32> to vector<16xi32>
        %gather3A_1872 = tpu.dynamic_gather %get3A_121[%gather3A_1871] in [0] : vector<16xf32>, vector<16xi32> -> vector<16xf32>
        %sub3A_1873 = arith.subf %gather3A_1848, %get3A_1587 : vector<16xf32>
        %mul3A_1874 = arith.mulf %sub3A_1873, %sub3A_1873 : vector<16xf32>
        %sub3A_1875 = arith.subf %gather3A_1860, %get3A_1615 : vector<16xf32>
        %mul3A_1876 = arith.mulf %sub3A_1875, %sub3A_1875 : vector<16xf32>
        %add3A_1877 = arith.addf %mul3A_1876, %mul3A_1874 : vector<16xf32>
        %sub3A_1878 = arith.subf %gather3A_1872, %get3A_1643 : vector<16xf32>
        %mul3A_1879 = arith.mulf %sub3A_1878, %sub3A_1878 : vector<16xf32>
        %add3A_1880 = arith.addf %mul3A_1879, %add3A_1877 : vector<16xf32>
        %min3A_1881 = arith.minimumf %scan3A_1571, %add3A_1880 : vector<16xf32>
        %min3A_1882 = arith.minimumf %min3A_1806, %add3A_1880 : vector<16xf32>
        %sub3A_1883 = arith.subf %gather3A_1848, %get3A_1594 : vector<16xf32>
        %mul3A_1884 = arith.mulf %sub3A_1883, %sub3A_1883 : vector<16xf32>
        %sub3A_1885 = arith.subf %gather3A_1860, %get3A_1622 : vector<16xf32>
        %mul3A_1886 = arith.mulf %sub3A_1885, %sub3A_1885 : vector<16xf32>
        %add3A_1887 = arith.addf %mul3A_1886, %mul3A_1884 : vector<16xf32>
        %sub3A_1888 = arith.subf %gather3A_1872, %get3A_1650 : vector<16xf32>
        %mul3A_1889 = arith.mulf %sub3A_1888, %sub3A_1888 : vector<16xf32>
        %add3A_1890 = arith.addf %mul3A_1889, %add3A_1887 : vector<16xf32>
        %min3A_1891 = arith.minimumf %min3A_1881, %add3A_1890 : vector<16xf32>
        %min3A_1892 = arith.minimumf %min3A_1816, %add3A_1890 : vector<16xf32>
        %sub3A_1893 = arith.subf %gather3A_1848, %get3A_1601 : vector<16xf32>
        %mul3A_1894 = arith.mulf %sub3A_1893, %sub3A_1893 : vector<16xf32>
        %sub3A_1895 = arith.subf %gather3A_1860, %get3A_1629 : vector<16xf32>
        %mul3A_1896 = arith.mulf %sub3A_1895, %sub3A_1895 : vector<16xf32>
        %add3A_1897 = arith.addf %mul3A_1896, %mul3A_1894 : vector<16xf32>
        %sub3A_1898 = arith.subf %gather3A_1872, %get3A_1657 : vector<16xf32>
        %mul3A_1899 = arith.mulf %sub3A_1898, %sub3A_1898 : vector<16xf32>
        %add3A_1900 = arith.addf %mul3A_1899, %add3A_1897 : vector<16xf32>
        %min3A_1901 = arith.minimumf %min3A_1891, %add3A_1900 : vector<16xf32>
        %min3A_1902 = arith.minimumf %min3A_1826, %add3A_1900 : vector<16xf32>
        %sub3A_1903 = arith.subf %gather3A_1848, %get3A_1608 : vector<16xf32>
        %mul3A_1904 = arith.mulf %sub3A_1903, %sub3A_1903 : vector<16xf32>
        %sub3A_1905 = arith.subf %gather3A_1860, %get3A_1636 : vector<16xf32>
        %mul3A_1906 = arith.mulf %sub3A_1905, %sub3A_1905 : vector<16xf32>
        %add3A_1907 = arith.addf %mul3A_1906, %mul3A_1904 : vector<16xf32>
        %sub3A_1908 = arith.subf %gather3A_1872, %get3A_1664 : vector<16xf32>
        %mul3A_1909 = arith.mulf %sub3A_1908, %sub3A_1908 : vector<16xf32>
        %add3A_1910 = arith.addf %mul3A_1909, %add3A_1907 : vector<16xf32>
        %min3A_1911 = arith.minimumf %min3A_1901, %add3A_1910 : vector<16xf32>
        %min3A_1912 = arith.minimumf %min3A_1836, %add3A_1910 : vector<16xf32>
        %broadcast_in_dim3A_1913 = arith.constant 11 : i32
        %broadcast_in_dim3A_1914 = vector.broadcast %broadcast_in_dim3A_1913 : i32 to vector<16xi32>
        %lt3A_1915 = arith.constant 0 : i32
        %lt3A_1916 = vector.broadcast %lt3A_1915 : i32 to vector<16xi32>
        %lt3A_1917 = arith.cmpi slt, %broadcast_in_dim3A_1914, %lt3A_1916 : vector<16xi32>
        %add3A_1918 = arith.constant 16 : i32
        %add3A_1919 = vector.broadcast %add3A_1918 : i32 to vector<16xi32>
        %add3A_1920 = arith.addi %broadcast_in_dim3A_1914, %add3A_1919 : vector<16xi32>
        %select_n3A_1921 = arith.select %lt3A_1917, %add3A_1920, %broadcast_in_dim3A_1914 : vector<16xi1>, vector<16xi32>
        %broadcast_in_dim3A_1922 = vector.shape_cast %select_n3A_1921 : vector<16xi32> to vector<16x1xi32>
        %gather3A_1923 = vector.shape_cast %broadcast_in_dim3A_1922 : vector<16x1xi32> to vector<16xi32>
        %gather3A_1924 = tpu.dynamic_gather %get3A_105[%gather3A_1923] in [0] : vector<16xf32>, vector<16xi32> -> vector<16xf32>
        %broadcast_in_dim3A_1925 = arith.constant 11 : i32
        %broadcast_in_dim3A_1926 = vector.broadcast %broadcast_in_dim3A_1925 : i32 to vector<16xi32>
        %lt3A_1927 = arith.constant 0 : i32
        %lt3A_1928 = vector.broadcast %lt3A_1927 : i32 to vector<16xi32>
        %lt3A_1929 = arith.cmpi slt, %broadcast_in_dim3A_1926, %lt3A_1928 : vector<16xi32>
        %add3A_1930 = arith.constant 16 : i32
        %add3A_1931 = vector.broadcast %add3A_1930 : i32 to vector<16xi32>
        %add3A_1932 = arith.addi %broadcast_in_dim3A_1926, %add3A_1931 : vector<16xi32>
        %select_n3A_1933 = arith.select %lt3A_1929, %add3A_1932, %broadcast_in_dim3A_1926 : vector<16xi1>, vector<16xi32>
        %broadcast_in_dim3A_1934 = vector.shape_cast %select_n3A_1933 : vector<16xi32> to vector<16x1xi32>
        %gather3A_1935 = vector.shape_cast %broadcast_in_dim3A_1934 : vector<16x1xi32> to vector<16xi32>
        %gather3A_1936 = tpu.dynamic_gather %get3A_113[%gather3A_1935] in [0] : vector<16xf32>, vector<16xi32> -> vector<16xf32>
        %broadcast_in_dim3A_1937 = arith.constant 11 : i32
        %broadcast_in_dim3A_1938 = vector.broadcast %broadcast_in_dim3A_1937 : i32 to vector<16xi32>
        %lt3A_1939 = arith.constant 0 : i32
        %lt3A_1940 = vector.broadcast %lt3A_1939 : i32 to vector<16xi32>
        %lt3A_1941 = arith.cmpi slt, %broadcast_in_dim3A_1938, %lt3A_1940 : vector<16xi32>
        %add3A_1942 = arith.constant 16 : i32
        %add3A_1943 = vector.broadcast %add3A_1942 : i32 to vector<16xi32>
        %add3A_1944 = arith.addi %broadcast_in_dim3A_1938, %add3A_1943 : vector<16xi32>
        %select_n3A_1945 = arith.select %lt3A_1941, %add3A_1944, %broadcast_in_dim3A_1938 : vector<16xi1>, vector<16xi32>
        %broadcast_in_dim3A_1946 = vector.shape_cast %select_n3A_1945 : vector<16xi32> to vector<16x1xi32>
        %gather3A_1947 = vector.shape_cast %broadcast_in_dim3A_1946 : vector<16x1xi32> to vector<16xi32>
        %gather3A_1948 = tpu.dynamic_gather %get3A_121[%gather3A_1947] in [0] : vector<16xf32>, vector<16xi32> -> vector<16xf32>
        %sub3A_1949 = arith.subf %gather3A_1924, %get3A_1587 : vector<16xf32>
        %mul3A_1950 = arith.mulf %sub3A_1949, %sub3A_1949 : vector<16xf32>
        %sub3A_1951 = arith.subf %gather3A_1936, %get3A_1615 : vector<16xf32>
        %mul3A_1952 = arith.mulf %sub3A_1951, %sub3A_1951 : vector<16xf32>
        %add3A_1953 = arith.addf %mul3A_1952, %mul3A_1950 : vector<16xf32>
        %sub3A_1954 = arith.subf %gather3A_1948, %get3A_1643 : vector<16xf32>
        %mul3A_1955 = arith.mulf %sub3A_1954, %sub3A_1954 : vector<16xf32>
        %add3A_1956 = arith.addf %mul3A_1955, %add3A_1953 : vector<16xf32>
        %min3A_1957 = arith.minimumf %scan3A_1572, %add3A_1956 : vector<16xf32>
        %min3A_1958 = arith.minimumf %min3A_1882, %add3A_1956 : vector<16xf32>
        %sub3A_1959 = arith.subf %gather3A_1924, %get3A_1594 : vector<16xf32>
        %mul3A_1960 = arith.mulf %sub3A_1959, %sub3A_1959 : vector<16xf32>
        %sub3A_1961 = arith.subf %gather3A_1936, %get3A_1622 : vector<16xf32>
        %mul3A_1962 = arith.mulf %sub3A_1961, %sub3A_1961 : vector<16xf32>
        %add3A_1963 = arith.addf %mul3A_1962, %mul3A_1960 : vector<16xf32>
        %sub3A_1964 = arith.subf %gather3A_1948, %get3A_1650 : vector<16xf32>
        %mul3A_1965 = arith.mulf %sub3A_1964, %sub3A_1964 : vector<16xf32>
        %add3A_1966 = arith.addf %mul3A_1965, %add3A_1963 : vector<16xf32>
        %min3A_1967 = arith.minimumf %min3A_1957, %add3A_1966 : vector<16xf32>
        %min3A_1968 = arith.minimumf %min3A_1892, %add3A_1966 : vector<16xf32>
        %sub3A_1969 = arith.subf %gather3A_1924, %get3A_1601 : vector<16xf32>
        %mul3A_1970 = arith.mulf %sub3A_1969, %sub3A_1969 : vector<16xf32>
        %sub3A_1971 = arith.subf %gather3A_1936, %get3A_1629 : vector<16xf32>
        %mul3A_1972 = arith.mulf %sub3A_1971, %sub3A_1971 : vector<16xf32>
        %add3A_1973 = arith.addf %mul3A_1972, %mul3A_1970 : vector<16xf32>
        %sub3A_1974 = arith.subf %gather3A_1948, %get3A_1657 : vector<16xf32>
        %mul3A_1975 = arith.mulf %sub3A_1974, %sub3A_1974 : vector<16xf32>
        %add3A_1976 = arith.addf %mul3A_1975, %add3A_1973 : vector<16xf32>
        %min3A_1977 = arith.minimumf %min3A_1967, %add3A_1976 : vector<16xf32>
        %min3A_1978 = arith.minimumf %min3A_1902, %add3A_1976 : vector<16xf32>
        %sub3A_1979 = arith.subf %gather3A_1924, %get3A_1608 : vector<16xf32>
        %mul3A_1980 = arith.mulf %sub3A_1979, %sub3A_1979 : vector<16xf32>
        %sub3A_1981 = arith.subf %gather3A_1936, %get3A_1636 : vector<16xf32>
        %mul3A_1982 = arith.mulf %sub3A_1981, %sub3A_1981 : vector<16xf32>
        %add3A_1983 = arith.addf %mul3A_1982, %mul3A_1980 : vector<16xf32>
        %sub3A_1984 = arith.subf %gather3A_1948, %get3A_1664 : vector<16xf32>
        %mul3A_1985 = arith.mulf %sub3A_1984, %sub3A_1984 : vector<16xf32>
        %add3A_1986 = arith.addf %mul3A_1985, %add3A_1983 : vector<16xf32>
        %min3A_1987 = arith.minimumf %min3A_1977, %add3A_1986 : vector<16xf32>
        %min3A_1988 = arith.minimumf %min3A_1912, %add3A_1986 : vector<16xf32>
        %broadcast_in_dim3A_1989 = arith.constant 12 : i32
        %broadcast_in_dim3A_1990 = vector.broadcast %broadcast_in_dim3A_1989 : i32 to vector<16xi32>
        %lt3A_1991 = arith.constant 0 : i32
        %lt3A_1992 = vector.broadcast %lt3A_1991 : i32 to vector<16xi32>
        %lt3A_1993 = arith.cmpi slt, %broadcast_in_dim3A_1990, %lt3A_1992 : vector<16xi32>
        %add3A_1994 = arith.constant 16 : i32
        %add3A_1995 = vector.broadcast %add3A_1994 : i32 to vector<16xi32>
        %add3A_1996 = arith.addi %broadcast_in_dim3A_1990, %add3A_1995 : vector<16xi32>
        %select_n3A_1997 = arith.select %lt3A_1993, %add3A_1996, %broadcast_in_dim3A_1990 : vector<16xi1>, vector<16xi32>
        %broadcast_in_dim3A_1998 = vector.shape_cast %select_n3A_1997 : vector<16xi32> to vector<16x1xi32>
        %gather3A_1999 = vector.shape_cast %broadcast_in_dim3A_1998 : vector<16x1xi32> to vector<16xi32>
        %gather3A_2000 = tpu.dynamic_gather %get3A_105[%gather3A_1999] in [0] : vector<16xf32>, vector<16xi32> -> vector<16xf32>
        %broadcast_in_dim3A_2001 = arith.constant 12 : i32
        %broadcast_in_dim3A_2002 = vector.broadcast %broadcast_in_dim3A_2001 : i32 to vector<16xi32>
        %lt3A_2003 = arith.constant 0 : i32
        %lt3A_2004 = vector.broadcast %lt3A_2003 : i32 to vector<16xi32>
        %lt3A_2005 = arith.cmpi slt, %broadcast_in_dim3A_2002, %lt3A_2004 : vector<16xi32>
        %add3A_2006 = arith.constant 16 : i32
        %add3A_2007 = vector.broadcast %add3A_2006 : i32 to vector<16xi32>
        %add3A_2008 = arith.addi %broadcast_in_dim3A_2002, %add3A_2007 : vector<16xi32>
        %select_n3A_2009 = arith.select %lt3A_2005, %add3A_2008, %broadcast_in_dim3A_2002 : vector<16xi1>, vector<16xi32>
        %broadcast_in_dim3A_2010 = vector.shape_cast %select_n3A_2009 : vector<16xi32> to vector<16x1xi32>
        %gather3A_2011 = vector.shape_cast %broadcast_in_dim3A_2010 : vector<16x1xi32> to vector<16xi32>
        %gather3A_2012 = tpu.dynamic_gather %get3A_113[%gather3A_2011] in [0] : vector<16xf32>, vector<16xi32> -> vector<16xf32>
        %broadcast_in_dim3A_2013 = arith.constant 12 : i32
        %broadcast_in_dim3A_2014 = vector.broadcast %broadcast_in_dim3A_2013 : i32 to vector<16xi32>
        %lt3A_2015 = arith.constant 0 : i32
        %lt3A_2016 = vector.broadcast %lt3A_2015 : i32 to vector<16xi32>
        %lt3A_2017 = arith.cmpi slt, %broadcast_in_dim3A_2014, %lt3A_2016 : vector<16xi32>
        %add3A_2018 = arith.constant 16 : i32
        %add3A_2019 = vector.broadcast %add3A_2018 : i32 to vector<16xi32>
        %add3A_2020 = arith.addi %broadcast_in_dim3A_2014, %add3A_2019 : vector<16xi32>
        %select_n3A_2021 = arith.select %lt3A_2017, %add3A_2020, %broadcast_in_dim3A_2014 : vector<16xi1>, vector<16xi32>
        %broadcast_in_dim3A_2022 = vector.shape_cast %select_n3A_2021 : vector<16xi32> to vector<16x1xi32>
        %gather3A_2023 = vector.shape_cast %broadcast_in_dim3A_2022 : vector<16x1xi32> to vector<16xi32>
        %gather3A_2024 = tpu.dynamic_gather %get3A_121[%gather3A_2023] in [0] : vector<16xf32>, vector<16xi32> -> vector<16xf32>
        %sub3A_2025 = arith.subf %gather3A_2000, %get3A_1587 : vector<16xf32>
        %mul3A_2026 = arith.mulf %sub3A_2025, %sub3A_2025 : vector<16xf32>
        %sub3A_2027 = arith.subf %gather3A_2012, %get3A_1615 : vector<16xf32>
        %mul3A_2028 = arith.mulf %sub3A_2027, %sub3A_2027 : vector<16xf32>
        %add3A_2029 = arith.addf %mul3A_2028, %mul3A_2026 : vector<16xf32>
        %sub3A_2030 = arith.subf %gather3A_2024, %get3A_1643 : vector<16xf32>
        %mul3A_2031 = arith.mulf %sub3A_2030, %sub3A_2030 : vector<16xf32>
        %add3A_2032 = arith.addf %mul3A_2031, %add3A_2029 : vector<16xf32>
        %min3A_2033 = arith.minimumf %scan3A_1573, %add3A_2032 : vector<16xf32>
        %min3A_2034 = arith.minimumf %min3A_1958, %add3A_2032 : vector<16xf32>
        %sub3A_2035 = arith.subf %gather3A_2000, %get3A_1594 : vector<16xf32>
        %mul3A_2036 = arith.mulf %sub3A_2035, %sub3A_2035 : vector<16xf32>
        %sub3A_2037 = arith.subf %gather3A_2012, %get3A_1622 : vector<16xf32>
        %mul3A_2038 = arith.mulf %sub3A_2037, %sub3A_2037 : vector<16xf32>
        %add3A_2039 = arith.addf %mul3A_2038, %mul3A_2036 : vector<16xf32>
        %sub3A_2040 = arith.subf %gather3A_2024, %get3A_1650 : vector<16xf32>
        %mul3A_2041 = arith.mulf %sub3A_2040, %sub3A_2040 : vector<16xf32>
        %add3A_2042 = arith.addf %mul3A_2041, %add3A_2039 : vector<16xf32>
        %min3A_2043 = arith.minimumf %min3A_2033, %add3A_2042 : vector<16xf32>
        %min3A_2044 = arith.minimumf %min3A_1968, %add3A_2042 : vector<16xf32>
        %sub3A_2045 = arith.subf %gather3A_2000, %get3A_1601 : vector<16xf32>
        %mul3A_2046 = arith.mulf %sub3A_2045, %sub3A_2045 : vector<16xf32>
        %sub3A_2047 = arith.subf %gather3A_2012, %get3A_1629 : vector<16xf32>
        %mul3A_2048 = arith.mulf %sub3A_2047, %sub3A_2047 : vector<16xf32>
        %add3A_2049 = arith.addf %mul3A_2048, %mul3A_2046 : vector<16xf32>
        %sub3A_2050 = arith.subf %gather3A_2024, %get3A_1657 : vector<16xf32>
        %mul3A_2051 = arith.mulf %sub3A_2050, %sub3A_2050 : vector<16xf32>
        %add3A_2052 = arith.addf %mul3A_2051, %add3A_2049 : vector<16xf32>
        %min3A_2053 = arith.minimumf %min3A_2043, %add3A_2052 : vector<16xf32>
        %min3A_2054 = arith.minimumf %min3A_1978, %add3A_2052 : vector<16xf32>
        %sub3A_2055 = arith.subf %gather3A_2000, %get3A_1608 : vector<16xf32>
        %mul3A_2056 = arith.mulf %sub3A_2055, %sub3A_2055 : vector<16xf32>
        %sub3A_2057 = arith.subf %gather3A_2012, %get3A_1636 : vector<16xf32>
        %mul3A_2058 = arith.mulf %sub3A_2057, %sub3A_2057 : vector<16xf32>
        %add3A_2059 = arith.addf %mul3A_2058, %mul3A_2056 : vector<16xf32>
        %sub3A_2060 = arith.subf %gather3A_2024, %get3A_1664 : vector<16xf32>
        %mul3A_2061 = arith.mulf %sub3A_2060, %sub3A_2060 : vector<16xf32>
        %add3A_2062 = arith.addf %mul3A_2061, %add3A_2059 : vector<16xf32>
        %min3A_2063 = arith.minimumf %min3A_2053, %add3A_2062 : vector<16xf32>
        %min3A_2064 = arith.minimumf %min3A_1988, %add3A_2062 : vector<16xf32>
        %broadcast_in_dim3A_2065 = arith.constant 13 : i32
        %broadcast_in_dim3A_2066 = vector.broadcast %broadcast_in_dim3A_2065 : i32 to vector<16xi32>
        %lt3A_2067 = arith.constant 0 : i32
        %lt3A_2068 = vector.broadcast %lt3A_2067 : i32 to vector<16xi32>
        %lt3A_2069 = arith.cmpi slt, %broadcast_in_dim3A_2066, %lt3A_2068 : vector<16xi32>
        %add3A_2070 = arith.constant 16 : i32
        %add3A_2071 = vector.broadcast %add3A_2070 : i32 to vector<16xi32>
        %add3A_2072 = arith.addi %broadcast_in_dim3A_2066, %add3A_2071 : vector<16xi32>
        %select_n3A_2073 = arith.select %lt3A_2069, %add3A_2072, %broadcast_in_dim3A_2066 : vector<16xi1>, vector<16xi32>
        %broadcast_in_dim3A_2074 = vector.shape_cast %select_n3A_2073 : vector<16xi32> to vector<16x1xi32>
        %gather3A_2075 = vector.shape_cast %broadcast_in_dim3A_2074 : vector<16x1xi32> to vector<16xi32>
        %gather3A_2076 = tpu.dynamic_gather %get3A_105[%gather3A_2075] in [0] : vector<16xf32>, vector<16xi32> -> vector<16xf32>
        %broadcast_in_dim3A_2077 = arith.constant 13 : i32
        %broadcast_in_dim3A_2078 = vector.broadcast %broadcast_in_dim3A_2077 : i32 to vector<16xi32>
        %lt3A_2079 = arith.constant 0 : i32
        %lt3A_2080 = vector.broadcast %lt3A_2079 : i32 to vector<16xi32>
        %lt3A_2081 = arith.cmpi slt, %broadcast_in_dim3A_2078, %lt3A_2080 : vector<16xi32>
        %add3A_2082 = arith.constant 16 : i32
        %add3A_2083 = vector.broadcast %add3A_2082 : i32 to vector<16xi32>
        %add3A_2084 = arith.addi %broadcast_in_dim3A_2078, %add3A_2083 : vector<16xi32>
        %select_n3A_2085 = arith.select %lt3A_2081, %add3A_2084, %broadcast_in_dim3A_2078 : vector<16xi1>, vector<16xi32>
        %broadcast_in_dim3A_2086 = vector.shape_cast %select_n3A_2085 : vector<16xi32> to vector<16x1xi32>
        %gather3A_2087 = vector.shape_cast %broadcast_in_dim3A_2086 : vector<16x1xi32> to vector<16xi32>
        %gather3A_2088 = tpu.dynamic_gather %get3A_113[%gather3A_2087] in [0] : vector<16xf32>, vector<16xi32> -> vector<16xf32>
        %broadcast_in_dim3A_2089 = arith.constant 13 : i32
        %broadcast_in_dim3A_2090 = vector.broadcast %broadcast_in_dim3A_2089 : i32 to vector<16xi32>
        %lt3A_2091 = arith.constant 0 : i32
        %lt3A_2092 = vector.broadcast %lt3A_2091 : i32 to vector<16xi32>
        %lt3A_2093 = arith.cmpi slt, %broadcast_in_dim3A_2090, %lt3A_2092 : vector<16xi32>
        %add3A_2094 = arith.constant 16 : i32
        %add3A_2095 = vector.broadcast %add3A_2094 : i32 to vector<16xi32>
        %add3A_2096 = arith.addi %broadcast_in_dim3A_2090, %add3A_2095 : vector<16xi32>
        %select_n3A_2097 = arith.select %lt3A_2093, %add3A_2096, %broadcast_in_dim3A_2090 : vector<16xi1>, vector<16xi32>
        %broadcast_in_dim3A_2098 = vector.shape_cast %select_n3A_2097 : vector<16xi32> to vector<16x1xi32>
        %gather3A_2099 = vector.shape_cast %broadcast_in_dim3A_2098 : vector<16x1xi32> to vector<16xi32>
        %gather3A_2100 = tpu.dynamic_gather %get3A_121[%gather3A_2099] in [0] : vector<16xf32>, vector<16xi32> -> vector<16xf32>
        %sub3A_2101 = arith.subf %gather3A_2076, %get3A_1587 : vector<16xf32>
        %mul3A_2102 = arith.mulf %sub3A_2101, %sub3A_2101 : vector<16xf32>
        %sub3A_2103 = arith.subf %gather3A_2088, %get3A_1615 : vector<16xf32>
        %mul3A_2104 = arith.mulf %sub3A_2103, %sub3A_2103 : vector<16xf32>
        %add3A_2105 = arith.addf %mul3A_2104, %mul3A_2102 : vector<16xf32>
        %sub3A_2106 = arith.subf %gather3A_2100, %get3A_1643 : vector<16xf32>
        %mul3A_2107 = arith.mulf %sub3A_2106, %sub3A_2106 : vector<16xf32>
        %add3A_2108 = arith.addf %mul3A_2107, %add3A_2105 : vector<16xf32>
        %min3A_2109 = arith.minimumf %scan3A_1574, %add3A_2108 : vector<16xf32>
        %min3A_2110 = arith.minimumf %min3A_2034, %add3A_2108 : vector<16xf32>
        %sub3A_2111 = arith.subf %gather3A_2076, %get3A_1594 : vector<16xf32>
        %mul3A_2112 = arith.mulf %sub3A_2111, %sub3A_2111 : vector<16xf32>
        %sub3A_2113 = arith.subf %gather3A_2088, %get3A_1622 : vector<16xf32>
        %mul3A_2114 = arith.mulf %sub3A_2113, %sub3A_2113 : vector<16xf32>
        %add3A_2115 = arith.addf %mul3A_2114, %mul3A_2112 : vector<16xf32>
        %sub3A_2116 = arith.subf %gather3A_2100, %get3A_1650 : vector<16xf32>
        %mul3A_2117 = arith.mulf %sub3A_2116, %sub3A_2116 : vector<16xf32>
        %add3A_2118 = arith.addf %mul3A_2117, %add3A_2115 : vector<16xf32>
        %min3A_2119 = arith.minimumf %min3A_2109, %add3A_2118 : vector<16xf32>
        %min3A_2120 = arith.minimumf %min3A_2044, %add3A_2118 : vector<16xf32>
        %sub3A_2121 = arith.subf %gather3A_2076, %get3A_1601 : vector<16xf32>
        %mul3A_2122 = arith.mulf %sub3A_2121, %sub3A_2121 : vector<16xf32>
        %sub3A_2123 = arith.subf %gather3A_2088, %get3A_1629 : vector<16xf32>
        %mul3A_2124 = arith.mulf %sub3A_2123, %sub3A_2123 : vector<16xf32>
        %add3A_2125 = arith.addf %mul3A_2124, %mul3A_2122 : vector<16xf32>
        %sub3A_2126 = arith.subf %gather3A_2100, %get3A_1657 : vector<16xf32>
        %mul3A_2127 = arith.mulf %sub3A_2126, %sub3A_2126 : vector<16xf32>
        %add3A_2128 = arith.addf %mul3A_2127, %add3A_2125 : vector<16xf32>
        %min3A_2129 = arith.minimumf %min3A_2119, %add3A_2128 : vector<16xf32>
        %min3A_2130 = arith.minimumf %min3A_2054, %add3A_2128 : vector<16xf32>
        %sub3A_2131 = arith.subf %gather3A_2076, %get3A_1608 : vector<16xf32>
        %mul3A_2132 = arith.mulf %sub3A_2131, %sub3A_2131 : vector<16xf32>
        %sub3A_2133 = arith.subf %gather3A_2088, %get3A_1636 : vector<16xf32>
        %mul3A_2134 = arith.mulf %sub3A_2133, %sub3A_2133 : vector<16xf32>
        %add3A_2135 = arith.addf %mul3A_2134, %mul3A_2132 : vector<16xf32>
        %sub3A_2136 = arith.subf %gather3A_2100, %get3A_1664 : vector<16xf32>
        %mul3A_2137 = arith.mulf %sub3A_2136, %sub3A_2136 : vector<16xf32>
        %add3A_2138 = arith.addf %mul3A_2137, %add3A_2135 : vector<16xf32>
        %min3A_2139 = arith.minimumf %min3A_2129, %add3A_2138 : vector<16xf32>
        %min3A_2140 = arith.minimumf %min3A_2064, %add3A_2138 : vector<16xf32>
        %broadcast_in_dim3A_2141 = arith.constant 14 : i32
        %broadcast_in_dim3A_2142 = vector.broadcast %broadcast_in_dim3A_2141 : i32 to vector<16xi32>
        %lt3A_2143 = arith.constant 0 : i32
        %lt3A_2144 = vector.broadcast %lt3A_2143 : i32 to vector<16xi32>
        %lt3A_2145 = arith.cmpi slt, %broadcast_in_dim3A_2142, %lt3A_2144 : vector<16xi32>
        %add3A_2146 = arith.constant 16 : i32
        %add3A_2147 = vector.broadcast %add3A_2146 : i32 to vector<16xi32>
        %add3A_2148 = arith.addi %broadcast_in_dim3A_2142, %add3A_2147 : vector<16xi32>
        %select_n3A_2149 = arith.select %lt3A_2145, %add3A_2148, %broadcast_in_dim3A_2142 : vector<16xi1>, vector<16xi32>
        %broadcast_in_dim3A_2150 = vector.shape_cast %select_n3A_2149 : vector<16xi32> to vector<16x1xi32>
        %gather3A_2151 = vector.shape_cast %broadcast_in_dim3A_2150 : vector<16x1xi32> to vector<16xi32>
        %gather3A_2152 = tpu.dynamic_gather %get3A_105[%gather3A_2151] in [0] : vector<16xf32>, vector<16xi32> -> vector<16xf32>
        %broadcast_in_dim3A_2153 = arith.constant 14 : i32
        %broadcast_in_dim3A_2154 = vector.broadcast %broadcast_in_dim3A_2153 : i32 to vector<16xi32>
        %lt3A_2155 = arith.constant 0 : i32
        %lt3A_2156 = vector.broadcast %lt3A_2155 : i32 to vector<16xi32>
        %lt3A_2157 = arith.cmpi slt, %broadcast_in_dim3A_2154, %lt3A_2156 : vector<16xi32>
        %add3A_2158 = arith.constant 16 : i32
        %add3A_2159 = vector.broadcast %add3A_2158 : i32 to vector<16xi32>
        %add3A_2160 = arith.addi %broadcast_in_dim3A_2154, %add3A_2159 : vector<16xi32>
        %select_n3A_2161 = arith.select %lt3A_2157, %add3A_2160, %broadcast_in_dim3A_2154 : vector<16xi1>, vector<16xi32>
        %broadcast_in_dim3A_2162 = vector.shape_cast %select_n3A_2161 : vector<16xi32> to vector<16x1xi32>
        %gather3A_2163 = vector.shape_cast %broadcast_in_dim3A_2162 : vector<16x1xi32> to vector<16xi32>
        %gather3A_2164 = tpu.dynamic_gather %get3A_113[%gather3A_2163] in [0] : vector<16xf32>, vector<16xi32> -> vector<16xf32>
        %broadcast_in_dim3A_2165 = arith.constant 14 : i32
        %broadcast_in_dim3A_2166 = vector.broadcast %broadcast_in_dim3A_2165 : i32 to vector<16xi32>
        %lt3A_2167 = arith.constant 0 : i32
        %lt3A_2168 = vector.broadcast %lt3A_2167 : i32 to vector<16xi32>
        %lt3A_2169 = arith.cmpi slt, %broadcast_in_dim3A_2166, %lt3A_2168 : vector<16xi32>
        %add3A_2170 = arith.constant 16 : i32
        %add3A_2171 = vector.broadcast %add3A_2170 : i32 to vector<16xi32>
        %add3A_2172 = arith.addi %broadcast_in_dim3A_2166, %add3A_2171 : vector<16xi32>
        %select_n3A_2173 = arith.select %lt3A_2169, %add3A_2172, %broadcast_in_dim3A_2166 : vector<16xi1>, vector<16xi32>
        %broadcast_in_dim3A_2174 = vector.shape_cast %select_n3A_2173 : vector<16xi32> to vector<16x1xi32>
        %gather3A_2175 = vector.shape_cast %broadcast_in_dim3A_2174 : vector<16x1xi32> to vector<16xi32>
        %gather3A_2176 = tpu.dynamic_gather %get3A_121[%gather3A_2175] in [0] : vector<16xf32>, vector<16xi32> -> vector<16xf32>
        %sub3A_2177 = arith.subf %gather3A_2152, %get3A_1587 : vector<16xf32>
        %mul3A_2178 = arith.mulf %sub3A_2177, %sub3A_2177 : vector<16xf32>
        %sub3A_2179 = arith.subf %gather3A_2164, %get3A_1615 : vector<16xf32>
        %mul3A_2180 = arith.mulf %sub3A_2179, %sub3A_2179 : vector<16xf32>
        %add3A_2181 = arith.addf %mul3A_2180, %mul3A_2178 : vector<16xf32>
        %sub3A_2182 = arith.subf %gather3A_2176, %get3A_1643 : vector<16xf32>
        %mul3A_2183 = arith.mulf %sub3A_2182, %sub3A_2182 : vector<16xf32>
        %add3A_2184 = arith.addf %mul3A_2183, %add3A_2181 : vector<16xf32>
        %min3A_2185 = arith.minimumf %scan3A_1575, %add3A_2184 : vector<16xf32>
        %min3A_2186 = arith.minimumf %min3A_2110, %add3A_2184 : vector<16xf32>
        %sub3A_2187 = arith.subf %gather3A_2152, %get3A_1594 : vector<16xf32>
        %mul3A_2188 = arith.mulf %sub3A_2187, %sub3A_2187 : vector<16xf32>
        %sub3A_2189 = arith.subf %gather3A_2164, %get3A_1622 : vector<16xf32>
        %mul3A_2190 = arith.mulf %sub3A_2189, %sub3A_2189 : vector<16xf32>
        %add3A_2191 = arith.addf %mul3A_2190, %mul3A_2188 : vector<16xf32>
        %sub3A_2192 = arith.subf %gather3A_2176, %get3A_1650 : vector<16xf32>
        %mul3A_2193 = arith.mulf %sub3A_2192, %sub3A_2192 : vector<16xf32>
        %add3A_2194 = arith.addf %mul3A_2193, %add3A_2191 : vector<16xf32>
        %min3A_2195 = arith.minimumf %min3A_2185, %add3A_2194 : vector<16xf32>
        %min3A_2196 = arith.minimumf %min3A_2120, %add3A_2194 : vector<16xf32>
        %sub3A_2197 = arith.subf %gather3A_2152, %get3A_1601 : vector<16xf32>
        %mul3A_2198 = arith.mulf %sub3A_2197, %sub3A_2197 : vector<16xf32>
        %sub3A_2199 = arith.subf %gather3A_2164, %get3A_1629 : vector<16xf32>
        %mul3A_2200 = arith.mulf %sub3A_2199, %sub3A_2199 : vector<16xf32>
        %add3A_2201 = arith.addf %mul3A_2200, %mul3A_2198 : vector<16xf32>
        %sub3A_2202 = arith.subf %gather3A_2176, %get3A_1657 : vector<16xf32>
        %mul3A_2203 = arith.mulf %sub3A_2202, %sub3A_2202 : vector<16xf32>
        %add3A_2204 = arith.addf %mul3A_2203, %add3A_2201 : vector<16xf32>
        %min3A_2205 = arith.minimumf %min3A_2195, %add3A_2204 : vector<16xf32>
        %min3A_2206 = arith.minimumf %min3A_2130, %add3A_2204 : vector<16xf32>
        %sub3A_2207 = arith.subf %gather3A_2152, %get3A_1608 : vector<16xf32>
        %mul3A_2208 = arith.mulf %sub3A_2207, %sub3A_2207 : vector<16xf32>
        %sub3A_2209 = arith.subf %gather3A_2164, %get3A_1636 : vector<16xf32>
        %mul3A_2210 = arith.mulf %sub3A_2209, %sub3A_2209 : vector<16xf32>
        %add3A_2211 = arith.addf %mul3A_2210, %mul3A_2208 : vector<16xf32>
        %sub3A_2212 = arith.subf %gather3A_2176, %get3A_1664 : vector<16xf32>
        %mul3A_2213 = arith.mulf %sub3A_2212, %sub3A_2212 : vector<16xf32>
        %add3A_2214 = arith.addf %mul3A_2213, %add3A_2211 : vector<16xf32>
        %min3A_2215 = arith.minimumf %min3A_2205, %add3A_2214 : vector<16xf32>
        %min3A_2216 = arith.minimumf %min3A_2140, %add3A_2214 : vector<16xf32>
        %broadcast_in_dim3A_2217 = arith.constant 15 : i32
        %broadcast_in_dim3A_2218 = vector.broadcast %broadcast_in_dim3A_2217 : i32 to vector<16xi32>
        %lt3A_2219 = arith.constant 0 : i32
        %lt3A_2220 = vector.broadcast %lt3A_2219 : i32 to vector<16xi32>
        %lt3A_2221 = arith.cmpi slt, %broadcast_in_dim3A_2218, %lt3A_2220 : vector<16xi32>
        %add3A_2222 = arith.constant 16 : i32
        %add3A_2223 = vector.broadcast %add3A_2222 : i32 to vector<16xi32>
        %add3A_2224 = arith.addi %broadcast_in_dim3A_2218, %add3A_2223 : vector<16xi32>
        %select_n3A_2225 = arith.select %lt3A_2221, %add3A_2224, %broadcast_in_dim3A_2218 : vector<16xi1>, vector<16xi32>
        %broadcast_in_dim3A_2226 = vector.shape_cast %select_n3A_2225 : vector<16xi32> to vector<16x1xi32>
        %gather3A_2227 = vector.shape_cast %broadcast_in_dim3A_2226 : vector<16x1xi32> to vector<16xi32>
        %gather3A_2228 = tpu.dynamic_gather %get3A_105[%gather3A_2227] in [0] : vector<16xf32>, vector<16xi32> -> vector<16xf32>
        %broadcast_in_dim3A_2229 = arith.constant 15 : i32
        %broadcast_in_dim3A_2230 = vector.broadcast %broadcast_in_dim3A_2229 : i32 to vector<16xi32>
        %lt3A_2231 = arith.constant 0 : i32
        %lt3A_2232 = vector.broadcast %lt3A_2231 : i32 to vector<16xi32>
        %lt3A_2233 = arith.cmpi slt, %broadcast_in_dim3A_2230, %lt3A_2232 : vector<16xi32>
        %add3A_2234 = arith.constant 16 : i32
        %add3A_2235 = vector.broadcast %add3A_2234 : i32 to vector<16xi32>
        %add3A_2236 = arith.addi %broadcast_in_dim3A_2230, %add3A_2235 : vector<16xi32>
        %select_n3A_2237 = arith.select %lt3A_2233, %add3A_2236, %broadcast_in_dim3A_2230 : vector<16xi1>, vector<16xi32>
        %broadcast_in_dim3A_2238 = vector.shape_cast %select_n3A_2237 : vector<16xi32> to vector<16x1xi32>
        %gather3A_2239 = vector.shape_cast %broadcast_in_dim3A_2238 : vector<16x1xi32> to vector<16xi32>
        %gather3A_2240 = tpu.dynamic_gather %get3A_113[%gather3A_2239] in [0] : vector<16xf32>, vector<16xi32> -> vector<16xf32>
        %broadcast_in_dim3A_2241 = arith.constant 15 : i32
        %broadcast_in_dim3A_2242 = vector.broadcast %broadcast_in_dim3A_2241 : i32 to vector<16xi32>
        %lt3A_2243 = arith.constant 0 : i32
        %lt3A_2244 = vector.broadcast %lt3A_2243 : i32 to vector<16xi32>
        %lt3A_2245 = arith.cmpi slt, %broadcast_in_dim3A_2242, %lt3A_2244 : vector<16xi32>
        %add3A_2246 = arith.constant 16 : i32
        %add3A_2247 = vector.broadcast %add3A_2246 : i32 to vector<16xi32>
        %add3A_2248 = arith.addi %broadcast_in_dim3A_2242, %add3A_2247 : vector<16xi32>
        %select_n3A_2249 = arith.select %lt3A_2245, %add3A_2248, %broadcast_in_dim3A_2242 : vector<16xi1>, vector<16xi32>
        %broadcast_in_dim3A_2250 = vector.shape_cast %select_n3A_2249 : vector<16xi32> to vector<16x1xi32>
        %gather3A_2251 = vector.shape_cast %broadcast_in_dim3A_2250 : vector<16x1xi32> to vector<16xi32>
        %gather3A_2252 = tpu.dynamic_gather %get3A_121[%gather3A_2251] in [0] : vector<16xf32>, vector<16xi32> -> vector<16xf32>
        %sub3A_2253 = arith.subf %gather3A_2228, %get3A_1587 : vector<16xf32>
        %mul3A_2254 = arith.mulf %sub3A_2253, %sub3A_2253 : vector<16xf32>
        %sub3A_2255 = arith.subf %gather3A_2240, %get3A_1615 : vector<16xf32>
        %mul3A_2256 = arith.mulf %sub3A_2255, %sub3A_2255 : vector<16xf32>
        %add3A_2257 = arith.addf %mul3A_2256, %mul3A_2254 : vector<16xf32>
        %sub3A_2258 = arith.subf %gather3A_2252, %get3A_1643 : vector<16xf32>
        %mul3A_2259 = arith.mulf %sub3A_2258, %sub3A_2258 : vector<16xf32>
        %add3A_2260 = arith.addf %mul3A_2259, %add3A_2257 : vector<16xf32>
        %min3A_2261 = arith.minimumf %scan3A_1576, %add3A_2260 : vector<16xf32>
        %min3A_2262 = arith.minimumf %min3A_2186, %add3A_2260 : vector<16xf32>
        %sub3A_2263 = arith.subf %gather3A_2228, %get3A_1594 : vector<16xf32>
        %mul3A_2264 = arith.mulf %sub3A_2263, %sub3A_2263 : vector<16xf32>
        %sub3A_2265 = arith.subf %gather3A_2240, %get3A_1622 : vector<16xf32>
        %mul3A_2266 = arith.mulf %sub3A_2265, %sub3A_2265 : vector<16xf32>
        %add3A_2267 = arith.addf %mul3A_2266, %mul3A_2264 : vector<16xf32>
        %sub3A_2268 = arith.subf %gather3A_2252, %get3A_1650 : vector<16xf32>
        %mul3A_2269 = arith.mulf %sub3A_2268, %sub3A_2268 : vector<16xf32>
        %add3A_2270 = arith.addf %mul3A_2269, %add3A_2267 : vector<16xf32>
        %min3A_2271 = arith.minimumf %min3A_2261, %add3A_2270 : vector<16xf32>
        %min3A_2272 = arith.minimumf %min3A_2196, %add3A_2270 : vector<16xf32>
        %sub3A_2273 = arith.subf %gather3A_2228, %get3A_1601 : vector<16xf32>
        %mul3A_2274 = arith.mulf %sub3A_2273, %sub3A_2273 : vector<16xf32>
        %sub3A_2275 = arith.subf %gather3A_2240, %get3A_1629 : vector<16xf32>
        %mul3A_2276 = arith.mulf %sub3A_2275, %sub3A_2275 : vector<16xf32>
        %add3A_2277 = arith.addf %mul3A_2276, %mul3A_2274 : vector<16xf32>
        %sub3A_2278 = arith.subf %gather3A_2252, %get3A_1657 : vector<16xf32>
        %mul3A_2279 = arith.mulf %sub3A_2278, %sub3A_2278 : vector<16xf32>
        %add3A_2280 = arith.addf %mul3A_2279, %add3A_2277 : vector<16xf32>
        %min3A_2281 = arith.minimumf %min3A_2271, %add3A_2280 : vector<16xf32>
        %min3A_2282 = arith.minimumf %min3A_2206, %add3A_2280 : vector<16xf32>
        %sub3A_2283 = arith.subf %gather3A_2228, %get3A_1608 : vector<16xf32>
        %mul3A_2284 = arith.mulf %sub3A_2283, %sub3A_2283 : vector<16xf32>
        %sub3A_2285 = arith.subf %gather3A_2240, %get3A_1636 : vector<16xf32>
        %mul3A_2286 = arith.mulf %sub3A_2285, %sub3A_2285 : vector<16xf32>
        %add3A_2287 = arith.addf %mul3A_2286, %mul3A_2284 : vector<16xf32>
        %sub3A_2288 = arith.subf %gather3A_2252, %get3A_1664 : vector<16xf32>
        %mul3A_2289 = arith.mulf %sub3A_2288, %sub3A_2288 : vector<16xf32>
        %add3A_2290 = arith.addf %mul3A_2289, %add3A_2287 : vector<16xf32>
        %min3A_2291 = arith.minimumf %min3A_2281, %add3A_2290 : vector<16xf32>
        %min3A_2292 = arith.minimumf %min3A_2216, %add3A_2290 : vector<16xf32>
        %add3A_2293 = arith.constant 0 : i32
        %add3A_2294 = arith.addi %mul3A_1580, %add3A_2293 : i32
        %swap3A_2295 = arith.index_cast %add3A_2294 : i32 to index
        %swap3A_2296 = tpu.vector_load %arg10[%swap3A_2295] {strides = array<i32>} : memref<2048xf32, #tpu.memory_space<vmem>>, vector<16xf32>,
        %swap3A_2297 = vector.shape_cast %swap3A_2296 : vector<16xf32> to vector<16xf32>
        %swap3A_2298 = vector.shape_cast %min3A_2262 : vector<16xf32> to vector<16xf32>
        tpu.vector_store %arg10[%swap3A_2295], %swap3A_2298 {strides = array<i32>} : memref<2048xf32, #tpu.memory_space<vmem>>, vector<16xf32>,
        %add3A_2299 = arith.constant 16 : i32
        %add3A_2300 = arith.addi %mul3A_1580, %add3A_2299 : i32
        %swap3A_2301 = arith.index_cast %add3A_2300 : i32 to index
        %swap3A_2302 = tpu.vector_load %arg10[%swap3A_2301] {strides = array<i32>} : memref<2048xf32, #tpu.memory_space<vmem>>, vector<16xf32>,
        %swap3A_2303 = vector.shape_cast %swap3A_2302 : vector<16xf32> to vector<16xf32>
        %swap3A_2304 = vector.shape_cast %min3A_2272 : vector<16xf32> to vector<16xf32>
        tpu.vector_store %arg10[%swap3A_2301], %swap3A_2304 {strides = array<i32>} : memref<2048xf32, #tpu.memory_space<vmem>>, vector<16xf32>,
        %add3A_2305 = arith.constant 32 : i32
        %add3A_2306 = arith.addi %mul3A_1580, %add3A_2305 : i32
        %swap3A_2307 = arith.index_cast %add3A_2306 : i32 to index
        %swap3A_2308 = tpu.vector_load %arg10[%swap3A_2307] {strides = array<i32>} : memref<2048xf32, #tpu.memory_space<vmem>>, vector<16xf32>,
        %swap3A_2309 = vector.shape_cast %swap3A_2308 : vector<16xf32> to vector<16xf32>
        %swap3A_2310 = vector.shape_cast %min3A_2282 : vector<16xf32> to vector<16xf32>
        tpu.vector_store %arg10[%swap3A_2307], %swap3A_2310 {strides = array<i32>} : memref<2048xf32, #tpu.memory_space<vmem>>, vector<16xf32>,
        %add3A_2311 = arith.constant 48 : i32
        %add3A_2312 = arith.addi %mul3A_1580, %add3A_2311 : i32
        %swap3A_2313 = arith.index_cast %add3A_2312 : i32 to index
        %swap3A_2314 = tpu.vector_load %arg10[%swap3A_2313] {strides = array<i32>} : memref<2048xf32, #tpu.memory_space<vmem>>, vector<16xf32>,
        %swap3A_2315 = vector.shape_cast %swap3A_2314 : vector<16xf32> to vector<16xf32>
        %swap3A_2316 = vector.shape_cast %min3A_2292 : vector<16xf32> to vector<16xf32>
        tpu.vector_store %arg10[%swap3A_2313], %swap3A_2316 {strides = array<i32>} : memref<2048xf32, #tpu.memory_space<vmem>>, vector<16xf32>,
        scf.yield %min3A_1759, %min3A_1835, %min3A_1911, %min3A_1987, %min3A_2063, %min3A_2139, %min3A_2215, %min3A_2291 : vector<16xf32>, vector<16xf32>, vector<16xf32>, vector<16xf32>, vector<16xf32>, vector<16xf32>, vector<16xf32>, vector<16xf32>
      }
      %scan3A_847 = arith.constant 32 : i32
      %xor3A_848 = arith.constant 8 : i32
      %xor3A_849 = vector.broadcast %xor3A_848 : i32 to vector<16xi32>
      %xor3A_850 = arith.xori %iota3A, %xor3A_849 : vector<16xi32>
      %lt3A_851 = arith.constant 0 : i32
      %lt3A_852 = vector.broadcast %lt3A_851 : i32 to vector<16xi32>
      %lt3A_853 = arith.cmpi slt, %xor3A_850, %lt3A_852 : vector<16xi32>
      %add3A_854 = arith.constant 16 : i32
      %add3A_855 = vector.broadcast %add3A_854 : i32 to vector<16xi32>
      %add3A_856 = arith.addi %xor3A_850, %add3A_855 : vector<16xi32>
      %select_n3A_857 = arith.select %lt3A_853, %add3A_856, %xor3A_850 : vector<16xi1>, vector<16xi32>
      %broadcast_in_dim3A_858 = vector.shape_cast %select_n3A_857 : vector<16xi32> to vector<16x1xi32>
      %gather3A_859 = vector.shape_cast %broadcast_in_dim3A_858 : vector<16x1xi32> to vector<16xi32>
      %gather3A_860 = tpu.dynamic_gather %scan3A_846#0[%gather3A_859] in [0] : vector<16xf32>, vector<16xi32> -> vector<16xf32>
      %min3A_861 = arith.minimumf %scan3A_846#0, %gather3A_860 : vector<16xf32>
      %xor3A_862 = arith.constant 4 : i32
      %xor3A_863 = vector.broadcast %xor3A_862 : i32 to vector<16xi32>
      %xor3A_864 = arith.xori %iota3A, %xor3A_863 : vector<16xi32>
      %lt3A_865 = arith.constant 0 : i32
      %lt3A_866 = vector.broadcast %lt3A_865 : i32 to vector<16xi32>
      %lt3A_867 = arith.cmpi slt, %xor3A_864, %lt3A_866 : vector<16xi32>
      %add3A_868 = arith.constant 16 : i32
      %add3A_869 = vector.broadcast %add3A_868 : i32 to vector<16xi32>
      %add3A_870 = arith.addi %xor3A_864, %add3A_869 : vector<16xi32>
      %select_n3A_871 = arith.select %lt3A_867, %add3A_870, %xor3A_864 : vector<16xi1>, vector<16xi32>
      %broadcast_in_dim3A_872 = vector.shape_cast %select_n3A_871 : vector<16xi32> to vector<16x1xi32>
      %gather3A_873 = vector.shape_cast %broadcast_in_dim3A_872 : vector<16x1xi32> to vector<16xi32>
      %gather3A_874 = tpu.dynamic_gather %min3A_861[%gather3A_873] in [0] : vector<16xf32>, vector<16xi32> -> vector<16xf32>
      %min3A_875 = arith.minimumf %min3A_861, %gather3A_874 : vector<16xf32>
      %xor3A_876 = arith.constant 2 : i32
      %xor3A_877 = vector.broadcast %xor3A_876 : i32 to vector<16xi32>
      %xor3A_878 = arith.xori %iota3A, %xor3A_877 : vector<16xi32>
      %lt3A_879 = arith.constant 0 : i32
      %lt3A_880 = vector.broadcast %lt3A_879 : i32 to vector<16xi32>
      %lt3A_881 = arith.cmpi slt, %xor3A_878, %lt3A_880 : vector<16xi32>
      %add3A_882 = arith.constant 16 : i32
      %add3A_883 = vector.broadcast %add3A_882 : i32 to vector<16xi32>
      %add3A_884 = arith.addi %xor3A_878, %add3A_883 : vector<16xi32>
      %select_n3A_885 = arith.select %lt3A_881, %add3A_884, %xor3A_878 : vector<16xi1>, vector<16xi32>
      %broadcast_in_dim3A_886 = vector.shape_cast %select_n3A_885 : vector<16xi32> to vector<16x1xi32>
      %gather3A_887 = vector.shape_cast %broadcast_in_dim3A_886 : vector<16x1xi32> to vector<16xi32>
      %gather3A_888 = tpu.dynamic_gather %min3A_875[%gather3A_887] in [0] : vector<16xf32>, vector<16xi32> -> vector<16xf32>
      %min3A_889 = arith.minimumf %min3A_875, %gather3A_888 : vector<16xf32>
      %xor3A_890 = arith.constant 1 : i32
      %xor3A_891 = vector.broadcast %xor3A_890 : i32 to vector<16xi32>
      %xor3A_892 = arith.xori %iota3A, %xor3A_891 : vector<16xi32>
      %lt3A_893 = arith.constant 0 : i32
      %lt3A_894 = vector.broadcast %lt3A_893 : i32 to vector<16xi32>
      %lt3A_895 = arith.cmpi slt, %xor3A_892, %lt3A_894 : vector<16xi32>
      %add3A_896 = arith.constant 16 : i32
      %add3A_897 = vector.broadcast %add3A_896 : i32 to vector<16xi32>
      %add3A_898 = arith.addi %xor3A_892, %add3A_897 : vector<16xi32>
      %select_n3A_899 = arith.select %lt3A_895, %add3A_898, %xor3A_892 : vector<16xi1>, vector<16xi32>
      %broadcast_in_dim3A_900 = vector.shape_cast %select_n3A_899 : vector<16xi32> to vector<16x1xi32>
      %gather3A_901 = vector.shape_cast %broadcast_in_dim3A_900 : vector<16x1xi32> to vector<16xi32>
      %gather3A_902 = tpu.dynamic_gather %min3A_889[%gather3A_901] in [0] : vector<16xf32>, vector<16xi32> -> vector<16xf32>
      %min3A_903 = arith.minimumf %min3A_889, %gather3A_902 : vector<16xf32>
      %max3A_904 = arith.constant 1.000000e-30 : f32
      %max3A_905 = vector.broadcast %max3A_904 : f32 to vector<16xf32>
      %max3A_906 = arith.maximumf %min3A_903, %max3A_905 : vector<16xf32>
      %bitcast_convert_type3A_907 = tpu.bitcast %max3A_906 : vector<16xf32> -> vector<16xi32>
      %shift_right_arithmetic3A_908 = arith.constant 1 : i32
      %shift_right_arithmetic3A_909 = vector.broadcast %shift_right_arithmetic3A_908 : i32 to vector<16xi32>
      %shift_right_arithmetic3A_910 = arith.shrsi %bitcast_convert_type3A_907, %shift_right_arithmetic3A_909 : vector<16xi32>
      %sub3A_911 = arith.constant 1597463007 : i32
      %sub3A_912 = vector.broadcast %sub3A_911 : i32 to vector<16xi32>
      %sub3A_913 = arith.subi %sub3A_912, %shift_right_arithmetic3A_910 : vector<16xi32>
      %bitcast_convert_type3A_914 = tpu.bitcast %sub3A_913 : vector<16xi32> -> vector<16xf32>
      %mul3A_915 = arith.constant 5.000000e-01 : f32
      %mul3A_916 = vector.broadcast %mul3A_915 : f32 to vector<16xf32>
      %mul3A_917 = arith.mulf %max3A_906, %mul3A_916 : vector<16xf32>
      %mul3A_918 = arith.mulf %mul3A_917, %bitcast_convert_type3A_914 : vector<16xf32>
      %mul3A_919 = arith.mulf %mul3A_918, %bitcast_convert_type3A_914 : vector<16xf32>
      %sub3A_920 = arith.constant 1.500000e+00 : f32
      %sub3A_921 = vector.broadcast %sub3A_920 : f32 to vector<16xf32>
      %sub3A_922 = arith.subf %sub3A_921, %mul3A_919 : vector<16xf32>
      %mul3A_923 = arith.mulf %bitcast_convert_type3A_914, %sub3A_922 : vector<16xf32>
      %mul3A_924 = arith.mulf %mul3A_917, %mul3A_923 : vector<16xf32>
      %mul3A_925 = arith.mulf %mul3A_924, %mul3A_923 : vector<16xf32>
      %sub3A_926 = arith.constant 1.500000e+00 : f32
      %sub3A_927 = vector.broadcast %sub3A_926 : f32 to vector<16xf32>
      %sub3A_928 = arith.subf %sub3A_927, %mul3A_925 : vector<16xf32>
      %mul3A_929 = arith.mulf %mul3A_923, %sub3A_928 : vector<16xf32>
      %mul3A_930 = arith.mulf %mul3A_917, %mul3A_929 : vector<16xf32>
      %mul3A_931 = arith.mulf %mul3A_930, %mul3A_929 : vector<16xf32>
      %sub3A_932 = arith.constant 1.500000e+00 : f32
      %sub3A_933 = vector.broadcast %sub3A_932 : f32 to vector<16xf32>
      %sub3A_934 = arith.subf %sub3A_933, %mul3A_931 : vector<16xf32>
      %mul3A_935 = arith.mulf %mul3A_929, %sub3A_934 : vector<16xf32>
      %mul3A_936 = arith.mulf %max3A_906, %mul3A_935 : vector<16xf32>
      %add3A_937 = arith.addf %add3A_841, %mul3A_936 : vector<16xf32>
      %xor3A_938 = arith.constant 8 : i32
      %xor3A_939 = vector.broadcast %xor3A_938 : i32 to vector<16xi32>
      %xor3A_940 = arith.xori %iota3A, %xor3A_939 : vector<16xi32>
      %lt3A_941 = arith.constant 0 : i32
      %lt3A_942 = vector.broadcast %lt3A_941 : i32 to vector<16xi32>
      %lt3A_943 = arith.cmpi slt, %xor3A_940, %lt3A_942 : vector<16xi32>
      %add3A_944 = arith.constant 16 : i32
      %add3A_945 = vector.broadcast %add3A_944 : i32 to vector<16xi32>
      %add3A_946 = arith.addi %xor3A_940, %add3A_945 : vector<16xi32>
      %select_n3A_947 = arith.select %lt3A_943, %add3A_946, %xor3A_940 : vector<16xi1>, vector<16xi32>
      %broadcast_in_dim3A_948 = vector.shape_cast %select_n3A_947 : vector<16xi32> to vector<16x1xi32>
      %gather3A_949 = vector.shape_cast %broadcast_in_dim3A_948 : vector<16x1xi32> to vector<16xi32>
      %gather3A_950 = tpu.dynamic_gather %scan3A_846#1[%gather3A_949] in [0] : vector<16xf32>, vector<16xi32> -> vector<16xf32>
      %min3A_951 = arith.minimumf %scan3A_846#1, %gather3A_950 : vector<16xf32>
      %xor3A_952 = arith.constant 4 : i32
      %xor3A_953 = vector.broadcast %xor3A_952 : i32 to vector<16xi32>
      %xor3A_954 = arith.xori %iota3A, %xor3A_953 : vector<16xi32>
      %lt3A_955 = arith.constant 0 : i32
      %lt3A_956 = vector.broadcast %lt3A_955 : i32 to vector<16xi32>
      %lt3A_957 = arith.cmpi slt, %xor3A_954, %lt3A_956 : vector<16xi32>
      %add3A_958 = arith.constant 16 : i32
      %add3A_959 = vector.broadcast %add3A_958 : i32 to vector<16xi32>
      %add3A_960 = arith.addi %xor3A_954, %add3A_959 : vector<16xi32>
      %select_n3A_961 = arith.select %lt3A_957, %add3A_960, %xor3A_954 : vector<16xi1>, vector<16xi32>
      %broadcast_in_dim3A_962 = vector.shape_cast %select_n3A_961 : vector<16xi32> to vector<16x1xi32>
      %gather3A_963 = vector.shape_cast %broadcast_in_dim3A_962 : vector<16x1xi32> to vector<16xi32>
      %gather3A_964 = tpu.dynamic_gather %min3A_951[%gather3A_963] in [0] : vector<16xf32>, vector<16xi32> -> vector<16xf32>
      %min3A_965 = arith.minimumf %min3A_951, %gather3A_964 : vector<16xf32>
      %xor3A_966 = arith.constant 2 : i32
      %xor3A_967 = vector.broadcast %xor3A_966 : i32 to vector<16xi32>
      %xor3A_968 = arith.xori %iota3A, %xor3A_967 : vector<16xi32>
      %lt3A_969 = arith.constant 0 : i32
      %lt3A_970 = vector.broadcast %lt3A_969 : i32 to vector<16xi32>
      %lt3A_971 = arith.cmpi slt, %xor3A_968, %lt3A_970 : vector<16xi32>
      %add3A_972 = arith.constant 16 : i32
      %add3A_973 = vector.broadcast %add3A_972 : i32 to vector<16xi32>
      %add3A_974 = arith.addi %xor3A_968, %add3A_973 : vector<16xi32>
      %select_n3A_975 = arith.select %lt3A_971, %add3A_974, %xor3A_968 : vector<16xi1>, vector<16xi32>
      %broadcast_in_dim3A_976 = vector.shape_cast %select_n3A_975 : vector<16xi32> to vector<16x1xi32>
      %gather3A_977 = vector.shape_cast %broadcast_in_dim3A_976 : vector<16x1xi32> to vector<16xi32>
      %gather3A_978 = tpu.dynamic_gather %min3A_965[%gather3A_977] in [0] : vector<16xf32>, vector<16xi32> -> vector<16xf32>
      %min3A_979 = arith.minimumf %min3A_965, %gather3A_978 : vector<16xf32>
      %xor3A_980 = arith.constant 1 : i32
      %xor3A_981 = vector.broadcast %xor3A_980 : i32 to vector<16xi32>
      %xor3A_982 = arith.xori %iota3A, %xor3A_981 : vector<16xi32>
      %lt3A_983 = arith.constant 0 : i32
      %lt3A_984 = vector.broadcast %lt3A_983 : i32 to vector<16xi32>
      %lt3A_985 = arith.cmpi slt, %xor3A_982, %lt3A_984 : vector<16xi32>
      %add3A_986 = arith.constant 16 : i32
      %add3A_987 = vector.broadcast %add3A_986 : i32 to vector<16xi32>
      %add3A_988 = arith.addi %xor3A_982, %add3A_987 : vector<16xi32>
      %select_n3A_989 = arith.select %lt3A_985, %add3A_988, %xor3A_982 : vector<16xi1>, vector<16xi32>
      %broadcast_in_dim3A_990 = vector.shape_cast %select_n3A_989 : vector<16xi32> to vector<16x1xi32>
      %gather3A_991 = vector.shape_cast %broadcast_in_dim3A_990 : vector<16x1xi32> to vector<16xi32>
      %gather3A_992 = tpu.dynamic_gather %min3A_979[%gather3A_991] in [0] : vector<16xf32>, vector<16xi32> -> vector<16xf32>
      %min3A_993 = arith.minimumf %min3A_979, %gather3A_992 : vector<16xf32>
      %max3A_994 = arith.constant 1.000000e-30 : f32
      %max3A_995 = vector.broadcast %max3A_994 : f32 to vector<16xf32>
      %max3A_996 = arith.maximumf %min3A_993, %max3A_995 : vector<16xf32>
      %bitcast_convert_type3A_997 = tpu.bitcast %max3A_996 : vector<16xf32> -> vector<16xi32>
      %shift_right_arithmetic3A_998 = arith.constant 1 : i32
      %shift_right_arithmetic3A_999 = vector.broadcast %shift_right_arithmetic3A_998 : i32 to vector<16xi32>
      %shift_right_arithmetic3A_1000 = arith.shrsi %bitcast_convert_type3A_997, %shift_right_arithmetic3A_999 : vector<16xi32>
      %sub3A_1001 = arith.constant 1597463007 : i32
      %sub3A_1002 = vector.broadcast %sub3A_1001 : i32 to vector<16xi32>
      %sub3A_1003 = arith.subi %sub3A_1002, %shift_right_arithmetic3A_1000 : vector<16xi32>
      %bitcast_convert_type3A_1004 = tpu.bitcast %sub3A_1003 : vector<16xi32> -> vector<16xf32>
      %mul3A_1005 = arith.constant 5.000000e-01 : f32
      %mul3A_1006 = vector.broadcast %mul3A_1005 : f32 to vector<16xf32>
      %mul3A_1007 = arith.mulf %max3A_996, %mul3A_1006 : vector<16xf32>
      %mul3A_1008 = arith.mulf %mul3A_1007, %bitcast_convert_type3A_1004 : vector<16xf32>
      %mul3A_1009 = arith.mulf %mul3A_1008, %bitcast_convert_type3A_1004 : vector<16xf32>
      %sub3A_1010 = arith.constant 1.500000e+00 : f32
      %sub3A_1011 = vector.broadcast %sub3A_1010 : f32 to vector<16xf32>
      %sub3A_1012 = arith.subf %sub3A_1011, %mul3A_1009 : vector<16xf32>
      %mul3A_1013 = arith.mulf %bitcast_convert_type3A_1004, %sub3A_1012 : vector<16xf32>
      %mul3A_1014 = arith.mulf %mul3A_1007, %mul3A_1013 : vector<16xf32>
      %mul3A_1015 = arith.mulf %mul3A_1014, %mul3A_1013 : vector<16xf32>
      %sub3A_1016 = arith.constant 1.500000e+00 : f32
      %sub3A_1017 = vector.broadcast %sub3A_1016 : f32 to vector<16xf32>
      %sub3A_1018 = arith.subf %sub3A_1017, %mul3A_1015 : vector<16xf32>
      %mul3A_1019 = arith.mulf %mul3A_1013, %sub3A_1018 : vector<16xf32>
      %mul3A_1020 = arith.mulf %mul3A_1007, %mul3A_1019 : vector<16xf32>
      %mul3A_1021 = arith.mulf %mul3A_1020, %mul3A_1019 : vector<16xf32>
      %sub3A_1022 = arith.constant 1.500000e+00 : f32
      %sub3A_1023 = vector.broadcast %sub3A_1022 : f32 to vector<16xf32>
      %sub3A_1024 = arith.subf %sub3A_1023, %mul3A_1021 : vector<16xf32>
      %mul3A_1025 = arith.mulf %mul3A_1019, %sub3A_1024 : vector<16xf32>
      %mul3A_1026 = arith.mulf %max3A_996, %mul3A_1025 : vector<16xf32>
      %add3A_1027 = arith.addf %add3A_937, %mul3A_1026 : vector<16xf32>
      %xor3A_1028 = arith.constant 8 : i32
      %xor3A_1029 = vector.broadcast %xor3A_1028 : i32 to vector<16xi32>
      %xor3A_1030 = arith.xori %iota3A, %xor3A_1029 : vector<16xi32>
      %lt3A_1031 = arith.constant 0 : i32
      %lt3A_1032 = vector.broadcast %lt3A_1031 : i32 to vector<16xi32>
      %lt3A_1033 = arith.cmpi slt, %xor3A_1030, %lt3A_1032 : vector<16xi32>
      %add3A_1034 = arith.constant 16 : i32
      %add3A_1035 = vector.broadcast %add3A_1034 : i32 to vector<16xi32>
      %add3A_1036 = arith.addi %xor3A_1030, %add3A_1035 : vector<16xi32>
      %select_n3A_1037 = arith.select %lt3A_1033, %add3A_1036, %xor3A_1030 : vector<16xi1>, vector<16xi32>
      %broadcast_in_dim3A_1038 = vector.shape_cast %select_n3A_1037 : vector<16xi32> to vector<16x1xi32>
      %gather3A_1039 = vector.shape_cast %broadcast_in_dim3A_1038 : vector<16x1xi32> to vector<16xi32>
      %gather3A_1040 = tpu.dynamic_gather %scan3A_846#2[%gather3A_1039] in [0] : vector<16xf32>, vector<16xi32> -> vector<16xf32>
      %min3A_1041 = arith.minimumf %scan3A_846#2, %gather3A_1040 : vector<16xf32>
      %xor3A_1042 = arith.constant 4 : i32
      %xor3A_1043 = vector.broadcast %xor3A_1042 : i32 to vector<16xi32>
      %xor3A_1044 = arith.xori %iota3A, %xor3A_1043 : vector<16xi32>
      %lt3A_1045 = arith.constant 0 : i32
      %lt3A_1046 = vector.broadcast %lt3A_1045 : i32 to vector<16xi32>
      %lt3A_1047 = arith.cmpi slt, %xor3A_1044, %lt3A_1046 : vector<16xi32>
      %add3A_1048 = arith.constant 16 : i32
      %add3A_1049 = vector.broadcast %add3A_1048 : i32 to vector<16xi32>
      %add3A_1050 = arith.addi %xor3A_1044, %add3A_1049 : vector<16xi32>
      %select_n3A_1051 = arith.select %lt3A_1047, %add3A_1050, %xor3A_1044 : vector<16xi1>, vector<16xi32>
      %broadcast_in_dim3A_1052 = vector.shape_cast %select_n3A_1051 : vector<16xi32> to vector<16x1xi32>
      %gather3A_1053 = vector.shape_cast %broadcast_in_dim3A_1052 : vector<16x1xi32> to vector<16xi32>
      %gather3A_1054 = tpu.dynamic_gather %min3A_1041[%gather3A_1053] in [0] : vector<16xf32>, vector<16xi32> -> vector<16xf32>
      %min3A_1055 = arith.minimumf %min3A_1041, %gather3A_1054 : vector<16xf32>
      %xor3A_1056 = arith.constant 2 : i32
      %xor3A_1057 = vector.broadcast %xor3A_1056 : i32 to vector<16xi32>
      %xor3A_1058 = arith.xori %iota3A, %xor3A_1057 : vector<16xi32>
      %lt3A_1059 = arith.constant 0 : i32
      %lt3A_1060 = vector.broadcast %lt3A_1059 : i32 to vector<16xi32>
      %lt3A_1061 = arith.cmpi slt, %xor3A_1058, %lt3A_1060 : vector<16xi32>
      %add3A_1062 = arith.constant 16 : i32
      %add3A_1063 = vector.broadcast %add3A_1062 : i32 to vector<16xi32>
      %add3A_1064 = arith.addi %xor3A_1058, %add3A_1063 : vector<16xi32>
      %select_n3A_1065 = arith.select %lt3A_1061, %add3A_1064, %xor3A_1058 : vector<16xi1>, vector<16xi32>
      %broadcast_in_dim3A_1066 = vector.shape_cast %select_n3A_1065 : vector<16xi32> to vector<16x1xi32>
      %gather3A_1067 = vector.shape_cast %broadcast_in_dim3A_1066 : vector<16x1xi32> to vector<16xi32>
      %gather3A_1068 = tpu.dynamic_gather %min3A_1055[%gather3A_1067] in [0] : vector<16xf32>, vector<16xi32> -> vector<16xf32>
      %min3A_1069 = arith.minimumf %min3A_1055, %gather3A_1068 : vector<16xf32>
      %xor3A_1070 = arith.constant 1 : i32
      %xor3A_1071 = vector.broadcast %xor3A_1070 : i32 to vector<16xi32>
      %xor3A_1072 = arith.xori %iota3A, %xor3A_1071 : vector<16xi32>
      %lt3A_1073 = arith.constant 0 : i32
      %lt3A_1074 = vector.broadcast %lt3A_1073 : i32 to vector<16xi32>
      %lt3A_1075 = arith.cmpi slt, %xor3A_1072, %lt3A_1074 : vector<16xi32>
      %add3A_1076 = arith.constant 16 : i32
      %add3A_1077 = vector.broadcast %add3A_1076 : i32 to vector<16xi32>
      %add3A_1078 = arith.addi %xor3A_1072, %add3A_1077 : vector<16xi32>
      %select_n3A_1079 = arith.select %lt3A_1075, %add3A_1078, %xor3A_1072 : vector<16xi1>, vector<16xi32>
      %broadcast_in_dim3A_1080 = vector.shape_cast %select_n3A_1079 : vector<16xi32> to vector<16x1xi32>
      %gather3A_1081 = vector.shape_cast %broadcast_in_dim3A_1080 : vector<16x1xi32> to vector<16xi32>
      %gather3A_1082 = tpu.dynamic_gather %min3A_1069[%gather3A_1081] in [0] : vector<16xf32>, vector<16xi32> -> vector<16xf32>
      %min3A_1083 = arith.minimumf %min3A_1069, %gather3A_1082 : vector<16xf32>
      %max3A_1084 = arith.constant 1.000000e-30 : f32
      %max3A_1085 = vector.broadcast %max3A_1084 : f32 to vector<16xf32>
      %max3A_1086 = arith.maximumf %min3A_1083, %max3A_1085 : vector<16xf32>
      %bitcast_convert_type3A_1087 = tpu.bitcast %max3A_1086 : vector<16xf32> -> vector<16xi32>
      %shift_right_arithmetic3A_1088 = arith.constant 1 : i32
      %shift_right_arithmetic3A_1089 = vector.broadcast %shift_right_arithmetic3A_1088 : i32 to vector<16xi32>
      %shift_right_arithmetic3A_1090 = arith.shrsi %bitcast_convert_type3A_1087, %shift_right_arithmetic3A_1089 : vector<16xi32>
      %sub3A_1091 = arith.constant 1597463007 : i32
      %sub3A_1092 = vector.broadcast %sub3A_1091 : i32 to vector<16xi32>
      %sub3A_1093 = arith.subi %sub3A_1092, %shift_right_arithmetic3A_1090 : vector<16xi32>
      %bitcast_convert_type3A_1094 = tpu.bitcast %sub3A_1093 : vector<16xi32> -> vector<16xf32>
      %mul3A_1095 = arith.constant 5.000000e-01 : f32
      %mul3A_1096 = vector.broadcast %mul3A_1095 : f32 to vector<16xf32>
      %mul3A_1097 = arith.mulf %max3A_1086, %mul3A_1096 : vector<16xf32>
      %mul3A_1098 = arith.mulf %mul3A_1097, %bitcast_convert_type3A_1094 : vector<16xf32>
      %mul3A_1099 = arith.mulf %mul3A_1098, %bitcast_convert_type3A_1094 : vector<16xf32>
      %sub3A_1100 = arith.constant 1.500000e+00 : f32
      %sub3A_1101 = vector.broadcast %sub3A_1100 : f32 to vector<16xf32>
      %sub3A_1102 = arith.subf %sub3A_1101, %mul3A_1099 : vector<16xf32>
      %mul3A_1103 = arith.mulf %bitcast_convert_type3A_1094, %sub3A_1102 : vector<16xf32>
      %mul3A_1104 = arith.mulf %mul3A_1097, %mul3A_1103 : vector<16xf32>
      %mul3A_1105 = arith.mulf %mul3A_1104, %mul3A_1103 : vector<16xf32>
      %sub3A_1106 = arith.constant 1.500000e+00 : f32
      %sub3A_1107 = vector.broadcast %sub3A_1106 : f32 to vector<16xf32>
      %sub3A_1108 = arith.subf %sub3A_1107, %mul3A_1105 : vector<16xf32>
      %mul3A_1109 = arith.mulf %mul3A_1103, %sub3A_1108 : vector<16xf32>
      %mul3A_1110 = arith.mulf %mul3A_1097, %mul3A_1109 : vector<16xf32>
      %mul3A_1111 = arith.mulf %mul3A_1110, %mul3A_1109 : vector<16xf32>
      %sub3A_1112 = arith.constant 1.500000e+00 : f32
      %sub3A_1113 = vector.broadcast %sub3A_1112 : f32 to vector<16xf32>
      %sub3A_1114 = arith.subf %sub3A_1113, %mul3A_1111 : vector<16xf32>
      %mul3A_1115 = arith.mulf %mul3A_1109, %sub3A_1114 : vector<16xf32>
      %mul3A_1116 = arith.mulf %max3A_1086, %mul3A_1115 : vector<16xf32>
      %add3A_1117 = arith.addf %add3A_1027, %mul3A_1116 : vector<16xf32>
      %xor3A_1118 = arith.constant 8 : i32
      %xor3A_1119 = vector.broadcast %xor3A_1118 : i32 to vector<16xi32>
      %xor3A_1120 = arith.xori %iota3A, %xor3A_1119 : vector<16xi32>
      %lt3A_1121 = arith.constant 0 : i32
      %lt3A_1122 = vector.broadcast %lt3A_1121 : i32 to vector<16xi32>
      %lt3A_1123 = arith.cmpi slt, %xor3A_1120, %lt3A_1122 : vector<16xi32>
      %add3A_1124 = arith.constant 16 : i32
      %add3A_1125 = vector.broadcast %add3A_1124 : i32 to vector<16xi32>
      %add3A_1126 = arith.addi %xor3A_1120, %add3A_1125 : vector<16xi32>
      %select_n3A_1127 = arith.select %lt3A_1123, %add3A_1126, %xor3A_1120 : vector<16xi1>, vector<16xi32>
      %broadcast_in_dim3A_1128 = vector.shape_cast %select_n3A_1127 : vector<16xi32> to vector<16x1xi32>
      %gather3A_1129 = vector.shape_cast %broadcast_in_dim3A_1128 : vector<16x1xi32> to vector<16xi32>
      %gather3A_1130 = tpu.dynamic_gather %scan3A_846#3[%gather3A_1129] in [0] : vector<16xf32>, vector<16xi32> -> vector<16xf32>
      %min3A_1131 = arith.minimumf %scan3A_846#3, %gather3A_1130 : vector<16xf32>
      %xor3A_1132 = arith.constant 4 : i32
      %xor3A_1133 = vector.broadcast %xor3A_1132 : i32 to vector<16xi32>
      %xor3A_1134 = arith.xori %iota3A, %xor3A_1133 : vector<16xi32>
      %lt3A_1135 = arith.constant 0 : i32
      %lt3A_1136 = vector.broadcast %lt3A_1135 : i32 to vector<16xi32>
      %lt3A_1137 = arith.cmpi slt, %xor3A_1134, %lt3A_1136 : vector<16xi32>
      %add3A_1138 = arith.constant 16 : i32
      %add3A_1139 = vector.broadcast %add3A_1138 : i32 to vector<16xi32>
      %add3A_1140 = arith.addi %xor3A_1134, %add3A_1139 : vector<16xi32>
      %select_n3A_1141 = arith.select %lt3A_1137, %add3A_1140, %xor3A_1134 : vector<16xi1>, vector<16xi32>
      %broadcast_in_dim3A_1142 = vector.shape_cast %select_n3A_1141 : vector<16xi32> to vector<16x1xi32>
      %gather3A_1143 = vector.shape_cast %broadcast_in_dim3A_1142 : vector<16x1xi32> to vector<16xi32>
      %gather3A_1144 = tpu.dynamic_gather %min3A_1131[%gather3A_1143] in [0] : vector<16xf32>, vector<16xi32> -> vector<16xf32>
      %min3A_1145 = arith.minimumf %min3A_1131, %gather3A_1144 : vector<16xf32>
      %xor3A_1146 = arith.constant 2 : i32
      %xor3A_1147 = vector.broadcast %xor3A_1146 : i32 to vector<16xi32>
      %xor3A_1148 = arith.xori %iota3A, %xor3A_1147 : vector<16xi32>
      %lt3A_1149 = arith.constant 0 : i32
      %lt3A_1150 = vector.broadcast %lt3A_1149 : i32 to vector<16xi32>
      %lt3A_1151 = arith.cmpi slt, %xor3A_1148, %lt3A_1150 : vector<16xi32>
      %add3A_1152 = arith.constant 16 : i32
      %add3A_1153 = vector.broadcast %add3A_1152 : i32 to vector<16xi32>
      %add3A_1154 = arith.addi %xor3A_1148, %add3A_1153 : vector<16xi32>
      %select_n3A_1155 = arith.select %lt3A_1151, %add3A_1154, %xor3A_1148 : vector<16xi1>, vector<16xi32>
      %broadcast_in_dim3A_1156 = vector.shape_cast %select_n3A_1155 : vector<16xi32> to vector<16x1xi32>
      %gather3A_1157 = vector.shape_cast %broadcast_in_dim3A_1156 : vector<16x1xi32> to vector<16xi32>
      %gather3A_1158 = tpu.dynamic_gather %min3A_1145[%gather3A_1157] in [0] : vector<16xf32>, vector<16xi32> -> vector<16xf32>
      %min3A_1159 = arith.minimumf %min3A_1145, %gather3A_1158 : vector<16xf32>
      %xor3A_1160 = arith.constant 1 : i32
      %xor3A_1161 = vector.broadcast %xor3A_1160 : i32 to vector<16xi32>
      %xor3A_1162 = arith.xori %iota3A, %xor3A_1161 : vector<16xi32>
      %lt3A_1163 = arith.constant 0 : i32
      %lt3A_1164 = vector.broadcast %lt3A_1163 : i32 to vector<16xi32>
      %lt3A_1165 = arith.cmpi slt, %xor3A_1162, %lt3A_1164 : vector<16xi32>
      %add3A_1166 = arith.constant 16 : i32
      %add3A_1167 = vector.broadcast %add3A_1166 : i32 to vector<16xi32>
      %add3A_1168 = arith.addi %xor3A_1162, %add3A_1167 : vector<16xi32>
      %select_n3A_1169 = arith.select %lt3A_1165, %add3A_1168, %xor3A_1162 : vector<16xi1>, vector<16xi32>
      %broadcast_in_dim3A_1170 = vector.shape_cast %select_n3A_1169 : vector<16xi32> to vector<16x1xi32>
      %gather3A_1171 = vector.shape_cast %broadcast_in_dim3A_1170 : vector<16x1xi32> to vector<16xi32>
      %gather3A_1172 = tpu.dynamic_gather %min3A_1159[%gather3A_1171] in [0] : vector<16xf32>, vector<16xi32> -> vector<16xf32>
      %min3A_1173 = arith.minimumf %min3A_1159, %gather3A_1172 : vector<16xf32>
      %max3A_1174 = arith.constant 1.000000e-30 : f32
      %max3A_1175 = vector.broadcast %max3A_1174 : f32 to vector<16xf32>
      %max3A_1176 = arith.maximumf %min3A_1173, %max3A_1175 : vector<16xf32>
      %bitcast_convert_type3A_1177 = tpu.bitcast %max3A_1176 : vector<16xf32> -> vector<16xi32>
      %shift_right_arithmetic3A_1178 = arith.constant 1 : i32
      %shift_right_arithmetic3A_1179 = vector.broadcast %shift_right_arithmetic3A_1178 : i32 to vector<16xi32>
      %shift_right_arithmetic3A_1180 = arith.shrsi %bitcast_convert_type3A_1177, %shift_right_arithmetic3A_1179 : vector<16xi32>
      %sub3A_1181 = arith.constant 1597463007 : i32
      %sub3A_1182 = vector.broadcast %sub3A_1181 : i32 to vector<16xi32>
      %sub3A_1183 = arith.subi %sub3A_1182, %shift_right_arithmetic3A_1180 : vector<16xi32>
      %bitcast_convert_type3A_1184 = tpu.bitcast %sub3A_1183 : vector<16xi32> -> vector<16xf32>
      %mul3A_1185 = arith.constant 5.000000e-01 : f32
      %mul3A_1186 = vector.broadcast %mul3A_1185 : f32 to vector<16xf32>
      %mul3A_1187 = arith.mulf %max3A_1176, %mul3A_1186 : vector<16xf32>
      %mul3A_1188 = arith.mulf %mul3A_1187, %bitcast_convert_type3A_1184 : vector<16xf32>
      %mul3A_1189 = arith.mulf %mul3A_1188, %bitcast_convert_type3A_1184 : vector<16xf32>
      %sub3A_1190 = arith.constant 1.500000e+00 : f32
      %sub3A_1191 = vector.broadcast %sub3A_1190 : f32 to vector<16xf32>
      %sub3A_1192 = arith.subf %sub3A_1191, %mul3A_1189 : vector<16xf32>
      %mul3A_1193 = arith.mulf %bitcast_convert_type3A_1184, %sub3A_1192 : vector<16xf32>
      %mul3A_1194 = arith.mulf %mul3A_1187, %mul3A_1193 : vector<16xf32>
      %mul3A_1195 = arith.mulf %mul3A_1194, %mul3A_1193 : vector<16xf32>
      %sub3A_1196 = arith.constant 1.500000e+00 : f32
      %sub3A_1197 = vector.broadcast %sub3A_1196 : f32 to vector<16xf32>
      %sub3A_1198 = arith.subf %sub3A_1197, %mul3A_1195 : vector<16xf32>
      %mul3A_1199 = arith.mulf %mul3A_1193, %sub3A_1198 : vector<16xf32>
      %mul3A_1200 = arith.mulf %mul3A_1187, %mul3A_1199 : vector<16xf32>
      %mul3A_1201 = arith.mulf %mul3A_1200, %mul3A_1199 : vector<16xf32>
      %sub3A_1202 = arith.constant 1.500000e+00 : f32
      %sub3A_1203 = vector.broadcast %sub3A_1202 : f32 to vector<16xf32>
      %sub3A_1204 = arith.subf %sub3A_1203, %mul3A_1201 : vector<16xf32>
      %mul3A_1205 = arith.mulf %mul3A_1199, %sub3A_1204 : vector<16xf32>
      %mul3A_1206 = arith.mulf %max3A_1176, %mul3A_1205 : vector<16xf32>
      %add3A_1207 = arith.addf %add3A_1117, %mul3A_1206 : vector<16xf32>
      %xor3A_1208 = arith.constant 8 : i32
      %xor3A_1209 = vector.broadcast %xor3A_1208 : i32 to vector<16xi32>
      %xor3A_1210 = arith.xori %iota3A, %xor3A_1209 : vector<16xi32>
      %lt3A_1211 = arith.constant 0 : i32
      %lt3A_1212 = vector.broadcast %lt3A_1211 : i32 to vector<16xi32>
      %lt3A_1213 = arith.cmpi slt, %xor3A_1210, %lt3A_1212 : vector<16xi32>
      %add3A_1214 = arith.constant 16 : i32
      %add3A_1215 = vector.broadcast %add3A_1214 : i32 to vector<16xi32>
      %add3A_1216 = arith.addi %xor3A_1210, %add3A_1215 : vector<16xi32>
      %select_n3A_1217 = arith.select %lt3A_1213, %add3A_1216, %xor3A_1210 : vector<16xi1>, vector<16xi32>
      %broadcast_in_dim3A_1218 = vector.shape_cast %select_n3A_1217 : vector<16xi32> to vector<16x1xi32>
      %gather3A_1219 = vector.shape_cast %broadcast_in_dim3A_1218 : vector<16x1xi32> to vector<16xi32>
      %gather3A_1220 = tpu.dynamic_gather %scan3A_846#4[%gather3A_1219] in [0] : vector<16xf32>, vector<16xi32> -> vector<16xf32>
      %min3A_1221 = arith.minimumf %scan3A_846#4, %gather3A_1220 : vector<16xf32>
      %xor3A_1222 = arith.constant 4 : i32
      %xor3A_1223 = vector.broadcast %xor3A_1222 : i32 to vector<16xi32>
      %xor3A_1224 = arith.xori %iota3A, %xor3A_1223 : vector<16xi32>
      %lt3A_1225 = arith.constant 0 : i32
      %lt3A_1226 = vector.broadcast %lt3A_1225 : i32 to vector<16xi32>
      %lt3A_1227 = arith.cmpi slt, %xor3A_1224, %lt3A_1226 : vector<16xi32>
      %add3A_1228 = arith.constant 16 : i32
      %add3A_1229 = vector.broadcast %add3A_1228 : i32 to vector<16xi32>
      %add3A_1230 = arith.addi %xor3A_1224, %add3A_1229 : vector<16xi32>
      %select_n3A_1231 = arith.select %lt3A_1227, %add3A_1230, %xor3A_1224 : vector<16xi1>, vector<16xi32>
      %broadcast_in_dim3A_1232 = vector.shape_cast %select_n3A_1231 : vector<16xi32> to vector<16x1xi32>
      %gather3A_1233 = vector.shape_cast %broadcast_in_dim3A_1232 : vector<16x1xi32> to vector<16xi32>
      %gather3A_1234 = tpu.dynamic_gather %min3A_1221[%gather3A_1233] in [0] : vector<16xf32>, vector<16xi32> -> vector<16xf32>
      %min3A_1235 = arith.minimumf %min3A_1221, %gather3A_1234 : vector<16xf32>
      %xor3A_1236 = arith.constant 2 : i32
      %xor3A_1237 = vector.broadcast %xor3A_1236 : i32 to vector<16xi32>
      %xor3A_1238 = arith.xori %iota3A, %xor3A_1237 : vector<16xi32>
      %lt3A_1239 = arith.constant 0 : i32
      %lt3A_1240 = vector.broadcast %lt3A_1239 : i32 to vector<16xi32>
      %lt3A_1241 = arith.cmpi slt, %xor3A_1238, %lt3A_1240 : vector<16xi32>
      %add3A_1242 = arith.constant 16 : i32
      %add3A_1243 = vector.broadcast %add3A_1242 : i32 to vector<16xi32>
      %add3A_1244 = arith.addi %xor3A_1238, %add3A_1243 : vector<16xi32>
      %select_n3A_1245 = arith.select %lt3A_1241, %add3A_1244, %xor3A_1238 : vector<16xi1>, vector<16xi32>
      %broadcast_in_dim3A_1246 = vector.shape_cast %select_n3A_1245 : vector<16xi32> to vector<16x1xi32>
      %gather3A_1247 = vector.shape_cast %broadcast_in_dim3A_1246 : vector<16x1xi32> to vector<16xi32>
      %gather3A_1248 = tpu.dynamic_gather %min3A_1235[%gather3A_1247] in [0] : vector<16xf32>, vector<16xi32> -> vector<16xf32>
      %min3A_1249 = arith.minimumf %min3A_1235, %gather3A_1248 : vector<16xf32>
      %xor3A_1250 = arith.constant 1 : i32
      %xor3A_1251 = vector.broadcast %xor3A_1250 : i32 to vector<16xi32>
      %xor3A_1252 = arith.xori %iota3A, %xor3A_1251 : vector<16xi32>
      %lt3A_1253 = arith.constant 0 : i32
      %lt3A_1254 = vector.broadcast %lt3A_1253 : i32 to vector<16xi32>
      %lt3A_1255 = arith.cmpi slt, %xor3A_1252, %lt3A_1254 : vector<16xi32>
      %add3A_1256 = arith.constant 16 : i32
      %add3A_1257 = vector.broadcast %add3A_1256 : i32 to vector<16xi32>
      %add3A_1258 = arith.addi %xor3A_1252, %add3A_1257 : vector<16xi32>
      %select_n3A_1259 = arith.select %lt3A_1255, %add3A_1258, %xor3A_1252 : vector<16xi1>, vector<16xi32>
      %broadcast_in_dim3A_1260 = vector.shape_cast %select_n3A_1259 : vector<16xi32> to vector<16x1xi32>
      %gather3A_1261 = vector.shape_cast %broadcast_in_dim3A_1260 : vector<16x1xi32> to vector<16xi32>
      %gather3A_1262 = tpu.dynamic_gather %min3A_1249[%gather3A_1261] in [0] : vector<16xf32>, vector<16xi32> -> vector<16xf32>
      %min3A_1263 = arith.minimumf %min3A_1249, %gather3A_1262 : vector<16xf32>
      %max3A_1264 = arith.constant 1.000000e-30 : f32
      %max3A_1265 = vector.broadcast %max3A_1264 : f32 to vector<16xf32>
      %max3A_1266 = arith.maximumf %min3A_1263, %max3A_1265 : vector<16xf32>
      %bitcast_convert_type3A_1267 = tpu.bitcast %max3A_1266 : vector<16xf32> -> vector<16xi32>
      %shift_right_arithmetic3A_1268 = arith.constant 1 : i32
      %shift_right_arithmetic3A_1269 = vector.broadcast %shift_right_arithmetic3A_1268 : i32 to vector<16xi32>
      %shift_right_arithmetic3A_1270 = arith.shrsi %bitcast_convert_type3A_1267, %shift_right_arithmetic3A_1269 : vector<16xi32>
      %sub3A_1271 = arith.constant 1597463007 : i32
      %sub3A_1272 = vector.broadcast %sub3A_1271 : i32 to vector<16xi32>
      %sub3A_1273 = arith.subi %sub3A_1272, %shift_right_arithmetic3A_1270 : vector<16xi32>
      %bitcast_convert_type3A_1274 = tpu.bitcast %sub3A_1273 : vector<16xi32> -> vector<16xf32>
      %mul3A_1275 = arith.constant 5.000000e-01 : f32
      %mul3A_1276 = vector.broadcast %mul3A_1275 : f32 to vector<16xf32>
      %mul3A_1277 = arith.mulf %max3A_1266, %mul3A_1276 : vector<16xf32>
      %mul3A_1278 = arith.mulf %mul3A_1277, %bitcast_convert_type3A_1274 : vector<16xf32>
      %mul3A_1279 = arith.mulf %mul3A_1278, %bitcast_convert_type3A_1274 : vector<16xf32>
      %sub3A_1280 = arith.constant 1.500000e+00 : f32
      %sub3A_1281 = vector.broadcast %sub3A_1280 : f32 to vector<16xf32>
      %sub3A_1282 = arith.subf %sub3A_1281, %mul3A_1279 : vector<16xf32>
      %mul3A_1283 = arith.mulf %bitcast_convert_type3A_1274, %sub3A_1282 : vector<16xf32>
      %mul3A_1284 = arith.mulf %mul3A_1277, %mul3A_1283 : vector<16xf32>
      %mul3A_1285 = arith.mulf %mul3A_1284, %mul3A_1283 : vector<16xf32>
      %sub3A_1286 = arith.constant 1.500000e+00 : f32
      %sub3A_1287 = vector.broadcast %sub3A_1286 : f32 to vector<16xf32>
      %sub3A_1288 = arith.subf %sub3A_1287, %mul3A_1285 : vector<16xf32>
      %mul3A_1289 = arith.mulf %mul3A_1283, %sub3A_1288 : vector<16xf32>
      %mul3A_1290 = arith.mulf %mul3A_1277, %mul3A_1289 : vector<16xf32>
      %mul3A_1291 = arith.mulf %mul3A_1290, %mul3A_1289 : vector<16xf32>
      %sub3A_1292 = arith.constant 1.500000e+00 : f32
      %sub3A_1293 = vector.broadcast %sub3A_1292 : f32 to vector<16xf32>
      %sub3A_1294 = arith.subf %sub3A_1293, %mul3A_1291 : vector<16xf32>
      %mul3A_1295 = arith.mulf %mul3A_1289, %sub3A_1294 : vector<16xf32>
      %mul3A_1296 = arith.mulf %max3A_1266, %mul3A_1295 : vector<16xf32>
      %add3A_1297 = arith.addf %add3A_1207, %mul3A_1296 : vector<16xf32>
      %xor3A_1298 = arith.constant 8 : i32
      %xor3A_1299 = vector.broadcast %xor3A_1298 : i32 to vector<16xi32>
      %xor3A_1300 = arith.xori %iota3A, %xor3A_1299 : vector<16xi32>
      %lt3A_1301 = arith.constant 0 : i32
      %lt3A_1302 = vector.broadcast %lt3A_1301 : i32 to vector<16xi32>
      %lt3A_1303 = arith.cmpi slt, %xor3A_1300, %lt3A_1302 : vector<16xi32>
      %add3A_1304 = arith.constant 16 : i32
      %add3A_1305 = vector.broadcast %add3A_1304 : i32 to vector<16xi32>
      %add3A_1306 = arith.addi %xor3A_1300, %add3A_1305 : vector<16xi32>
      %select_n3A_1307 = arith.select %lt3A_1303, %add3A_1306, %xor3A_1300 : vector<16xi1>, vector<16xi32>
      %broadcast_in_dim3A_1308 = vector.shape_cast %select_n3A_1307 : vector<16xi32> to vector<16x1xi32>
      %gather3A_1309 = vector.shape_cast %broadcast_in_dim3A_1308 : vector<16x1xi32> to vector<16xi32>
      %gather3A_1310 = tpu.dynamic_gather %scan3A_846#5[%gather3A_1309] in [0] : vector<16xf32>, vector<16xi32> -> vector<16xf32>
      %min3A_1311 = arith.minimumf %scan3A_846#5, %gather3A_1310 : vector<16xf32>
      %xor3A_1312 = arith.constant 4 : i32
      %xor3A_1313 = vector.broadcast %xor3A_1312 : i32 to vector<16xi32>
      %xor3A_1314 = arith.xori %iota3A, %xor3A_1313 : vector<16xi32>
      %lt3A_1315 = arith.constant 0 : i32
      %lt3A_1316 = vector.broadcast %lt3A_1315 : i32 to vector<16xi32>
      %lt3A_1317 = arith.cmpi slt, %xor3A_1314, %lt3A_1316 : vector<16xi32>
      %add3A_1318 = arith.constant 16 : i32
      %add3A_1319 = vector.broadcast %add3A_1318 : i32 to vector<16xi32>
      %add3A_1320 = arith.addi %xor3A_1314, %add3A_1319 : vector<16xi32>
      %select_n3A_1321 = arith.select %lt3A_1317, %add3A_1320, %xor3A_1314 : vector<16xi1>, vector<16xi32>
      %broadcast_in_dim3A_1322 = vector.shape_cast %select_n3A_1321 : vector<16xi32> to vector<16x1xi32>
      %gather3A_1323 = vector.shape_cast %broadcast_in_dim3A_1322 : vector<16x1xi32> to vector<16xi32>
      %gather3A_1324 = tpu.dynamic_gather %min3A_1311[%gather3A_1323] in [0] : vector<16xf32>, vector<16xi32> -> vector<16xf32>
      %min3A_1325 = arith.minimumf %min3A_1311, %gather3A_1324 : vector<16xf32>
      %xor3A_1326 = arith.constant 2 : i32
      %xor3A_1327 = vector.broadcast %xor3A_1326 : i32 to vector<16xi32>
      %xor3A_1328 = arith.xori %iota3A, %xor3A_1327 : vector<16xi32>
      %lt3A_1329 = arith.constant 0 : i32
      %lt3A_1330 = vector.broadcast %lt3A_1329 : i32 to vector<16xi32>
      %lt3A_1331 = arith.cmpi slt, %xor3A_1328, %lt3A_1330 : vector<16xi32>
      %add3A_1332 = arith.constant 16 : i32
      %add3A_1333 = vector.broadcast %add3A_1332 : i32 to vector<16xi32>
      %add3A_1334 = arith.addi %xor3A_1328, %add3A_1333 : vector<16xi32>
      %select_n3A_1335 = arith.select %lt3A_1331, %add3A_1334, %xor3A_1328 : vector<16xi1>, vector<16xi32>
      %broadcast_in_dim3A_1336 = vector.shape_cast %select_n3A_1335 : vector<16xi32> to vector<16x1xi32>
      %gather3A_1337 = vector.shape_cast %broadcast_in_dim3A_1336 : vector<16x1xi32> to vector<16xi32>
      %gather3A_1338 = tpu.dynamic_gather %min3A_1325[%gather3A_1337] in [0] : vector<16xf32>, vector<16xi32> -> vector<16xf32>
      %min3A_1339 = arith.minimumf %min3A_1325, %gather3A_1338 : vector<16xf32>
      %xor3A_1340 = arith.constant 1 : i32
      %xor3A_1341 = vector.broadcast %xor3A_1340 : i32 to vector<16xi32>
      %xor3A_1342 = arith.xori %iota3A, %xor3A_1341 : vector<16xi32>
      %lt3A_1343 = arith.constant 0 : i32
      %lt3A_1344 = vector.broadcast %lt3A_1343 : i32 to vector<16xi32>
      %lt3A_1345 = arith.cmpi slt, %xor3A_1342, %lt3A_1344 : vector<16xi32>
      %add3A_1346 = arith.constant 16 : i32
      %add3A_1347 = vector.broadcast %add3A_1346 : i32 to vector<16xi32>
      %add3A_1348 = arith.addi %xor3A_1342, %add3A_1347 : vector<16xi32>
      %select_n3A_1349 = arith.select %lt3A_1345, %add3A_1348, %xor3A_1342 : vector<16xi1>, vector<16xi32>
      %broadcast_in_dim3A_1350 = vector.shape_cast %select_n3A_1349 : vector<16xi32> to vector<16x1xi32>
      %gather3A_1351 = vector.shape_cast %broadcast_in_dim3A_1350 : vector<16x1xi32> to vector<16xi32>
      %gather3A_1352 = tpu.dynamic_gather %min3A_1339[%gather3A_1351] in [0] : vector<16xf32>, vector<16xi32> -> vector<16xf32>
      %min3A_1353 = arith.minimumf %min3A_1339, %gather3A_1352 : vector<16xf32>
      %max3A_1354 = arith.constant 1.000000e-30 : f32
      %max3A_1355 = vector.broadcast %max3A_1354 : f32 to vector<16xf32>
      %max3A_1356 = arith.maximumf %min3A_1353, %max3A_1355 : vector<16xf32>
      %bitcast_convert_type3A_1357 = tpu.bitcast %max3A_1356 : vector<16xf32> -> vector<16xi32>
      %shift_right_arithmetic3A_1358 = arith.constant 1 : i32
      %shift_right_arithmetic3A_1359 = vector.broadcast %shift_right_arithmetic3A_1358 : i32 to vector<16xi32>
      %shift_right_arithmetic3A_1360 = arith.shrsi %bitcast_convert_type3A_1357, %shift_right_arithmetic3A_1359 : vector<16xi32>
      %sub3A_1361 = arith.constant 1597463007 : i32
      %sub3A_1362 = vector.broadcast %sub3A_1361 : i32 to vector<16xi32>
      %sub3A_1363 = arith.subi %sub3A_1362, %shift_right_arithmetic3A_1360 : vector<16xi32>
      %bitcast_convert_type3A_1364 = tpu.bitcast %sub3A_1363 : vector<16xi32> -> vector<16xf32>
      %mul3A_1365 = arith.constant 5.000000e-01 : f32
      %mul3A_1366 = vector.broadcast %mul3A_1365 : f32 to vector<16xf32>
      %mul3A_1367 = arith.mulf %max3A_1356, %mul3A_1366 : vector<16xf32>
      %mul3A_1368 = arith.mulf %mul3A_1367, %bitcast_convert_type3A_1364 : vector<16xf32>
      %mul3A_1369 = arith.mulf %mul3A_1368, %bitcast_convert_type3A_1364 : vector<16xf32>
      %sub3A_1370 = arith.constant 1.500000e+00 : f32
      %sub3A_1371 = vector.broadcast %sub3A_1370 : f32 to vector<16xf32>
      %sub3A_1372 = arith.subf %sub3A_1371, %mul3A_1369 : vector<16xf32>
      %mul3A_1373 = arith.mulf %bitcast_convert_type3A_1364, %sub3A_1372 : vector<16xf32>
      %mul3A_1374 = arith.mulf %mul3A_1367, %mul3A_1373 : vector<16xf32>
      %mul3A_1375 = arith.mulf %mul3A_1374, %mul3A_1373 : vector<16xf32>
      %sub3A_1376 = arith.constant 1.500000e+00 : f32
      %sub3A_1377 = vector.broadcast %sub3A_1376 : f32 to vector<16xf32>
      %sub3A_1378 = arith.subf %sub3A_1377, %mul3A_1375 : vector<16xf32>
      %mul3A_1379 = arith.mulf %mul3A_1373, %sub3A_1378 : vector<16xf32>
      %mul3A_1380 = arith.mulf %mul3A_1367, %mul3A_1379 : vector<16xf32>
      %mul3A_1381 = arith.mulf %mul3A_1380, %mul3A_1379 : vector<16xf32>
      %sub3A_1382 = arith.constant 1.500000e+00 : f32
      %sub3A_1383 = vector.broadcast %sub3A_1382 : f32 to vector<16xf32>
      %sub3A_1384 = arith.subf %sub3A_1383, %mul3A_1381 : vector<16xf32>
      %mul3A_1385 = arith.mulf %mul3A_1379, %sub3A_1384 : vector<16xf32>
      %mul3A_1386 = arith.mulf %max3A_1356, %mul3A_1385 : vector<16xf32>
      %add3A_1387 = arith.addf %add3A_1297, %mul3A_1386 : vector<16xf32>
      %xor3A_1388 = arith.constant 8 : i32
      %xor3A_1389 = vector.broadcast %xor3A_1388 : i32 to vector<16xi32>
      %xor3A_1390 = arith.xori %iota3A, %xor3A_1389 : vector<16xi32>
      %lt3A_1391 = arith.constant 0 : i32
      %lt3A_1392 = vector.broadcast %lt3A_1391 : i32 to vector<16xi32>
      %lt3A_1393 = arith.cmpi slt, %xor3A_1390, %lt3A_1392 : vector<16xi32>
      %add3A_1394 = arith.constant 16 : i32
      %add3A_1395 = vector.broadcast %add3A_1394 : i32 to vector<16xi32>
      %add3A_1396 = arith.addi %xor3A_1390, %add3A_1395 : vector<16xi32>
      %select_n3A_1397 = arith.select %lt3A_1393, %add3A_1396, %xor3A_1390 : vector<16xi1>, vector<16xi32>
      %broadcast_in_dim3A_1398 = vector.shape_cast %select_n3A_1397 : vector<16xi32> to vector<16x1xi32>
      %gather3A_1399 = vector.shape_cast %broadcast_in_dim3A_1398 : vector<16x1xi32> to vector<16xi32>
      %gather3A_1400 = tpu.dynamic_gather %scan3A_846#6[%gather3A_1399] in [0] : vector<16xf32>, vector<16xi32> -> vector<16xf32>
      %min3A_1401 = arith.minimumf %scan3A_846#6, %gather3A_1400 : vector<16xf32>
      %xor3A_1402 = arith.constant 4 : i32
      %xor3A_1403 = vector.broadcast %xor3A_1402 : i32 to vector<16xi32>
      %xor3A_1404 = arith.xori %iota3A, %xor3A_1403 : vector<16xi32>
      %lt3A_1405 = arith.constant 0 : i32
      %lt3A_1406 = vector.broadcast %lt3A_1405 : i32 to vector<16xi32>
      %lt3A_1407 = arith.cmpi slt, %xor3A_1404, %lt3A_1406 : vector<16xi32>
      %add3A_1408 = arith.constant 16 : i32
      %add3A_1409 = vector.broadcast %add3A_1408 : i32 to vector<16xi32>
      %add3A_1410 = arith.addi %xor3A_1404, %add3A_1409 : vector<16xi32>
      %select_n3A_1411 = arith.select %lt3A_1407, %add3A_1410, %xor3A_1404 : vector<16xi1>, vector<16xi32>
      %broadcast_in_dim3A_1412 = vector.shape_cast %select_n3A_1411 : vector<16xi32> to vector<16x1xi32>
      %gather3A_1413 = vector.shape_cast %broadcast_in_dim3A_1412 : vector<16x1xi32> to vector<16xi32>
      %gather3A_1414 = tpu.dynamic_gather %min3A_1401[%gather3A_1413] in [0] : vector<16xf32>, vector<16xi32> -> vector<16xf32>
      %min3A_1415 = arith.minimumf %min3A_1401, %gather3A_1414 : vector<16xf32>
      %xor3A_1416 = arith.constant 2 : i32
      %xor3A_1417 = vector.broadcast %xor3A_1416 : i32 to vector<16xi32>
      %xor3A_1418 = arith.xori %iota3A, %xor3A_1417 : vector<16xi32>
      %lt3A_1419 = arith.constant 0 : i32
      %lt3A_1420 = vector.broadcast %lt3A_1419 : i32 to vector<16xi32>
      %lt3A_1421 = arith.cmpi slt, %xor3A_1418, %lt3A_1420 : vector<16xi32>
      %add3A_1422 = arith.constant 16 : i32
      %add3A_1423 = vector.broadcast %add3A_1422 : i32 to vector<16xi32>
      %add3A_1424 = arith.addi %xor3A_1418, %add3A_1423 : vector<16xi32>
      %select_n3A_1425 = arith.select %lt3A_1421, %add3A_1424, %xor3A_1418 : vector<16xi1>, vector<16xi32>
      %broadcast_in_dim3A_1426 = vector.shape_cast %select_n3A_1425 : vector<16xi32> to vector<16x1xi32>
      %gather3A_1427 = vector.shape_cast %broadcast_in_dim3A_1426 : vector<16x1xi32> to vector<16xi32>
      %gather3A_1428 = tpu.dynamic_gather %min3A_1415[%gather3A_1427] in [0] : vector<16xf32>, vector<16xi32> -> vector<16xf32>
      %min3A_1429 = arith.minimumf %min3A_1415, %gather3A_1428 : vector<16xf32>
      %xor3A_1430 = arith.constant 1 : i32
      %xor3A_1431 = vector.broadcast %xor3A_1430 : i32 to vector<16xi32>
      %xor3A_1432 = arith.xori %iota3A, %xor3A_1431 : vector<16xi32>
      %lt3A_1433 = arith.constant 0 : i32
      %lt3A_1434 = vector.broadcast %lt3A_1433 : i32 to vector<16xi32>
      %lt3A_1435 = arith.cmpi slt, %xor3A_1432, %lt3A_1434 : vector<16xi32>
      %add3A_1436 = arith.constant 16 : i32
      %add3A_1437 = vector.broadcast %add3A_1436 : i32 to vector<16xi32>
      %add3A_1438 = arith.addi %xor3A_1432, %add3A_1437 : vector<16xi32>
      %select_n3A_1439 = arith.select %lt3A_1435, %add3A_1438, %xor3A_1432 : vector<16xi1>, vector<16xi32>
      %broadcast_in_dim3A_1440 = vector.shape_cast %select_n3A_1439 : vector<16xi32> to vector<16x1xi32>
      %gather3A_1441 = vector.shape_cast %broadcast_in_dim3A_1440 : vector<16x1xi32> to vector<16xi32>
      %gather3A_1442 = tpu.dynamic_gather %min3A_1429[%gather3A_1441] in [0] : vector<16xf32>, vector<16xi32> -> vector<16xf32>
      %min3A_1443 = arith.minimumf %min3A_1429, %gather3A_1442 : vector<16xf32>
      %max3A_1444 = arith.constant 1.000000e-30 : f32
      %max3A_1445 = vector.broadcast %max3A_1444 : f32 to vector<16xf32>
      %max3A_1446 = arith.maximumf %min3A_1443, %max3A_1445 : vector<16xf32>
      %bitcast_convert_type3A_1447 = tpu.bitcast %max3A_1446 : vector<16xf32> -> vector<16xi32>
      %shift_right_arithmetic3A_1448 = arith.constant 1 : i32
      %shift_right_arithmetic3A_1449 = vector.broadcast %shift_right_arithmetic3A_1448 : i32 to vector<16xi32>
      %shift_right_arithmetic3A_1450 = arith.shrsi %bitcast_convert_type3A_1447, %shift_right_arithmetic3A_1449 : vector<16xi32>
      %sub3A_1451 = arith.constant 1597463007 : i32
      %sub3A_1452 = vector.broadcast %sub3A_1451 : i32 to vector<16xi32>
      %sub3A_1453 = arith.subi %sub3A_1452, %shift_right_arithmetic3A_1450 : vector<16xi32>
      %bitcast_convert_type3A_1454 = tpu.bitcast %sub3A_1453 : vector<16xi32> -> vector<16xf32>
      %mul3A_1455 = arith.constant 5.000000e-01 : f32
      %mul3A_1456 = vector.broadcast %mul3A_1455 : f32 to vector<16xf32>
      %mul3A_1457 = arith.mulf %max3A_1446, %mul3A_1456 : vector<16xf32>
      %mul3A_1458 = arith.mulf %mul3A_1457, %bitcast_convert_type3A_1454 : vector<16xf32>
      %mul3A_1459 = arith.mulf %mul3A_1458, %bitcast_convert_type3A_1454 : vector<16xf32>
      %sub3A_1460 = arith.constant 1.500000e+00 : f32
      %sub3A_1461 = vector.broadcast %sub3A_1460 : f32 to vector<16xf32>
      %sub3A_1462 = arith.subf %sub3A_1461, %mul3A_1459 : vector<16xf32>
      %mul3A_1463 = arith.mulf %bitcast_convert_type3A_1454, %sub3A_1462 : vector<16xf32>
      %mul3A_1464 = arith.mulf %mul3A_1457, %mul3A_1463 : vector<16xf32>
      %mul3A_1465 = arith.mulf %mul3A_1464, %mul3A_1463 : vector<16xf32>
      %sub3A_1466 = arith.constant 1.500000e+00 : f32
      %sub3A_1467 = vector.broadcast %sub3A_1466 : f32 to vector<16xf32>
      %sub3A_1468 = arith.subf %sub3A_1467, %mul3A_1465 : vector<16xf32>
      %mul3A_1469 = arith.mulf %mul3A_1463, %sub3A_1468 : vector<16xf32>
      %mul3A_1470 = arith.mulf %mul3A_1457, %mul3A_1469 : vector<16xf32>
      %mul3A_1471 = arith.mulf %mul3A_1470, %mul3A_1469 : vector<16xf32>
      %sub3A_1472 = arith.constant 1.500000e+00 : f32
      %sub3A_1473 = vector.broadcast %sub3A_1472 : f32 to vector<16xf32>
      %sub3A_1474 = arith.subf %sub3A_1473, %mul3A_1471 : vector<16xf32>
      %mul3A_1475 = arith.mulf %mul3A_1469, %sub3A_1474 : vector<16xf32>
      %mul3A_1476 = arith.mulf %max3A_1446, %mul3A_1475 : vector<16xf32>
      %add3A_1477 = arith.addf %add3A_1387, %mul3A_1476 : vector<16xf32>
      %xor3A_1478 = arith.constant 8 : i32
      %xor3A_1479 = vector.broadcast %xor3A_1478 : i32 to vector<16xi32>
      %xor3A_1480 = arith.xori %iota3A, %xor3A_1479 : vector<16xi32>
      %lt3A_1481 = arith.constant 0 : i32
      %lt3A_1482 = vector.broadcast %lt3A_1481 : i32 to vector<16xi32>
      %lt3A_1483 = arith.cmpi slt, %xor3A_1480, %lt3A_1482 : vector<16xi32>
      %add3A_1484 = arith.constant 16 : i32
      %add3A_1485 = vector.broadcast %add3A_1484 : i32 to vector<16xi32>
      %add3A_1486 = arith.addi %xor3A_1480, %add3A_1485 : vector<16xi32>
      %select_n3A_1487 = arith.select %lt3A_1483, %add3A_1486, %xor3A_1480 : vector<16xi1>, vector<16xi32>
      %broadcast_in_dim3A_1488 = vector.shape_cast %select_n3A_1487 : vector<16xi32> to vector<16x1xi32>
      %gather3A_1489 = vector.shape_cast %broadcast_in_dim3A_1488 : vector<16x1xi32> to vector<16xi32>
      %gather3A_1490 = tpu.dynamic_gather %scan3A_846#7[%gather3A_1489] in [0] : vector<16xf32>, vector<16xi32> -> vector<16xf32>
      %min3A_1491 = arith.minimumf %scan3A_846#7, %gather3A_1490 : vector<16xf32>
      %xor3A_1492 = arith.constant 4 : i32
      %xor3A_1493 = vector.broadcast %xor3A_1492 : i32 to vector<16xi32>
      %xor3A_1494 = arith.xori %iota3A, %xor3A_1493 : vector<16xi32>
      %lt3A_1495 = arith.constant 0 : i32
      %lt3A_1496 = vector.broadcast %lt3A_1495 : i32 to vector<16xi32>
      %lt3A_1497 = arith.cmpi slt, %xor3A_1494, %lt3A_1496 : vector<16xi32>
      %add3A_1498 = arith.constant 16 : i32
      %add3A_1499 = vector.broadcast %add3A_1498 : i32 to vector<16xi32>
      %add3A_1500 = arith.addi %xor3A_1494, %add3A_1499 : vector<16xi32>
      %select_n3A_1501 = arith.select %lt3A_1497, %add3A_1500, %xor3A_1494 : vector<16xi1>, vector<16xi32>
      %broadcast_in_dim3A_1502 = vector.shape_cast %select_n3A_1501 : vector<16xi32> to vector<16x1xi32>
      %gather3A_1503 = vector.shape_cast %broadcast_in_dim3A_1502 : vector<16x1xi32> to vector<16xi32>
      %gather3A_1504 = tpu.dynamic_gather %min3A_1491[%gather3A_1503] in [0] : vector<16xf32>, vector<16xi32> -> vector<16xf32>
      %min3A_1505 = arith.minimumf %min3A_1491, %gather3A_1504 : vector<16xf32>
      %xor3A_1506 = arith.constant 2 : i32
      %xor3A_1507 = vector.broadcast %xor3A_1506 : i32 to vector<16xi32>
      %xor3A_1508 = arith.xori %iota3A, %xor3A_1507 : vector<16xi32>
      %lt3A_1509 = arith.constant 0 : i32
      %lt3A_1510 = vector.broadcast %lt3A_1509 : i32 to vector<16xi32>
      %lt3A_1511 = arith.cmpi slt, %xor3A_1508, %lt3A_1510 : vector<16xi32>
      %add3A_1512 = arith.constant 16 : i32
      %add3A_1513 = vector.broadcast %add3A_1512 : i32 to vector<16xi32>
      %add3A_1514 = arith.addi %xor3A_1508, %add3A_1513 : vector<16xi32>
      %select_n3A_1515 = arith.select %lt3A_1511, %add3A_1514, %xor3A_1508 : vector<16xi1>, vector<16xi32>
      %broadcast_in_dim3A_1516 = vector.shape_cast %select_n3A_1515 : vector<16xi32> to vector<16x1xi32>
      %gather3A_1517 = vector.shape_cast %broadcast_in_dim3A_1516 : vector<16x1xi32> to vector<16xi32>
      %gather3A_1518 = tpu.dynamic_gather %min3A_1505[%gather3A_1517] in [0] : vector<16xf32>, vector<16xi32> -> vector<16xf32>
      %min3A_1519 = arith.minimumf %min3A_1505, %gather3A_1518 : vector<16xf32>
      %xor3A_1520 = arith.constant 1 : i32
      %xor3A_1521 = vector.broadcast %xor3A_1520 : i32 to vector<16xi32>
      %xor3A_1522 = arith.xori %iota3A, %xor3A_1521 : vector<16xi32>
      %lt3A_1523 = arith.constant 0 : i32
      %lt3A_1524 = vector.broadcast %lt3A_1523 : i32 to vector<16xi32>
      %lt3A_1525 = arith.cmpi slt, %xor3A_1522, %lt3A_1524 : vector<16xi32>
      %add3A_1526 = arith.constant 16 : i32
      %add3A_1527 = vector.broadcast %add3A_1526 : i32 to vector<16xi32>
      %add3A_1528 = arith.addi %xor3A_1522, %add3A_1527 : vector<16xi32>
      %select_n3A_1529 = arith.select %lt3A_1525, %add3A_1528, %xor3A_1522 : vector<16xi1>, vector<16xi32>
      %broadcast_in_dim3A_1530 = vector.shape_cast %select_n3A_1529 : vector<16xi32> to vector<16x1xi32>
      %gather3A_1531 = vector.shape_cast %broadcast_in_dim3A_1530 : vector<16x1xi32> to vector<16xi32>
      %gather3A_1532 = tpu.dynamic_gather %min3A_1519[%gather3A_1531] in [0] : vector<16xf32>, vector<16xi32> -> vector<16xf32>
      %min3A_1533 = arith.minimumf %min3A_1519, %gather3A_1532 : vector<16xf32>
      %max3A_1534 = arith.constant 1.000000e-30 : f32
      %max3A_1535 = vector.broadcast %max3A_1534 : f32 to vector<16xf32>
      %max3A_1536 = arith.maximumf %min3A_1533, %max3A_1535 : vector<16xf32>
      %bitcast_convert_type3A_1537 = tpu.bitcast %max3A_1536 : vector<16xf32> -> vector<16xi32>
      %shift_right_arithmetic3A_1538 = arith.constant 1 : i32
      %shift_right_arithmetic3A_1539 = vector.broadcast %shift_right_arithmetic3A_1538 : i32 to vector<16xi32>
      %shift_right_arithmetic3A_1540 = arith.shrsi %bitcast_convert_type3A_1537, %shift_right_arithmetic3A_1539 : vector<16xi32>
      %sub3A_1541 = arith.constant 1597463007 : i32
      %sub3A_1542 = vector.broadcast %sub3A_1541 : i32 to vector<16xi32>
      %sub3A_1543 = arith.subi %sub3A_1542, %shift_right_arithmetic3A_1540 : vector<16xi32>
      %bitcast_convert_type3A_1544 = tpu.bitcast %sub3A_1543 : vector<16xi32> -> vector<16xf32>
      %mul3A_1545 = arith.constant 5.000000e-01 : f32
      %mul3A_1546 = vector.broadcast %mul3A_1545 : f32 to vector<16xf32>
      %mul3A_1547 = arith.mulf %max3A_1536, %mul3A_1546 : vector<16xf32>
      %mul3A_1548 = arith.mulf %mul3A_1547, %bitcast_convert_type3A_1544 : vector<16xf32>
      %mul3A_1549 = arith.mulf %mul3A_1548, %bitcast_convert_type3A_1544 : vector<16xf32>
      %sub3A_1550 = arith.constant 1.500000e+00 : f32
      %sub3A_1551 = vector.broadcast %sub3A_1550 : f32 to vector<16xf32>
      %sub3A_1552 = arith.subf %sub3A_1551, %mul3A_1549 : vector<16xf32>
      %mul3A_1553 = arith.mulf %bitcast_convert_type3A_1544, %sub3A_1552 : vector<16xf32>
      %mul3A_1554 = arith.mulf %mul3A_1547, %mul3A_1553 : vector<16xf32>
      %mul3A_1555 = arith.mulf %mul3A_1554, %mul3A_1553 : vector<16xf32>
      %sub3A_1556 = arith.constant 1.500000e+00 : f32
      %sub3A_1557 = vector.broadcast %sub3A_1556 : f32 to vector<16xf32>
      %sub3A_1558 = arith.subf %sub3A_1557, %mul3A_1555 : vector<16xf32>
      %mul3A_1559 = arith.mulf %mul3A_1553, %sub3A_1558 : vector<16xf32>
      %mul3A_1560 = arith.mulf %mul3A_1547, %mul3A_1559 : vector<16xf32>
      %mul3A_1561 = arith.mulf %mul3A_1560, %mul3A_1559 : vector<16xf32>
      %sub3A_1562 = arith.constant 1.500000e+00 : f32
      %sub3A_1563 = vector.broadcast %sub3A_1562 : f32 to vector<16xf32>
      %sub3A_1564 = arith.subf %sub3A_1563, %mul3A_1561 : vector<16xf32>
      %mul3A_1565 = arith.mulf %mul3A_1559, %sub3A_1564 : vector<16xf32>
      %mul3A_1566 = arith.mulf %max3A_1536, %mul3A_1565 : vector<16xf32>
      %add3A_1567 = arith.addf %add3A_1477, %mul3A_1566 : vector<16xf32>
      scf.yield %add3A_1567 : vector<16xf32>
    }
    %scan3A_74 = arith.constant 8 : i32
    %swap3A = arith.constant 0 : index
    %swap3A_75 = tpu.vector_load %arg11[%swap3A] {strides = array<i32>} : memref<16xf32, #tpu.memory_space<vmem>>, vector<16xf32>,
    %swap3A_76 = vector.shape_cast %swap3A_75 : vector<16xf32> to vector<16xf32>
    %swap3A_77 = vector.shape_cast %scan3A_73 : vector<16xf32> to vector<16xf32>
    tpu.vector_store %arg11[%swap3A], %swap3A_77 {strides = array<i32>} : memref<16xf32, #tpu.memory_space<vmem>>, vector<16xf32>,
    "tpu.region"() ({
      %run_scoped3A = tpu.sem_alloc : memref<!tpu.dma_semaphore, #tpu.memory_space<semaphore_mem>>
      %dma_start3A = arith.constant 0 : i32
      %dma_start3A_97 = tpu.memref_slice %arg5[%add3A, %dma_start3A] : memref<32x16xf32, #tpu.memory_space<hbm>> -> memref<1x16xf32, #tpu.memory_space<hbm>>
      %dma_start3A_98 = tpu.memref_squeeze %dma_start3A_97 : memref<1x16xf32, #tpu.memory_space<hbm>> -> memref<16xf32, #tpu.memory_space<hbm>>
      %dma_start3A_99 = arith.constant 0 : i32
      %dma_start3A_100 = tpu.memref_slice %arg5[%add3A, %dma_start3A_99] : memref<32x16xf32, #tpu.memory_space<hbm>> -> memref<1x16xf32, #tpu.memory_space<hbm>>
      %dma_start3A_101 = tpu.memref_squeeze %dma_start3A_100 : memref<1x16xf32, #tpu.memory_space<hbm>> -> memref<16xf32, #tpu.memory_space<hbm>>
      tpu.enqueue_dma source(%arg11 : memref<16xf32, #tpu.memory_space<vmem>>) target(%dma_start3A_101 : memref<16xf32, #tpu.memory_space<hbm>>) target_semaphore(%run_scoped3A : memref<!tpu.dma_semaphore, #tpu.memory_space<semaphore_mem>>)
      %dma_wait3A = arith.constant 0 : i32
      %dma_wait3A_102 = tpu.memref_slice %arg5[%add3A, %dma_wait3A] : memref<32x16xf32, #tpu.memory_space<hbm>> -> memref<1x16xf32, #tpu.memory_space<hbm>>
      %dma_wait3A_103 = tpu.memref_squeeze %dma_wait3A_102 : memref<1x16xf32, #tpu.memory_space<hbm>> -> memref<16xf32, #tpu.memory_space<hbm>>
      %dma_wait3A_104 = arith.constant 0 : i32
      %dma_wait3A_105 = tpu.memref_slice %arg5[%add3A, %dma_wait3A_104] : memref<32x16xf32, #tpu.memory_space<hbm>> -> memref<1x16xf32, #tpu.memory_space<hbm>>
      %dma_wait3A_106 = tpu.memref_squeeze %dma_wait3A_105 : memref<1x16xf32, #tpu.memory_space<hbm>> -> memref<16xf32, #tpu.memory_space<hbm>>
      tpu.wait_dma2 semaphore(%run_scoped3A : memref<!tpu.dma_semaphore, #tpu.memory_space<semaphore_mem>>) src(%arg11 : memref<16xf32, #tpu.memory_space<vmem>>) dst(%dma_wait3A_106 : memref<16xf32, #tpu.memory_space<hbm>>)
      tpu.yield
    }) : () -> ()
    "tpu.region"() ({
      %run_scoped3A = tpu.sem_alloc : memref<!tpu.dma_semaphore, #tpu.memory_space<semaphore_mem>>
      %dma_start3A = arith.constant 0 : i32
      %dma_start3A_97 = tpu.memref_slice %arg14[%arg1, %dma_start3A] : memref<16x2048xf32, #tpu.memory_space<vmem_shared>> -> memref<1x2048xf32, #tpu.memory_space<vmem_shared>>
      %dma_start3A_98 = tpu.memref_squeeze %dma_start3A_97 : memref<1x2048xf32, #tpu.memory_space<vmem_shared>> -> memref<2048xf32, #tpu.memory_space<vmem_shared>>
      %dma_start3A_99 = arith.constant 0 : i32
      %dma_start3A_100 = tpu.memref_slice %arg14[%arg1, %dma_start3A_99] : memref<16x2048xf32, #tpu.memory_space<vmem_shared>> -> memref<1x2048xf32, #tpu.memory_space<vmem_shared>>
      %dma_start3A_101 = tpu.memref_squeeze %dma_start3A_100 : memref<1x2048xf32, #tpu.memory_space<vmem_shared>> -> memref<2048xf32, #tpu.memory_space<vmem_shared>>
      tpu.enqueue_dma source(%arg10 : memref<2048xf32, #tpu.memory_space<vmem>>) target(%dma_start3A_101 : memref<2048xf32, #tpu.memory_space<vmem_shared>>) target_semaphore(%run_scoped3A : memref<!tpu.dma_semaphore, #tpu.memory_space<semaphore_mem>>)
      %dma_wait3A = arith.constant 0 : i32
      %dma_wait3A_102 = tpu.memref_slice %arg14[%arg1, %dma_wait3A] : memref<16x2048xf32, #tpu.memory_space<vmem_shared>> -> memref<1x2048xf32, #tpu.memory_space<vmem_shared>>
      %dma_wait3A_103 = tpu.memref_squeeze %dma_wait3A_102 : memref<1x2048xf32, #tpu.memory_space<vmem_shared>> -> memref<2048xf32, #tpu.memory_space<vmem_shared>>
      %dma_wait3A_104 = arith.constant 0 : i32
      %dma_wait3A_105 = tpu.memref_slice %arg14[%arg1, %dma_wait3A_104] : memref<16x2048xf32, #tpu.memory_space<vmem_shared>> -> memref<1x2048xf32, #tpu.memory_space<vmem_shared>>
      %dma_wait3A_106 = tpu.memref_squeeze %dma_wait3A_105 : memref<1x2048xf32, #tpu.memory_space<vmem_shared>> -> memref<2048xf32, #tpu.memory_space<vmem_shared>>
      tpu.wait_dma2 semaphore(%run_scoped3A : memref<!tpu.dma_semaphore, #tpu.memory_space<semaphore_mem>>) src(%arg10 : memref<2048xf32, #tpu.memory_space<vmem>>) dst(%dma_wait3A_106 : memref<2048xf32, #tpu.memory_space<vmem_shared>>)
      tpu.yield
    }) : () -> ()
    %barrier3A = arith.constant 0 : index
    tpu.barrier barrier_id(%barrier3A)
    %jit3A_78 = arith.constant 16 : i32
    %eq3A_79 = arith.constant 0 : i32
    %eq3A_80 = arith.cmpi eq, %jit3A_78, %eq3A_79 : i32
    %jit3A_81 = arith.constant 1 : i32
    %select_n3A_82 = arith.select %eq3A_80, %jit3A_81, %jit3A_78 : i32
    %rem3A_83 = arith.remsi %arg1, %select_n3A_82 : i32
    %ne3A_84 = arith.constant 0 : i32
    %ne3A_85 = arith.cmpi ne, %rem3A_83, %ne3A_84 : i32
    %lt3A_86 = arith.constant 0 : i32
    %lt3A_87 = arith.cmpi slt, %rem3A_83, %lt3A_86 : i32
    %lt3A_88 = arith.constant 0 : i32
    %lt3A_89 = arith.cmpi slt, %select_n3A_82, %lt3A_88 : i32
    %ne3A_90 = arith.xori %lt3A_87, %lt3A_89 : i1
    %and3A_91 = arith.andi %ne3A_90, %ne3A_85 : i1
    %add3A_92 = arith.addi %rem3A_83, %select_n3A_82 : i32
    %select_n3A_93 = arith.select %and3A_91, %add3A_92, %rem3A_83 : i32
    %eq3A_94 = arith.constant 0 : i32
    %eq3A_95 = arith.cmpi eq, %select_n3A_93, %eq3A_94 : i32
    %convert_element_type3A = arith.extui %eq3A_95 : i1 to i32
    %cond3A = arith.constant 0 : i32
    %cond3A_96 = arith.cmpi ne, %convert_element_type3A, %cond3A : i32
    scf.if %cond3A_96 {
      %add3A_97 = arith.constant 0 : i32
      %add3A_98 = arith.addi %arg1, %add3A_97 : i32
      %run_scoped3A = arith.constant 0 : i32
      "tpu.region"() ({
        %run_scoped3A_156 = tpu.sem_alloc : memref<!tpu.dma_semaphore, #tpu.memory_space<semaphore_mem>>
        %dma_start3A = arith.constant 0 : i32
        %dma_start3A_157 = tpu.memref_slice %arg13[%run_scoped3A, %dma_start3A] : memref<16x2048xf32, #tpu.memory_space<vmem>> -> memref<1x2048xf32, #tpu.memory_space<vmem>>
        %dma_start3A_158 = tpu.memref_squeeze %dma_start3A_157 : memref<1x2048xf32, #tpu.memory_space<vmem>> -> memref<2048xf32, #tpu.memory_space<vmem>>
        %dma_start3A_159 = arith.constant 0 : i32
        %dma_start3A_160 = tpu.memref_slice %arg14[%add3A_98, %dma_start3A_159] : memref<16x2048xf32, #tpu.memory_space<vmem_shared>> -> memref<1x2048xf32, #tpu.memory_space<vmem_shared>>
        %dma_start3A_161 = tpu.memref_squeeze %dma_start3A_160 : memref<1x2048xf32, #tpu.memory_space<vmem_shared>> -> memref<2048xf32, #tpu.memory_space<vmem_shared>>
        %dma_start3A_162 = arith.constant 0 : i32
        %dma_start3A_163 = tpu.memref_slice %arg13[%run_scoped3A, %dma_start3A_162] : memref<16x2048xf32, #tpu.memory_space<vmem>> -> memref<1x2048xf32, #tpu.memory_space<vmem>>
        %dma_start3A_164 = tpu.memref_squeeze %dma_start3A_163 : memref<1x2048xf32, #tpu.memory_space<vmem>> -> memref<2048xf32, #tpu.memory_space<vmem>>
        %dma_start3A_165 = arith.constant 0 : i32
        %dma_start3A_166 = tpu.memref_slice %arg14[%add3A_98, %dma_start3A_165] : memref<16x2048xf32, #tpu.memory_space<vmem_shared>> -> memref<1x2048xf32, #tpu.memory_space<vmem_shared>>
        %dma_start3A_167 = tpu.memref_squeeze %dma_start3A_166 : memref<1x2048xf32, #tpu.memory_space<vmem_shared>> -> memref<2048xf32, #tpu.memory_space<vmem_shared>>
        tpu.enqueue_dma source(%dma_start3A_167 : memref<2048xf32, #tpu.memory_space<vmem_shared>>) target(%dma_start3A_164 : memref<2048xf32, #tpu.memory_space<vmem>>) target_semaphore(%run_scoped3A_156 : memref<!tpu.dma_semaphore, #tpu.memory_space<semaphore_mem>>)
        %dma_wait3A = arith.constant 0 : i32
        %dma_wait3A_168 = tpu.memref_slice %arg13[%run_scoped3A, %dma_wait3A] : memref<16x2048xf32, #tpu.memory_space<vmem>> -> memref<1x2048xf32, #tpu.memory_space<vmem>>
        %dma_wait3A_169 = tpu.memref_squeeze %dma_wait3A_168 : memref<1x2048xf32, #tpu.memory_space<vmem>> -> memref<2048xf32, #tpu.memory_space<vmem>>
        %dma_wait3A_170 = arith.constant 0 : i32
        %dma_wait3A_171 = tpu.memref_slice %arg14[%add3A_98, %dma_wait3A_170] : memref<16x2048xf32, #tpu.memory_space<vmem_shared>> -> memref<1x2048xf32, #tpu.memory_space<vmem_shared>>
        %dma_wait3A_172 = tpu.memref_squeeze %dma_wait3A_171 : memref<1x2048xf32, #tpu.memory_space<vmem_shared>> -> memref<2048xf32, #tpu.memory_space<vmem_shared>>
        %dma_wait3A_173 = arith.constant 0 : i32
        %dma_wait3A_174 = tpu.memref_slice %arg13[%run_scoped3A, %dma_wait3A_173] : memref<16x2048xf32, #tpu.memory_space<vmem>> -> memref<1x2048xf32, #tpu.memory_space<vmem>>
        %dma_wait3A_175 = tpu.memref_squeeze %dma_wait3A_174 : memref<1x2048xf32, #tpu.memory_space<vmem>> -> memref<2048xf32, #tpu.memory_space<vmem>>
        %dma_wait3A_176 = arith.constant 0 : i32
        %dma_wait3A_177 = tpu.memref_slice %arg14[%add3A_98, %dma_wait3A_176] : memref<16x2048xf32, #tpu.memory_space<vmem_shared>> -> memref<1x2048xf32, #tpu.memory_space<vmem_shared>>
        %dma_wait3A_178 = tpu.memref_squeeze %dma_wait3A_177 : memref<1x2048xf32, #tpu.memory_space<vmem_shared>> -> memref<2048xf32, #tpu.memory_space<vmem_shared>>
        tpu.wait_dma2 semaphore(%run_scoped3A_156 : memref<!tpu.dma_semaphore, #tpu.memory_space<semaphore_mem>>) src(%dma_wait3A_178 : memref<2048xf32, #tpu.memory_space<vmem_shared>>) dst(%dma_wait3A_175 : memref<2048xf32, #tpu.memory_space<vmem>>)
        tpu.yield
      }) : () -> ()
      %add3A_99 = arith.constant 1 : i32
      %add3A_100 = arith.addi %arg1, %add3A_99 : i32
      %run_scoped3A_101 = arith.constant 1 : i32
      "tpu.region"() ({
        %run_scoped3A_156 = tpu.sem_alloc : memref<!tpu.dma_semaphore, #tpu.memory_space<semaphore_mem>>
        %dma_start3A = arith.constant 0 : i32
        %dma_start3A_157 = tpu.memref_slice %arg13[%run_scoped3A_101, %dma_start3A] : memref<16x2048xf32, #tpu.memory_space<vmem>> -> memref<1x2048xf32, #tpu.memory_space<vmem>>
        %dma_start3A_158 = tpu.memref_squeeze %dma_start3A_157 : memref<1x2048xf32, #tpu.memory_space<vmem>> -> memref<2048xf32, #tpu.memory_space<vmem>>
        %dma_start3A_159 = arith.constant 0 : i32
        %dma_start3A_160 = tpu.memref_slice %arg14[%add3A_100, %dma_start3A_159] : memref<16x2048xf32, #tpu.memory_space<vmem_shared>> -> memref<1x2048xf32, #tpu.memory_space<vmem_shared>>
        %dma_start3A_161 = tpu.memref_squeeze %dma_start3A_160 : memref<1x2048xf32, #tpu.memory_space<vmem_shared>> -> memref<2048xf32, #tpu.memory_space<vmem_shared>>
        %dma_start3A_162 = arith.constant 0 : i32
        %dma_start3A_163 = tpu.memref_slice %arg13[%run_scoped3A_101, %dma_start3A_162] : memref<16x2048xf32, #tpu.memory_space<vmem>> -> memref<1x2048xf32, #tpu.memory_space<vmem>>
        %dma_start3A_164 = tpu.memref_squeeze %dma_start3A_163 : memref<1x2048xf32, #tpu.memory_space<vmem>> -> memref<2048xf32, #tpu.memory_space<vmem>>
        %dma_start3A_165 = arith.constant 0 : i32
        %dma_start3A_166 = tpu.memref_slice %arg14[%add3A_100, %dma_start3A_165] : memref<16x2048xf32, #tpu.memory_space<vmem_shared>> -> memref<1x2048xf32, #tpu.memory_space<vmem_shared>>
        %dma_start3A_167 = tpu.memref_squeeze %dma_start3A_166 : memref<1x2048xf32, #tpu.memory_space<vmem_shared>> -> memref<2048xf32, #tpu.memory_space<vmem_shared>>
        tpu.enqueue_dma source(%dma_start3A_167 : memref<2048xf32, #tpu.memory_space<vmem_shared>>) target(%dma_start3A_164 : memref<2048xf32, #tpu.memory_space<vmem>>) target_semaphore(%run_scoped3A_156 : memref<!tpu.dma_semaphore, #tpu.memory_space<semaphore_mem>>)
        %dma_wait3A = arith.constant 0 : i32
        %dma_wait3A_168 = tpu.memref_slice %arg13[%run_scoped3A_101, %dma_wait3A] : memref<16x2048xf32, #tpu.memory_space<vmem>> -> memref<1x2048xf32, #tpu.memory_space<vmem>>
        %dma_wait3A_169 = tpu.memref_squeeze %dma_wait3A_168 : memref<1x2048xf32, #tpu.memory_space<vmem>> -> memref<2048xf32, #tpu.memory_space<vmem>>
        %dma_wait3A_170 = arith.constant 0 : i32
        %dma_wait3A_171 = tpu.memref_slice %arg14[%add3A_100, %dma_wait3A_170] : memref<16x2048xf32, #tpu.memory_space<vmem_shared>> -> memref<1x2048xf32, #tpu.memory_space<vmem_shared>>
        %dma_wait3A_172 = tpu.memref_squeeze %dma_wait3A_171 : memref<1x2048xf32, #tpu.memory_space<vmem_shared>> -> memref<2048xf32, #tpu.memory_space<vmem_shared>>
        %dma_wait3A_173 = arith.constant 0 : i32
        %dma_wait3A_174 = tpu.memref_slice %arg13[%run_scoped3A_101, %dma_wait3A_173] : memref<16x2048xf32, #tpu.memory_space<vmem>> -> memref<1x2048xf32, #tpu.memory_space<vmem>>
        %dma_wait3A_175 = tpu.memref_squeeze %dma_wait3A_174 : memref<1x2048xf32, #tpu.memory_space<vmem>> -> memref<2048xf32, #tpu.memory_space<vmem>>
        %dma_wait3A_176 = arith.constant 0 : i32
        %dma_wait3A_177 = tpu.memref_slice %arg14[%add3A_100, %dma_wait3A_176] : memref<16x2048xf32, #tpu.memory_space<vmem_shared>> -> memref<1x2048xf32, #tpu.memory_space<vmem_shared>>
        %dma_wait3A_178 = tpu.memref_squeeze %dma_wait3A_177 : memref<1x2048xf32, #tpu.memory_space<vmem_shared>> -> memref<2048xf32, #tpu.memory_space<vmem_shared>>
        tpu.wait_dma2 semaphore(%run_scoped3A_156 : memref<!tpu.dma_semaphore, #tpu.memory_space<semaphore_mem>>) src(%dma_wait3A_178 : memref<2048xf32, #tpu.memory_space<vmem_shared>>) dst(%dma_wait3A_175 : memref<2048xf32, #tpu.memory_space<vmem>>)
        tpu.yield
      }) : () -> ()
      %add3A_102 = arith.constant 2 : i32
      %add3A_103 = arith.addi %arg1, %add3A_102 : i32
      %run_scoped3A_104 = arith.constant 2 : i32
      "tpu.region"() ({
        %run_scoped3A_156 = tpu.sem_alloc : memref<!tpu.dma_semaphore, #tpu.memory_space<semaphore_mem>>
        %dma_start3A = arith.constant 0 : i32
        %dma_start3A_157 = tpu.memref_slice %arg13[%run_scoped3A_104, %dma_start3A] : memref<16x2048xf32, #tpu.memory_space<vmem>> -> memref<1x2048xf32, #tpu.memory_space<vmem>>
        %dma_start3A_158 = tpu.memref_squeeze %dma_start3A_157 : memref<1x2048xf32, #tpu.memory_space<vmem>> -> memref<2048xf32, #tpu.memory_space<vmem>>
        %dma_start3A_159 = arith.constant 0 : i32
        %dma_start3A_160 = tpu.memref_slice %arg14[%add3A_103, %dma_start3A_159] : memref<16x2048xf32, #tpu.memory_space<vmem_shared>> -> memref<1x2048xf32, #tpu.memory_space<vmem_shared>>
        %dma_start3A_161 = tpu.memref_squeeze %dma_start3A_160 : memref<1x2048xf32, #tpu.memory_space<vmem_shared>> -> memref<2048xf32, #tpu.memory_space<vmem_shared>>
        %dma_start3A_162 = arith.constant 0 : i32
        %dma_start3A_163 = tpu.memref_slice %arg13[%run_scoped3A_104, %dma_start3A_162] : memref<16x2048xf32, #tpu.memory_space<vmem>> -> memref<1x2048xf32, #tpu.memory_space<vmem>>
        %dma_start3A_164 = tpu.memref_squeeze %dma_start3A_163 : memref<1x2048xf32, #tpu.memory_space<vmem>> -> memref<2048xf32, #tpu.memory_space<vmem>>
        %dma_start3A_165 = arith.constant 0 : i32
        %dma_start3A_166 = tpu.memref_slice %arg14[%add3A_103, %dma_start3A_165] : memref<16x2048xf32, #tpu.memory_space<vmem_shared>> -> memref<1x2048xf32, #tpu.memory_space<vmem_shared>>
        %dma_start3A_167 = tpu.memref_squeeze %dma_start3A_166 : memref<1x2048xf32, #tpu.memory_space<vmem_shared>> -> memref<2048xf32, #tpu.memory_space<vmem_shared>>
        tpu.enqueue_dma source(%dma_start3A_167 : memref<2048xf32, #tpu.memory_space<vmem_shared>>) target(%dma_start3A_164 : memref<2048xf32, #tpu.memory_space<vmem>>) target_semaphore(%run_scoped3A_156 : memref<!tpu.dma_semaphore, #tpu.memory_space<semaphore_mem>>)
        %dma_wait3A = arith.constant 0 : i32
        %dma_wait3A_168 = tpu.memref_slice %arg13[%run_scoped3A_104, %dma_wait3A] : memref<16x2048xf32, #tpu.memory_space<vmem>> -> memref<1x2048xf32, #tpu.memory_space<vmem>>
        %dma_wait3A_169 = tpu.memref_squeeze %dma_wait3A_168 : memref<1x2048xf32, #tpu.memory_space<vmem>> -> memref<2048xf32, #tpu.memory_space<vmem>>
        %dma_wait3A_170 = arith.constant 0 : i32
        %dma_wait3A_171 = tpu.memref_slice %arg14[%add3A_103, %dma_wait3A_170] : memref<16x2048xf32, #tpu.memory_space<vmem_shared>> -> memref<1x2048xf32, #tpu.memory_space<vmem_shared>>
        %dma_wait3A_172 = tpu.memref_squeeze %dma_wait3A_171 : memref<1x2048xf32, #tpu.memory_space<vmem_shared>> -> memref<2048xf32, #tpu.memory_space<vmem_shared>>
        %dma_wait3A_173 = arith.constant 0 : i32
        %dma_wait3A_174 = tpu.memref_slice %arg13[%run_scoped3A_104, %dma_wait3A_173] : memref<16x2048xf32, #tpu.memory_space<vmem>> -> memref<1x2048xf32, #tpu.memory_space<vmem>>
        %dma_wait3A_175 = tpu.memref_squeeze %dma_wait3A_174 : memref<1x2048xf32, #tpu.memory_space<vmem>> -> memref<2048xf32, #tpu.memory_space<vmem>>
        %dma_wait3A_176 = arith.constant 0 : i32
        %dma_wait3A_177 = tpu.memref_slice %arg14[%add3A_103, %dma_wait3A_176] : memref<16x2048xf32, #tpu.memory_space<vmem_shared>> -> memref<1x2048xf32, #tpu.memory_space<vmem_shared>>
        %dma_wait3A_178 = tpu.memref_squeeze %dma_wait3A_177 : memref<1x2048xf32, #tpu.memory_space<vmem_shared>> -> memref<2048xf32, #tpu.memory_space<vmem_shared>>
        tpu.wait_dma2 semaphore(%run_scoped3A_156 : memref<!tpu.dma_semaphore, #tpu.memory_space<semaphore_mem>>) src(%dma_wait3A_178 : memref<2048xf32, #tpu.memory_space<vmem_shared>>) dst(%dma_wait3A_175 : memref<2048xf32, #tpu.memory_space<vmem>>)
        tpu.yield
      }) : () -> ()
      %add3A_105 = arith.constant 3 : i32
      %add3A_106 = arith.addi %arg1, %add3A_105 : i32
      %run_scoped3A_107 = arith.constant 3 : i32
      "tpu.region"() ({
        %run_scoped3A_156 = tpu.sem_alloc : memref<!tpu.dma_semaphore, #tpu.memory_space<semaphore_mem>>
        %dma_start3A = arith.constant 0 : i32
        %dma_start3A_157 = tpu.memref_slice %arg13[%run_scoped3A_107, %dma_start3A] : memref<16x2048xf32, #tpu.memory_space<vmem>> -> memref<1x2048xf32, #tpu.memory_space<vmem>>
        %dma_start3A_158 = tpu.memref_squeeze %dma_start3A_157 : memref<1x2048xf32, #tpu.memory_space<vmem>> -> memref<2048xf32, #tpu.memory_space<vmem>>
        %dma_start3A_159 = arith.constant 0 : i32
        %dma_start3A_160 = tpu.memref_slice %arg14[%add3A_106, %dma_start3A_159] : memref<16x2048xf32, #tpu.memory_space<vmem_shared>> -> memref<1x2048xf32, #tpu.memory_space<vmem_shared>>
        %dma_start3A_161 = tpu.memref_squeeze %dma_start3A_160 : memref<1x2048xf32, #tpu.memory_space<vmem_shared>> -> memref<2048xf32, #tpu.memory_space<vmem_shared>>
        %dma_start3A_162 = arith.constant 0 : i32
        %dma_start3A_163 = tpu.memref_slice %arg13[%run_scoped3A_107, %dma_start3A_162] : memref<16x2048xf32, #tpu.memory_space<vmem>> -> memref<1x2048xf32, #tpu.memory_space<vmem>>
        %dma_start3A_164 = tpu.memref_squeeze %dma_start3A_163 : memref<1x2048xf32, #tpu.memory_space<vmem>> -> memref<2048xf32, #tpu.memory_space<vmem>>
        %dma_start3A_165 = arith.constant 0 : i32
        %dma_start3A_166 = tpu.memref_slice %arg14[%add3A_106, %dma_start3A_165] : memref<16x2048xf32, #tpu.memory_space<vmem_shared>> -> memref<1x2048xf32, #tpu.memory_space<vmem_shared>>
        %dma_start3A_167 = tpu.memref_squeeze %dma_start3A_166 : memref<1x2048xf32, #tpu.memory_space<vmem_shared>> -> memref<2048xf32, #tpu.memory_space<vmem_shared>>
        tpu.enqueue_dma source(%dma_start3A_167 : memref<2048xf32, #tpu.memory_space<vmem_shared>>) target(%dma_start3A_164 : memref<2048xf32, #tpu.memory_space<vmem>>) target_semaphore(%run_scoped3A_156 : memref<!tpu.dma_semaphore, #tpu.memory_space<semaphore_mem>>)
        %dma_wait3A = arith.constant 0 : i32
        %dma_wait3A_168 = tpu.memref_slice %arg13[%run_scoped3A_107, %dma_wait3A] : memref<16x2048xf32, #tpu.memory_space<vmem>> -> memref<1x2048xf32, #tpu.memory_space<vmem>>
        %dma_wait3A_169 = tpu.memref_squeeze %dma_wait3A_168 : memref<1x2048xf32, #tpu.memory_space<vmem>> -> memref<2048xf32, #tpu.memory_space<vmem>>
        %dma_wait3A_170 = arith.constant 0 : i32
        %dma_wait3A_171 = tpu.memref_slice %arg14[%add3A_106, %dma_wait3A_170] : memref<16x2048xf32, #tpu.memory_space<vmem_shared>> -> memref<1x2048xf32, #tpu.memory_space<vmem_shared>>
        %dma_wait3A_172 = tpu.memref_squeeze %dma_wait3A_171 : memref<1x2048xf32, #tpu.memory_space<vmem_shared>> -> memref<2048xf32, #tpu.memory_space<vmem_shared>>
        %dma_wait3A_173 = arith.constant 0 : i32
        %dma_wait3A_174 = tpu.memref_slice %arg13[%run_scoped3A_107, %dma_wait3A_173] : memref<16x2048xf32, #tpu.memory_space<vmem>> -> memref<1x2048xf32, #tpu.memory_space<vmem>>
        %dma_wait3A_175 = tpu.memref_squeeze %dma_wait3A_174 : memref<1x2048xf32, #tpu.memory_space<vmem>> -> memref<2048xf32, #tpu.memory_space<vmem>>
        %dma_wait3A_176 = arith.constant 0 : i32
        %dma_wait3A_177 = tpu.memref_slice %arg14[%add3A_106, %dma_wait3A_176] : memref<16x2048xf32, #tpu.memory_space<vmem_shared>> -> memref<1x2048xf32, #tpu.memory_space<vmem_shared>>
        %dma_wait3A_178 = tpu.memref_squeeze %dma_wait3A_177 : memref<1x2048xf32, #tpu.memory_space<vmem_shared>> -> memref<2048xf32, #tpu.memory_space<vmem_shared>>
        tpu.wait_dma2 semaphore(%run_scoped3A_156 : memref<!tpu.dma_semaphore, #tpu.memory_space<semaphore_mem>>) src(%dma_wait3A_178 : memref<2048xf32, #tpu.memory_space<vmem_shared>>) dst(%dma_wait3A_175 : memref<2048xf32, #tpu.memory_space<vmem>>)
        tpu.yield
      }) : () -> ()
      %add3A_108 = arith.constant 4 : i32
      %add3A_109 = arith.addi %arg1, %add3A_108 : i32
      %run_scoped3A_110 = arith.constant 4 : i32
      "tpu.region"() ({
        %run_scoped3A_156 = tpu.sem_alloc : memref<!tpu.dma_semaphore, #tpu.memory_space<semaphore_mem>>
        %dma_start3A = arith.constant 0 : i32
        %dma_start3A_157 = tpu.memref_slice %arg13[%run_scoped3A_110, %dma_start3A] : memref<16x2048xf32, #tpu.memory_space<vmem>> -> memref<1x2048xf32, #tpu.memory_space<vmem>>
        %dma_start3A_158 = tpu.memref_squeeze %dma_start3A_157 : memref<1x2048xf32, #tpu.memory_space<vmem>> -> memref<2048xf32, #tpu.memory_space<vmem>>
        %dma_start3A_159 = arith.constant 0 : i32
        %dma_start3A_160 = tpu.memref_slice %arg14[%add3A_109, %dma_start3A_159] : memref<16x2048xf32, #tpu.memory_space<vmem_shared>> -> memref<1x2048xf32, #tpu.memory_space<vmem_shared>>
        %dma_start3A_161 = tpu.memref_squeeze %dma_start3A_160 : memref<1x2048xf32, #tpu.memory_space<vmem_shared>> -> memref<2048xf32, #tpu.memory_space<vmem_shared>>
        %dma_start3A_162 = arith.constant 0 : i32
        %dma_start3A_163 = tpu.memref_slice %arg13[%run_scoped3A_110, %dma_start3A_162] : memref<16x2048xf32, #tpu.memory_space<vmem>> -> memref<1x2048xf32, #tpu.memory_space<vmem>>
        %dma_start3A_164 = tpu.memref_squeeze %dma_start3A_163 : memref<1x2048xf32, #tpu.memory_space<vmem>> -> memref<2048xf32, #tpu.memory_space<vmem>>
        %dma_start3A_165 = arith.constant 0 : i32
        %dma_start3A_166 = tpu.memref_slice %arg14[%add3A_109, %dma_start3A_165] : memref<16x2048xf32, #tpu.memory_space<vmem_shared>> -> memref<1x2048xf32, #tpu.memory_space<vmem_shared>>
        %dma_start3A_167 = tpu.memref_squeeze %dma_start3A_166 : memref<1x2048xf32, #tpu.memory_space<vmem_shared>> -> memref<2048xf32, #tpu.memory_space<vmem_shared>>
        tpu.enqueue_dma source(%dma_start3A_167 : memref<2048xf32, #tpu.memory_space<vmem_shared>>) target(%dma_start3A_164 : memref<2048xf32, #tpu.memory_space<vmem>>) target_semaphore(%run_scoped3A_156 : memref<!tpu.dma_semaphore, #tpu.memory_space<semaphore_mem>>)
        %dma_wait3A = arith.constant 0 : i32
        %dma_wait3A_168 = tpu.memref_slice %arg13[%run_scoped3A_110, %dma_wait3A] : memref<16x2048xf32, #tpu.memory_space<vmem>> -> memref<1x2048xf32, #tpu.memory_space<vmem>>
        %dma_wait3A_169 = tpu.memref_squeeze %dma_wait3A_168 : memref<1x2048xf32, #tpu.memory_space<vmem>> -> memref<2048xf32, #tpu.memory_space<vmem>>
        %dma_wait3A_170 = arith.constant 0 : i32
        %dma_wait3A_171 = tpu.memref_slice %arg14[%add3A_109, %dma_wait3A_170] : memref<16x2048xf32, #tpu.memory_space<vmem_shared>> -> memref<1x2048xf32, #tpu.memory_space<vmem_shared>>
        %dma_wait3A_172 = tpu.memref_squeeze %dma_wait3A_171 : memref<1x2048xf32, #tpu.memory_space<vmem_shared>> -> memref<2048xf32, #tpu.memory_space<vmem_shared>>
        %dma_wait3A_173 = arith.constant 0 : i32
        %dma_wait3A_174 = tpu.memref_slice %arg13[%run_scoped3A_110, %dma_wait3A_173] : memref<16x2048xf32, #tpu.memory_space<vmem>> -> memref<1x2048xf32, #tpu.memory_space<vmem>>
        %dma_wait3A_175 = tpu.memref_squeeze %dma_wait3A_174 : memref<1x2048xf32, #tpu.memory_space<vmem>> -> memref<2048xf32, #tpu.memory_space<vmem>>
        %dma_wait3A_176 = arith.constant 0 : i32
        %dma_wait3A_177 = tpu.memref_slice %arg14[%add3A_109, %dma_wait3A_176] : memref<16x2048xf32, #tpu.memory_space<vmem_shared>> -> memref<1x2048xf32, #tpu.memory_space<vmem_shared>>
        %dma_wait3A_178 = tpu.memref_squeeze %dma_wait3A_177 : memref<1x2048xf32, #tpu.memory_space<vmem_shared>> -> memref<2048xf32, #tpu.memory_space<vmem_shared>>
        tpu.wait_dma2 semaphore(%run_scoped3A_156 : memref<!tpu.dma_semaphore, #tpu.memory_space<semaphore_mem>>) src(%dma_wait3A_178 : memref<2048xf32, #tpu.memory_space<vmem_shared>>) dst(%dma_wait3A_175 : memref<2048xf32, #tpu.memory_space<vmem>>)
        tpu.yield
      }) : () -> ()
      %add3A_111 = arith.constant 5 : i32
      %add3A_112 = arith.addi %arg1, %add3A_111 : i32
      %run_scoped3A_113 = arith.constant 5 : i32
      "tpu.region"() ({
        %run_scoped3A_156 = tpu.sem_alloc : memref<!tpu.dma_semaphore, #tpu.memory_space<semaphore_mem>>
        %dma_start3A = arith.constant 0 : i32
        %dma_start3A_157 = tpu.memref_slice %arg13[%run_scoped3A_113, %dma_start3A] : memref<16x2048xf32, #tpu.memory_space<vmem>> -> memref<1x2048xf32, #tpu.memory_space<vmem>>
        %dma_start3A_158 = tpu.memref_squeeze %dma_start3A_157 : memref<1x2048xf32, #tpu.memory_space<vmem>> -> memref<2048xf32, #tpu.memory_space<vmem>>
        %dma_start3A_159 = arith.constant 0 : i32
        %dma_start3A_160 = tpu.memref_slice %arg14[%add3A_112, %dma_start3A_159] : memref<16x2048xf32, #tpu.memory_space<vmem_shared>> -> memref<1x2048xf32, #tpu.memory_space<vmem_shared>>
        %dma_start3A_161 = tpu.memref_squeeze %dma_start3A_160 : memref<1x2048xf32, #tpu.memory_space<vmem_shared>> -> memref<2048xf32, #tpu.memory_space<vmem_shared>>
        %dma_start3A_162 = arith.constant 0 : i32
        %dma_start3A_163 = tpu.memref_slice %arg13[%run_scoped3A_113, %dma_start3A_162] : memref<16x2048xf32, #tpu.memory_space<vmem>> -> memref<1x2048xf32, #tpu.memory_space<vmem>>
        %dma_start3A_164 = tpu.memref_squeeze %dma_start3A_163 : memref<1x2048xf32, #tpu.memory_space<vmem>> -> memref<2048xf32, #tpu.memory_space<vmem>>
        %dma_start3A_165 = arith.constant 0 : i32
        %dma_start3A_166 = tpu.memref_slice %arg14[%add3A_112, %dma_start3A_165] : memref<16x2048xf32, #tpu.memory_space<vmem_shared>> -> memref<1x2048xf32, #tpu.memory_space<vmem_shared>>
        %dma_start3A_167 = tpu.memref_squeeze %dma_start3A_166 : memref<1x2048xf32, #tpu.memory_space<vmem_shared>> -> memref<2048xf32, #tpu.memory_space<vmem_shared>>
        tpu.enqueue_dma source(%dma_start3A_167 : memref<2048xf32, #tpu.memory_space<vmem_shared>>) target(%dma_start3A_164 : memref<2048xf32, #tpu.memory_space<vmem>>) target_semaphore(%run_scoped3A_156 : memref<!tpu.dma_semaphore, #tpu.memory_space<semaphore_mem>>)
        %dma_wait3A = arith.constant 0 : i32
        %dma_wait3A_168 = tpu.memref_slice %arg13[%run_scoped3A_113, %dma_wait3A] : memref<16x2048xf32, #tpu.memory_space<vmem>> -> memref<1x2048xf32, #tpu.memory_space<vmem>>
        %dma_wait3A_169 = tpu.memref_squeeze %dma_wait3A_168 : memref<1x2048xf32, #tpu.memory_space<vmem>> -> memref<2048xf32, #tpu.memory_space<vmem>>
        %dma_wait3A_170 = arith.constant 0 : i32
        %dma_wait3A_171 = tpu.memref_slice %arg14[%add3A_112, %dma_wait3A_170] : memref<16x2048xf32, #tpu.memory_space<vmem_shared>> -> memref<1x2048xf32, #tpu.memory_space<vmem_shared>>
        %dma_wait3A_172 = tpu.memref_squeeze %dma_wait3A_171 : memref<1x2048xf32, #tpu.memory_space<vmem_shared>> -> memref<2048xf32, #tpu.memory_space<vmem_shared>>
        %dma_wait3A_173 = arith.constant 0 : i32
        %dma_wait3A_174 = tpu.memref_slice %arg13[%run_scoped3A_113, %dma_wait3A_173] : memref<16x2048xf32, #tpu.memory_space<vmem>> -> memref<1x2048xf32, #tpu.memory_space<vmem>>
        %dma_wait3A_175 = tpu.memref_squeeze %dma_wait3A_174 : memref<1x2048xf32, #tpu.memory_space<vmem>> -> memref<2048xf32, #tpu.memory_space<vmem>>
        %dma_wait3A_176 = arith.constant 0 : i32
        %dma_wait3A_177 = tpu.memref_slice %arg14[%add3A_112, %dma_wait3A_176] : memref<16x2048xf32, #tpu.memory_space<vmem_shared>> -> memref<1x2048xf32, #tpu.memory_space<vmem_shared>>
        %dma_wait3A_178 = tpu.memref_squeeze %dma_wait3A_177 : memref<1x2048xf32, #tpu.memory_space<vmem_shared>> -> memref<2048xf32, #tpu.memory_space<vmem_shared>>
        tpu.wait_dma2 semaphore(%run_scoped3A_156 : memref<!tpu.dma_semaphore, #tpu.memory_space<semaphore_mem>>) src(%dma_wait3A_178 : memref<2048xf32, #tpu.memory_space<vmem_shared>>) dst(%dma_wait3A_175 : memref<2048xf32, #tpu.memory_space<vmem>>)
        tpu.yield
      }) : () -> ()
      %add3A_114 = arith.constant 6 : i32
      %add3A_115 = arith.addi %arg1, %add3A_114 : i32
      %run_scoped3A_116 = arith.constant 6 : i32
      "tpu.region"() ({
        %run_scoped3A_156 = tpu.sem_alloc : memref<!tpu.dma_semaphore, #tpu.memory_space<semaphore_mem>>
        %dma_start3A = arith.constant 0 : i32
        %dma_start3A_157 = tpu.memref_slice %arg13[%run_scoped3A_116, %dma_start3A] : memref<16x2048xf32, #tpu.memory_space<vmem>> -> memref<1x2048xf32, #tpu.memory_space<vmem>>
        %dma_start3A_158 = tpu.memref_squeeze %dma_start3A_157 : memref<1x2048xf32, #tpu.memory_space<vmem>> -> memref<2048xf32, #tpu.memory_space<vmem>>
        %dma_start3A_159 = arith.constant 0 : i32
        %dma_start3A_160 = tpu.memref_slice %arg14[%add3A_115, %dma_start3A_159] : memref<16x2048xf32, #tpu.memory_space<vmem_shared>> -> memref<1x2048xf32, #tpu.memory_space<vmem_shared>>
        %dma_start3A_161 = tpu.memref_squeeze %dma_start3A_160 : memref<1x2048xf32, #tpu.memory_space<vmem_shared>> -> memref<2048xf32, #tpu.memory_space<vmem_shared>>
        %dma_start3A_162 = arith.constant 0 : i32
        %dma_start3A_163 = tpu.memref_slice %arg13[%run_scoped3A_116, %dma_start3A_162] : memref<16x2048xf32, #tpu.memory_space<vmem>> -> memref<1x2048xf32, #tpu.memory_space<vmem>>
        %dma_start3A_164 = tpu.memref_squeeze %dma_start3A_163 : memref<1x2048xf32, #tpu.memory_space<vmem>> -> memref<2048xf32, #tpu.memory_space<vmem>>
        %dma_start3A_165 = arith.constant 0 : i32
        %dma_start3A_166 = tpu.memref_slice %arg14[%add3A_115, %dma_start3A_165] : memref<16x2048xf32, #tpu.memory_space<vmem_shared>> -> memref<1x2048xf32, #tpu.memory_space<vmem_shared>>
        %dma_start3A_167 = tpu.memref_squeeze %dma_start3A_166 : memref<1x2048xf32, #tpu.memory_space<vmem_shared>> -> memref<2048xf32, #tpu.memory_space<vmem_shared>>
        tpu.enqueue_dma source(%dma_start3A_167 : memref<2048xf32, #tpu.memory_space<vmem_shared>>) target(%dma_start3A_164 : memref<2048xf32, #tpu.memory_space<vmem>>) target_semaphore(%run_scoped3A_156 : memref<!tpu.dma_semaphore, #tpu.memory_space<semaphore_mem>>)
        %dma_wait3A = arith.constant 0 : i32
        %dma_wait3A_168 = tpu.memref_slice %arg13[%run_scoped3A_116, %dma_wait3A] : memref<16x2048xf32, #tpu.memory_space<vmem>> -> memref<1x2048xf32, #tpu.memory_space<vmem>>
        %dma_wait3A_169 = tpu.memref_squeeze %dma_wait3A_168 : memref<1x2048xf32, #tpu.memory_space<vmem>> -> memref<2048xf32, #tpu.memory_space<vmem>>
        %dma_wait3A_170 = arith.constant 0 : i32
        %dma_wait3A_171 = tpu.memref_slice %arg14[%add3A_115, %dma_wait3A_170] : memref<16x2048xf32, #tpu.memory_space<vmem_shared>> -> memref<1x2048xf32, #tpu.memory_space<vmem_shared>>
        %dma_wait3A_172 = tpu.memref_squeeze %dma_wait3A_171 : memref<1x2048xf32, #tpu.memory_space<vmem_shared>> -> memref<2048xf32, #tpu.memory_space<vmem_shared>>
        %dma_wait3A_173 = arith.constant 0 : i32
        %dma_wait3A_174 = tpu.memref_slice %arg13[%run_scoped3A_116, %dma_wait3A_173] : memref<16x2048xf32, #tpu.memory_space<vmem>> -> memref<1x2048xf32, #tpu.memory_space<vmem>>
        %dma_wait3A_175 = tpu.memref_squeeze %dma_wait3A_174 : memref<1x2048xf32, #tpu.memory_space<vmem>> -> memref<2048xf32, #tpu.memory_space<vmem>>
        %dma_wait3A_176 = arith.constant 0 : i32
        %dma_wait3A_177 = tpu.memref_slice %arg14[%add3A_115, %dma_wait3A_176] : memref<16x2048xf32, #tpu.memory_space<vmem_shared>> -> memref<1x2048xf32, #tpu.memory_space<vmem_shared>>
        %dma_wait3A_178 = tpu.memref_squeeze %dma_wait3A_177 : memref<1x2048xf32, #tpu.memory_space<vmem_shared>> -> memref<2048xf32, #tpu.memory_space<vmem_shared>>
        tpu.wait_dma2 semaphore(%run_scoped3A_156 : memref<!tpu.dma_semaphore, #tpu.memory_space<semaphore_mem>>) src(%dma_wait3A_178 : memref<2048xf32, #tpu.memory_space<vmem_shared>>) dst(%dma_wait3A_175 : memref<2048xf32, #tpu.memory_space<vmem>>)
        tpu.yield
      }) : () -> ()
      %add3A_117 = arith.constant 7 : i32
      %add3A_118 = arith.addi %arg1, %add3A_117 : i32
      %run_scoped3A_119 = arith.constant 7 : i32
      "tpu.region"() ({
        %run_scoped3A_156 = tpu.sem_alloc : memref<!tpu.dma_semaphore, #tpu.memory_space<semaphore_mem>>
        %dma_start3A = arith.constant 0 : i32
        %dma_start3A_157 = tpu.memref_slice %arg13[%run_scoped3A_119, %dma_start3A] : memref<16x2048xf32, #tpu.memory_space<vmem>> -> memref<1x2048xf32, #tpu.memory_space<vmem>>
        %dma_start3A_158 = tpu.memref_squeeze %dma_start3A_157 : memref<1x2048xf32, #tpu.memory_space<vmem>> -> memref<2048xf32, #tpu.memory_space<vmem>>
        %dma_start3A_159 = arith.constant 0 : i32
        %dma_start3A_160 = tpu.memref_slice %arg14[%add3A_118, %dma_start3A_159] : memref<16x2048xf32, #tpu.memory_space<vmem_shared>> -> memref<1x2048xf32, #tpu.memory_space<vmem_shared>>
        %dma_start3A_161 = tpu.memref_squeeze %dma_start3A_160 : memref<1x2048xf32, #tpu.memory_space<vmem_shared>> -> memref<2048xf32, #tpu.memory_space<vmem_shared>>
        %dma_start3A_162 = arith.constant 0 : i32
        %dma_start3A_163 = tpu.memref_slice %arg13[%run_scoped3A_119, %dma_start3A_162] : memref<16x2048xf32, #tpu.memory_space<vmem>> -> memref<1x2048xf32, #tpu.memory_space<vmem>>
        %dma_start3A_164 = tpu.memref_squeeze %dma_start3A_163 : memref<1x2048xf32, #tpu.memory_space<vmem>> -> memref<2048xf32, #tpu.memory_space<vmem>>
        %dma_start3A_165 = arith.constant 0 : i32
        %dma_start3A_166 = tpu.memref_slice %arg14[%add3A_118, %dma_start3A_165] : memref<16x2048xf32, #tpu.memory_space<vmem_shared>> -> memref<1x2048xf32, #tpu.memory_space<vmem_shared>>
        %dma_start3A_167 = tpu.memref_squeeze %dma_start3A_166 : memref<1x2048xf32, #tpu.memory_space<vmem_shared>> -> memref<2048xf32, #tpu.memory_space<vmem_shared>>
        tpu.enqueue_dma source(%dma_start3A_167 : memref<2048xf32, #tpu.memory_space<vmem_shared>>) target(%dma_start3A_164 : memref<2048xf32, #tpu.memory_space<vmem>>) target_semaphore(%run_scoped3A_156 : memref<!tpu.dma_semaphore, #tpu.memory_space<semaphore_mem>>)
        %dma_wait3A = arith.constant 0 : i32
        %dma_wait3A_168 = tpu.memref_slice %arg13[%run_scoped3A_119, %dma_wait3A] : memref<16x2048xf32, #tpu.memory_space<vmem>> -> memref<1x2048xf32, #tpu.memory_space<vmem>>
        %dma_wait3A_169 = tpu.memref_squeeze %dma_wait3A_168 : memref<1x2048xf32, #tpu.memory_space<vmem>> -> memref<2048xf32, #tpu.memory_space<vmem>>
        %dma_wait3A_170 = arith.constant 0 : i32
        %dma_wait3A_171 = tpu.memref_slice %arg14[%add3A_118, %dma_wait3A_170] : memref<16x2048xf32, #tpu.memory_space<vmem_shared>> -> memref<1x2048xf32, #tpu.memory_space<vmem_shared>>
        %dma_wait3A_172 = tpu.memref_squeeze %dma_wait3A_171 : memref<1x2048xf32, #tpu.memory_space<vmem_shared>> -> memref<2048xf32, #tpu.memory_space<vmem_shared>>
        %dma_wait3A_173 = arith.constant 0 : i32
        %dma_wait3A_174 = tpu.memref_slice %arg13[%run_scoped3A_119, %dma_wait3A_173] : memref<16x2048xf32, #tpu.memory_space<vmem>> -> memref<1x2048xf32, #tpu.memory_space<vmem>>
        %dma_wait3A_175 = tpu.memref_squeeze %dma_wait3A_174 : memref<1x2048xf32, #tpu.memory_space<vmem>> -> memref<2048xf32, #tpu.memory_space<vmem>>
        %dma_wait3A_176 = arith.constant 0 : i32
        %dma_wait3A_177 = tpu.memref_slice %arg14[%add3A_118, %dma_wait3A_176] : memref<16x2048xf32, #tpu.memory_space<vmem_shared>> -> memref<1x2048xf32, #tpu.memory_space<vmem_shared>>
        %dma_wait3A_178 = tpu.memref_squeeze %dma_wait3A_177 : memref<1x2048xf32, #tpu.memory_space<vmem_shared>> -> memref<2048xf32, #tpu.memory_space<vmem_shared>>
        tpu.wait_dma2 semaphore(%run_scoped3A_156 : memref<!tpu.dma_semaphore, #tpu.memory_space<semaphore_mem>>) src(%dma_wait3A_178 : memref<2048xf32, #tpu.memory_space<vmem_shared>>) dst(%dma_wait3A_175 : memref<2048xf32, #tpu.memory_space<vmem>>)
        tpu.yield
      }) : () -> ()
      %add3A_120 = arith.constant 8 : i32
      %add3A_121 = arith.addi %arg1, %add3A_120 : i32
      %run_scoped3A_122 = arith.constant 8 : i32
      "tpu.region"() ({
        %run_scoped3A_156 = tpu.sem_alloc : memref<!tpu.dma_semaphore, #tpu.memory_space<semaphore_mem>>
        %dma_start3A = arith.constant 0 : i32
        %dma_start3A_157 = tpu.memref_slice %arg13[%run_scoped3A_122, %dma_start3A] : memref<16x2048xf32, #tpu.memory_space<vmem>> -> memref<1x2048xf32, #tpu.memory_space<vmem>>
        %dma_start3A_158 = tpu.memref_squeeze %dma_start3A_157 : memref<1x2048xf32, #tpu.memory_space<vmem>> -> memref<2048xf32, #tpu.memory_space<vmem>>
        %dma_start3A_159 = arith.constant 0 : i32
        %dma_start3A_160 = tpu.memref_slice %arg14[%add3A_121, %dma_start3A_159] : memref<16x2048xf32, #tpu.memory_space<vmem_shared>> -> memref<1x2048xf32, #tpu.memory_space<vmem_shared>>
        %dma_start3A_161 = tpu.memref_squeeze %dma_start3A_160 : memref<1x2048xf32, #tpu.memory_space<vmem_shared>> -> memref<2048xf32, #tpu.memory_space<vmem_shared>>
        %dma_start3A_162 = arith.constant 0 : i32
        %dma_start3A_163 = tpu.memref_slice %arg13[%run_scoped3A_122, %dma_start3A_162] : memref<16x2048xf32, #tpu.memory_space<vmem>> -> memref<1x2048xf32, #tpu.memory_space<vmem>>
        %dma_start3A_164 = tpu.memref_squeeze %dma_start3A_163 : memref<1x2048xf32, #tpu.memory_space<vmem>> -> memref<2048xf32, #tpu.memory_space<vmem>>
        %dma_start3A_165 = arith.constant 0 : i32
        %dma_start3A_166 = tpu.memref_slice %arg14[%add3A_121, %dma_start3A_165] : memref<16x2048xf32, #tpu.memory_space<vmem_shared>> -> memref<1x2048xf32, #tpu.memory_space<vmem_shared>>
        %dma_start3A_167 = tpu.memref_squeeze %dma_start3A_166 : memref<1x2048xf32, #tpu.memory_space<vmem_shared>> -> memref<2048xf32, #tpu.memory_space<vmem_shared>>
        tpu.enqueue_dma source(%dma_start3A_167 : memref<2048xf32, #tpu.memory_space<vmem_shared>>) target(%dma_start3A_164 : memref<2048xf32, #tpu.memory_space<vmem>>) target_semaphore(%run_scoped3A_156 : memref<!tpu.dma_semaphore, #tpu.memory_space<semaphore_mem>>)
        %dma_wait3A = arith.constant 0 : i32
        %dma_wait3A_168 = tpu.memref_slice %arg13[%run_scoped3A_122, %dma_wait3A] : memref<16x2048xf32, #tpu.memory_space<vmem>> -> memref<1x2048xf32, #tpu.memory_space<vmem>>
        %dma_wait3A_169 = tpu.memref_squeeze %dma_wait3A_168 : memref<1x2048xf32, #tpu.memory_space<vmem>> -> memref<2048xf32, #tpu.memory_space<vmem>>
        %dma_wait3A_170 = arith.constant 0 : i32
        %dma_wait3A_171 = tpu.memref_slice %arg14[%add3A_121, %dma_wait3A_170] : memref<16x2048xf32, #tpu.memory_space<vmem_shared>> -> memref<1x2048xf32, #tpu.memory_space<vmem_shared>>
        %dma_wait3A_172 = tpu.memref_squeeze %dma_wait3A_171 : memref<1x2048xf32, #tpu.memory_space<vmem_shared>> -> memref<2048xf32, #tpu.memory_space<vmem_shared>>
        %dma_wait3A_173 = arith.constant 0 : i32
        %dma_wait3A_174 = tpu.memref_slice %arg13[%run_scoped3A_122, %dma_wait3A_173] : memref<16x2048xf32, #tpu.memory_space<vmem>> -> memref<1x2048xf32, #tpu.memory_space<vmem>>
        %dma_wait3A_175 = tpu.memref_squeeze %dma_wait3A_174 : memref<1x2048xf32, #tpu.memory_space<vmem>> -> memref<2048xf32, #tpu.memory_space<vmem>>
        %dma_wait3A_176 = arith.constant 0 : i32
        %dma_wait3A_177 = tpu.memref_slice %arg14[%add3A_121, %dma_wait3A_176] : memref<16x2048xf32, #tpu.memory_space<vmem_shared>> -> memref<1x2048xf32, #tpu.memory_space<vmem_shared>>
        %dma_wait3A_178 = tpu.memref_squeeze %dma_wait3A_177 : memref<1x2048xf32, #tpu.memory_space<vmem_shared>> -> memref<2048xf32, #tpu.memory_space<vmem_shared>>
        tpu.wait_dma2 semaphore(%run_scoped3A_156 : memref<!tpu.dma_semaphore, #tpu.memory_space<semaphore_mem>>) src(%dma_wait3A_178 : memref<2048xf32, #tpu.memory_space<vmem_shared>>) dst(%dma_wait3A_175 : memref<2048xf32, #tpu.memory_space<vmem>>)
        tpu.yield
      }) : () -> ()
      %add3A_123 = arith.constant 9 : i32
      %add3A_124 = arith.addi %arg1, %add3A_123 : i32
      %run_scoped3A_125 = arith.constant 9 : i32
      "tpu.region"() ({
        %run_scoped3A_156 = tpu.sem_alloc : memref<!tpu.dma_semaphore, #tpu.memory_space<semaphore_mem>>
        %dma_start3A = arith.constant 0 : i32
        %dma_start3A_157 = tpu.memref_slice %arg13[%run_scoped3A_125, %dma_start3A] : memref<16x2048xf32, #tpu.memory_space<vmem>> -> memref<1x2048xf32, #tpu.memory_space<vmem>>
        %dma_start3A_158 = tpu.memref_squeeze %dma_start3A_157 : memref<1x2048xf32, #tpu.memory_space<vmem>> -> memref<2048xf32, #tpu.memory_space<vmem>>
        %dma_start3A_159 = arith.constant 0 : i32
        %dma_start3A_160 = tpu.memref_slice %arg14[%add3A_124, %dma_start3A_159] : memref<16x2048xf32, #tpu.memory_space<vmem_shared>> -> memref<1x2048xf32, #tpu.memory_space<vmem_shared>>
        %dma_start3A_161 = tpu.memref_squeeze %dma_start3A_160 : memref<1x2048xf32, #tpu.memory_space<vmem_shared>> -> memref<2048xf32, #tpu.memory_space<vmem_shared>>
        %dma_start3A_162 = arith.constant 0 : i32
        %dma_start3A_163 = tpu.memref_slice %arg13[%run_scoped3A_125, %dma_start3A_162] : memref<16x2048xf32, #tpu.memory_space<vmem>> -> memref<1x2048xf32, #tpu.memory_space<vmem>>
        %dma_start3A_164 = tpu.memref_squeeze %dma_start3A_163 : memref<1x2048xf32, #tpu.memory_space<vmem>> -> memref<2048xf32, #tpu.memory_space<vmem>>
        %dma_start3A_165 = arith.constant 0 : i32
        %dma_start3A_166 = tpu.memref_slice %arg14[%add3A_124, %dma_start3A_165] : memref<16x2048xf32, #tpu.memory_space<vmem_shared>> -> memref<1x2048xf32, #tpu.memory_space<vmem_shared>>
        %dma_start3A_167 = tpu.memref_squeeze %dma_start3A_166 : memref<1x2048xf32, #tpu.memory_space<vmem_shared>> -> memref<2048xf32, #tpu.memory_space<vmem_shared>>
        tpu.enqueue_dma source(%dma_start3A_167 : memref<2048xf32, #tpu.memory_space<vmem_shared>>) target(%dma_start3A_164 : memref<2048xf32, #tpu.memory_space<vmem>>) target_semaphore(%run_scoped3A_156 : memref<!tpu.dma_semaphore, #tpu.memory_space<semaphore_mem>>)
        %dma_wait3A = arith.constant 0 : i32
        %dma_wait3A_168 = tpu.memref_slice %arg13[%run_scoped3A_125, %dma_wait3A] : memref<16x2048xf32, #tpu.memory_space<vmem>> -> memref<1x2048xf32, #tpu.memory_space<vmem>>
        %dma_wait3A_169 = tpu.memref_squeeze %dma_wait3A_168 : memref<1x2048xf32, #tpu.memory_space<vmem>> -> memref<2048xf32, #tpu.memory_space<vmem>>
        %dma_wait3A_170 = arith.constant 0 : i32
        %dma_wait3A_171 = tpu.memref_slice %arg14[%add3A_124, %dma_wait3A_170] : memref<16x2048xf32, #tpu.memory_space<vmem_shared>> -> memref<1x2048xf32, #tpu.memory_space<vmem_shared>>
        %dma_wait3A_172 = tpu.memref_squeeze %dma_wait3A_171 : memref<1x2048xf32, #tpu.memory_space<vmem_shared>> -> memref<2048xf32, #tpu.memory_space<vmem_shared>>
        %dma_wait3A_173 = arith.constant 0 : i32
        %dma_wait3A_174 = tpu.memref_slice %arg13[%run_scoped3A_125, %dma_wait3A_173] : memref<16x2048xf32, #tpu.memory_space<vmem>> -> memref<1x2048xf32, #tpu.memory_space<vmem>>
        %dma_wait3A_175 = tpu.memref_squeeze %dma_wait3A_174 : memref<1x2048xf32, #tpu.memory_space<vmem>> -> memref<2048xf32, #tpu.memory_space<vmem>>
        %dma_wait3A_176 = arith.constant 0 : i32
        %dma_wait3A_177 = tpu.memref_slice %arg14[%add3A_124, %dma_wait3A_176] : memref<16x2048xf32, #tpu.memory_space<vmem_shared>> -> memref<1x2048xf32, #tpu.memory_space<vmem_shared>>
        %dma_wait3A_178 = tpu.memref_squeeze %dma_wait3A_177 : memref<1x2048xf32, #tpu.memory_space<vmem_shared>> -> memref<2048xf32, #tpu.memory_space<vmem_shared>>
        tpu.wait_dma2 semaphore(%run_scoped3A_156 : memref<!tpu.dma_semaphore, #tpu.memory_space<semaphore_mem>>) src(%dma_wait3A_178 : memref<2048xf32, #tpu.memory_space<vmem_shared>>) dst(%dma_wait3A_175 : memref<2048xf32, #tpu.memory_space<vmem>>)
        tpu.yield
      }) : () -> ()
      %add3A_126 = arith.constant 10 : i32
      %add3A_127 = arith.addi %arg1, %add3A_126 : i32
      %run_scoped3A_128 = arith.constant 10 : i32
      "tpu.region"() ({
        %run_scoped3A_156 = tpu.sem_alloc : memref<!tpu.dma_semaphore, #tpu.memory_space<semaphore_mem>>
        %dma_start3A = arith.constant 0 : i32
        %dma_start3A_157 = tpu.memref_slice %arg13[%run_scoped3A_128, %dma_start3A] : memref<16x2048xf32, #tpu.memory_space<vmem>> -> memref<1x2048xf32, #tpu.memory_space<vmem>>
        %dma_start3A_158 = tpu.memref_squeeze %dma_start3A_157 : memref<1x2048xf32, #tpu.memory_space<vmem>> -> memref<2048xf32, #tpu.memory_space<vmem>>
        %dma_start3A_159 = arith.constant 0 : i32
        %dma_start3A_160 = tpu.memref_slice %arg14[%add3A_127, %dma_start3A_159] : memref<16x2048xf32, #tpu.memory_space<vmem_shared>> -> memref<1x2048xf32, #tpu.memory_space<vmem_shared>>
        %dma_start3A_161 = tpu.memref_squeeze %dma_start3A_160 : memref<1x2048xf32, #tpu.memory_space<vmem_shared>> -> memref<2048xf32, #tpu.memory_space<vmem_shared>>
        %dma_start3A_162 = arith.constant 0 : i32
        %dma_start3A_163 = tpu.memref_slice %arg13[%run_scoped3A_128, %dma_start3A_162] : memref<16x2048xf32, #tpu.memory_space<vmem>> -> memref<1x2048xf32, #tpu.memory_space<vmem>>
        %dma_start3A_164 = tpu.memref_squeeze %dma_start3A_163 : memref<1x2048xf32, #tpu.memory_space<vmem>> -> memref<2048xf32, #tpu.memory_space<vmem>>
        %dma_start3A_165 = arith.constant 0 : i32
        %dma_start3A_166 = tpu.memref_slice %arg14[%add3A_127, %dma_start3A_165] : memref<16x2048xf32, #tpu.memory_space<vmem_shared>> -> memref<1x2048xf32, #tpu.memory_space<vmem_shared>>
        %dma_start3A_167 = tpu.memref_squeeze %dma_start3A_166 : memref<1x2048xf32, #tpu.memory_space<vmem_shared>> -> memref<2048xf32, #tpu.memory_space<vmem_shared>>
        tpu.enqueue_dma source(%dma_start3A_167 : memref<2048xf32, #tpu.memory_space<vmem_shared>>) target(%dma_start3A_164 : memref<2048xf32, #tpu.memory_space<vmem>>) target_semaphore(%run_scoped3A_156 : memref<!tpu.dma_semaphore, #tpu.memory_space<semaphore_mem>>)
        %dma_wait3A = arith.constant 0 : i32
        %dma_wait3A_168 = tpu.memref_slice %arg13[%run_scoped3A_128, %dma_wait3A] : memref<16x2048xf32, #tpu.memory_space<vmem>> -> memref<1x2048xf32, #tpu.memory_space<vmem>>
        %dma_wait3A_169 = tpu.memref_squeeze %dma_wait3A_168 : memref<1x2048xf32, #tpu.memory_space<vmem>> -> memref<2048xf32, #tpu.memory_space<vmem>>
        %dma_wait3A_170 = arith.constant 0 : i32
        %dma_wait3A_171 = tpu.memref_slice %arg14[%add3A_127, %dma_wait3A_170] : memref<16x2048xf32, #tpu.memory_space<vmem_shared>> -> memref<1x2048xf32, #tpu.memory_space<vmem_shared>>
        %dma_wait3A_172 = tpu.memref_squeeze %dma_wait3A_171 : memref<1x2048xf32, #tpu.memory_space<vmem_shared>> -> memref<2048xf32, #tpu.memory_space<vmem_shared>>
        %dma_wait3A_173 = arith.constant 0 : i32
        %dma_wait3A_174 = tpu.memref_slice %arg13[%run_scoped3A_128, %dma_wait3A_173] : memref<16x2048xf32, #tpu.memory_space<vmem>> -> memref<1x2048xf32, #tpu.memory_space<vmem>>
        %dma_wait3A_175 = tpu.memref_squeeze %dma_wait3A_174 : memref<1x2048xf32, #tpu.memory_space<vmem>> -> memref<2048xf32, #tpu.memory_space<vmem>>
        %dma_wait3A_176 = arith.constant 0 : i32
        %dma_wait3A_177 = tpu.memref_slice %arg14[%add3A_127, %dma_wait3A_176] : memref<16x2048xf32, #tpu.memory_space<vmem_shared>> -> memref<1x2048xf32, #tpu.memory_space<vmem_shared>>
        %dma_wait3A_178 = tpu.memref_squeeze %dma_wait3A_177 : memref<1x2048xf32, #tpu.memory_space<vmem_shared>> -> memref<2048xf32, #tpu.memory_space<vmem_shared>>
        tpu.wait_dma2 semaphore(%run_scoped3A_156 : memref<!tpu.dma_semaphore, #tpu.memory_space<semaphore_mem>>) src(%dma_wait3A_178 : memref<2048xf32, #tpu.memory_space<vmem_shared>>) dst(%dma_wait3A_175 : memref<2048xf32, #tpu.memory_space<vmem>>)
        tpu.yield
      }) : () -> ()
      %add3A_129 = arith.constant 11 : i32
      %add3A_130 = arith.addi %arg1, %add3A_129 : i32
      %run_scoped3A_131 = arith.constant 11 : i32
      "tpu.region"() ({
        %run_scoped3A_156 = tpu.sem_alloc : memref<!tpu.dma_semaphore, #tpu.memory_space<semaphore_mem>>
        %dma_start3A = arith.constant 0 : i32
        %dma_start3A_157 = tpu.memref_slice %arg13[%run_scoped3A_131, %dma_start3A] : memref<16x2048xf32, #tpu.memory_space<vmem>> -> memref<1x2048xf32, #tpu.memory_space<vmem>>
        %dma_start3A_158 = tpu.memref_squeeze %dma_start3A_157 : memref<1x2048xf32, #tpu.memory_space<vmem>> -> memref<2048xf32, #tpu.memory_space<vmem>>
        %dma_start3A_159 = arith.constant 0 : i32
        %dma_start3A_160 = tpu.memref_slice %arg14[%add3A_130, %dma_start3A_159] : memref<16x2048xf32, #tpu.memory_space<vmem_shared>> -> memref<1x2048xf32, #tpu.memory_space<vmem_shared>>
        %dma_start3A_161 = tpu.memref_squeeze %dma_start3A_160 : memref<1x2048xf32, #tpu.memory_space<vmem_shared>> -> memref<2048xf32, #tpu.memory_space<vmem_shared>>
        %dma_start3A_162 = arith.constant 0 : i32
        %dma_start3A_163 = tpu.memref_slice %arg13[%run_scoped3A_131, %dma_start3A_162] : memref<16x2048xf32, #tpu.memory_space<vmem>> -> memref<1x2048xf32, #tpu.memory_space<vmem>>
        %dma_start3A_164 = tpu.memref_squeeze %dma_start3A_163 : memref<1x2048xf32, #tpu.memory_space<vmem>> -> memref<2048xf32, #tpu.memory_space<vmem>>
        %dma_start3A_165 = arith.constant 0 : i32
        %dma_start3A_166 = tpu.memref_slice %arg14[%add3A_130, %dma_start3A_165] : memref<16x2048xf32, #tpu.memory_space<vmem_shared>> -> memref<1x2048xf32, #tpu.memory_space<vmem_shared>>
        %dma_start3A_167 = tpu.memref_squeeze %dma_start3A_166 : memref<1x2048xf32, #tpu.memory_space<vmem_shared>> -> memref<2048xf32, #tpu.memory_space<vmem_shared>>
        tpu.enqueue_dma source(%dma_start3A_167 : memref<2048xf32, #tpu.memory_space<vmem_shared>>) target(%dma_start3A_164 : memref<2048xf32, #tpu.memory_space<vmem>>) target_semaphore(%run_scoped3A_156 : memref<!tpu.dma_semaphore, #tpu.memory_space<semaphore_mem>>)
        %dma_wait3A = arith.constant 0 : i32
        %dma_wait3A_168 = tpu.memref_slice %arg13[%run_scoped3A_131, %dma_wait3A] : memref<16x2048xf32, #tpu.memory_space<vmem>> -> memref<1x2048xf32, #tpu.memory_space<vmem>>
        %dma_wait3A_169 = tpu.memref_squeeze %dma_wait3A_168 : memref<1x2048xf32, #tpu.memory_space<vmem>> -> memref<2048xf32, #tpu.memory_space<vmem>>
        %dma_wait3A_170 = arith.constant 0 : i32
        %dma_wait3A_171 = tpu.memref_slice %arg14[%add3A_130, %dma_wait3A_170] : memref<16x2048xf32, #tpu.memory_space<vmem_shared>> -> memref<1x2048xf32, #tpu.memory_space<vmem_shared>>
        %dma_wait3A_172 = tpu.memref_squeeze %dma_wait3A_171 : memref<1x2048xf32, #tpu.memory_space<vmem_shared>> -> memref<2048xf32, #tpu.memory_space<vmem_shared>>
        %dma_wait3A_173 = arith.constant 0 : i32
        %dma_wait3A_174 = tpu.memref_slice %arg13[%run_scoped3A_131, %dma_wait3A_173] : memref<16x2048xf32, #tpu.memory_space<vmem>> -> memref<1x2048xf32, #tpu.memory_space<vmem>>
        %dma_wait3A_175 = tpu.memref_squeeze %dma_wait3A_174 : memref<1x2048xf32, #tpu.memory_space<vmem>> -> memref<2048xf32, #tpu.memory_space<vmem>>
        %dma_wait3A_176 = arith.constant 0 : i32
        %dma_wait3A_177 = tpu.memref_slice %arg14[%add3A_130, %dma_wait3A_176] : memref<16x2048xf32, #tpu.memory_space<vmem_shared>> -> memref<1x2048xf32, #tpu.memory_space<vmem_shared>>
        %dma_wait3A_178 = tpu.memref_squeeze %dma_wait3A_177 : memref<1x2048xf32, #tpu.memory_space<vmem_shared>> -> memref<2048xf32, #tpu.memory_space<vmem_shared>>
        tpu.wait_dma2 semaphore(%run_scoped3A_156 : memref<!tpu.dma_semaphore, #tpu.memory_space<semaphore_mem>>) src(%dma_wait3A_178 : memref<2048xf32, #tpu.memory_space<vmem_shared>>) dst(%dma_wait3A_175 : memref<2048xf32, #tpu.memory_space<vmem>>)
        tpu.yield
      }) : () -> ()
      %add3A_132 = arith.constant 12 : i32
      %add3A_133 = arith.addi %arg1, %add3A_132 : i32
      %run_scoped3A_134 = arith.constant 12 : i32
      "tpu.region"() ({
        %run_scoped3A_156 = tpu.sem_alloc : memref<!tpu.dma_semaphore, #tpu.memory_space<semaphore_mem>>
        %dma_start3A = arith.constant 0 : i32
        %dma_start3A_157 = tpu.memref_slice %arg13[%run_scoped3A_134, %dma_start3A] : memref<16x2048xf32, #tpu.memory_space<vmem>> -> memref<1x2048xf32, #tpu.memory_space<vmem>>
        %dma_start3A_158 = tpu.memref_squeeze %dma_start3A_157 : memref<1x2048xf32, #tpu.memory_space<vmem>> -> memref<2048xf32, #tpu.memory_space<vmem>>
        %dma_start3A_159 = arith.constant 0 : i32
        %dma_start3A_160 = tpu.memref_slice %arg14[%add3A_133, %dma_start3A_159] : memref<16x2048xf32, #tpu.memory_space<vmem_shared>> -> memref<1x2048xf32, #tpu.memory_space<vmem_shared>>
        %dma_start3A_161 = tpu.memref_squeeze %dma_start3A_160 : memref<1x2048xf32, #tpu.memory_space<vmem_shared>> -> memref<2048xf32, #tpu.memory_space<vmem_shared>>
        %dma_start3A_162 = arith.constant 0 : i32
        %dma_start3A_163 = tpu.memref_slice %arg13[%run_scoped3A_134, %dma_start3A_162] : memref<16x2048xf32, #tpu.memory_space<vmem>> -> memref<1x2048xf32, #tpu.memory_space<vmem>>
        %dma_start3A_164 = tpu.memref_squeeze %dma_start3A_163 : memref<1x2048xf32, #tpu.memory_space<vmem>> -> memref<2048xf32, #tpu.memory_space<vmem>>
        %dma_start3A_165 = arith.constant 0 : i32
        %dma_start3A_166 = tpu.memref_slice %arg14[%add3A_133, %dma_start3A_165] : memref<16x2048xf32, #tpu.memory_space<vmem_shared>> -> memref<1x2048xf32, #tpu.memory_space<vmem_shared>>
        %dma_start3A_167 = tpu.memref_squeeze %dma_start3A_166 : memref<1x2048xf32, #tpu.memory_space<vmem_shared>> -> memref<2048xf32, #tpu.memory_space<vmem_shared>>
        tpu.enqueue_dma source(%dma_start3A_167 : memref<2048xf32, #tpu.memory_space<vmem_shared>>) target(%dma_start3A_164 : memref<2048xf32, #tpu.memory_space<vmem>>) target_semaphore(%run_scoped3A_156 : memref<!tpu.dma_semaphore, #tpu.memory_space<semaphore_mem>>)
        %dma_wait3A = arith.constant 0 : i32
        %dma_wait3A_168 = tpu.memref_slice %arg13[%run_scoped3A_134, %dma_wait3A] : memref<16x2048xf32, #tpu.memory_space<vmem>> -> memref<1x2048xf32, #tpu.memory_space<vmem>>
        %dma_wait3A_169 = tpu.memref_squeeze %dma_wait3A_168 : memref<1x2048xf32, #tpu.memory_space<vmem>> -> memref<2048xf32, #tpu.memory_space<vmem>>
        %dma_wait3A_170 = arith.constant 0 : i32
        %dma_wait3A_171 = tpu.memref_slice %arg14[%add3A_133, %dma_wait3A_170] : memref<16x2048xf32, #tpu.memory_space<vmem_shared>> -> memref<1x2048xf32, #tpu.memory_space<vmem_shared>>
        %dma_wait3A_172 = tpu.memref_squeeze %dma_wait3A_171 : memref<1x2048xf32, #tpu.memory_space<vmem_shared>> -> memref<2048xf32, #tpu.memory_space<vmem_shared>>
        %dma_wait3A_173 = arith.constant 0 : i32
        %dma_wait3A_174 = tpu.memref_slice %arg13[%run_scoped3A_134, %dma_wait3A_173] : memref<16x2048xf32, #tpu.memory_space<vmem>> -> memref<1x2048xf32, #tpu.memory_space<vmem>>
        %dma_wait3A_175 = tpu.memref_squeeze %dma_wait3A_174 : memref<1x2048xf32, #tpu.memory_space<vmem>> -> memref<2048xf32, #tpu.memory_space<vmem>>
        %dma_wait3A_176 = arith.constant 0 : i32
        %dma_wait3A_177 = tpu.memref_slice %arg14[%add3A_133, %dma_wait3A_176] : memref<16x2048xf32, #tpu.memory_space<vmem_shared>> -> memref<1x2048xf32, #tpu.memory_space<vmem_shared>>
        %dma_wait3A_178 = tpu.memref_squeeze %dma_wait3A_177 : memref<1x2048xf32, #tpu.memory_space<vmem_shared>> -> memref<2048xf32, #tpu.memory_space<vmem_shared>>
        tpu.wait_dma2 semaphore(%run_scoped3A_156 : memref<!tpu.dma_semaphore, #tpu.memory_space<semaphore_mem>>) src(%dma_wait3A_178 : memref<2048xf32, #tpu.memory_space<vmem_shared>>) dst(%dma_wait3A_175 : memref<2048xf32, #tpu.memory_space<vmem>>)
        tpu.yield
      }) : () -> ()
      %add3A_135 = arith.constant 13 : i32
      %add3A_136 = arith.addi %arg1, %add3A_135 : i32
      %run_scoped3A_137 = arith.constant 13 : i32
      "tpu.region"() ({
        %run_scoped3A_156 = tpu.sem_alloc : memref<!tpu.dma_semaphore, #tpu.memory_space<semaphore_mem>>
        %dma_start3A = arith.constant 0 : i32
        %dma_start3A_157 = tpu.memref_slice %arg13[%run_scoped3A_137, %dma_start3A] : memref<16x2048xf32, #tpu.memory_space<vmem>> -> memref<1x2048xf32, #tpu.memory_space<vmem>>
        %dma_start3A_158 = tpu.memref_squeeze %dma_start3A_157 : memref<1x2048xf32, #tpu.memory_space<vmem>> -> memref<2048xf32, #tpu.memory_space<vmem>>
        %dma_start3A_159 = arith.constant 0 : i32
        %dma_start3A_160 = tpu.memref_slice %arg14[%add3A_136, %dma_start3A_159] : memref<16x2048xf32, #tpu.memory_space<vmem_shared>> -> memref<1x2048xf32, #tpu.memory_space<vmem_shared>>
        %dma_start3A_161 = tpu.memref_squeeze %dma_start3A_160 : memref<1x2048xf32, #tpu.memory_space<vmem_shared>> -> memref<2048xf32, #tpu.memory_space<vmem_shared>>
        %dma_start3A_162 = arith.constant 0 : i32
        %dma_start3A_163 = tpu.memref_slice %arg13[%run_scoped3A_137, %dma_start3A_162] : memref<16x2048xf32, #tpu.memory_space<vmem>> -> memref<1x2048xf32, #tpu.memory_space<vmem>>
        %dma_start3A_164 = tpu.memref_squeeze %dma_start3A_163 : memref<1x2048xf32, #tpu.memory_space<vmem>> -> memref<2048xf32, #tpu.memory_space<vmem>>
        %dma_start3A_165 = arith.constant 0 : i32
        %dma_start3A_166 = tpu.memref_slice %arg14[%add3A_136, %dma_start3A_165] : memref<16x2048xf32, #tpu.memory_space<vmem_shared>> -> memref<1x2048xf32, #tpu.memory_space<vmem_shared>>
        %dma_start3A_167 = tpu.memref_squeeze %dma_start3A_166 : memref<1x2048xf32, #tpu.memory_space<vmem_shared>> -> memref<2048xf32, #tpu.memory_space<vmem_shared>>
        tpu.enqueue_dma source(%dma_start3A_167 : memref<2048xf32, #tpu.memory_space<vmem_shared>>) target(%dma_start3A_164 : memref<2048xf32, #tpu.memory_space<vmem>>) target_semaphore(%run_scoped3A_156 : memref<!tpu.dma_semaphore, #tpu.memory_space<semaphore_mem>>)
        %dma_wait3A = arith.constant 0 : i32
        %dma_wait3A_168 = tpu.memref_slice %arg13[%run_scoped3A_137, %dma_wait3A] : memref<16x2048xf32, #tpu.memory_space<vmem>> -> memref<1x2048xf32, #tpu.memory_space<vmem>>
        %dma_wait3A_169 = tpu.memref_squeeze %dma_wait3A_168 : memref<1x2048xf32, #tpu.memory_space<vmem>> -> memref<2048xf32, #tpu.memory_space<vmem>>
        %dma_wait3A_170 = arith.constant 0 : i32
        %dma_wait3A_171 = tpu.memref_slice %arg14[%add3A_136, %dma_wait3A_170] : memref<16x2048xf32, #tpu.memory_space<vmem_shared>> -> memref<1x2048xf32, #tpu.memory_space<vmem_shared>>
        %dma_wait3A_172 = tpu.memref_squeeze %dma_wait3A_171 : memref<1x2048xf32, #tpu.memory_space<vmem_shared>> -> memref<2048xf32, #tpu.memory_space<vmem_shared>>
        %dma_wait3A_173 = arith.constant 0 : i32
        %dma_wait3A_174 = tpu.memref_slice %arg13[%run_scoped3A_137, %dma_wait3A_173] : memref<16x2048xf32, #tpu.memory_space<vmem>> -> memref<1x2048xf32, #tpu.memory_space<vmem>>
        %dma_wait3A_175 = tpu.memref_squeeze %dma_wait3A_174 : memref<1x2048xf32, #tpu.memory_space<vmem>> -> memref<2048xf32, #tpu.memory_space<vmem>>
        %dma_wait3A_176 = arith.constant 0 : i32
        %dma_wait3A_177 = tpu.memref_slice %arg14[%add3A_136, %dma_wait3A_176] : memref<16x2048xf32, #tpu.memory_space<vmem_shared>> -> memref<1x2048xf32, #tpu.memory_space<vmem_shared>>
        %dma_wait3A_178 = tpu.memref_squeeze %dma_wait3A_177 : memref<1x2048xf32, #tpu.memory_space<vmem_shared>> -> memref<2048xf32, #tpu.memory_space<vmem_shared>>
        tpu.wait_dma2 semaphore(%run_scoped3A_156 : memref<!tpu.dma_semaphore, #tpu.memory_space<semaphore_mem>>) src(%dma_wait3A_178 : memref<2048xf32, #tpu.memory_space<vmem_shared>>) dst(%dma_wait3A_175 : memref<2048xf32, #tpu.memory_space<vmem>>)
        tpu.yield
      }) : () -> ()
      %add3A_138 = arith.constant 14 : i32
      %add3A_139 = arith.addi %arg1, %add3A_138 : i32
      %run_scoped3A_140 = arith.constant 14 : i32
      "tpu.region"() ({
        %run_scoped3A_156 = tpu.sem_alloc : memref<!tpu.dma_semaphore, #tpu.memory_space<semaphore_mem>>
        %dma_start3A = arith.constant 0 : i32
        %dma_start3A_157 = tpu.memref_slice %arg13[%run_scoped3A_140, %dma_start3A] : memref<16x2048xf32, #tpu.memory_space<vmem>> -> memref<1x2048xf32, #tpu.memory_space<vmem>>
        %dma_start3A_158 = tpu.memref_squeeze %dma_start3A_157 : memref<1x2048xf32, #tpu.memory_space<vmem>> -> memref<2048xf32, #tpu.memory_space<vmem>>
        %dma_start3A_159 = arith.constant 0 : i32
        %dma_start3A_160 = tpu.memref_slice %arg14[%add3A_139, %dma_start3A_159] : memref<16x2048xf32, #tpu.memory_space<vmem_shared>> -> memref<1x2048xf32, #tpu.memory_space<vmem_shared>>
        %dma_start3A_161 = tpu.memref_squeeze %dma_start3A_160 : memref<1x2048xf32, #tpu.memory_space<vmem_shared>> -> memref<2048xf32, #tpu.memory_space<vmem_shared>>
        %dma_start3A_162 = arith.constant 0 : i32
        %dma_start3A_163 = tpu.memref_slice %arg13[%run_scoped3A_140, %dma_start3A_162] : memref<16x2048xf32, #tpu.memory_space<vmem>> -> memref<1x2048xf32, #tpu.memory_space<vmem>>
        %dma_start3A_164 = tpu.memref_squeeze %dma_start3A_163 : memref<1x2048xf32, #tpu.memory_space<vmem>> -> memref<2048xf32, #tpu.memory_space<vmem>>
        %dma_start3A_165 = arith.constant 0 : i32
        %dma_start3A_166 = tpu.memref_slice %arg14[%add3A_139, %dma_start3A_165] : memref<16x2048xf32, #tpu.memory_space<vmem_shared>> -> memref<1x2048xf32, #tpu.memory_space<vmem_shared>>
        %dma_start3A_167 = tpu.memref_squeeze %dma_start3A_166 : memref<1x2048xf32, #tpu.memory_space<vmem_shared>> -> memref<2048xf32, #tpu.memory_space<vmem_shared>>
        tpu.enqueue_dma source(%dma_start3A_167 : memref<2048xf32, #tpu.memory_space<vmem_shared>>) target(%dma_start3A_164 : memref<2048xf32, #tpu.memory_space<vmem>>) target_semaphore(%run_scoped3A_156 : memref<!tpu.dma_semaphore, #tpu.memory_space<semaphore_mem>>)
        %dma_wait3A = arith.constant 0 : i32
        %dma_wait3A_168 = tpu.memref_slice %arg13[%run_scoped3A_140, %dma_wait3A] : memref<16x2048xf32, #tpu.memory_space<vmem>> -> memref<1x2048xf32, #tpu.memory_space<vmem>>
        %dma_wait3A_169 = tpu.memref_squeeze %dma_wait3A_168 : memref<1x2048xf32, #tpu.memory_space<vmem>> -> memref<2048xf32, #tpu.memory_space<vmem>>
        %dma_wait3A_170 = arith.constant 0 : i32
        %dma_wait3A_171 = tpu.memref_slice %arg14[%add3A_139, %dma_wait3A_170] : memref<16x2048xf32, #tpu.memory_space<vmem_shared>> -> memref<1x2048xf32, #tpu.memory_space<vmem_shared>>
        %dma_wait3A_172 = tpu.memref_squeeze %dma_wait3A_171 : memref<1x2048xf32, #tpu.memory_space<vmem_shared>> -> memref<2048xf32, #tpu.memory_space<vmem_shared>>
        %dma_wait3A_173 = arith.constant 0 : i32
        %dma_wait3A_174 = tpu.memref_slice %arg13[%run_scoped3A_140, %dma_wait3A_173] : memref<16x2048xf32, #tpu.memory_space<vmem>> -> memref<1x2048xf32, #tpu.memory_space<vmem>>
        %dma_wait3A_175 = tpu.memref_squeeze %dma_wait3A_174 : memref<1x2048xf32, #tpu.memory_space<vmem>> -> memref<2048xf32, #tpu.memory_space<vmem>>
        %dma_wait3A_176 = arith.constant 0 : i32
        %dma_wait3A_177 = tpu.memref_slice %arg14[%add3A_139, %dma_wait3A_176] : memref<16x2048xf32, #tpu.memory_space<vmem_shared>> -> memref<1x2048xf32, #tpu.memory_space<vmem_shared>>
        %dma_wait3A_178 = tpu.memref_squeeze %dma_wait3A_177 : memref<1x2048xf32, #tpu.memory_space<vmem_shared>> -> memref<2048xf32, #tpu.memory_space<vmem_shared>>
        tpu.wait_dma2 semaphore(%run_scoped3A_156 : memref<!tpu.dma_semaphore, #tpu.memory_space<semaphore_mem>>) src(%dma_wait3A_178 : memref<2048xf32, #tpu.memory_space<vmem_shared>>) dst(%dma_wait3A_175 : memref<2048xf32, #tpu.memory_space<vmem>>)
        tpu.yield
      }) : () -> ()
      %add3A_141 = arith.constant 15 : i32
      %add3A_142 = arith.addi %arg1, %add3A_141 : i32
      %run_scoped3A_143 = arith.constant 15 : i32
      "tpu.region"() ({
        %run_scoped3A_156 = tpu.sem_alloc : memref<!tpu.dma_semaphore, #tpu.memory_space<semaphore_mem>>
        %dma_start3A = arith.constant 0 : i32
        %dma_start3A_157 = tpu.memref_slice %arg13[%run_scoped3A_143, %dma_start3A] : memref<16x2048xf32, #tpu.memory_space<vmem>> -> memref<1x2048xf32, #tpu.memory_space<vmem>>
        %dma_start3A_158 = tpu.memref_squeeze %dma_start3A_157 : memref<1x2048xf32, #tpu.memory_space<vmem>> -> memref<2048xf32, #tpu.memory_space<vmem>>
        %dma_start3A_159 = arith.constant 0 : i32
        %dma_start3A_160 = tpu.memref_slice %arg14[%add3A_142, %dma_start3A_159] : memref<16x2048xf32, #tpu.memory_space<vmem_shared>> -> memref<1x2048xf32, #tpu.memory_space<vmem_shared>>
        %dma_start3A_161 = tpu.memref_squeeze %dma_start3A_160 : memref<1x2048xf32, #tpu.memory_space<vmem_shared>> -> memref<2048xf32, #tpu.memory_space<vmem_shared>>
        %dma_start3A_162 = arith.constant 0 : i32
        %dma_start3A_163 = tpu.memref_slice %arg13[%run_scoped3A_143, %dma_start3A_162] : memref<16x2048xf32, #tpu.memory_space<vmem>> -> memref<1x2048xf32, #tpu.memory_space<vmem>>
        %dma_start3A_164 = tpu.memref_squeeze %dma_start3A_163 : memref<1x2048xf32, #tpu.memory_space<vmem>> -> memref<2048xf32, #tpu.memory_space<vmem>>
        %dma_start3A_165 = arith.constant 0 : i32
        %dma_start3A_166 = tpu.memref_slice %arg14[%add3A_142, %dma_start3A_165] : memref<16x2048xf32, #tpu.memory_space<vmem_shared>> -> memref<1x2048xf32, #tpu.memory_space<vmem_shared>>
        %dma_start3A_167 = tpu.memref_squeeze %dma_start3A_166 : memref<1x2048xf32, #tpu.memory_space<vmem_shared>> -> memref<2048xf32, #tpu.memory_space<vmem_shared>>
        tpu.enqueue_dma source(%dma_start3A_167 : memref<2048xf32, #tpu.memory_space<vmem_shared>>) target(%dma_start3A_164 : memref<2048xf32, #tpu.memory_space<vmem>>) target_semaphore(%run_scoped3A_156 : memref<!tpu.dma_semaphore, #tpu.memory_space<semaphore_mem>>)
        %dma_wait3A = arith.constant 0 : i32
        %dma_wait3A_168 = tpu.memref_slice %arg13[%run_scoped3A_143, %dma_wait3A] : memref<16x2048xf32, #tpu.memory_space<vmem>> -> memref<1x2048xf32, #tpu.memory_space<vmem>>
        %dma_wait3A_169 = tpu.memref_squeeze %dma_wait3A_168 : memref<1x2048xf32, #tpu.memory_space<vmem>> -> memref<2048xf32, #tpu.memory_space<vmem>>
        %dma_wait3A_170 = arith.constant 0 : i32
        %dma_wait3A_171 = tpu.memref_slice %arg14[%add3A_142, %dma_wait3A_170] : memref<16x2048xf32, #tpu.memory_space<vmem_shared>> -> memref<1x2048xf32, #tpu.memory_space<vmem_shared>>
        %dma_wait3A_172 = tpu.memref_squeeze %dma_wait3A_171 : memref<1x2048xf32, #tpu.memory_space<vmem_shared>> -> memref<2048xf32, #tpu.memory_space<vmem_shared>>
        %dma_wait3A_173 = arith.constant 0 : i32
        %dma_wait3A_174 = tpu.memref_slice %arg13[%run_scoped3A_143, %dma_wait3A_173] : memref<16x2048xf32, #tpu.memory_space<vmem>> -> memref<1x2048xf32, #tpu.memory_space<vmem>>
        %dma_wait3A_175 = tpu.memref_squeeze %dma_wait3A_174 : memref<1x2048xf32, #tpu.memory_space<vmem>> -> memref<2048xf32, #tpu.memory_space<vmem>>
        %dma_wait3A_176 = arith.constant 0 : i32
        %dma_wait3A_177 = tpu.memref_slice %arg14[%add3A_142, %dma_wait3A_176] : memref<16x2048xf32, #tpu.memory_space<vmem_shared>> -> memref<1x2048xf32, #tpu.memory_space<vmem_shared>>
        %dma_wait3A_178 = tpu.memref_squeeze %dma_wait3A_177 : memref<1x2048xf32, #tpu.memory_space<vmem_shared>> -> memref<2048xf32, #tpu.memory_space<vmem_shared>>
        tpu.wait_dma2 semaphore(%run_scoped3A_156 : memref<!tpu.dma_semaphore, #tpu.memory_space<semaphore_mem>>) src(%dma_wait3A_178 : memref<2048xf32, #tpu.memory_space<vmem_shared>>) dst(%dma_wait3A_175 : memref<2048xf32, #tpu.memory_space<vmem>>)
        tpu.yield
      }) : () -> ()
      %broadcast_in_dim3A_144 = arith.constant 0.000000e+00 : f32
      %broadcast_in_dim3A_145 = vector.broadcast %broadcast_in_dim3A_144 : f32 to vector<16xf32>
      %scan3A_146 = arith.constant 0 : i32
      %scan3A_147 = arith.constant 128 : i32
      %scan3A_148 = arith.addi %scan3A_146, %scan3A_147 : i32
      %scan3A_149 = arith.constant 1 : i32
      %scan3A_150 = scf.for %scan3A_156 = %scan3A_146 to %scan3A_148 step %scan3A_149 iter_args(%scan3A_157 = %broadcast_in_dim3A_145) -> (vector<16xf32>)  : i32 {
        %mul3A_158 = arith.constant 16 : i32
        %mul3A_159 = arith.muli %scan3A_156, %mul3A_158 : i32
        %get3A = arith.constant 0 : i32
        %get3A_160 = arith.index_cast %get3A : i32 to index
        %get3A_161 = arith.index_cast %mul3A_159 : i32 to index
        %get3A_162 = tpu.vector_load %arg13[%get3A_160, %get3A_161] {strides = array<i32>} : memref<16x2048xf32, #tpu.memory_space<vmem>>, vector<1x16xf32>,
        %get3A_163 = vector.shape_cast %get3A_162 : vector<1x16xf32> to vector<16xf32>
        %get3A_164 = arith.constant 1 : i32
        %get3A_165 = arith.index_cast %get3A_164 : i32 to index
        %get3A_166 = arith.index_cast %mul3A_159 : i32 to index
        %get3A_167 = tpu.vector_load %arg13[%get3A_165, %get3A_166] {strides = array<i32>} : memref<16x2048xf32, #tpu.memory_space<vmem>>, vector<1x16xf32>,
        %get3A_168 = vector.shape_cast %get3A_167 : vector<1x16xf32> to vector<16xf32>
        %min3A = arith.minimumf %get3A_163, %get3A_168 : vector<16xf32>
        %get3A_169 = arith.constant 2 : i32
        %get3A_170 = arith.index_cast %get3A_169 : i32 to index
        %get3A_171 = arith.index_cast %mul3A_159 : i32 to index
        %get3A_172 = tpu.vector_load %arg13[%get3A_170, %get3A_171] {strides = array<i32>} : memref<16x2048xf32, #tpu.memory_space<vmem>>, vector<1x16xf32>,
        %get3A_173 = vector.shape_cast %get3A_172 : vector<1x16xf32> to vector<16xf32>
        %min3A_174 = arith.minimumf %min3A, %get3A_173 : vector<16xf32>
        %get3A_175 = arith.constant 3 : i32
        %get3A_176 = arith.index_cast %get3A_175 : i32 to index
        %get3A_177 = arith.index_cast %mul3A_159 : i32 to index
        %get3A_178 = tpu.vector_load %arg13[%get3A_176, %get3A_177] {strides = array<i32>} : memref<16x2048xf32, #tpu.memory_space<vmem>>, vector<1x16xf32>,
        %get3A_179 = vector.shape_cast %get3A_178 : vector<1x16xf32> to vector<16xf32>
        %min3A_180 = arith.minimumf %min3A_174, %get3A_179 : vector<16xf32>
        %get3A_181 = arith.constant 4 : i32
        %get3A_182 = arith.index_cast %get3A_181 : i32 to index
        %get3A_183 = arith.index_cast %mul3A_159 : i32 to index
        %get3A_184 = tpu.vector_load %arg13[%get3A_182, %get3A_183] {strides = array<i32>} : memref<16x2048xf32, #tpu.memory_space<vmem>>, vector<1x16xf32>,
        %get3A_185 = vector.shape_cast %get3A_184 : vector<1x16xf32> to vector<16xf32>
        %min3A_186 = arith.minimumf %min3A_180, %get3A_185 : vector<16xf32>
        %get3A_187 = arith.constant 5 : i32
        %get3A_188 = arith.index_cast %get3A_187 : i32 to index
        %get3A_189 = arith.index_cast %mul3A_159 : i32 to index
        %get3A_190 = tpu.vector_load %arg13[%get3A_188, %get3A_189] {strides = array<i32>} : memref<16x2048xf32, #tpu.memory_space<vmem>>, vector<1x16xf32>,
        %get3A_191 = vector.shape_cast %get3A_190 : vector<1x16xf32> to vector<16xf32>
        %min3A_192 = arith.minimumf %min3A_186, %get3A_191 : vector<16xf32>
        %get3A_193 = arith.constant 6 : i32
        %get3A_194 = arith.index_cast %get3A_193 : i32 to index
        %get3A_195 = arith.index_cast %mul3A_159 : i32 to index
        %get3A_196 = tpu.vector_load %arg13[%get3A_194, %get3A_195] {strides = array<i32>} : memref<16x2048xf32, #tpu.memory_space<vmem>>, vector<1x16xf32>,
        %get3A_197 = vector.shape_cast %get3A_196 : vector<1x16xf32> to vector<16xf32>
        %min3A_198 = arith.minimumf %min3A_192, %get3A_197 : vector<16xf32>
        %get3A_199 = arith.constant 7 : i32
        %get3A_200 = arith.index_cast %get3A_199 : i32 to index
        %get3A_201 = arith.index_cast %mul3A_159 : i32 to index
        %get3A_202 = tpu.vector_load %arg13[%get3A_200, %get3A_201] {strides = array<i32>} : memref<16x2048xf32, #tpu.memory_space<vmem>>, vector<1x16xf32>,
        %get3A_203 = vector.shape_cast %get3A_202 : vector<1x16xf32> to vector<16xf32>
        %min3A_204 = arith.minimumf %min3A_198, %get3A_203 : vector<16xf32>
        %get3A_205 = arith.constant 8 : i32
        %get3A_206 = arith.index_cast %get3A_205 : i32 to index
        %get3A_207 = arith.index_cast %mul3A_159 : i32 to index
        %get3A_208 = tpu.vector_load %arg13[%get3A_206, %get3A_207] {strides = array<i32>} : memref<16x2048xf32, #tpu.memory_space<vmem>>, vector<1x16xf32>,
        %get3A_209 = vector.shape_cast %get3A_208 : vector<1x16xf32> to vector<16xf32>
        %min3A_210 = arith.minimumf %min3A_204, %get3A_209 : vector<16xf32>
        %get3A_211 = arith.constant 9 : i32
        %get3A_212 = arith.index_cast %get3A_211 : i32 to index
        %get3A_213 = arith.index_cast %mul3A_159 : i32 to index
        %get3A_214 = tpu.vector_load %arg13[%get3A_212, %get3A_213] {strides = array<i32>} : memref<16x2048xf32, #tpu.memory_space<vmem>>, vector<1x16xf32>,
        %get3A_215 = vector.shape_cast %get3A_214 : vector<1x16xf32> to vector<16xf32>
        %min3A_216 = arith.minimumf %min3A_210, %get3A_215 : vector<16xf32>
        %get3A_217 = arith.constant 10 : i32
        %get3A_218 = arith.index_cast %get3A_217 : i32 to index
        %get3A_219 = arith.index_cast %mul3A_159 : i32 to index
        %get3A_220 = tpu.vector_load %arg13[%get3A_218, %get3A_219] {strides = array<i32>} : memref<16x2048xf32, #tpu.memory_space<vmem>>, vector<1x16xf32>,
        %get3A_221 = vector.shape_cast %get3A_220 : vector<1x16xf32> to vector<16xf32>
        %min3A_222 = arith.minimumf %min3A_216, %get3A_221 : vector<16xf32>
        %get3A_223 = arith.constant 11 : i32
        %get3A_224 = arith.index_cast %get3A_223 : i32 to index
        %get3A_225 = arith.index_cast %mul3A_159 : i32 to index
        %get3A_226 = tpu.vector_load %arg13[%get3A_224, %get3A_225] {strides = array<i32>} : memref<16x2048xf32, #tpu.memory_space<vmem>>, vector<1x16xf32>,
        %get3A_227 = vector.shape_cast %get3A_226 : vector<1x16xf32> to vector<16xf32>
        %min3A_228 = arith.minimumf %min3A_222, %get3A_227 : vector<16xf32>
        %get3A_229 = arith.constant 12 : i32
        %get3A_230 = arith.index_cast %get3A_229 : i32 to index
        %get3A_231 = arith.index_cast %mul3A_159 : i32 to index
        %get3A_232 = tpu.vector_load %arg13[%get3A_230, %get3A_231] {strides = array<i32>} : memref<16x2048xf32, #tpu.memory_space<vmem>>, vector<1x16xf32>,
        %get3A_233 = vector.shape_cast %get3A_232 : vector<1x16xf32> to vector<16xf32>
        %min3A_234 = arith.minimumf %min3A_228, %get3A_233 : vector<16xf32>
        %get3A_235 = arith.constant 13 : i32
        %get3A_236 = arith.index_cast %get3A_235 : i32 to index
        %get3A_237 = arith.index_cast %mul3A_159 : i32 to index
        %get3A_238 = tpu.vector_load %arg13[%get3A_236, %get3A_237] {strides = array<i32>} : memref<16x2048xf32, #tpu.memory_space<vmem>>, vector<1x16xf32>,
        %get3A_239 = vector.shape_cast %get3A_238 : vector<1x16xf32> to vector<16xf32>
        %min3A_240 = arith.minimumf %min3A_234, %get3A_239 : vector<16xf32>
        %get3A_241 = arith.constant 14 : i32
        %get3A_242 = arith.index_cast %get3A_241 : i32 to index
        %get3A_243 = arith.index_cast %mul3A_159 : i32 to index
        %get3A_244 = tpu.vector_load %arg13[%get3A_242, %get3A_243] {strides = array<i32>} : memref<16x2048xf32, #tpu.memory_space<vmem>>, vector<1x16xf32>,
        %get3A_245 = vector.shape_cast %get3A_244 : vector<1x16xf32> to vector<16xf32>
        %min3A_246 = arith.minimumf %min3A_240, %get3A_245 : vector<16xf32>
        %get3A_247 = arith.constant 15 : i32
        %get3A_248 = arith.index_cast %get3A_247 : i32 to index
        %get3A_249 = arith.index_cast %mul3A_159 : i32 to index
        %get3A_250 = tpu.vector_load %arg13[%get3A_248, %get3A_249] {strides = array<i32>} : memref<16x2048xf32, #tpu.memory_space<vmem>>, vector<1x16xf32>,
        %get3A_251 = vector.shape_cast %get3A_250 : vector<1x16xf32> to vector<16xf32>
        %min3A_252 = arith.minimumf %min3A_246, %get3A_251 : vector<16xf32>
        %max3A = arith.constant 1.000000e-30 : f32
        %max3A_253 = vector.broadcast %max3A : f32 to vector<16xf32>
        %max3A_254 = arith.maximumf %min3A_252, %max3A_253 : vector<16xf32>
        %bitcast_convert_type3A = tpu.bitcast %max3A_254 : vector<16xf32> -> vector<16xi32>
        %shift_right_arithmetic3A = arith.constant 1 : i32
        %shift_right_arithmetic3A_255 = vector.broadcast %shift_right_arithmetic3A : i32 to vector<16xi32>
        %shift_right_arithmetic3A_256 = arith.shrsi %bitcast_convert_type3A, %shift_right_arithmetic3A_255 : vector<16xi32>
        %sub3A_257 = arith.constant 1597463007 : i32
        %sub3A_258 = vector.broadcast %sub3A_257 : i32 to vector<16xi32>
        %sub3A_259 = arith.subi %sub3A_258, %shift_right_arithmetic3A_256 : vector<16xi32>
        %bitcast_convert_type3A_260 = tpu.bitcast %sub3A_259 : vector<16xi32> -> vector<16xf32>
        %mul3A_261 = arith.constant 5.000000e-01 : f32
        %mul3A_262 = vector.broadcast %mul3A_261 : f32 to vector<16xf32>
        %mul3A_263 = arith.mulf %max3A_254, %mul3A_262 : vector<16xf32>
        %mul3A_264 = arith.mulf %mul3A_263, %bitcast_convert_type3A_260 : vector<16xf32>
        %mul3A_265 = arith.mulf %mul3A_264, %bitcast_convert_type3A_260 : vector<16xf32>
        %sub3A_266 = arith.constant 1.500000e+00 : f32
        %sub3A_267 = vector.broadcast %sub3A_266 : f32 to vector<16xf32>
        %sub3A_268 = arith.subf %sub3A_267, %mul3A_265 : vector<16xf32>
        %mul3A_269 = arith.mulf %bitcast_convert_type3A_260, %sub3A_268 : vector<16xf32>
        %mul3A_270 = arith.mulf %mul3A_263, %mul3A_269 : vector<16xf32>
        %mul3A_271 = arith.mulf %mul3A_270, %mul3A_269 : vector<16xf32>
        %sub3A_272 = arith.constant 1.500000e+00 : f32
        %sub3A_273 = vector.broadcast %sub3A_272 : f32 to vector<16xf32>
        %sub3A_274 = arith.subf %sub3A_273, %mul3A_271 : vector<16xf32>
        %mul3A_275 = arith.mulf %mul3A_269, %sub3A_274 : vector<16xf32>
        %mul3A_276 = arith.mulf %mul3A_263, %mul3A_275 : vector<16xf32>
        %mul3A_277 = arith.mulf %mul3A_276, %mul3A_275 : vector<16xf32>
        %sub3A_278 = arith.constant 1.500000e+00 : f32
        %sub3A_279 = vector.broadcast %sub3A_278 : f32 to vector<16xf32>
        %sub3A_280 = arith.subf %sub3A_279, %mul3A_277 : vector<16xf32>
        %mul3A_281 = arith.mulf %mul3A_275, %sub3A_280 : vector<16xf32>
        %mul3A_282 = arith.mulf %max3A_254, %mul3A_281 : vector<16xf32>
        %add3A_283 = arith.addf %scan3A_157, %mul3A_282 : vector<16xf32>
        scf.yield %add3A_283 : vector<16xf32>
      }
      %scan3A_151 = arith.constant 128 : i32
      %swap3A_152 = arith.constant 0 : index
      %swap3A_153 = tpu.vector_load %arg12[%swap3A_152] {strides = array<i32>} : memref<16xf32, #tpu.memory_space<vmem>>, vector<16xf32>,
      %swap3A_154 = vector.shape_cast %swap3A_153 : vector<16xf32> to vector<16xf32>
      %swap3A_155 = vector.shape_cast %scan3A_150 : vector<16xf32> to vector<16xf32>
      tpu.vector_store %arg12[%swap3A_152], %swap3A_155 {strides = array<i32>} : memref<16xf32, #tpu.memory_space<vmem>>, vector<16xf32>,
      "tpu.region"() ({
        %run_scoped3A_156 = tpu.sem_alloc : memref<!tpu.dma_semaphore, #tpu.memory_space<semaphore_mem>>
        %dma_start3A = arith.constant 0 : i32
        %dma_start3A_157 = tpu.memref_slice %arg6[%select_n3A, %dma_start3A] : memref<2x16xf32, #tpu.memory_space<hbm>> -> memref<1x16xf32, #tpu.memory_space<hbm>>
        %dma_start3A_158 = tpu.memref_squeeze %dma_start3A_157 : memref<1x16xf32, #tpu.memory_space<hbm>> -> memref<16xf32, #tpu.memory_space<hbm>>
        %dma_start3A_159 = arith.constant 0 : i32
        %dma_start3A_160 = tpu.memref_slice %arg6[%select_n3A, %dma_start3A_159] : memref<2x16xf32, #tpu.memory_space<hbm>> -> memref<1x16xf32, #tpu.memory_space<hbm>>
        %dma_start3A_161 = tpu.memref_squeeze %dma_start3A_160 : memref<1x16xf32, #tpu.memory_space<hbm>> -> memref<16xf32, #tpu.memory_space<hbm>>
        tpu.enqueue_dma source(%arg12 : memref<16xf32, #tpu.memory_space<vmem>>) target(%dma_start3A_161 : memref<16xf32, #tpu.memory_space<hbm>>) target_semaphore(%run_scoped3A_156 : memref<!tpu.dma_semaphore, #tpu.memory_space<semaphore_mem>>)
        %dma_wait3A = arith.constant 0 : i32
        %dma_wait3A_162 = tpu.memref_slice %arg6[%select_n3A, %dma_wait3A] : memref<2x16xf32, #tpu.memory_space<hbm>> -> memref<1x16xf32, #tpu.memory_space<hbm>>
        %dma_wait3A_163 = tpu.memref_squeeze %dma_wait3A_162 : memref<1x16xf32, #tpu.memory_space<hbm>> -> memref<16xf32, #tpu.memory_space<hbm>>
        %dma_wait3A_164 = arith.constant 0 : i32
        %dma_wait3A_165 = tpu.memref_slice %arg6[%select_n3A, %dma_wait3A_164] : memref<2x16xf32, #tpu.memory_space<hbm>> -> memref<1x16xf32, #tpu.memory_space<hbm>>
        %dma_wait3A_166 = tpu.memref_squeeze %dma_wait3A_165 : memref<1x16xf32, #tpu.memory_space<hbm>> -> memref<16xf32, #tpu.memory_space<hbm>>
        tpu.wait_dma2 semaphore(%run_scoped3A_156 : memref<!tpu.dma_semaphore, #tpu.memory_space<semaphore_mem>>) src(%arg12 : memref<16xf32, #tpu.memory_space<vmem>>) dst(%dma_wait3A_166 : memref<16xf32, #tpu.memory_space<hbm>>)
        tpu.yield
      }) : () -> ()
    } else {
    }
    return
  }
}

module attributes {stable_mosaic.version = 14 : i64} {
  func.func @_tc_chamfer_body(%arg0: i32, %arg1: memref<1x3x2048xf32, #tpu.memory_space<vmem>>, %arg2: memref<1x3x2048xf32, #tpu.memory_space<vmem>>, %arg3: memref<1x3x2048xf32, #tpu.memory_space<vmem>>, %arg4: memref<1x1x1xf32, #tpu.memory_space<vmem>>) attributes {dimension_semantics = [#tpu.dimension_semantics<parallel>], iteration_bounds = array<i64: 6>, scalar_prefetch = 0 : i64, scratch_operands = 0 : i64, tpu.core_type = #tpu.core_type<tc>, window_params = [{transform_indices = @transform_0, window_bounds = array<i64: 1, 3, 2048>}, {transform_indices = @transform_1, window_bounds = array<i64: 1, 3, 2048>}, {transform_indices = @transform_2, window_bounds = array<i64: 1, 3, 2048>}, {transform_indices = @transform_3, window_bounds = array<i64: 1, 1, 1>}]} {
    %get3A = arith.constant 0 : index
    %get3A_0 = arith.constant 0 : index
    %get3A_1 = arith.constant 0 : index
    %get3A_2 = vector.load %arg1[%get3A, %get3A_0, %get3A_1] : memref<1x3x2048xf32, #tpu.memory_space<vmem>>, vector<1x3x2048xf32>
    %get3A_3 = vector.shape_cast %get3A_2 : vector<1x3x2048xf32> to vector<3x2048xf32>
    %get3A_4 = arith.constant 0 : index
    %get3A_5 = arith.constant 0 : index
    %get3A_6 = arith.constant 0 : index
    %get3A_7 = vector.load %arg2[%get3A_4, %get3A_5, %get3A_6] : memref<1x3x2048xf32, #tpu.memory_space<vmem>>, vector<1x3x2048xf32>
    %get3A_8 = vector.shape_cast %get3A_7 : vector<1x3x2048xf32> to vector<3x2048xf32>
    %add3A = arith.addf %get3A_3, %get3A_8 : vector<3x2048xf32>
    %transpose3A = tpu.transpose %add3A, [1, 0] : vector<3x2048xf32> -> vector<2048x3xf32>
    %get3A_9 = arith.constant 0 : index
    %get3A_10 = arith.constant 0 : index
    %get3A_11 = arith.constant 0 : index
    %get3A_12 = vector.load %arg3[%get3A_9, %get3A_10, %get3A_11] : memref<1x3x2048xf32, #tpu.memory_space<vmem>>, vector<1x1x2048xf32>
    %get3A_13 = vector.shape_cast %get3A_12 : vector<1x1x2048xf32> to vector<1x2048xf32>
    %get3A_14 = arith.constant 0 : index
    %get3A_15 = arith.constant 1 : index
    %get3A_16 = arith.constant 0 : index
    %get3A_17 = vector.load %arg3[%get3A_14, %get3A_15, %get3A_16] : memref<1x3x2048xf32, #tpu.memory_space<vmem>>, vector<1x1x2048xf32>
    %get3A_18 = vector.shape_cast %get3A_17 : vector<1x1x2048xf32> to vector<1x2048xf32>
    %get3A_19 = arith.constant 0 : index
    %get3A_20 = arith.constant 2 : index
    %get3A_21 = arith.constant 0 : index
    %get3A_22 = vector.load %arg3[%get3A_19, %get3A_20, %get3A_21] : memref<1x3x2048xf32, #tpu.memory_space<vmem>>, vector<1x1x2048xf32>
    %get3A_23 = vector.shape_cast %get3A_22 : vector<1x1x2048xf32> to vector<1x2048xf32>
    %broadcast_in_dim3A = arith.constant 0x7F800000 : f32
    %broadcast_in_dim3A_24 = vector.broadcast %broadcast_in_dim3A : f32 to vector<1x2048xf32>
    %slice3A = vector.extract_strided_slice %transpose3A {offsets = [0, 0], sizes = [256, 3], strides = [1, 1]} : vector<2048x3xf32> to vector<256x3xf32>
    %slice3A_25 = vector.extract_strided_slice %slice3A {offsets = [0, 0], sizes = [256, 1], strides = [1, 1]} : vector<256x3xf32> to vector<256x1xf32>
    %sub3A = vector.broadcast %slice3A_25 : vector<256x1xf32> to vector<256x2048xf32>
    %sub3A_26 = vector.broadcast %get3A_13 : vector<1x2048xf32> to vector<256x2048xf32>
    %sub3A_27 = arith.subf %sub3A, %sub3A_26 : vector<256x2048xf32>
    %mul3A = arith.mulf %sub3A_27, %sub3A_27 : vector<256x2048xf32>
    %slice3A_28 = vector.extract_strided_slice %slice3A {offsets = [0, 1], sizes = [256, 1], strides = [1, 1]} : vector<256x3xf32> to vector<256x1xf32>
    %sub3A_29 = vector.broadcast %slice3A_28 : vector<256x1xf32> to vector<256x2048xf32>
    %sub3A_30 = vector.broadcast %get3A_18 : vector<1x2048xf32> to vector<256x2048xf32>
    %sub3A_31 = arith.subf %sub3A_29, %sub3A_30 : vector<256x2048xf32>
    %mul3A_32 = arith.mulf %sub3A_31, %sub3A_31 : vector<256x2048xf32>
    %add3A_33 = arith.addf %mul3A, %mul3A_32 : vector<256x2048xf32>
    %slice3A_34 = vector.extract_strided_slice %slice3A {offsets = [0, 2], sizes = [256, 1], strides = [1, 1]} : vector<256x3xf32> to vector<256x1xf32>
    %sub3A_35 = vector.broadcast %slice3A_34 : vector<256x1xf32> to vector<256x2048xf32>
    %sub3A_36 = vector.broadcast %get3A_23 : vector<1x2048xf32> to vector<256x2048xf32>
    %sub3A_37 = arith.subf %sub3A_35, %sub3A_36 : vector<256x2048xf32>
    %mul3A_38 = arith.mulf %sub3A_37, %sub3A_37 : vector<256x2048xf32>
    %add3A_39 = arith.addf %add3A_33, %mul3A_38 : vector<256x2048xf32>
    %reduce_min3A = arith.constant dense<0x7F800000> : vector<256xf32>
    %reduce_min3A_40 = vector.multi_reduction <minimumf>, %add3A_39, %reduce_min3A [1] : vector<256x2048xf32> to vector<256xf32>
    %sqrt3A = math.sqrt %reduce_min3A_40 : vector<256xf32>
    %reduce_sum3A = vector.shape_cast %sqrt3A : vector<256xf32> to vector<1x256xf32>
    %reduce_sum3A_41 = arith.constant dense<0.000000e+00> : vector<1xf32>
    %reduce_sum3A_42 = vector.multi_reduction <add>, %reduce_sum3A, %reduce_sum3A_41 [1] : vector<1x256xf32> to vector<1xf32>
    %reduce_sum3A_43 = vector.shape_cast %reduce_sum3A_42 : vector<1xf32> to vector<1x1xf32>
    %reduce_sum3A_44 = vector.extract %reduce_sum3A_43[0, 0] : f32 from vector<1x1xf32>
    %add3A_45 = arith.constant 0.000000e+00 : f32
    %add3A_46 = arith.addf %add3A_45, %reduce_sum3A_44 : f32
    %reduce_min3A_47 = arith.constant dense<0x7F800000> : vector<2048xf32>
    %reduce_min3A_48 = vector.multi_reduction <minimumf>, %add3A_39, %reduce_min3A_47 [0] : vector<256x2048xf32> to vector<2048xf32>
    %broadcast_in_dim3A_49 = vector.shape_cast %reduce_min3A_48 : vector<2048xf32> to vector<1x2048xf32>
    %min3A = arith.minimumf %broadcast_in_dim3A_24, %broadcast_in_dim3A_49 : vector<1x2048xf32>
    %slice3A_50 = vector.extract_strided_slice %transpose3A {offsets = [256, 0], sizes = [256, 3], strides = [1, 1]} : vector<2048x3xf32> to vector<256x3xf32>
    %slice3A_51 = vector.extract_strided_slice %slice3A_50 {offsets = [0, 0], sizes = [256, 1], strides = [1, 1]} : vector<256x3xf32> to vector<256x1xf32>
    %sub3A_52 = vector.broadcast %slice3A_51 : vector<256x1xf32> to vector<256x2048xf32>
    %sub3A_53 = vector.broadcast %get3A_13 : vector<1x2048xf32> to vector<256x2048xf32>
    %sub3A_54 = arith.subf %sub3A_52, %sub3A_53 : vector<256x2048xf32>
    %mul3A_55 = arith.mulf %sub3A_54, %sub3A_54 : vector<256x2048xf32>
    %slice3A_56 = vector.extract_strided_slice %slice3A_50 {offsets = [0, 1], sizes = [256, 1], strides = [1, 1]} : vector<256x3xf32> to vector<256x1xf32>
    %sub3A_57 = vector.broadcast %slice3A_56 : vector<256x1xf32> to vector<256x2048xf32>
    %sub3A_58 = vector.broadcast %get3A_18 : vector<1x2048xf32> to vector<256x2048xf32>
    %sub3A_59 = arith.subf %sub3A_57, %sub3A_58 : vector<256x2048xf32>
    %mul3A_60 = arith.mulf %sub3A_59, %sub3A_59 : vector<256x2048xf32>
    %add3A_61 = arith.addf %mul3A_55, %mul3A_60 : vector<256x2048xf32>
    %slice3A_62 = vector.extract_strided_slice %slice3A_50 {offsets = [0, 2], sizes = [256, 1], strides = [1, 1]} : vector<256x3xf32> to vector<256x1xf32>
    %sub3A_63 = vector.broadcast %slice3A_62 : vector<256x1xf32> to vector<256x2048xf32>
    %sub3A_64 = vector.broadcast %get3A_23 : vector<1x2048xf32> to vector<256x2048xf32>
    %sub3A_65 = arith.subf %sub3A_63, %sub3A_64 : vector<256x2048xf32>
    %mul3A_66 = arith.mulf %sub3A_65, %sub3A_65 : vector<256x2048xf32>
    %add3A_67 = arith.addf %add3A_61, %mul3A_66 : vector<256x2048xf32>
    %reduce_min3A_68 = arith.constant dense<0x7F800000> : vector<256xf32>
    %reduce_min3A_69 = vector.multi_reduction <minimumf>, %add3A_67, %reduce_min3A_68 [1] : vector<256x2048xf32> to vector<256xf32>
    %sqrt3A_70 = math.sqrt %reduce_min3A_69 : vector<256xf32>
    %reduce_sum3A_71 = vector.shape_cast %sqrt3A_70 : vector<256xf32> to vector<1x256xf32>
    %reduce_sum3A_72 = arith.constant dense<0.000000e+00> : vector<1xf32>
    %reduce_sum3A_73 = vector.multi_reduction <add>, %reduce_sum3A_71, %reduce_sum3A_72 [1] : vector<1x256xf32> to vector<1xf32>
    %reduce_sum3A_74 = vector.shape_cast %reduce_sum3A_73 : vector<1xf32> to vector<1x1xf32>
    %reduce_sum3A_75 = vector.extract %reduce_sum3A_74[0, 0] : f32 from vector<1x1xf32>
    %add3A_76 = arith.addf %add3A_46, %reduce_sum3A_75 : f32
    %reduce_min3A_77 = arith.constant dense<0x7F800000> : vector<2048xf32>
    %reduce_min3A_78 = vector.multi_reduction <minimumf>, %add3A_67, %reduce_min3A_77 [0] : vector<256x2048xf32> to vector<2048xf32>
    %broadcast_in_dim3A_79 = vector.shape_cast %reduce_min3A_78 : vector<2048xf32> to vector<1x2048xf32>
    %min3A_80 = arith.minimumf %min3A, %broadcast_in_dim3A_79 : vector<1x2048xf32>
    %slice3A_81 = vector.extract_strided_slice %transpose3A {offsets = [512, 0], sizes = [256, 3], strides = [1, 1]} : vector<2048x3xf32> to vector<256x3xf32>
    %slice3A_82 = vector.extract_strided_slice %slice3A_81 {offsets = [0, 0], sizes = [256, 1], strides = [1, 1]} : vector<256x3xf32> to vector<256x1xf32>
    %sub3A_83 = vector.broadcast %slice3A_82 : vector<256x1xf32> to vector<256x2048xf32>
    %sub3A_84 = vector.broadcast %get3A_13 : vector<1x2048xf32> to vector<256x2048xf32>
    %sub3A_85 = arith.subf %sub3A_83, %sub3A_84 : vector<256x2048xf32>
    %mul3A_86 = arith.mulf %sub3A_85, %sub3A_85 : vector<256x2048xf32>
    %slice3A_87 = vector.extract_strided_slice %slice3A_81 {offsets = [0, 1], sizes = [256, 1], strides = [1, 1]} : vector<256x3xf32> to vector<256x1xf32>
    %sub3A_88 = vector.broadcast %slice3A_87 : vector<256x1xf32> to vector<256x2048xf32>
    %sub3A_89 = vector.broadcast %get3A_18 : vector<1x2048xf32> to vector<256x2048xf32>
    %sub3A_90 = arith.subf %sub3A_88, %sub3A_89 : vector<256x2048xf32>
    %mul3A_91 = arith.mulf %sub3A_90, %sub3A_90 : vector<256x2048xf32>
    %add3A_92 = arith.addf %mul3A_86, %mul3A_91 : vector<256x2048xf32>
    %slice3A_93 = vector.extract_strided_slice %slice3A_81 {offsets = [0, 2], sizes = [256, 1], strides = [1, 1]} : vector<256x3xf32> to vector<256x1xf32>
    %sub3A_94 = vector.broadcast %slice3A_93 : vector<256x1xf32> to vector<256x2048xf32>
    %sub3A_95 = vector.broadcast %get3A_23 : vector<1x2048xf32> to vector<256x2048xf32>
    %sub3A_96 = arith.subf %sub3A_94, %sub3A_95 : vector<256x2048xf32>
    %mul3A_97 = arith.mulf %sub3A_96, %sub3A_96 : vector<256x2048xf32>
    %add3A_98 = arith.addf %add3A_92, %mul3A_97 : vector<256x2048xf32>
    %reduce_min3A_99 = arith.constant dense<0x7F800000> : vector<256xf32>
    %reduce_min3A_100 = vector.multi_reduction <minimumf>, %add3A_98, %reduce_min3A_99 [1] : vector<256x2048xf32> to vector<256xf32>
    %sqrt3A_101 = math.sqrt %reduce_min3A_100 : vector<256xf32>
    %reduce_sum3A_102 = vector.shape_cast %sqrt3A_101 : vector<256xf32> to vector<1x256xf32>
    %reduce_sum3A_103 = arith.constant dense<0.000000e+00> : vector<1xf32>
    %reduce_sum3A_104 = vector.multi_reduction <add>, %reduce_sum3A_102, %reduce_sum3A_103 [1] : vector<1x256xf32> to vector<1xf32>
    %reduce_sum3A_105 = vector.shape_cast %reduce_sum3A_104 : vector<1xf32> to vector<1x1xf32>
    %reduce_sum3A_106 = vector.extract %reduce_sum3A_105[0, 0] : f32 from vector<1x1xf32>
    %add3A_107 = arith.addf %add3A_76, %reduce_sum3A_106 : f32
    %reduce_min3A_108 = arith.constant dense<0x7F800000> : vector<2048xf32>
    %reduce_min3A_109 = vector.multi_reduction <minimumf>, %add3A_98, %reduce_min3A_108 [0] : vector<256x2048xf32> to vector<2048xf32>
    %broadcast_in_dim3A_110 = vector.shape_cast %reduce_min3A_109 : vector<2048xf32> to vector<1x2048xf32>
    %min3A_111 = arith.minimumf %min3A_80, %broadcast_in_dim3A_110 : vector<1x2048xf32>
    %slice3A_112 = vector.extract_strided_slice %transpose3A {offsets = [768, 0], sizes = [256, 3], strides = [1, 1]} : vector<2048x3xf32> to vector<256x3xf32>
    %slice3A_113 = vector.extract_strided_slice %slice3A_112 {offsets = [0, 0], sizes = [256, 1], strides = [1, 1]} : vector<256x3xf32> to vector<256x1xf32>
    %sub3A_114 = vector.broadcast %slice3A_113 : vector<256x1xf32> to vector<256x2048xf32>
    %sub3A_115 = vector.broadcast %get3A_13 : vector<1x2048xf32> to vector<256x2048xf32>
    %sub3A_116 = arith.subf %sub3A_114, %sub3A_115 : vector<256x2048xf32>
    %mul3A_117 = arith.mulf %sub3A_116, %sub3A_116 : vector<256x2048xf32>
    %slice3A_118 = vector.extract_strided_slice %slice3A_112 {offsets = [0, 1], sizes = [256, 1], strides = [1, 1]} : vector<256x3xf32> to vector<256x1xf32>
    %sub3A_119 = vector.broadcast %slice3A_118 : vector<256x1xf32> to vector<256x2048xf32>
    %sub3A_120 = vector.broadcast %get3A_18 : vector<1x2048xf32> to vector<256x2048xf32>
    %sub3A_121 = arith.subf %sub3A_119, %sub3A_120 : vector<256x2048xf32>
    %mul3A_122 = arith.mulf %sub3A_121, %sub3A_121 : vector<256x2048xf32>
    %add3A_123 = arith.addf %mul3A_117, %mul3A_122 : vector<256x2048xf32>
    %slice3A_124 = vector.extract_strided_slice %slice3A_112 {offsets = [0, 2], sizes = [256, 1], strides = [1, 1]} : vector<256x3xf32> to vector<256x1xf32>
    %sub3A_125 = vector.broadcast %slice3A_124 : vector<256x1xf32> to vector<256x2048xf32>
    %sub3A_126 = vector.broadcast %get3A_23 : vector<1x2048xf32> to vector<256x2048xf32>
    %sub3A_127 = arith.subf %sub3A_125, %sub3A_126 : vector<256x2048xf32>
    %mul3A_128 = arith.mulf %sub3A_127, %sub3A_127 : vector<256x2048xf32>
    %add3A_129 = arith.addf %add3A_123, %mul3A_128 : vector<256x2048xf32>
    %reduce_min3A_130 = arith.constant dense<0x7F800000> : vector<256xf32>
    %reduce_min3A_131 = vector.multi_reduction <minimumf>, %add3A_129, %reduce_min3A_130 [1] : vector<256x2048xf32> to vector<256xf32>
    %sqrt3A_132 = math.sqrt %reduce_min3A_131 : vector<256xf32>
    %reduce_sum3A_133 = vector.shape_cast %sqrt3A_132 : vector<256xf32> to vector<1x256xf32>
    %reduce_sum3A_134 = arith.constant dense<0.000000e+00> : vector<1xf32>
    %reduce_sum3A_135 = vector.multi_reduction <add>, %reduce_sum3A_133, %reduce_sum3A_134 [1] : vector<1x256xf32> to vector<1xf32>
    %reduce_sum3A_136 = vector.shape_cast %reduce_sum3A_135 : vector<1xf32> to vector<1x1xf32>
    %reduce_sum3A_137 = vector.extract %reduce_sum3A_136[0, 0] : f32 from vector<1x1xf32>
    %add3A_138 = arith.addf %add3A_107, %reduce_sum3A_137 : f32
    %reduce_min3A_139 = arith.constant dense<0x7F800000> : vector<2048xf32>
    %reduce_min3A_140 = vector.multi_reduction <minimumf>, %add3A_129, %reduce_min3A_139 [0] : vector<256x2048xf32> to vector<2048xf32>
    %broadcast_in_dim3A_141 = vector.shape_cast %reduce_min3A_140 : vector<2048xf32> to vector<1x2048xf32>
    %min3A_142 = arith.minimumf %min3A_111, %broadcast_in_dim3A_141 : vector<1x2048xf32>
    %slice3A_143 = vector.extract_strided_slice %transpose3A {offsets = [1024, 0], sizes = [256, 3], strides = [1, 1]} : vector<2048x3xf32> to vector<256x3xf32>
    %slice3A_144 = vector.extract_strided_slice %slice3A_143 {offsets = [0, 0], sizes = [256, 1], strides = [1, 1]} : vector<256x3xf32> to vector<256x1xf32>
    %sub3A_145 = vector.broadcast %slice3A_144 : vector<256x1xf32> to vector<256x2048xf32>
    %sub3A_146 = vector.broadcast %get3A_13 : vector<1x2048xf32> to vector<256x2048xf32>
    %sub3A_147 = arith.subf %sub3A_145, %sub3A_146 : vector<256x2048xf32>
    %mul3A_148 = arith.mulf %sub3A_147, %sub3A_147 : vector<256x2048xf32>
    %slice3A_149 = vector.extract_strided_slice %slice3A_143 {offsets = [0, 1], sizes = [256, 1], strides = [1, 1]} : vector<256x3xf32> to vector<256x1xf32>
    %sub3A_150 = vector.broadcast %slice3A_149 : vector<256x1xf32> to vector<256x2048xf32>
    %sub3A_151 = vector.broadcast %get3A_18 : vector<1x2048xf32> to vector<256x2048xf32>
    %sub3A_152 = arith.subf %sub3A_150, %sub3A_151 : vector<256x2048xf32>
    %mul3A_153 = arith.mulf %sub3A_152, %sub3A_152 : vector<256x2048xf32>
    %add3A_154 = arith.addf %mul3A_148, %mul3A_153 : vector<256x2048xf32>
    %slice3A_155 = vector.extract_strided_slice %slice3A_143 {offsets = [0, 2], sizes = [256, 1], strides = [1, 1]} : vector<256x3xf32> to vector<256x1xf32>
    %sub3A_156 = vector.broadcast %slice3A_155 : vector<256x1xf32> to vector<256x2048xf32>
    %sub3A_157 = vector.broadcast %get3A_23 : vector<1x2048xf32> to vector<256x2048xf32>
    %sub3A_158 = arith.subf %sub3A_156, %sub3A_157 : vector<256x2048xf32>
    %mul3A_159 = arith.mulf %sub3A_158, %sub3A_158 : vector<256x2048xf32>
    %add3A_160 = arith.addf %add3A_154, %mul3A_159 : vector<256x2048xf32>
    %reduce_min3A_161 = arith.constant dense<0x7F800000> : vector<256xf32>
    %reduce_min3A_162 = vector.multi_reduction <minimumf>, %add3A_160, %reduce_min3A_161 [1] : vector<256x2048xf32> to vector<256xf32>
    %sqrt3A_163 = math.sqrt %reduce_min3A_162 : vector<256xf32>
    %reduce_sum3A_164 = vector.shape_cast %sqrt3A_163 : vector<256xf32> to vector<1x256xf32>
    %reduce_sum3A_165 = arith.constant dense<0.000000e+00> : vector<1xf32>
    %reduce_sum3A_166 = vector.multi_reduction <add>, %reduce_sum3A_164, %reduce_sum3A_165 [1] : vector<1x256xf32> to vector<1xf32>
    %reduce_sum3A_167 = vector.shape_cast %reduce_sum3A_166 : vector<1xf32> to vector<1x1xf32>
    %reduce_sum3A_168 = vector.extract %reduce_sum3A_167[0, 0] : f32 from vector<1x1xf32>
    %add3A_169 = arith.addf %add3A_138, %reduce_sum3A_168 : f32
    %reduce_min3A_170 = arith.constant dense<0x7F800000> : vector<2048xf32>
    %reduce_min3A_171 = vector.multi_reduction <minimumf>, %add3A_160, %reduce_min3A_170 [0] : vector<256x2048xf32> to vector<2048xf32>
    %broadcast_in_dim3A_172 = vector.shape_cast %reduce_min3A_171 : vector<2048xf32> to vector<1x2048xf32>
    %min3A_173 = arith.minimumf %min3A_142, %broadcast_in_dim3A_172 : vector<1x2048xf32>
    %slice3A_174 = vector.extract_strided_slice %transpose3A {offsets = [1280, 0], sizes = [256, 3], strides = [1, 1]} : vector<2048x3xf32> to vector<256x3xf32>
    %slice3A_175 = vector.extract_strided_slice %slice3A_174 {offsets = [0, 0], sizes = [256, 1], strides = [1, 1]} : vector<256x3xf32> to vector<256x1xf32>
    %sub3A_176 = vector.broadcast %slice3A_175 : vector<256x1xf32> to vector<256x2048xf32>
    %sub3A_177 = vector.broadcast %get3A_13 : vector<1x2048xf32> to vector<256x2048xf32>
    %sub3A_178 = arith.subf %sub3A_176, %sub3A_177 : vector<256x2048xf32>
    %mul3A_179 = arith.mulf %sub3A_178, %sub3A_178 : vector<256x2048xf32>
    %slice3A_180 = vector.extract_strided_slice %slice3A_174 {offsets = [0, 1], sizes = [256, 1], strides = [1, 1]} : vector<256x3xf32> to vector<256x1xf32>
    %sub3A_181 = vector.broadcast %slice3A_180 : vector<256x1xf32> to vector<256x2048xf32>
    %sub3A_182 = vector.broadcast %get3A_18 : vector<1x2048xf32> to vector<256x2048xf32>
    %sub3A_183 = arith.subf %sub3A_181, %sub3A_182 : vector<256x2048xf32>
    %mul3A_184 = arith.mulf %sub3A_183, %sub3A_183 : vector<256x2048xf32>
    %add3A_185 = arith.addf %mul3A_179, %mul3A_184 : vector<256x2048xf32>
    %slice3A_186 = vector.extract_strided_slice %slice3A_174 {offsets = [0, 2], sizes = [256, 1], strides = [1, 1]} : vector<256x3xf32> to vector<256x1xf32>
    %sub3A_187 = vector.broadcast %slice3A_186 : vector<256x1xf32> to vector<256x2048xf32>
    %sub3A_188 = vector.broadcast %get3A_23 : vector<1x2048xf32> to vector<256x2048xf32>
    %sub3A_189 = arith.subf %sub3A_187, %sub3A_188 : vector<256x2048xf32>
    %mul3A_190 = arith.mulf %sub3A_189, %sub3A_189 : vector<256x2048xf32>
    %add3A_191 = arith.addf %add3A_185, %mul3A_190 : vector<256x2048xf32>
    %reduce_min3A_192 = arith.constant dense<0x7F800000> : vector<256xf32>
    %reduce_min3A_193 = vector.multi_reduction <minimumf>, %add3A_191, %reduce_min3A_192 [1] : vector<256x2048xf32> to vector<256xf32>
    %sqrt3A_194 = math.sqrt %reduce_min3A_193 : vector<256xf32>
    %reduce_sum3A_195 = vector.shape_cast %sqrt3A_194 : vector<256xf32> to vector<1x256xf32>
    %reduce_sum3A_196 = arith.constant dense<0.000000e+00> : vector<1xf32>
    %reduce_sum3A_197 = vector.multi_reduction <add>, %reduce_sum3A_195, %reduce_sum3A_196 [1] : vector<1x256xf32> to vector<1xf32>
    %reduce_sum3A_198 = vector.shape_cast %reduce_sum3A_197 : vector<1xf32> to vector<1x1xf32>
    %reduce_sum3A_199 = vector.extract %reduce_sum3A_198[0, 0] : f32 from vector<1x1xf32>
    %add3A_200 = arith.addf %add3A_169, %reduce_sum3A_199 : f32
    %reduce_min3A_201 = arith.constant dense<0x7F800000> : vector<2048xf32>
    %reduce_min3A_202 = vector.multi_reduction <minimumf>, %add3A_191, %reduce_min3A_201 [0] : vector<256x2048xf32> to vector<2048xf32>
    %broadcast_in_dim3A_203 = vector.shape_cast %reduce_min3A_202 : vector<2048xf32> to vector<1x2048xf32>
    %min3A_204 = arith.minimumf %min3A_173, %broadcast_in_dim3A_203 : vector<1x2048xf32>
    %slice3A_205 = vector.extract_strided_slice %transpose3A {offsets = [1536, 0], sizes = [256, 3], strides = [1, 1]} : vector<2048x3xf32> to vector<256x3xf32>
    %slice3A_206 = vector.extract_strided_slice %slice3A_205 {offsets = [0, 0], sizes = [256, 1], strides = [1, 1]} : vector<256x3xf32> to vector<256x1xf32>
    %sub3A_207 = vector.broadcast %slice3A_206 : vector<256x1xf32> to vector<256x2048xf32>
    %sub3A_208 = vector.broadcast %get3A_13 : vector<1x2048xf32> to vector<256x2048xf32>
    %sub3A_209 = arith.subf %sub3A_207, %sub3A_208 : vector<256x2048xf32>
    %mul3A_210 = arith.mulf %sub3A_209, %sub3A_209 : vector<256x2048xf32>
    %slice3A_211 = vector.extract_strided_slice %slice3A_205 {offsets = [0, 1], sizes = [256, 1], strides = [1, 1]} : vector<256x3xf32> to vector<256x1xf32>
    %sub3A_212 = vector.broadcast %slice3A_211 : vector<256x1xf32> to vector<256x2048xf32>
    %sub3A_213 = vector.broadcast %get3A_18 : vector<1x2048xf32> to vector<256x2048xf32>
    %sub3A_214 = arith.subf %sub3A_212, %sub3A_213 : vector<256x2048xf32>
    %mul3A_215 = arith.mulf %sub3A_214, %sub3A_214 : vector<256x2048xf32>
    %add3A_216 = arith.addf %mul3A_210, %mul3A_215 : vector<256x2048xf32>
    %slice3A_217 = vector.extract_strided_slice %slice3A_205 {offsets = [0, 2], sizes = [256, 1], strides = [1, 1]} : vector<256x3xf32> to vector<256x1xf32>
    %sub3A_218 = vector.broadcast %slice3A_217 : vector<256x1xf32> to vector<256x2048xf32>
    %sub3A_219 = vector.broadcast %get3A_23 : vector<1x2048xf32> to vector<256x2048xf32>
    %sub3A_220 = arith.subf %sub3A_218, %sub3A_219 : vector<256x2048xf32>
    %mul3A_221 = arith.mulf %sub3A_220, %sub3A_220 : vector<256x2048xf32>
    %add3A_222 = arith.addf %add3A_216, %mul3A_221 : vector<256x2048xf32>
    %reduce_min3A_223 = arith.constant dense<0x7F800000> : vector<256xf32>
    %reduce_min3A_224 = vector.multi_reduction <minimumf>, %add3A_222, %reduce_min3A_223 [1] : vector<256x2048xf32> to vector<256xf32>
    %sqrt3A_225 = math.sqrt %reduce_min3A_224 : vector<256xf32>
    %reduce_sum3A_226 = vector.shape_cast %sqrt3A_225 : vector<256xf32> to vector<1x256xf32>
    %reduce_sum3A_227 = arith.constant dense<0.000000e+00> : vector<1xf32>
    %reduce_sum3A_228 = vector.multi_reduction <add>, %reduce_sum3A_226, %reduce_sum3A_227 [1] : vector<1x256xf32> to vector<1xf32>
    %reduce_sum3A_229 = vector.shape_cast %reduce_sum3A_228 : vector<1xf32> to vector<1x1xf32>
    %reduce_sum3A_230 = vector.extract %reduce_sum3A_229[0, 0] : f32 from vector<1x1xf32>
    %add3A_231 = arith.addf %add3A_200, %reduce_sum3A_230 : f32
    %reduce_min3A_232 = arith.constant dense<0x7F800000> : vector<2048xf32>
    %reduce_min3A_233 = vector.multi_reduction <minimumf>, %add3A_222, %reduce_min3A_232 [0] : vector<256x2048xf32> to vector<2048xf32>
    %broadcast_in_dim3A_234 = vector.shape_cast %reduce_min3A_233 : vector<2048xf32> to vector<1x2048xf32>
    %min3A_235 = arith.minimumf %min3A_204, %broadcast_in_dim3A_234 : vector<1x2048xf32>
    %slice3A_236 = vector.extract_strided_slice %transpose3A {offsets = [1792, 0], sizes = [256, 3], strides = [1, 1]} : vector<2048x3xf32> to vector<256x3xf32>
    %slice3A_237 = vector.extract_strided_slice %slice3A_236 {offsets = [0, 0], sizes = [256, 1], strides = [1, 1]} : vector<256x3xf32> to vector<256x1xf32>
    %sub3A_238 = vector.broadcast %slice3A_237 : vector<256x1xf32> to vector<256x2048xf32>
    %sub3A_239 = vector.broadcast %get3A_13 : vector<1x2048xf32> to vector<256x2048xf32>
    %sub3A_240 = arith.subf %sub3A_238, %sub3A_239 : vector<256x2048xf32>
    %mul3A_241 = arith.mulf %sub3A_240, %sub3A_240 : vector<256x2048xf32>
    %slice3A_242 = vector.extract_strided_slice %slice3A_236 {offsets = [0, 1], sizes = [256, 1], strides = [1, 1]} : vector<256x3xf32> to vector<256x1xf32>
    %sub3A_243 = vector.broadcast %slice3A_242 : vector<256x1xf32> to vector<256x2048xf32>
    %sub3A_244 = vector.broadcast %get3A_18 : vector<1x2048xf32> to vector<256x2048xf32>
    %sub3A_245 = arith.subf %sub3A_243, %sub3A_244 : vector<256x2048xf32>
    %mul3A_246 = arith.mulf %sub3A_245, %sub3A_245 : vector<256x2048xf32>
    %add3A_247 = arith.addf %mul3A_241, %mul3A_246 : vector<256x2048xf32>
    %slice3A_248 = vector.extract_strided_slice %slice3A_236 {offsets = [0, 2], sizes = [256, 1], strides = [1, 1]} : vector<256x3xf32> to vector<256x1xf32>
    %sub3A_249 = vector.broadcast %slice3A_248 : vector<256x1xf32> to vector<256x2048xf32>
    %sub3A_250 = vector.broadcast %get3A_23 : vector<1x2048xf32> to vector<256x2048xf32>
    %sub3A_251 = arith.subf %sub3A_249, %sub3A_250 : vector<256x2048xf32>
    %mul3A_252 = arith.mulf %sub3A_251, %sub3A_251 : vector<256x2048xf32>
    %add3A_253 = arith.addf %add3A_247, %mul3A_252 : vector<256x2048xf32>
    %reduce_min3A_254 = arith.constant dense<0x7F800000> : vector<256xf32>
    %reduce_min3A_255 = vector.multi_reduction <minimumf>, %add3A_253, %reduce_min3A_254 [1] : vector<256x2048xf32> to vector<256xf32>
    %sqrt3A_256 = math.sqrt %reduce_min3A_255 : vector<256xf32>
    %reduce_sum3A_257 = vector.shape_cast %sqrt3A_256 : vector<256xf32> to vector<1x256xf32>
    %reduce_sum3A_258 = arith.constant dense<0.000000e+00> : vector<1xf32>
    %reduce_sum3A_259 = vector.multi_reduction <add>, %reduce_sum3A_257, %reduce_sum3A_258 [1] : vector<1x256xf32> to vector<1xf32>
    %reduce_sum3A_260 = vector.shape_cast %reduce_sum3A_259 : vector<1xf32> to vector<1x1xf32>
    %reduce_sum3A_261 = vector.extract %reduce_sum3A_260[0, 0] : f32 from vector<1x1xf32>
    %add3A_262 = arith.addf %add3A_231, %reduce_sum3A_261 : f32
    %reduce_min3A_263 = arith.constant dense<0x7F800000> : vector<2048xf32>
    %reduce_min3A_264 = vector.multi_reduction <minimumf>, %add3A_253, %reduce_min3A_263 [0] : vector<256x2048xf32> to vector<2048xf32>
    %broadcast_in_dim3A_265 = vector.shape_cast %reduce_min3A_264 : vector<2048xf32> to vector<1x2048xf32>
    %min3A_266 = arith.minimumf %min3A_235, %broadcast_in_dim3A_265 : vector<1x2048xf32>
    %sqrt3A_267 = math.sqrt %min3A_266 : vector<1x2048xf32>
    %reduce_sum3A_268 = vector.shape_cast %sqrt3A_267 : vector<1x2048xf32> to vector<1x1x2048xf32>
    %reduce_sum3A_269 = arith.constant dense<0.000000e+00> : vector<1xf32>
    %reduce_sum3A_270 = vector.multi_reduction <add>, %reduce_sum3A_268, %reduce_sum3A_269 [1, 2] : vector<1x1x2048xf32> to vector<1xf32>
    %reduce_sum3A_271 = vector.shape_cast %reduce_sum3A_270 : vector<1xf32> to vector<1x1x1xf32>
    %reduce_sum3A_272 = vector.extract %reduce_sum3A_271[0, 0, 0] : f32 from vector<1x1x1xf32>
    %add3A_273 = arith.addf %add3A_262, %reduce_sum3A_272 : f32
    %reshape3A = vector.broadcast %add3A_273 : f32 to vector<1x1xf32>
    %swap3A = arith.constant 0 : index
    %swap3A_274 = arith.constant 0 : index
    %swap3A_275 = arith.constant 0 : index
    %swap3A_276 = vector.load %arg4[%swap3A, %swap3A_274, %swap3A_275] : memref<1x1x1xf32, #tpu.memory_space<vmem>>, vector<1x1x1xf32>
    %swap3A_277 = vector.shape_cast %swap3A_276 : vector<1x1x1xf32> to vector<1x1xf32>
    %swap3A_278 = vector.shape_cast %reshape3A : vector<1x1xf32> to vector<1x1x1xf32>
    tpu.vector_store %arg4[%swap3A, %swap3A_274, %swap3A_275], %swap3A_278 {strides = array<i32>} : memref<1x1x1xf32, #tpu.memory_space<vmem>>, vector<1x1x1xf32>,
    return
  }
  func.func @transform_0(%arg0: i32) -> (i32, i32, i32) {
    %c0_i32 = arith.constant 0 : i32
    %c0_i32_0 = arith.constant 0 : i32
    %c0_i32_1 = arith.constant 0 : i32
    return %arg0, %c0_i32, %c0_i32_0 : i32, i32, i32
  }
  func.func @transform_1(%arg0: i32) -> (i32, i32, i32) {
    %c0_i32 = arith.constant 0 : i32
    %c0_i32_0 = arith.constant 0 : i32
    %c0_i32_1 = arith.constant 0 : i32
    return %arg0, %c0_i32, %c0_i32_0 : i32, i32, i32
  }
  func.func @transform_2(%arg0: i32) -> (i32, i32, i32) {
    %c0_i32 = arith.constant 0 : i32
    %c0_i32_0 = arith.constant 0 : i32
    %c0_i32_1 = arith.constant 0 : i32
    return %arg0, %c0_i32, %c0_i32_0 : i32, i32, i32
  }
  func.func @transform_3(%arg0: i32) -> (i32, i32, i32) {
    %c0_i32 = arith.constant 0 : i32
    %c0_i32_0 = arith.constant 0 : i32
    %c0_i32_1 = arith.constant 0 : i32
    return %arg0, %c0_i32, %c0_i32_0 : i32, i32, i32
  }
}

</mosaic_0001>

<sc_bundles>
// kernel: kernel.4.cloned.1.call-start
scs
__scs_entry_jumppad:
0x0: {  	(pc) =	sbr.rel $0x88, $3  }
0x1: {  	(tag) =	ssettag $0x0;
	lr =	simm.s32 $0x1  }
0x2: {  	[smem:$0x3F9E] =	sst lr;
	_ =	strace $0xD0000000  }
0x3: {  	_ = 	snop  }
0x4: {  	_ = 	snop  }
0x5: {  	_ = 	snop  }
0x6: {  	_ = 	snop  }
0x7: {  	_ = 	snop  }
__scs_overlays_trampoline_lowered:
0x8: {  	[smem:$0x3FAD] =	sst s0  }
0x9: {  	[smem:$0x3FAE] =	sst s1  }
0xa: {  	[smem:$0x3FAF] =	sst s2  }
0xb: {  	[smem:$0x3FB0] =	sst s3  }
0xc: {  	[smem:$0x3FB1] =	sst s4  }
0xd: {  	[smem:$0x3FB2] =	sst s5  }
0xe: {  	[smem:$0x3FB3] =	sst s6  }
0xf: {  	[smem:$0x3FB4] =	sst s7  }
0x10: {  	[smem:$0x3FB5] =	sst s8  }
0x11: {  	[smem:$0x3FB6] =	sst s9;
	s0 =	simm.s32 @!p0 $0x0  }
0x12: {  	s1 =	sld [smem:$0x3F9C];
	s0 =	simm.s32 @p0 $0x1  }
0x13: {  	[smem:$0x3FB7] =	sst s0;
	s0 =	simm.s32 @!p1 $0x0  }
0x14: {  	s2 =	sld [smem:$0x3F9B];
	s0 =	simm.s32 @p1 $0x1  }
0x15: {  	[smem:$0x3FB8] =	sst s0;
	s0 =	simm.s32 @!p2 $0x0  }
0x16: {  	s3 =	sld [smem:$0x3FDB];
	s0 =	simm.s32 @p2 $0x1  }
0x17: {  	s4 =	simm.s32 $0x1BF5;
	[smem:$0x3FBA] =	sst s0  }
0x18: {  	s0 =	sld [smem:$0x3F9D];
	_ =	swait.ge [sflag:s4], $0x0  }
0x19: {  	s7 =	sld [smem:$0x3F9E]  }
0x1a: {  	s8 =	sadd.s32 $0xFFFFE003, lr  }
0x1b: {  	s9 =	sadd.s32 $0xFFFFFEF7, lr;
	s5 =	simm.s32 $0xFFFFFFFF;
	p2 =	slt.u32 s8, $0xFFFFF086  }
0x1c: {  	p1 =	slt.u32 s9, $0xF7A;
	s5 =	simm.s32 @!p2 $0x0  }
0x1d: {  	s5 =	simm.s32 @p1 $0x1;
	p0 =	seq.s32 s7, s2  }
0x1e: {  	s7 =	smul.u32 @!p0 $0xF7A, s2;
	p2 =	seq.s32 @!p0 s5, $0x0  }
0x1f: {  	s9 =	smul.u32 $0xF7A, s1;
	s8 =	simm.s32 @!p0 $0x1BF5;
	p2 =	por !p2, p0  }
0x20: {  	[sflag:s8] =	ssyncset.s32 @!p0 $0xFFFFF086;
	s6 =	sadd.s32 @!p0 s3, s7;
	s7 =	simm.s32 @!p0 $0x108  }
0x21: {  	s3 =	sadd.s32 s3, s9;
	s6 =	sadd.s32 @!p0 $0x88, s6;
	s7 =	simm.s32 @p2 $0x1082  }
0x22: {  	[simem:s7], [sflag:s8] =	dma.local @!p0 [hbm:s6], $0xF7A  }
0x23: {  	s9 =	sor.u32 $0xD0000000, s2;
	s6 =	simm.s32 $0x108;
	_ =	swait.ge @!p0 [sflag:s8], $0x0  }
0x24: {  	s3 =	sadd.s32 $0x88, s3;
	s6 =	simm.s32 @!p1 $0x1082;
	[sflag:s4] =	ssyncset.s32 $0xFFFFF086  }
0x25: {  	[simem:s6], [sflag:s4] =	dma.local [hbm:s3], $0xF7A  }
0x26: {  	[smem:$0x3F9E] =	sst s1;
	(tag) =	ssettag s2;
	_ =	strace s9  }
0x27: {  	s1 =	sld [smem:$0x3FAE]  }
0x28: {  	s2 =	sld [smem:$0x3FAF]  }
0x29: {  	s4 =	sld [smem:$0x3FB1]  }
0x2a: {  	p0 =	seq.s32 s5, $0x0;
	s5 =	sld [smem:$0x3FB2]  }
0x2b: {  	s6 =	sld [smem:$0x3FB3]  }
0x2c: {  	s7 =	sld [smem:$0x3FB4]  }
0x2d: {  	s3 =	simm.s32 $0x108;
	s8 =	sld [smem:$0x3FB5]  }
0x2e: {  	s3 =	simm.s32 @!p0 $0x1082;
	s9 =	sld [smem:$0x3FB6]  }
0x2f: {  	lr =	sadd.s32 s0, s3;
	s0 =	sld [smem:$0x3FAD]  }
0x30: {  	s3 =	sld [smem:$0x3FB0]  }
0x31: {  	[smem:$0x3FB9] =	sst s10  }
0x32: {  	s10 =	sld [smem:$0x3FB7];
	_ =	sdelay $0x3  }
0x33: {  	p0 =	seq.s32 s10, $0x1;
	s10 =	sld [smem:$0x3FB9];
	_ =	sdelay $0x3  }
0x34: {  	[smem:$0x3FB9] =	sst s10  }
0x35: {  	s10 =	sld [smem:$0x3FB8];
	_ =	sdelay $0x3  }
0x36: {  	p1 =	seq.s32 s10, $0x1;
	s10 =	sld [smem:$0x3FB9];
	_ =	sdelay $0x3  }
0x37: {  	[smem:$0x3FB9] =	sst s10  }
0x38: {  	s10 =	sld [smem:$0x3FBA]  }
0x39: {  	_ = 	snop;
	(pc) =	sbr.ind lr, $3  }
0x3a: {  	_ = 	snop  }
0x3b: {  	_ = 	snop  }
0x3c: {  	p2 =	seq.s32 s10, $0x1;
	s10 =	sld [smem:$0x3FB9]  }
0x3d: {  	_ =	shalt  }
0x3e: {  	_ =	shalt  }
0x3f: {  	_ =	shalt  }
0x40: {  	_ =	shalt  }
0x41: {  	_ =	shalt  }
0x42: {  	_ =	shalt  }
0x43: {  	_ =	shalt  }
0x44: {  	_ =	shalt  }
0x45: {  	_ =	shalt  }
0x46: {  	_ =	shalt  }
0x47: {  	_ =	shalt  }
0x48: {  	_ =	shalt  }
0x49: {  	_ =	shalt  }
0x4a: {  	_ =	shalt  }
0x4b: {  	_ =	shalt  }
0x4c: {  	_ =	shalt  }
0x4d: {  	_ =	shalt  }
0x4e: {  	_ =	shalt  }
0x4f: {  	_ =	shalt  }
0x50: {  	_ =	shalt  }
0x51: {  	_ =	shalt  }
0x52: {  	_ =	shalt  }
0x53: {  	_ =	shalt  }
0x54: {  	_ =	shalt  }
0x55: {  	_ =	shalt  }
0x56: {  	_ =	shalt  }
0x57: {  	_ =	shalt  }
0x58: {  	_ =	shalt  }
0x59: {  	_ =	shalt  }
0x5a: {  	_ =	shalt  }
0x5b: {  	_ =	shalt  }
0x5c: {  	_ =	shalt  }
0x5d: {  	_ =	shalt  }
0x5e: {  	_ =	shalt  }
0x5f: {  	_ =	shalt  }
0x60: {  	_ =	shalt  }
0x61: {  	_ =	shalt  }
0x62: {  	_ =	shalt  }
0x63: {  	_ =	shalt  }
0x64: {  	_ =	shalt  }
0x65: {  	_ =	shalt  }
0x66: {  	_ =	shalt  }
0x67: {  	_ =	shalt  }
0x68: {  	_ =	shalt  }
0x69: {  	_ =	shalt  }
0x6a: {  	_ =	shalt  }
0x6b: {  	_ =	shalt  }
0x6c: {  	_ =	shalt  }
0x6d: {  	_ =	shalt  }
0x6e: {  	_ =	shalt  }
0x6f: {  	_ =	shalt  }
0x70: {  	_ =	shalt  }
0x71: {  	_ =	shalt  }
0x72: {  	_ =	shalt  }
0x73: {  	_ =	shalt  }
0x74: {  	_ =	shalt  }
0x75: {  	_ =	shalt  }
0x76: {  	_ =	shalt  }
0x77: {  	_ =	shalt  }
0x78: {  	_ =	shalt  }
0x79: {  	_ =	shalt  }
0x7a: {  	_ =	shalt  }
0x7b: {  	_ =	shalt  }
0x7c: {  	_ =	shalt  }
0x7d: {  	_ =	shalt  }
0x7e: {  	_ =	shalt  }
0x7f: {  	_ =	shalt  }
0x80: {  	_ =	shalt  }
0x81: {  	_ =	shalt  }
0x82: {  	_ =	shalt  }
0x83: {  	_ =	shalt  }
0x84: {  	_ =	shalt  }
0x85: {  	_ =	shalt  }
0x86: {  	_ =	shalt  }
0x87: {  	_ =	shalt  }
.Lfunc_end0:
.L_simem_size_0:
called_computation_lowered:
.L_overlay_start_0:
0x88: {  	s2 =	sld [smem:$0x3FD9]  }
0x89: {  	s3 =	sld [smem:$0x3FFE];
	_ =	sdelay $0x1  }
0x8a: {  	s1 =	srdreg.scid  }
0x8b: {  	s0 =	sand.u32 $0x1, s1  }
0x8c: {  	s16 =	sshll.u32 s0, $0xA;
	s2 =	sadd.s32 s3, s2  }
0x8d: {  	s2 =	sadd.s32 s2, s16  }
0x8e: {  	[smem:$0x3FC5] =	sst s2  }
0x8f: {  	_ = 	snop  }
0x90: {  	(tm) =	ssettm $0x1  }
0x91: {  	s17 =	sld [smem:$0x3FFB];
	_ =	sdelay $0x3  }
0x92: {  	_ =	strace s17  }
0x93: {  	s2 =	sld [smem:$0x3FFC];
	_ =	sdelay $0x3  }
0x94: {  	_ =	strace s2  }
0x95: {  	s2 =	sld [smem:$0x3FFD];
	_ =	sdelay $0x3  }
0x96: {  	_ =	strace s2  }
0x97: {  	_ =	strace $0x8FFFFFFF  }
0x98: {  	s18 =	sld [smem:$0x3FDB];
	_ =	sdelay $0x1  }
0x99: {  	s19 =	simm.s32 $_scs_section_size  }
0x9a: {  	s4 =	simm.s32 $_size__tile_overlayer_lowered;
	s5 =	simm.s32 $_tile_overlayer_lowered  }
0x9b: {  	s22 =	simm.s32 $0x1BFF;
	s21 =	sshll.u32 s5, $0x1;
	s2 =	sadd.s32 s19, s18  }
0x9c: {  	s6 =	simm.s32 $0x0;
	s20 =	sshll.u32 s4, $0x1;
	s4 =	sadd.s32 s21, s2  }
0x9d: {  	[timem:s6], [sflag:s22] =	dma.local [hbm:s4], s20  }
0x9e: {  	_ =	swait.ge [sflag:s22], s20  }
0x9f: {  	s3 =	ssub.s32 $0x0, s20;
	[sflag:s22] =	ssyncset.done $0x0  }
0xa0: {  	[sflag:s22] =	ssyncadd.s32 s3;
	_ =	sdelay $0x1  }
0xa1: {  	s23 =	simm.s32 $0x1B8B  }
0xa2: {  	_ =	swait.ge [sflag:s23], $0x1  }
0xa3: {  	[sflag:s23] =	ssyncset.done $0x0  }
0xa4: {  	s25 =	simm.s32 $0x1B8E;
	s24 =	sld [smem:$0x3FFE];
	[sflag:s23] =	ssyncadd.s32 $0xFFFFFFFF  }
0xa5: {  	s26 =	simm.s32 $execute0_lowered;
	[smem:$0x3FD2] =	sst s25  }
0xa6: {  	s4 =	sshll.u32 s26, $0x1;
	_ =	strace $0x80000046;
	[dreg:$0x1] =	wrdreg $0xFFFFFFFF  }
0xa7: {  	s28 =	simm.s32 $_size_execute0_lowered;
	s2 =	sadd.s32 s2, s4;
	[dreg:$0x0] =	wrdreg $0x0  }
0xa8: {  	s4 =	sshll.u32 s28, $0x1;
	[dreg:$0x2] =	wrdreg s2  }
0xa9: {  	[dreg:$0x3] =	wrdreg s4  }
0xaa: {  	[dreg:$0x4] =	wrdreg $0xC0  }
0xab: {  	_ =	task [dreg:s6], $0x5FFFF  }
0xac: {  	[dreg:$0x1] =	wrdreg $0xFFFFFFFF  }
0xad: {  	[dreg:$0x0] =	wrdreg $0x60  }
0xae: {  	[dreg:$0x2] =	wrdreg s24  }
0xaf: {  	[dreg:$0x3] =	wrdreg $0xE9000  }
0xb0: {  	[dreg:$0x4] =	wrdreg $0x9  }
0xb1: {  	_ =	task.clear_ibuf [dreg:s6], $0x5FFFF;
	_ =	strace $0x90000046  }
0xb2: {  	s29 =	simm.s32 $0x9;
	_ =	strace $0x80000048  }
0xb3: {  	_ =	swait.ge [sflag:s29], $0x1  }
0xb4: {  	[sflag:s29] =	ssyncadd.s32 $0xFFFFFFFF  }
0xb5: {  	_ =	strace $0x90000048  }
0xb6: {  	_ =	sfence  }
0xb7: {  	s30 =	sld [smem:$0x0];
	_ =	sdelay $0x2  }
0xb8: {  	s31 =	sshll.u32 s1, $0xD;
	s1 =	sshrl.u32 s1, $0x2  }
0xb9: {  	s3 =	sand.u32 $0x4000, s31;
	s1 =	sadd.s32 s1, s30  }
0xba: {  	s0 =	sor.u32 s3, s0;
	s1 =	sshll.u32 s1, $0x11  }
0xbb: {  	s0 =	sor.u32 s1, s0  }
0xbc: {  	s0 =	sadd.s32 $0x8F2B, s0  }
0xbd: {  	[sflag:s0] =	ssyncadd.remote.s32 $0x1  }
0xbe: {  	_ =	sfence.sel $0xFFFF  }
0xbf: {  	[dreg:$0x0] =	wrdreg $0xFFFFFFFF;
	(pc) =	sbr.abs _section_cstart, $3  }
0xc0: {  	[dreg:$0x1] =	wrdreg $0xFFFFFFFF  }
0xc1: {  	_ =	task.clear_ibuf [dreg:s6], $0x2FFFF;
	_ =	strace $0x9FFFFFFF  }
0xc2: {  	(tm) =	ssettm $0x7FFFFFFF  }
0xc3: {  	_ =	shalt  }
tec
execute0_lowered:
.L_overlay_start_1:
0x0: {  	(tag) =	ssettag $0x1  }
0x1: {  	s1 =	rddreg [dreg:$0x0]  }
0x2: {  	s0 =	rddreg [dreg:$0x1];
	s21 =	simm.s32 $0x0  }
0x3: {  	[smem:$0x7FF] =	sst s21;
	s26 =	sadd.s32 $0x80, s0  }
0x4: {  	s10 =	sadd.s32 $0x200, s0;
	_ =	strace $0x80000047;
	[dreg:$0x8] =	wrdreg s26  }
0x5: {  	s11 =	sadd.s32 $0x280, s0;
	[dreg:$0xb] =	wrdreg s10  }
0x6: {  	s12 =	sadd.s32 $0x300, s0;
	[dreg:$0xc] =	wrdreg s11  }
0x7: {  	s13 =	sadd.s32 $0x380, s0;
	[dreg:$0xd] =	wrdreg s12  }
0x8: {  	s14 =	sadd.s32 $0x4000, s0;
	[dreg:$0xe] =	wrdreg s13  }
0x9: {  	s15 =	sadd.s32 $0x4080, s0;
	[dreg:$0xf] =	wrdreg s14  }
0xa: {  	[dreg:$0x10] =	wrdreg s15;
	s26 =	sadd.s32 $0xC80, s0  }
0xb: {  	s10 =	sadd.s32 $0x2480, s0;
	[dreg:$0x1b] =	wrdreg s26  }
0xc: {  	s11 =	sadd.s32 $0x2880, s0;
	[smem:$0x712] =	sst s10  }
0xd: {  	s2 =	srdreg.scid;
	s12 =	sadd.s32 $0x2C80, s0;
	[smem:$0x713] =	sst s11  }
0xe: {  	s4 =	stileid.u32;
	s13 =	sadd.s32 $0x3080, s0;
	[smem:$0x714] =	sst s12  }
0xf: {  	s22 =	sshll.u32 s4, $0xB;
	s14 =	sadd.s32 $0x3480, s0;
	[smem:$0x715] =	sst s13  }
0x10: {  	s24 =	sand.u32 $0x4000, s22;
	s15 =	sadd.s32 $0x3880, s0;
	[smem:$0x716] =	sst s14  }
0x11: {  	s9 =	sadd.s32 s24, s0;
	s24 =	sadd.s32 $0x480, s0;
	[smem:$0x717] =	sst s15  }
0x12: {  	s2 =	sand.u32 $0x1, s2;
	s26 =	sadd.s32 $0x2500, s0;
	[dreg:$0x19] =	wrdreg s24  }
0x13: {  	s3 =	sshll.u32 s4, $0x7;
	s10 =	sadd.s32 $0x3D00, s0;
	[smem:$0x721] =	sst s26  }
0x14: {  	s5 =	sshll.u32 s2, $0xB;
	s11 =	sadd.s32 $0x580, s0;
	[smem:$0x727] =	sst s10  }
0x15: {  	s6 =	sand.u32 $0x400, s3;
	s12 =	sadd.s32 $0x980, s0;
	[smem:$0x728] =	sst s11  }
0x16: {  	s7 =	sshll.u32 s2, $0xA;
	s13 =	sadd.s32 $0xD80, s0;
	[smem:$0x729] =	sst s12  }
0x17: {  	s16 =	sand.u32 $0x380, s3;
	s14 =	sadd.s32 $0x1180, s0;
	[smem:$0x72A] =	sst s13  }
0x18: {  	s17 =	sadd.s32 s7, s1;
	s15 =	sadd.s32 $0x1580, s0;
	[smem:$0x72B] =	sst s14  }
0x19: {  	s18 =	sshll.u32 s2, $0x4;
	s20 =	sadd.s32 $0x3E00, s17;
	[smem:$0x72C] =	sst s15  }
0x1a: {  	s2 =	ssub.s32 $0x2, s2;
	s23 =	sadd.s32 $0x1E00, s17;
	[dreg:$0x3] =	wrdreg s20  }
0x1b: {  	s5 =	sor.u32 s6, s5;
	s3 =	sadd.s32 $0x5E00, s17;
	[dreg:$0x4] =	wrdreg s23  }
0x1c: {  	s6 =	sadd.s32 s16, s9;
	s9 =	sadd.s32 $0x180, s0;
	[dreg:$0x5] =	wrdreg s3  }
0x1d: {  	s5 =	sor.u32 s16, s5;
	s16 =	sadd.s32 $0x4100, s0;
	[dreg:$0xa] =	wrdreg s9  }
0x1e: {  	s19 =	sshrl.u32 s2, $0x1;
	s17 =	sadd.s32 $0x4180, s0;
	[dreg:$0x11] =	wrdreg s16  }
0x1f: {  	s2 =	ssub.s32 s2, s19;
	s19 =	sadd.s32 $0x4280, s0;
	[dreg:$0x12] =	wrdreg s17  }
0x20: {  	s24 =	sadd.s32 $0x1D00, s0;
	[dreg:$0x14] =	wrdreg s19  }
0x21: {  	s26 =	sadd.s32 $0x3D80, s0;
	[smem:$0x71F] =	sst s24  }
0x22: {  	s10 =	sadd.s32 $0x1A00, s0;
	[smem:$0x736] =	sst s26  }
0x23: {  	s11 =	sadd.s32 $0x1E00, s0;
	[smem:$0x73C] =	sst s10  }
0x24: {  	s12 =	sadd.s32 $0x2200, s0;
	[smem:$0x73D] =	sst s11  }
0x25: {  	s13 =	sadd.s32 $0x2600, s0;
	[smem:$0x73E] =	sst s12  }
0x26: {  	s14 =	sadd.s32 $0x2A00, s0;
	[smem:$0x73F] =	sst s13  }
0x27: {  	s15 =	sadd.s32 $0x2E00, s0;
	[smem:$0x740] =	sst s14  }
0x28: {  	[smem:$0x741] =	sst s15  }
0x29: {  	s20 =	sadd.s32 $0x4300, s0;
	[dreg:$0x7] =	wrdreg s6  }
0x2a: {  	s7 =	sshrl.u32 s22, $0x2;
	s22 =	smax.u32 s2, $0x1;
	[dreg:$0x15] =	wrdreg s20  }
0x2b: {  	s23 =	sadd.s32 $0x4380, s0;
	[dreg:$0x17] =	wrdreg s22  }
0x2c: {  	s2 =	sadd.s32 $0x1080, s0;
	[dreg:$0x18] =	wrdreg s23  }
0x2d: {  	s3 =	sor.u32 $0x2000, s7;
	s7 =	sadd.s32 $0x1880, s0;
	[dreg:$0x1c] =	wrdreg s2  }
0x2e: {  	s9 =	sadd.s32 $0x2080, s0;
	[dreg:$0x1e] =	wrdreg s7  }
0x2f: {  	s16 =	sadd.s32 $0x3C80, s0;
	[smem:$0x711] =	sst s9  }
0x30: {  	s17 =	sadd.s32 $0x500, s0;
	[smem:$0x718] =	sst s16  }
0x31: {  	s19 =	sadd.s32 $0xD00, s0;
	[smem:$0x719] =	sst s17  }
0x32: {  	s24 =	sadd.s32 $0x3580, s0;
	[smem:$0x71B] =	sst s19  }
0x33: {  	s26 =	sadd.s32 $0x1A80, s0;
	[smem:$0x734] =	sst s24  }
0x34: {  	s10 =	sadd.s32 $0x3280, s0;
	[smem:$0x74B] =	sst s26  }
0x35: {  	s11 =	sadd.s32 $0x3680, s0;
	[smem:$0x751] =	sst s10  }
0x36: {  	s12 =	sadd.s32 $0x3A80, s0;
	[smem:$0x752] =	sst s11  }
0x37: {  	p0 =	sne.s32 s4, $0x0;
	s13 =	sadd.s32 $0x3E80, s0;
	[smem:$0x753] =	sst s12  }
0x38: {  	s5 =	sshrl.u32 s5, $0x3;
	s14 =	sadd.s32 $0x700, s0;
	[smem:$0x754] =	sst s13  }
0x39: {  	s15 =	sadd.s32 $0xB00, s0;
	s8 =	sadd.s32 s5, s1;
	[smem:$0x755] =	sst s14  }
0x3a: {  	s1 =	sadd.s32 s18, s1;
	s18 =	sadd.s32 $0x4200, s0;
	[smem:$0x756] =	sst s15  }
0x3b: {  	s5 =	sshll.u32 s4, $0x9;
	s4 =	sadd.s32 $0x1480, s0;
	[dreg:$0x13] =	wrdreg s18  }
0x3c: {  	s20 =	sadd.s32 $0x1100, s0;
	[dreg:$0x1d] =	wrdreg s4  }
0x3d: {  	s22 =	sadd.s32 $0x1500, s0;
	[smem:$0x71C] =	sst s20  }
0x3e: {  	s23 =	sadd.s32 $0x1900, s0;
	[smem:$0x71D] =	sst s22  }
0x3f: {  	s2 =	sadd.s32 $0x2900, s0;
	[smem:$0x71E] =	sst s23  }
0x40: {  	s7 =	sadd.s32 $0x3100, s0;
	[smem:$0x722] =	sst s2  }
0x41: {  	s9 =	sadd.s32 $0x3900, s0;
	[smem:$0x724] =	sst s7  }
0x42: {  	s16 =	sadd.s32 $0x1980, s0;
	[smem:$0x726] =	sst s9  }
0x43: {  	s17 =	sadd.s32 $0x1D80, s0;
	[smem:$0x72D] =	sst s16  }
0x44: {  	s19 =	sadd.s32 $0x2580, s0;
	[smem:$0x72E] =	sst s17  }
0x45: {  	s24 =	sadd.s32 $0x1280, s0;
	[smem:$0x730] =	sst s19  }
0x46: {  	s26 =	sadd.s32 $0x3300, s0;
	[smem:$0x749] =	sst s24  }
0x47: {  	s10 =	sadd.s32 $0xF80, s0;
	[smem:$0x760] =	sst s26  }
0x48: {  	s11 =	sadd.s32 $0x1380, s0;
	[smem:$0x766] =	sst s10  }
0x49: {  	s12 =	sadd.s32 $0x1780, s0;
	[smem:$0x767] =	sst s11  }
0x4a: {  	s13 =	sadd.s32 $0x1B80, s0;
	[smem:$0x768] =	sst s12  }
0x4b: {  	s14 =	sadd.s32 $0x1F80, s0;
	[smem:$0x769] =	sst s13  }
0x4c: {  	s15 =	sadd.s32 $0x2380, s0;
	[smem:$0x76A] =	sst s14  }
0x4d: {  	s25 =	sadd.s32 $0x6600, s8;
	[smem:$0x76B] =	sst s15  }
0x4e: {  	s8 =	sadd.s32 $0x100, s0;
	[dreg:$0x6] =	wrdreg s25  }
0x4f: {  	s1 =	sadd.s32 $0x6800, s1;
	[dreg:$0x9] =	wrdreg s8  }
0x50: {  	s18 =	sadd.s32 $0x900, s0;
	[dreg:$0x16] =	wrdreg s1  }
0x51: {  	s4 =	sadd.s32 $0x2D00, s0;
	[smem:$0x71A] =	sst s18  }
0x52: {  	s20 =	sadd.s32 $0x2980, s0;
	[smem:$0x723] =	sst s4  }
0x53: {  	s22 =	sadd.s32 $0x2D80, s0;
	[smem:$0x731] =	sst s20  }
0x54: {  	s23 =	sadd.s32 $0x3180, s0;
	[smem:$0x732] =	sst s22  }
0x55: {  	s2 =	sadd.s32 $0x600, s0;
	[smem:$0x733] =	sst s23  }
0x56: {  	s7 =	sadd.s32 $0xE00, s0;
	[smem:$0x737] =	sst s2  }
0x57: {  	s9 =	sadd.s32 $0x1600, s0;
	[smem:$0x739] =	sst s7  }
0x58: {  	s16 =	sadd.s32 $0x3200, s0;
	[smem:$0x73B] =	sst s9  }
0x59: {  	s17 =	sadd.s32 $0x3600, s0;
	[smem:$0x742] =	sst s16  }
0x5a: {  	s19 =	sadd.s32 $0x3E00, s0;
	[smem:$0x743] =	sst s17  }
0x5b: {  	s24 =	sadd.s32 $0x2B00, s0;
	[smem:$0x745] =	sst s19  }
0x5c: {  	s26 =	sadd.s32 $0x4C00, s0;
	[smem:$0x75E] =	sst s24  }
0x5d: {  	s10 =	sadd.s32 $0x6400, s0;
	[smem:$0x775] =	sst s26  }
0x5e: {  	s11 =	sadd.s32 $0x6800, s0;
	[smem:$0x77B] =	sst s10  }
0x5f: {  	s12 =	sadd.s32 $0x6C00, s0;
	[smem:$0x77C] =	sst s11  }
0x60: {  	s13 =	sadd.s32 $0x7000, s0;
	[smem:$0x77D] =	sst s12  }
0x61: {  	s14 =	sadd.s32 $0x7400, s0;
	[smem:$0x77E] =	sst s13  }
0x62: {  	s15 =	sadd.s32 $0x7800, s0;
	[smem:$0x77F] =	sst s14  }
0x63: {  	s25 =	sadd.s32 $0x880, s0;
	[smem:$0x780] =	sst s15  }
0x64: {  	s8 =	sadd.s32 $0x1C80, s0;
	[dreg:$0x1a] =	wrdreg s25  }
0x65: {  	s18 =	sadd.s32 $0x2180, s0;
	[dreg:$0x1f] =	wrdreg s8  }
0x66: {  	s4 =	sadd.s32 $0xA00, s0;
	[smem:$0x72F] =	sst s18  }
0x67: {  	s20 =	sadd.s32 $0x680, s0;
	[smem:$0x738] =	sst s4  }
0x68: {  	s22 =	sadd.s32 $0xA80, s0;
	[smem:$0x746] =	sst s20  }
0x69: {  	s23 =	sadd.s32 $0xE80, s0;
	[smem:$0x747] =	sst s22  }
0x6a: {  	s2 =	sadd.s32 $0x1E80, s0;
	[smem:$0x748] =	sst s23  }
0x6b: {  	s7 =	sadd.s32 $0x2680, s0;
	[smem:$0x74C] =	sst s2  }
0x6c: {  	s9 =	sadd.s32 $0x2E80, s0;
	[smem:$0x74E] =	sst s7  }
0x6d: {  	s16 =	sadd.s32 $0xF00, s0;
	[smem:$0x750] =	sst s9  }
0x6e: {  	s17 =	sadd.s32 $0x1300, s0;
	[smem:$0x757] =	sst s16  }
0x6f: {  	s19 =	sadd.s32 $0x1B00, s0;
	[smem:$0x758] =	sst s17  }
0x70: {  	s24 =	sadd.s32 $0x4400, s0;
	[smem:$0x75A] =	sst s19  }
0x71: {  	s26 =	sadd.s32 $0x6480, s0;
	[smem:$0x773] =	sst s24  }
0x72: {  	s10 =	sadd.s32 $0x7C80, s0;
	[smem:$0x78A] =	sst s26  }
0x73: {  	s11 =	sadd.s32 $0x4500, s0;
	[smem:$0x790] =	sst s10  }
0x74: {  	s12 =	sadd.s32 $0x4900, s0;
	[smem:$0x791] =	sst s11  }
0x75: {  	s13 =	sadd.s32 $0x4D00, s0;
	[smem:$0x792] =	sst s12  }
0x76: {  	s14 =	sadd.s32 $0x5100, s0;
	[smem:$0x793] =	sst s13  }
0x77: {  	s15 =	sadd.s32 $0x5500, s0;
	[smem:$0x794] =	sst s14  }
0x78: {  	s25 =	sadd.s32 $0x2100, s0;
	[smem:$0x795] =	sst s15  }
0x79: {  	s8 =	sadd.s32 $0x3500, s0;
	[smem:$0x720] =	sst s25  }
0x7a: {  	s18 =	sadd.s32 $0x3A00, s0;
	[smem:$0x725] =	sst s8  }
0x7b: {  	s4 =	sadd.s32 $0x2280, s0;
	[smem:$0x744] =	sst s18  }
0x7c: {  	s20 =	sadd.s32 $0x1F00, s0;
	[smem:$0x74D] =	sst s4  }
0x7d: {  	s22 =	sadd.s32 $0x2300, s0;
	[smem:$0x75B] =	sst s20  }
0x7e: {  	s23 =	sadd.s32 $0x2700, s0;
	[smem:$0x75C] =	sst s22  }
0x7f: {  	s2 =	sadd.s32 $0x3700, s0;
	[smem:$0x75D] =	sst s23  }
0x80: {  	s7 =	sadd.s32 $0x3F00, s0;
	[smem:$0x761] =	sst s2  }
0x81: {  	s9 =	sadd.s32 $0xB80, s0;
	[smem:$0x763] =	sst s7  }
0x82: {  	s16 =	sadd.s32 $0x2780, s0;
	[smem:$0x765] =	sst s9  }
0x83: {  	s17 =	sadd.s32 $0x2B80, s0;
	[smem:$0x76C] =	sst s16  }
0x84: {  	s19 =	sadd.s32 $0x3380, s0;
	[smem:$0x76D] =	sst s17  }
0x85: {  	s24 =	sadd.s32 $0x5C80, s0;
	[smem:$0x76F] =	sst s19  }
0x86: {  	s26 =	sadd.s32 $0x7D00, s0;
	[smem:$0x788] =	sst s24  }
0x87: {  	s10 =	sadd.s32 $0x5980, s0;
	[smem:$0x79F] =	sst s26  }
0x88: {  	s11 =	sadd.s32 $0x5D80, s0;
	[smem:$0x7A5] =	sst s10  }
0x89: {  	s12 =	sadd.s32 $0x6180, s0;
	[smem:$0x7A6] =	sst s11  }
0x8a: {  	s13 =	sadd.s32 $0x6580, s0;
	[smem:$0x7A7] =	sst s12  }
0x8b: {  	s14 =	sadd.s32 $0x6980, s0;
	[smem:$0x7A8] =	sst s13  }
0x8c: {  	s15 =	sadd.s32 $0x6D80, s0;
	[smem:$0x7A9] =	sst s14  }
0x8d: {  	s25 =	sadd.s32 $0x3980, s0;
	[smem:$0x7AA] =	sst s15  }
0x8e: {  	s8 =	sadd.s32 $0x1200, s0;
	[smem:$0x735] =	sst s25  }
0x8f: {  	s18 =	sadd.s32 $0x1700, s0;
	[smem:$0x73A] =	sst s8  }
0x90: {  	s4 =	sadd.s32 $0x3B00, s0;
	[smem:$0x759] =	sst s18  }
0x91: {  	s20 =	sadd.s32 $0x3780, s0;
	[smem:$0x762] =	sst s4  }
0x92: {  	s22 =	sadd.s32 $0x3B80, s0;
	[smem:$0x770] =	sst s20  }
0x93: {  	s23 =	sadd.s32 $0x3F80, s0;
	[smem:$0x771] =	sst s22  }
0x94: {  	s2 =	sadd.s32 $0x5000, s0;
	[smem:$0x772] =	sst s23  }
0x95: {  	s7 =	sadd.s32 $0x5800, s0;
	[smem:$0x776] =	sst s2  }
0x96: {  	s9 =	sadd.s32 $0x6000, s0;
	[smem:$0x778] =	sst s7  }
0x97: {  	s16 =	sadd.s32 $0x7C00, s0;
	[smem:$0x77A] =	sst s9  }
0x98: {  	s17 =	sadd.s32 $0x4480, s0;
	[smem:$0x781] =	sst s16  }
0x99: {  	s19 =	sadd.s32 $0x4C80, s0;
	[smem:$0x782] =	sst s17  }
0x9a: {  	s24 =	sadd.s32 $0x7500, s0;
	[smem:$0x784] =	sst s19  }
0x9b: {  	s26 =	sadd.s32 $0x5A00, s0;
	[smem:$0x79D] =	sst s24  }
0x9c: {  	s10 =	sadd.s32 $0x7200, s0;
	[smem:$0x7B4] =	sst s26  }
0x9d: {  	s11 =	sadd.s32 $0x7600, s0;
	[smem:$0x7BA] =	sst s10  }
0x9e: {  	s12 =	sadd.s32 $0x7A00, s0;
	[smem:$0x7BB] =	sst s11  }
0x9f: {  	s13 =	sadd.s32 $0x7E00, s0;
	[smem:$0x7BC] =	sst s12  }
0xa0: {  	s14 =	sadd.s32 $0x4680, s0;
	[smem:$0x7BD] =	sst s13  }
0xa1: {  	s15 =	sadd.s32 $0x4A80, s0;
	[smem:$0x7BE] =	sst s14  }
0xa2: {  	s25 =	sadd.s32 $0x1680, s0;
	[smem:$0x7BF] =	sst s15  }
0xa3: {  	s8 =	sadd.s32 $0x2A80, s0;
	[smem:$0x74A] =	sst s25  }
0xa4: {  	s18 =	sadd.s32 $0x2F80, s0;
	[smem:$0x74F] =	sst s8  }
0xa5: {  	s4 =	sadd.s32 $0x5400, s0;
	[smem:$0x76E] =	sst s18  }
0xa6: {  	s20 =	sadd.s32 $0x5080, s0;
	[smem:$0x777] =	sst s4  }
0xa7: {  	s22 =	sadd.s32 $0x5480, s0;
	[smem:$0x785] =	sst s20  }
0xa8: {  	s23 =	sadd.s32 $0x5880, s0;
	[smem:$0x786] =	sst s22  }
0xa9: {  	s2 =	sadd.s32 $0x6880, s0;
	[smem:$0x787] =	sst s23  }
0xaa: {  	s7 =	sadd.s32 $0x7080, s0;
	[smem:$0x78B] =	sst s2  }
0xab: {  	s9 =	sadd.s32 $0x7880, s0;
	[smem:$0x78D] =	sst s7  }
0xac: {  	s16 =	sadd.s32 $0x5900, s0;
	[smem:$0x78F] =	sst s9  }
0xad: {  	s17 =	sadd.s32 $0x5D00, s0;
	[smem:$0x796] =	sst s16  }
0xae: {  	s19 =	sadd.s32 $0x6500, s0;
	[smem:$0x797] =	sst s17  }
0xaf: {  	s24 =	sadd.s32 $0x5200, s0;
	[smem:$0x799] =	sst s19  }
0xb0: {  	s26 =	sadd.s32 $0x7280, s0;
	[smem:$0x7B2] =	sst s24  }
0xb1: {  	s10 =	sadd.s32 $0x4F00, s0;
	[smem:$0x7C9] =	sst s26  }
0xb2: {  	s11 =	sadd.s32 $0x5300, s0;
	[smem:$0x7CF] =	sst s10  }
0xb3: {  	s12 =	sadd.s32 $0x5700, s0;
	[smem:$0x7D0] =	sst s11  }
0xb4: {  	s13 =	sadd.s32 $0x5B00, s0;
	[smem:$0x7D1] =	sst s12  }
0xb5: {  	s14 =	sadd.s32 $0x5F00, s0;
	[smem:$0x7D2] =	sst s13  }
0xb6: {  	s15 =	sadd.s32 $0x6300, s0;
	[smem:$0x7D3] =	sst s14  }
0xb7: {  	s25 =	sadd.s32 $0x2F00, s0;
	[smem:$0x7D4] =	sst s15  }
0xb8: {  	s8 =	sadd.s32 $0x780, s0;
	[smem:$0x75F] =	sst s25  }
0xb9: {  	s18 =	sadd.s32 $0x4880, s0;
	[smem:$0x764] =	sst s8  }
0xba: {  	s4 =	sadd.s32 $0x6C80, s0;
	[smem:$0x783] =	sst s18  }
0xbb: {  	s20 =	sadd.s32 $0x6900, s0;
	[smem:$0x78C] =	sst s4  }
0xbc: {  	s22 =	sadd.s32 $0x6D00, s0;
	[smem:$0x79A] =	sst s20  }
0xbd: {  	s23 =	sadd.s32 $0x7100, s0;
	[smem:$0x79B] =	sst s22  }
0xbe: {  	s2 =	sadd.s32 $0x4580, s0;
	[smem:$0x79C] =	sst s23  }
0xbf: {  	s7 =	sadd.s32 $0x4D80, s0;
	[smem:$0x7A0] =	sst s2  }
0xc0: {  	s9 =	sadd.s32 $0x5580, s0;
	[smem:$0x7A2] =	sst s7  }
0xc1: {  	s16 =	sadd.s32 $0x7180, s0;
	[smem:$0x7A4] =	sst s9  }
0xc2: {  	s17 =	sadd.s32 $0x7580, s0;
	[smem:$0x7AB] =	sst s16  }
0xc3: {  	s19 =	sadd.s32 $0x7D80, s0;
	[smem:$0x7AC] =	sst s17  }
0xc4: {  	s24 =	sadd.s32 $0x6A80, s0;
	[smem:$0x7AE] =	sst s19  }
0xc5: {  	s26 =	sadd.s32 $0x4F80, s0;
	[smem:$0x7C7] =	sst s24  }
0xc6: {  	s10 =	sadd.s32 $0x6780, s0;
	[smem:$0x7DE] =	sst s26  }
0xc7: {  	s11 =	sadd.s32 $0x6B80, s0;
	[smem:$0x7E4] =	sst s10  }
0xc8: {  	s12 =	sadd.s32 $0x6F80, s0;
	[smem:$0x7E5] =	sst s11  }
0xc9: {  	s13 =	sadd.s32 $0x7380, s0;
	[smem:$0x7E6] =	sst s12  }
0xca: {  	s14 =	sadd.s32 $0x7780, s0;
	[smem:$0x7E7] =	sst s13  }
0xcb: {  	s15 =	sadd.s32 $0x7B80, s0;
	[smem:$0x7E8] =	sst s14  }
0xcc: {  	s25 =	sadd.s32 $0x4800, s0;
	[smem:$0x7E9] =	sst s15  }
0xcd: {  	s8 =	sadd.s32 $0x5C00, s0;
	[smem:$0x774] =	sst s25  }
0xce: {  	s18 =	sadd.s32 $0x6100, s0;
	[smem:$0x779] =	sst s8  }
0xcf: {  	s4 =	sadd.s32 $0x4980, s0;
	[smem:$0x798] =	sst s18  }
0xd0: {  	s20 =	sadd.s32 $0x4600, s0;
	[smem:$0x7A1] =	sst s4  }
0xd1: {  	s22 =	sadd.s32 $0x4A00, s0;
	[smem:$0x7AF] =	sst s20  }
0xd2: {  	s23 =	sadd.s32 $0x4E00, s0;
	[smem:$0x7B0] =	sst s22  }
0xd3: {  	s2 =	sadd.s32 $0x5E00, s0;
	[smem:$0x7B1] =	sst s23  }
0xd4: {  	s7 =	sadd.s32 $0x6600, s0;
	[smem:$0x7B5] =	sst s2  }
0xd5: {  	s9 =	sadd.s32 $0x6E00, s0;
	[smem:$0x7B7] =	sst s7  }
0xd6: {  	s16 =	sadd.s32 $0x4E80, s0;
	[smem:$0x7B9] =	sst s9  }
0xd7: {  	s17 =	sadd.s32 $0x5280, s0;
	[smem:$0x7C0] =	sst s16  }
0xd8: {  	s19 =	sadd.s32 $0x5A80, s0;
	[smem:$0x7C1] =	sst s17  }
0xd9: {  	s24 =	sadd.s32 $0x4780, s0;
	[smem:$0x7C3] =	sst s19  }
0xda: {  	s25 =	sadd.s32 $0x6080, s0;
	[smem:$0x7DC] =	sst s24  }
0xdb: {  	s8 =	sadd.s32 $0x7480, s0;
	[smem:$0x789] =	sst s25  }
0xdc: {  	s18 =	sadd.s32 $0x7980, s0;
	[smem:$0x78E] =	sst s8  }
0xdd: {  	s4 =	sadd.s32 $0x6200, s0;
	[smem:$0x7AD] =	sst s18  }
0xde: {  	s20 =	sadd.s32 $0x5E80, s0;
	[smem:$0x7B6] =	sst s4  }
0xdf: {  	s22 =	sadd.s32 $0x6280, s0;
	[smem:$0x7C4] =	sst s20  }
0xe0: {  	s23 =	sadd.s32 $0x6680, s0;
	[smem:$0x7C5] =	sst s22  }
0xe1: {  	s2 =	sadd.s32 $0x7680, s0;
	[smem:$0x7C6] =	sst s23  }
0xe2: {  	s7 =	sadd.s32 $0x7E80, s0;
	[smem:$0x7CA] =	sst s2  }
0xe3: {  	s9 =	sadd.s32 $0x4B00, s0;
	[smem:$0x7CC] =	sst s7  }
0xe4: {  	s16 =	sadd.s32 $0x6700, s0;
	[smem:$0x7CE] =	sst s9  }
0xe5: {  	s17 =	sadd.s32 $0x6B00, s0;
	[smem:$0x7D5] =	sst s16  }
0xe6: {  	s19 =	sadd.s32 $0x7300, s0;
	[smem:$0x7D6] =	sst s17  }
0xe7: {  	s25 =	sadd.s32 $0x7900, s0;
	[smem:$0x7D8] =	sst s19  }
0xe8: {  	s8 =	sadd.s32 $0x5180, s0;
	[smem:$0x79E] =	sst s25  }
0xe9: {  	s18 =	sadd.s32 $0x5680, s0;
	[smem:$0x7A3] =	sst s8  }
0xea: {  	s4 =	sadd.s32 $0x7A80, s0;
	[smem:$0x7C2] =	sst s18  }
0xeb: {  	s20 =	sadd.s32 $0x7700, s0;
	[smem:$0x7CB] =	sst s4  }
0xec: {  	s22 =	sadd.s32 $0x7B00, s0;
	[smem:$0x7D9] =	sst s20  }
0xed: {  	s23 =	sadd.s32 $0x7F00, s0;
	[smem:$0x7DA] =	sst s22  }
0xee: {  	s2 =	sadd.s32 $0x5380, s0;
	[smem:$0x7DB] =	sst s23  }
0xef: {  	s7 =	sadd.s32 $0x5B80, s0;
	[smem:$0x7DF] =	sst s2  }
0xf0: {  	s9 =	sadd.s32 $0x6380, s0;
	[smem:$0x7E1] =	sst s7  }
0xf1: {  	s16 =	sor.u32 $0x80, s5;
	[smem:$0x7E3] =	sst s9  }
0xf2: {  	s17 =	sor.u32 $0x100, s5;
	[smem:$0x7EB] =	sst s16  }
0xf3: {  	s19 =	sor.u32 $0x20, s5;
	[smem:$0x7EC] =	sst s17  }
0xf4: {  	s25 =	sadd.s32 $0x5600, s0;
	[smem:$0x7EE] =	sst s19  }
0xf5: {  	s8 =	sadd.s32 $0x6A00, s0;
	[smem:$0x7B3] =	sst s25  }
0xf6: {  	s18 =	sadd.s32 $0x6F00, s0;
	[smem:$0x7B8] =	sst s8  }
0xf7: {  	s4 =	sadd.s32 $0x5780, s0;
	[smem:$0x7D7] =	sst s18  }
0xf8: {  	s20 =	sadd.s32 $0x400, s6;
	[smem:$0x7E0] =	sst s4  }
0xf9: {  	v0 =	vmov s3;
	s3 =	simm.s32 $0x0;
	s22 =	sadd.s32 $0x800, s6;
	[smem:$0x7EF] =	sst s20  }
0xfa: {  	s28 =	sor.u32 $0x70, s5;
	s23 =	sadd.s32 $0xC00, s6;
	[smem:$0x7F0] =	sst s22  }
0xfb: {  	s29 =	sor.u32 $0x50, s5;
	s7 =	sadd.s32 $0x1400, s6;
	[smem:$0x7F1] =	sst s23  }
0xfc: {  	s30 =	sor.u32 $0x40, s5;
	s19 =	sadd.s32 $0x1800, s6;
	[smem:$0x7F3] =	sst s7  }
0xfd: {  	s31 =	sor.u32 $0x140, s5;
	s25 =	sadd.s32 $0x6E80, s0;
	[smem:$0x7F4] =	sst s19  }
0xfe: {  	v60 =	vimm.s32 $0x76543210;
	s26 =	sor.u32 $0xC0, s5;
	s8 =	sadd.s32 $0x4700, s0;
	[smem:$0x7C8] =	sst s25  }
0xff: {  	v1 =	vimm.s32 $0xFEDCBA98;
	v2 =	vimm.s32 $0xBA98FEDC;
	s12 =	simm.s32 $0x1;
	s18 =	sor.u32 $0x10, s5;
	[smem:$0x7CD] =	sst s8  }
0x100: {  	v3 =	vimm.s32 $0x32107654;
	s13 =	sor.u32 $0xD0, s5;
	s4 =	sadd.s32 $0x1000, s6;
	[smem:$0x7ED] =	sst s18  }
0x101: {  	v4 =	vimm.s32 $0xDCFE98BA;
	s14 =	sor.u32 $0xE0, s5;
	s20 =	sadd.s32 $0x1C00, s6;
	[smem:$0x7F2] =	sst s4  }
0x102: {  	v5 =	vimm.s32 $0x54761032;
	s15 =	sor.u32 $0xF0, s5;
	s22 =	sadd.s32 $0x2000, s6;
	[smem:$0x7F5] =	sst s20  }
0x103: {  	v6 =	vimm.s32 $0xEFCDAB89;
	s10 =	sor.u32 $0x150, s5;
	s23 =	sadd.s32 $0x2400, s6;
	[smem:$0x7F6] =	sst s22  }
0x104: {  	v7 =	vimm.s32 $0x67452301;
	v1 =	vunpack.c.l.s4.s8 v1;
	v2 =	vunpack.c.l.s4.s8 v2;
	s11 =	sor.u32 $0x160, s5;
	s7 =	sadd.s32 $0x2C00, s6;
	[smem:$0x7F7] =	sst s23  }
0x105: {  	v3 =	vunpack.c.l.s4.s8 v3;
	v4 =	vunpack.c.l.s4.s8 v4;
	v5 =	vunpack.c.l.s4.s8 v5;
	s24 =	sor.u32 $0x30, s5;
	s19 =	sadd.s32 $0x3000, s6;
	[smem:$0x7F9] =	sst s7  }
0x106: {  	v6 =	vunpack.c.l.s4.s8 v6;
	v7 =	vunpack.c.l.s4.s8 v7;
	v2 =	vunpack.c.0.s8.s32 v2;
	s9 =	sor.u32 $0xA0, s5;
	s25 =	sadd.s32 $0x4B80, s0;
	[smem:$0x7FA] =	sst s19  }
0x107: {  	v3 =	vunpack.c.0.s8.s32 v3;
	v4 =	vunpack.c.0.s8.s32 v4;
	[tilespmem:$0x1FFD0] =	vst v0;
	v0 =	vunpack.c.l.s4.s8 v60;
	s16 =	sor.u32 $0x110, s5;
	s8 =	sadd.s32 $0x5F80, s0;
	[smem:$0x7DD] =	sst s25  }
0x108: {  	v5 =	vunpack.c.0.s8.s32 v5;
	v1 =	vunpack.c.0.s8.s32 v1;
	v6 =	vunpack.c.0.s8.s32 v6;
	s17 =	sor.u32 $0x120, s5;
	s0 =	sadd.s32 $0x7F80, s0;
	[smem:$0x7E2] =	sst s8  }
.Ltmp0:
0x109: {  	v7 =	vunpack.c.0.s8.s32 v7;
	v2 =	vcombine.low v3, v2;
	v0 =	vunpack.c.0.s8.s32 v0;
	s4 =	sadd.s32 $0x2800, s6;
	[smem:$0x7EA] =	sst s0;
	(pc) =	sbr.rel .LBB2_1-.Ltmp0, $4  }
0x10a: {  	v61 =	vcombine.low v5, v4;
	v1 =	vand.u32 $0xF, v1;
	s2 =	sor.u32 $0x170, s5;
	s20 =	sadd.s32 $0x3400, s6;
	[smem:$0x7F8] =	sst s4  }
0x10b: {  	v62 =	vcombine.low v7, v6;
	v63 =	vand.u32 $0xF, v2;
	v0 =	vcombine.low v1, v0;
	s18 =	sor.u32 $0x130, s5;
	s22 =	sadd.s32 $0x3800, s6;
	[smem:$0x7FB] =	sst s20  }
0x10c: {  	[tilespmem:$0x1FFF0] =	vst v63;
	s23 =	sadd.s32 $0x3C00, s6;
	s25 =	sor.u32 $0xB0, s5;
	[smem:$0x7FC] =	sst s22  }
0x10d: {  	v8 =	vimm.f32 $+Inf;
	v12 =	vand.u32 $0xF, v61;
	v13 =	vand.u32 $0xF, v62;
	[tilespmem:$0x1FFE0] =	vst v0;
	s0 =	sor.u32 $0x60, s5;
	s8 =	sor.u32 $0x90, s5;
	[smem:$0x7FD] =	sst s23  }
.LBB2_12:
0x10e: {  	v10 =	vld [tilespmem:s4+$0x6980]  }
0x10f: {  	v11 =	vld [tilespmem:s4+$0x6A00];
	s1 =	sadd.s32 $0x1, s1  }
0x110: {  	v17 =	vld [tilespmem:s4+$0x6A80];
	s1 =	sand.u32 $0x7, s1  }
0x111: {  	v18 =	vld [tilespmem:s4+$0x6B00];
	s1 =	sshll.u32 s1, $0x4  }
0x112: {  	v19 =	vld [tilespmem:s4+$0x6B80];
	s1 =	sadd.s32 s1, s6  }
0x113: {  	s1 =	sor.u32 $0x380, s1;
	v10 =	vmin.f32 v15, v10;
	v15 =	vld [tilespmem:s4+$0x6C00]  }
0x114: {  	v34 =	vld [tilespmem:s1+$0x6900];
	v10 =	vmin.f32 v10, v11  }
0x115: {  	v35 =	vld [tilespmem:s4+$0xA900];
	v10 =	vmin.f32 v10, v17  }
0x116: {  	v36 =	vld [tilespmem:s4+$0xA980];
	v10 =	vmin.f32 v10, v18  }
0x117: {  	v37 =	vld [tilespmem:s4+$0xAA00];
	v10 =	vmin.f32 v10, v19  }
0x118: {  	v10 =	vmin.f32 v10, v15;
	v15 =	vld [tilespmem:s4+$0xAA80]  }
0x119: {  	v38 =	vld [tilespmem:s4+$0xAB00];
	v10 =	vmin.f32 v10, v34  }
0x11a: {  	v39 =	vld [tilespmem:s4+$0xAB80];
	v10 =	vmin.f32 v10, v35  }
0x11b: {  	v8 =	vmin.f32 v16, v8;
	v40 =	vld [tilespmem:s4+$0xAC00];
	v10 =	vmin.f32 v10, v36  }
0x11c: {  	v42 =	vld [tilespmem:s4+$0xAC80];
	v7 =	vmin.f32 v8, v7;
	v41 =	vmin.f32 v10, v37  }
0x11d: {  	v7 =	vmin.f32 v7, v14;
	v8 =	vmin.f32 v41, v15  }
0x11e: {  	v7 =	vmin.f32 v7, v9;
	v8 =	vmin.f32 v8, v38  }
0x11f: {  	v4 =	vmin.f32 v7, v4;
	v43 =	vmin.f32 v8, v39  }
0x120: {  	v4 =	vmax.f32 v4, $1.000000000e-30;
	v7 =	vmin.f32 v43, v40  }
0x121: {  	v44 =	vshra.s32 v4, $0x1;
	v45 =	vmul.f32 $5.000000000e-01, v4;
	v7 =	vmin.f32 v7, v42  }
0x122: {  	v8 =	vsub.s32 $0x5F3759DF, v44;
	v7 =	vmax.f32 v7, $1.000000000e-30  }
0x123: {  	v46 =	vmul.f32 v8, v45;
	v47 =	vshra.s32 v7, $0x1;
	v14 =	vmul.f32 $5.000000000e-01, v7  }
0x124: {  	v11 =	vsub.s32 $0x5F3759DF, v47  }
0x125: {  	v10 =	vmul.f32 v8, v46;
	v15 =	vmul.f32 v11, v14;
	_ =	sdelay $0x1  }
0x126: {  	v10 =	vsub.f32 $1.500000000e+00, v10;
	v15 =	vmul.f32 v11, v15  }
0x127: {  	v48 =	vmul.f32 v5, v1  }
0x128: {  	v8 =	vmul.f32 v8, v10;
	v49 =	vsub.f32 $1.500000000e+00, v15  }
0x129: {  	v15 =	vmul.f32 v48, v5  }
0x12a: {  	v50 =	vmul.f32 v8, v45;
	v10 =	vmul.f32 v11, v49  }
0x12b: {  	v51 =	vsub.f32 $1.500000000e+00, v15  }
0x12c: {  	v15 =	vmul.f32 v50, v8;
	v52 =	vmul.f32 v10, v14  }
0x12d: {  	v53 =	vmul.f32 v51, v5  }
0x12e: {  	v54 =	vsub.f32 $1.500000000e+00, v15;
	v15 =	vmul.f32 v52, v10  }
0x12f: {  	v55 =	vmul.f32 v53, v1  }
0x130: {  	v8 =	vmul.f32 v54, v8;
	v56 =	vsub.f32 $1.500000000e+00, v15  }
0x131: {  	v1 =	vmul.f32 v55, v53  }
0x132: {  	v9 =	vmul.f32 v8, v45;
	v10 =	vmul.f32 v56, v10;
	_ =	sdelay $0x1  }
0x133: {  	v1 =	vsub.f32 $1.500000000e+00, v1;
	v9 =	vmul.f32 v9, v8;
	v11 =	vmul.f32 v10, v14  }
0x134: {  	v0 =	vmul.f32 v6, v0  }
0x135: {  	v1 =	vmul.f32 v1, v53;
	v57 =	vsub.f32 $1.500000000e+00, v9;
	v58 =	vmul.f32 v11, v10  }
0x136: {  	v0 =	vadd.f32 v0, v3  }
0x137: {  	v1 =	vmul.f32 v1, v2;
	v59 =	vmul.f32 v57, v8;
	v60 =	vsub.f32 $1.500000000e+00, v58;
	_ =	sdelay $0x1  }
0x138: {  	v0 =	vadd.f32 v1, v0;
	v61 =	vmul.f32 v59, v4;
	v62 =	vmul.f32 v60, v10;
	_ =	sdelay $0x1  }
0x139: {  	v0 =	vadd.f32 v61, v0;
	v63 =	vmul.f32 v62, v7;
	_ =	sdelay $0x1  }
0x13a: {  	v0 =	vadd.f32 v63, v0;
	_ =	sdelay $0x1  }
0x13b: {  	s22 =	rddreg [dreg:$0x16];
	s23 =	simm.s32 $0x6880;
	[tilespmem:$0x6880] =	vst v0  }
0x13c: {  	[hbm4b:s22+s21] =	stream.linear.scatter [tilespmem:s23], [sflag:$0x1], $0x80, $0x38;
	[tilespmem:$0xF100] =	vst v63  }
0x13d: {  	_ =	swait.ge [sflag:s12], $0x80  }
0x13e: {  	[sflag:s12] =	ssyncset.done $0x0  }
0x13f: {  	[sflag:s12] =	ssyncadd.s32 $0xFFFFFF80  }
.LBB2_13:
0x140: {  	s3 =	sadd.s32 $0x1, s3;
	s1 =	rddreg [dreg:$0x17]  }
0x141: {  	p1 =	sne.s32 s3, s1  }
.Ltmp1:
0x142: {  	_ = 	snop;
	(pc) =	sbr.rel @!p1 .LBB2_14-.Ltmp1, $2  }
0x143: {  	_ =	sdelay $0x2  }
0x144: {  	v8 =	vimm.f32 $+Inf  }
.LBB2_1:
0x145: {  	s1 =	rddreg [dreg:$0x3]  }
0x146: {  	[tilespmem:s21], [sflag:$0x1] =	stream.linear.gather [hbm4b:s1+s21], $0x2000, $0x38;
	[tilespmem:$0xF100] =	vst v63  }
0x147: {  	_ =	swait.ge [sflag:s12], $0x2000  }
0x148: {  	[sflag:s12] =	ssyncset.done $0x0  }
0x149: {  	s4 =	simm.s32 $0x2000;
	s6 =	rddreg [dreg:$0x4];
	[sflag:s12] =	ssyncadd.s32 $0xFFFFE000  }
0x14a: {  	[tilespmem:s4], [sflag:$0x1] =	stream.linear.gather [hbm4b:s6+s21], $0x2000, $0x38;
	[tilespmem:$0xF100] =	vst v63  }
0x14b: {  	_ =	swait.ge [sflag:s12], $0x2000  }
0x14c: {  	[sflag:s12] =	ssyncset.done $0x0  }
0x14d: {  	s19 =	simm.s32 $0x4000;
	s7 =	rddreg [dreg:$0x5];
	[sflag:s12] =	ssyncadd.s32 $0xFFFFE000  }
0x14e: {  	[tilespmem:s19], [sflag:$0x1] =	stream.linear.gather [hbm4b:s7+s21], $0x2000, $0x38;
	[tilespmem:$0xF100] =	vst v63  }
0x14f: {  	_ =	swait.ge [sflag:s12], $0x2000  }
0x150: {  	[sflag:s12] =	ssyncset.done $0x0  }
0x151: {  	[sflag:s12] =	ssyncadd.s32 $0xFFFFE000  }
0x152: {  	v0 =	vld [tilespmem:s5+$0x2000]  }
0x153: {  	v1 =	vld [tilespmem:s5+$0x4000];
	_ =	sdelay $0x4  }
0x154: {  	s20 =	sld [smem:$0x7ED];
	v0 =	vadd.f32 v1, v0;
	_ =	sdelay $0x1  }
0x155: {  	[tilespmem:s5+$0x2000] =	vst v0  }
0x156: {  	v0 =	vld [tilespmem:s20+$0x2000]  }
0x157: {  	v41 =	vld [tilespmem:s20+$0x4000];
	_ =	sdelay $0x4  }
0x158: {  	s21 =	sld [smem:$0x7EE];
	v0 =	vadd.f32 v41, v0;
	_ =	sdelay $0x1  }
0x159: {  	[tilespmem:s20+$0x2000] =	vst v0  }
0x15a: {  	v0 =	vld [tilespmem:s21+$0x2000]  }
0x15b: {  	v42 =	vld [tilespmem:s21+$0x4000];
	_ =	sdelay $0x4  }
0x15c: {  	v0 =	vadd.f32 v42, v0;
	_ =	sdelay $0x1  }
0x15d: {  	[tilespmem:s21+$0x2000] =	vst v0  }
0x15e: {  	v0 =	vld [tilespmem:s24+$0x2000]  }
0x15f: {  	v43 =	vld [tilespmem:s24+$0x4000];
	_ =	sdelay $0x4  }
0x160: {  	v0 =	vadd.f32 v43, v0;
	_ =	sdelay $0x1  }
0x161: {  	[tilespmem:s24+$0x2000] =	vst v0  }
0x162: {  	v0 =	vld [tilespmem:s30+$0x2000]  }
0x163: {  	v44 =	vld [tilespmem:s30+$0x4000];
	_ =	sdelay $0x4  }
0x164: {  	v0 =	vadd.f32 v44, v0;
	_ =	sdelay $0x1  }
0x165: {  	[tilespmem:s30+$0x2000] =	vst v0  }
0x166: {  	v0 =	vld [tilespmem:s29+$0x2000]  }
0x167: {  	v45 =	vld [tilespmem:s29+$0x4000];
	_ =	sdelay $0x4  }
0x168: {  	v0 =	vadd.f32 v45, v0;
	_ =	sdelay $0x1  }
0x169: {  	[tilespmem:s29+$0x2000] =	vst v0  }
0x16a: {  	v0 =	vld [tilespmem:s0+$0x2000]  }
0x16b: {  	v46 =	vld [tilespmem:s0+$0x4000];
	_ =	sdelay $0x4  }
0x16c: {  	v0 =	vadd.f32 v46, v0;
	_ =	sdelay $0x1  }
0x16d: {  	[tilespmem:s0+$0x2000] =	vst v0  }
0x16e: {  	v0 =	vld [tilespmem:s28+$0x2000]  }
0x16f: {  	v47 =	vld [tilespmem:s28+$0x4000];
	_ =	sdelay $0x4  }
0x170: {  	s22 =	sld [smem:$0x7EB];
	v0 =	vadd.f32 v47, v0;
	_ =	sdelay $0x1  }
0x171: {  	[tilespmem:s28+$0x2000] =	vst v0  }
0x172: {  	v0 =	vld [tilespmem:s22+$0x2000]  }
0x173: {  	v48 =	vld [tilespmem:s22+$0x4000];
	_ =	sdelay $0x4  }
0x174: {  	v0 =	vadd.f32 v48, v0;
	_ =	sdelay $0x1  }
0x175: {  	[tilespmem:s22+$0x2000] =	vst v0  }
0x176: {  	v0 =	vld [tilespmem:s8+$0x2000]  }
0x177: {  	v49 =	vld [tilespmem:s8+$0x4000];
	_ =	sdelay $0x4  }
0x178: {  	v0 =	vadd.f32 v49, v0;
	_ =	sdelay $0x1  }
0x179: {  	[tilespmem:s8+$0x2000] =	vst v0  }
0x17a: {  	v0 =	vld [tilespmem:s9+$0x2000]  }
0x17b: {  	v50 =	vld [tilespmem:s9+$0x4000];
	_ =	sdelay $0x4  }
0x17c: {  	v0 =	vadd.f32 v50, v0;
	_ =	sdelay $0x1  }
0x17d: {  	[tilespmem:s9+$0x2000] =	vst v0  }
0x17e: {  	v0 =	vld [tilespmem:s25+$0x2000]  }
0x17f: {  	v51 =	vld [tilespmem:s25+$0x4000];
	_ =	sdelay $0x4  }
0x180: {  	v0 =	vadd.f32 v51, v0;
	_ =	sdelay $0x1  }
0x181: {  	[tilespmem:s25+$0x2000] =	vst v0  }
0x182: {  	v0 =	vld [tilespmem:s26+$0x2000]  }
0x183: {  	v52 =	vld [tilespmem:s26+$0x4000];
	_ =	sdelay $0x4  }
0x184: {  	v0 =	vadd.f32 v52, v0;
	_ =	sdelay $0x1  }
0x185: {  	[tilespmem:s26+$0x2000] =	vst v0  }
0x186: {  	v0 =	vld [tilespmem:s13+$0x2000]  }
0x187: {  	v53 =	vld [tilespmem:s13+$0x4000];
	_ =	sdelay $0x4  }
0x188: {  	v0 =	vadd.f32 v53, v0;
	_ =	sdelay $0x1  }
0x189: {  	[tilespmem:s13+$0x2000] =	vst v0  }
0x18a: {  	v0 =	vld [tilespmem:s14+$0x2000]  }
0x18b: {  	v54 =	vld [tilespmem:s14+$0x4000];
	_ =	sdelay $0x4  }
0x18c: {  	v0 =	vadd.f32 v54, v0;
	_ =	sdelay $0x1  }
0x18d: {  	[tilespmem:s14+$0x2000] =	vst v0  }
0x18e: {  	v0 =	vld [tilespmem:s15+$0x2000]  }
0x18f: {  	v55 =	vld [tilespmem:s15+$0x4000];
	_ =	sdelay $0x4  }
0x190: {  	s23 =	sld [smem:$0x7EC];
	v0 =	vadd.f32 v55, v0;
	_ =	sdelay $0x1  }
0x191: {  	[tilespmem:s15+$0x2000] =	vst v0  }
0x192: {  	v0 =	vld [tilespmem:s23+$0x2000]  }
0x193: {  	v56 =	vld [tilespmem:s23+$0x4000];
	_ =	sdelay $0x4  }
0x194: {  	v0 =	vadd.f32 v56, v0;
	_ =	sdelay $0x1  }
0x195: {  	[tilespmem:s23+$0x2000] =	vst v0  }
0x196: {  	v0 =	vld [tilespmem:s16+$0x2000]  }
0x197: {  	v57 =	vld [tilespmem:s16+$0x4000];
	_ =	sdelay $0x4  }
0x198: {  	v0 =	vadd.f32 v57, v0;
	_ =	sdelay $0x1  }
0x199: {  	[tilespmem:s16+$0x2000] =	vst v0  }
0x19a: {  	v0 =	vld [tilespmem:s17+$0x2000]  }
0x19b: {  	v58 =	vld [tilespmem:s17+$0x4000];
	_ =	sdelay $0x4  }
0x19c: {  	v0 =	vadd.f32 v58, v0;
	_ =	sdelay $0x1  }
0x19d: {  	[tilespmem:s17+$0x2000] =	vst v0  }
0x19e: {  	v0 =	vld [tilespmem:s18+$0x2000]  }
0x19f: {  	v59 =	vld [tilespmem:s18+$0x4000];
	_ =	sdelay $0x4  }
0x1a0: {  	v0 =	vadd.f32 v59, v0;
	_ =	sdelay $0x1  }
0x1a1: {  	[tilespmem:s18+$0x2000] =	vst v0  }
0x1a2: {  	v0 =	vld [tilespmem:s31+$0x2000]  }
0x1a3: {  	v60 =	vld [tilespmem:s31+$0x4000];
	_ =	sdelay $0x4  }
0x1a4: {  	v0 =	vadd.f32 v60, v0;
	_ =	sdelay $0x1  }
0x1a5: {  	[tilespmem:s31+$0x2000] =	vst v0  }
0x1a6: {  	v0 =	vld [tilespmem:s10+$0x2000]  }
0x1a7: {  	v61 =	vld [tilespmem:s10+$0x4000];
	_ =	sdelay $0x4  }
0x1a8: {  	v0 =	vadd.f32 v61, v0;
	_ =	sdelay $0x1  }
0x1a9: {  	[tilespmem:s10+$0x2000] =	vst v0  }
0x1aa: {  	v0 =	vld [tilespmem:s11+$0x2000]  }
0x1ab: {  	v62 =	vld [tilespmem:s11+$0x4000];
	_ =	sdelay $0x4  }
0x1ac: {  	v0 =	vadd.f32 v62, v0;
	_ =	sdelay $0x1  }
0x1ad: {  	[tilespmem:s11+$0x2000] =	vst v0  }
0x1ae: {  	v0 =	vld [tilespmem:s2+$0x2000]  }
0x1af: {  	v63 =	vld [tilespmem:s2+$0x4000];
	_ =	sdelay $0x4  }
0x1b0: {  	v0 =	vadd.f32 v63, v0;
	_ =	sdelay $0x1  }
0x1b1: {  	s1 =	simm.s32 $0x0;
	[tilespmem:s2+$0x2000] =	vst v0  }
.LBB2_2:
0x1b2: {  	p1 =	sne.s32 s1, $0x1FC0  }
.Ltmp2:
0x1b3: {  	_ = 	snop;
	(pc) =	sbr.rel @p1 .LBB2_2-.Ltmp2, $3  }
0x1b4: {  	_ =	sdelay $0x1  }
0x1b5: {  	s4 =	sshra.s32 s1, $0x2  }
0x1b6: {  	s1 =	sadd.s32 $0x40, s1;
	[tilespmem:s4+$0x6000] =	vst v8  }
0x1b7: {  	s4 =	simm.s32 $0x0;
	v0 =	vimm.f32 $0.0e+00  }
.LBB2_4:
0x1b8: {  	[tilespmem:$0x1FFC0] =	vst v0;
	v0 =	vld [tilespmem:$0x1FFD0];
	_ =	sdelay $0x5  }
0x1b9: {  	s1 =	sshll.u32 s4, $0x4  }
0x1ba: {  	s1 =	sand.u32 $0x3FFFFFF0, s1  }
0x1bb: {  	v23 =	vld.idx.msk [tilespmem:v0+s1+$0x0 ss:$0x1], $0xffff  }
0x1bc: {  	v24 =	vld.idx.msk [tilespmem:v0+s1+$0x80 ss:$0x1], $0xffff  }
0x1bd: {  	v25 =	vld.idx.msk [tilespmem:v0+s1+$0x100 ss:$0x1], $0xffff;
	_ =	sdelay $0x2  }
0x1be: {  	v0 =	vimm.s32 $0x0  }
0x1bf: {  	v26 =	vperm.xlane v23, v0  }
0x1c0: {  	v27 =	vperm.xlane v24, v0;
	v29 =	vperm.xlane v25, v0;
	v0 =	vimm.s32 $0x1  }
0x1c1: {  	v30 =	vperm.xlane v23, v0  }
0x1c2: {  	v31 =	vperm.xlane v24, v0;
	v32 =	vperm.xlane v25, v0;
	v0 =	vimm.s32 $0x2  }
0x1c3: {  	v33 =	vperm.xlane v23, v0  }
0x1c4: {  	v34 =	vperm.xlane v24, v0;
	v35 =	vperm.xlane v25, v0;
	v0 =	vimm.s32 $0x3  }
0x1c5: {  	v36 =	vperm.xlane v23, v0  }
0x1c6: {  	v37 =	vperm.xlane v24, v0;
	v38 =	vperm.xlane v25, v0;
	v0 =	vimm.s32 $0x4  }
0x1c7: {  	v28 =	vimm.f32 $+Inf;
	v39 =	vperm.xlane v23, v0  }
0x1c8: {  	v40 =	vperm.xlane v24, v0;
	v41 =	vperm.xlane v25, v0;
	v0 =	vimm.s32 $0x5  }
0x1c9: {  	v46 =	vimm.f32 $+Inf;
	v50 =	vimm.f32 $+Inf;
	v42 =	vperm.xlane v23, v0  }
0x1ca: {  	v43 =	vperm.xlane v24, v0;
	v44 =	vperm.xlane v25, v0;
	v0 =	vimm.s32 $0x6  }
0x1cb: {  	v45 =	vimm.f32 $+Inf;
	v7 =	vimm.f32 $+Inf;
	v1 =	vperm.xlane v23, v0  }
0x1cc: {  	v2 =	vperm.xlane v24, v0;
	v3 =	vperm.xlane v25, v0;
	v0 =	vimm.s32 $0x7  }
0x1cd: {  	v47 =	vimm.f32 $+Inf;
	v49 =	vimm.f32 $+Inf;
	v4 =	vperm.xlane v23, v0  }
0x1ce: {  	s6 =	simm.s32 $0x0;
	s23 =	simm.s32 $0x0;
	v48 =	vimm.f32 $+Inf;
	v5 =	vperm.xlane v24, v0;
	v6 =	vperm.xlane v25, v0  }
.LBB2_5:
0x1cf: {  	s1 =	sand.u32 $0x40, s23;
	s7 =	sand.u32 $0x1E00, s6  }
0x1d0: {  	s19 =	sor.u32 s1, s7  }
0x1d1: {  	v17 =	vld [tilespmem:s19+$0x0]  }
0x1d2: {  	s20 =	sor.u32 $0x10, s1;
	v19 =	vld [tilespmem:s19+$0x80]  }
0x1d3: {  	s21 =	sor.u32 s20, s7;
	v52 =	vld [tilespmem:s19+$0x100]  }
0x1d4: {  	v16 =	vld [tilespmem:s21+$0x0]  }
0x1d5: {  	s22 =	sor.u32 $0x30, s1;
	v18 =	vld [tilespmem:s21+$0x80]  }
0x1d6: {  	s19 =	sor.u32 $0x20, s1;
	s1 =	sor.u32 s22, s7;
	v51 =	vld [tilespmem:s21+$0x100]  }
0x1d7: {  	s21 =	sor.u32 s19, s7;
	v9 =	vld [tilespmem:s1+$0x0]  }
0x1d8: {  	v8 =	vld [tilespmem:s21+$0x0];
	v0 =	vsub.f32 v26, v17  }
0x1d9: {  	v15 =	vsub.f32 v27, v19;
	v54 =	vsub.f32 v29, v52  }
0x1da: {  	v22 =	vsub.f32 v34, v19;
	v20 =	vsub.f32 v26, v16  }
0x1db: {  	v14 =	vld [tilespmem:s21+$0x80];
	v21 =	vsub.f32 v27, v18;
	v57 =	vsub.f32 v29, v51  }
0x1dc: {  	s7 =	sshra.s32 s6, $0x2;
	v58 =	vsub.f32 v26, v9;
	v0 =	vmul.f32 v0, v0;
	v53 =	vmul.f32 v15, v15;
	v15 =	vld [tilespmem:s21+$0x100]  }
0x1dd: {  	v55 =	vld [tilespmem:s7+$0x6000];
	s21 =	sand.u32 $0x780, s23;
	v61 =	vsub.f32 v26, v8;
	v56 =	vmul.f32 v20, v20;
	v21 =	vmul.f32 v21, v21  }
0x1de: {  	v59 =	vmul.f32 v54, v54;
	v20 =	vld [tilespmem:s1+$0x80];
	v60 =	vmul.f32 v57, v57;
	s21 =	sor.u32 $0x6000, s21;
	v0 =	vadd.f32 v53, v0  }
0x1df: {  	s20 =	sor.u32 s20, s21;
	v54 =	vmul.f32 v61, v61;
	v61 =	vsub.f32 v31, v19;
	v21 =	vadd.f32 v21, v56  }
0x1e0: {  	v62 =	vsub.f32 v27, v14;
	v56 =	vld [tilespmem:s20+$0x0];
	v53 =	vadd.f32 v0, v59  }
0x1e1: {  	v0 =	vld [tilespmem:s1+$0x100];
	v61 =	vmul.f32 v61, v61;
	v21 =	vadd.f32 v21, v60;
	v63 =	vsub.f32 v29, v15  }
0x1e2: {  	v60 =	vsub.f32 v30, v17;
	v48 =	vmin.f32 v48, v53;
	v53 =	vmin.f32 v55, v53  }
0x1e3: {  	v55 =	vmul.f32 v62, v62;
	v59 =	vsub.f32 v27, v20;
	v48 =	vmin.f32 v48, v21  }
0x1e4: {  	v57 =	vmul.f32 v63, v63;
	v60 =	vmul.f32 v60, v60;
	v63 =	vsub.f32 v32, v52  }
0x1e5: {  	v54 =	vadd.f32 v55, v54;
	v55 =	vmul.f32 v58, v58;
	v10 =	vmul.f32 v59, v59  }
0x1e6: {  	v21 =	vmin.f32 v56, v21;
	v11 =	vsub.f32 v29, v0;
	v59 =	vadd.f32 v61, v60  }
0x1e7: {  	s22 =	sor.u32 s22, s21;
	v56 =	vmul.f32 v63, v63;
	v54 =	vadd.f32 v54, v57;
	v55 =	vadd.f32 v10, v55  }
0x1e8: {  	v57 =	vld [tilespmem:s22+$0x0];
	v10 =	vsub.f32 v30, v16;
	v58 =	vmul.f32 v11, v11;
	v11 =	vsub.f32 v31, v18  }
0x1e9: {  	v22 =	vmul.f32 v22, v22;
	v56 =	vadd.f32 v59, v56;
	v48 =	vmin.f32 v48, v54  }
0x1ea: {  	v55 =	vadd.f32 v55, v58;
	v58 =	vmul.f32 v10, v10;
	v59 =	vmul.f32 v11, v11  }
0x1eb: {  	s19 =	sor.u32 s19, s21;
	v10 =	vsub.f32 v30, v8;
	v11 =	vsub.f32 v31, v14;
	v49 =	vmin.f32 v49, v56  }
0x1ec: {  	v62 =	vld [tilespmem:s19+$0x0];
	v53 =	vmin.f32 v53, v56;
	v56 =	vsub.f32 v30, v9;
	v48 =	vmin.f32 v48, v55  }
0x1ed: {  	v55 =	vmin.f32 v57, v55;
	v57 =	vadd.f32 v59, v58;
	v58 =	vsub.f32 v32, v51  }
0x1ee: {  	v59 =	vmul.f32 v10, v10;
	v10 =	vmul.f32 v11, v11;
	v11 =	vsub.f32 v31, v20  }
0x1ef: {  	v63 =	vsub.f32 v33, v17;
	v56 =	vmul.f32 v56, v56;
	v58 =	vmul.f32 v58, v58  }
0x1f0: {  	v59 =	vadd.f32 v10, v59;
	v10 =	vsub.f32 v32, v15;
	v61 =	vmul.f32 v11, v11  }
0x1f1: {  	v54 =	vmin.f32 v62, v54;
	v62 =	vsub.f32 v33, v9;
	v11 =	vsub.f32 v32, v0  }
0x1f2: {  	v60 =	vmul.f32 v10, v10;
	v57 =	vadd.f32 v57, v58;
	v56 =	vadd.f32 v61, v56  }
0x1f3: {  	v10 =	vmul.f32 v11, v11;
	v11 =	vmul.f32 v63, v63;
	v63 =	vsub.f32 v35, v52  }
0x1f4: {  	v58 =	vsub.f32 v33, v16;
	v59 =	vadd.f32 v59, v60;
	v49 =	vmin.f32 v49, v57  }
0x1f5: {  	v21 =	vmin.f32 v21, v57;
	v56 =	vadd.f32 v56, v10;
	v22 =	vadd.f32 v22, v11  }
0x1f6: {  	v10 =	vsub.f32 v34, v18;
	v57 =	vmul.f32 v63, v63;
	v60 =	vsub.f32 v33, v8  }
0x1f7: {  	v11 =	vsub.f32 v34, v14;
	v58 =	vmul.f32 v58, v58;
	v63 =	vsub.f32 v34, v20  }
0x1f8: {  	v49 =	vmin.f32 v49, v59;
	v54 =	vmin.f32 v54, v59;
	v59 =	vmul.f32 v10, v10  }
0x1f9: {  	v10 =	vsub.f32 v35, v51;
	v60 =	vmul.f32 v60, v60;
	v61 =	vmul.f32 v11, v11  }
0x1fa: {  	v11 =	vsub.f32 v35, v15;
	v22 =	vadd.f32 v22, v57;
	v55 =	vmin.f32 v55, v56  }
0x1fb: {  	v49 =	vmin.f32 v49, v56;
	v56 =	vmul.f32 v63, v63;
	v63 =	vsub.f32 v41, v52  }
0x1fc: {  	v57 =	vadd.f32 v59, v58;
	v58 =	vmul.f32 v10, v10;
	v10 =	vadd.f32 v61, v60  }
0x1fd: {  	v11 =	vmul.f32 v11, v11;
	v47 =	vmin.f32 v47, v22;
	v59 =	vsub.f32 v36, v17  }
0x1fe: {  	v22 =	vmin.f32 v53, v22;
	v60 =	vsub.f32 v38, v0;
	v61 =	vadd.f32 v57, v58  }
0x1ff: {  	v53 =	vadd.f32 v10, v11;
	v57 =	vmul.f32 v62, v62;
	v10 =	vsub.f32 v35, v0  }
0x200: {  	v11 =	vsub.f32 v37, v19;
	v47 =	vmin.f32 v47, v61;
	v21 =	vmin.f32 v21, v61  }
0x201: {  	v58 =	vmul.f32 v10, v10;
	v61 =	vsub.f32 v36, v16;
	v10 =	vsub.f32 v37, v18  }
0x202: {  	v56 =	vadd.f32 v56, v57;
	v57 =	vmul.f32 v59, v59;
	v59 =	vmul.f32 v11, v11  }
0x203: {  	v11 =	vsub.f32 v38, v52;
	v47 =	vmin.f32 v47, v53;
	v53 =	vmin.f32 v54, v53  }
0x204: {  	v61 =	vmul.f32 v61, v61;
	v62 =	vmul.f32 v10, v10;
	v54 =	vadd.f32 v56, v58  }
0x205: {  	v10 =	vsub.f32 v38, v51;
	v57 =	vadd.f32 v59, v57  }
0x206: {  	v58 =	vmul.f32 v11, v11;
	v11 =	vsub.f32 v36, v8;
	v59 =	vadd.f32 v62, v61  }
0x207: {  	v56 =	vmul.f32 v10, v10;
	v10 =	vsub.f32 v37, v14;
	v47 =	vmin.f32 v47, v54  }
0x208: {  	v54 =	vmin.f32 v55, v54;
	v55 =	vadd.f32 v57, v58;
	v57 =	vmul.f32 v11, v11  }
0x209: {  	v61 =	vsub.f32 v40, v14;
	v56 =	vadd.f32 v59, v56;
	v11 =	vmul.f32 v10, v10  }
0x20a: {  	v59 =	vsub.f32 v38, v15;
	v10 =	vsub.f32 v36, v9  }
0x20b: {  	v7 =	vmin.f32 v7, v55;
	v22 =	vmin.f32 v22, v55;
	v55 =	vadd.f32 v11, v57  }
0x20c: {  	v11 =	vsub.f32 v37, v20;
	v58 =	vmul.f32 v59, v59;
	v59 =	vmul.f32 v10, v10  }
0x20d: {  	v10 =	vsub.f32 v39, v17;
	v7 =	vmin.f32 v7, v56;
	v21 =	vmin.f32 v21, v56  }
0x20e: {  	v56 =	vmul.f32 v63, v63;
	v57 =	vmul.f32 v11, v11;
	v11 =	vsub.f32 v40, v19  }
0x20f: {  	v63 =	vmul.f32 v61, v61;
	v55 =	vadd.f32 v55, v58;
	v58 =	vmul.f32 v60, v60  }
0x210: {  	v10 =	vmul.f32 v10, v10;
	v57 =	vadd.f32 v57, v59;
	v11 =	vmul.f32 v11, v11  }
0x211: {  	v61 =	vsub.f32 v42, v17;
	v60 =	vsub.f32 v39, v8;
	v7 =	vmin.f32 v7, v55  }
0x212: {  	v53 =	vmin.f32 v53, v55;
	v55 =	vadd.f32 v57, v58;
	v57 =	vadd.f32 v11, v10  }
0x213: {  	v10 =	vsub.f32 v39, v16;
	v11 =	vsub.f32 v40, v18  }
0x214: {  	v62 =	vmul.f32 v60, v60;
	v59 =	vsub.f32 v39, v9;
	v60 =	vsub.f32 v42, v16  }
0x215: {  	v7 =	vmin.f32 v7, v55;
	v10 =	vmul.f32 v10, v10;
	v11 =	vmul.f32 v11, v11  }
0x216: {  	v56 =	vadd.f32 v57, v56;
	v54 =	vmin.f32 v54, v55;
	v55 =	vadd.f32 v63, v62  }
0x217: {  	v57 =	vadd.f32 v11, v10;
	v10 =	vsub.f32 v41, v51  }
0x218: {  	v63 =	vsub.f32 v2, v19;
	v11 =	vsub.f32 v41, v15  }
0x219: {  	v45 =	vmin.f32 v45, v56;
	v22 =	vmin.f32 v22, v56;
	v58 =	vmul.f32 v10, v10  }
0x21a: {  	v10 =	vsub.f32 v40, v20;
	v56 =	vmul.f32 v11, v11;
	v11 =	vsub.f32 v43, v19  }
0x21b: {  	v19 =	vsub.f32 v5, v19;
	v57 =	vadd.f32 v57, v58  }
0x21c: {  	v58 =	vmul.f32 v59, v59;
	v10 =	vmul.f32 v10, v10;
	v55 =	vadd.f32 v55, v56  }
0x21d: {  	v56 =	vmul.f32 v61, v61;
	v11 =	vmul.f32 v11, v11;
	v61 =	vsub.f32 v43, v18  }
0x21e: {  	v58 =	vadd.f32 v10, v58;
	v10 =	vsub.f32 v41, v0  }
0x21f: {  	v63 =	vmul.f32 v63, v63;
	v56 =	vadd.f32 v11, v56;
	v11 =	vsub.f32 v44, v52  }
0x220: {  	v19 =	vmul.f32 v19, v19;
	v45 =	vmin.f32 v45, v57;
	v59 =	vmul.f32 v10, v10  }
0x221: {  	v21 =	vmin.f32 v21, v57;
	v57 =	vmul.f32 v11, v11;
	v10 =	vsub.f32 v42, v8  }
0x222: {  	v53 =	vmin.f32 v53, v55;
	v11 =	vsub.f32 v43, v14;
	v58 =	vadd.f32 v58, v59  }
0x223: {  	v59 =	vmul.f32 v60, v60;
	v60 =	vmul.f32 v61, v61;
	v56 =	vadd.f32 v56, v57  }
0x224: {  	v10 =	vmul.f32 v10, v10;
	v11 =	vmul.f32 v11, v11;
	v57 =	vsub.f32 v44, v15  }
0x225: {  	v45 =	vmin.f32 v45, v55;
	v59 =	vadd.f32 v60, v59;
	v60 =	vsub.f32 v44, v51  }
0x226: {  	v55 =	vadd.f32 v11, v10;
	v45 =	vmin.f32 v45, v58;
	v10 =	vsub.f32 v42, v9  }
0x227: {  	v11 =	vsub.f32 v43, v20;
	v54 =	vmin.f32 v54, v58;
	v58 =	vsub.f32 v1, v17  }
0x228: {  	v57 =	vmul.f32 v57, v57;
	v50 =	vmin.f32 v50, v56;
	v22 =	vmin.f32 v22, v56  }
0x229: {  	v17 =	vsub.f32 v4, v17;
	v61 =	vmul.f32 v10, v10;
	v62 =	vmul.f32 v11, v11  }
0x22a: {  	v10 =	vsub.f32 v44, v0;
	v58 =	vmul.f32 v58, v58;
	v11 =	vsub.f32 v3, v52  }
0x22b: {  	v60 =	vmul.f32 v60, v60;
	v55 =	vadd.f32 v55, v57;
	v52 =	vsub.f32 v6, v52  }
0x22c: {  	v17 =	vmul.f32 v17, v17;
	v61 =	vadd.f32 v62, v61;
	v58 =	vadd.f32 v63, v58  }
0x22d: {  	v10 =	vmul.f32 v10, v10;
	v59 =	vadd.f32 v59, v60;
	v63 =	vsub.f32 v1, v16  }
0x22e: {  	v11 =	vmul.f32 v11, v11;
	v60 =	vsub.f32 v2, v18;
	v62 =	vsub.f32 v2, v20  }
0x22f: {  	v53 =	vmin.f32 v53, v55;
	v16 =	vsub.f32 v4, v16;
	v18 =	vsub.f32 v5, v18  }
0x230: {  	v17 =	vadd.f32 v19, v17;
	v52 =	vmul.f32 v52, v52;
	v20 =	vsub.f32 v5, v20  }
0x231: {  	v10 =	vadd.f32 v61, v10;
	v11 =	vadd.f32 v58, v11;
	v50 =	vmin.f32 v50, v59  }
0x232: {  	v21 =	vmin.f32 v21, v59;
	v58 =	vsub.f32 v1, v8;
	v59 =	vsub.f32 v2, v14  }
0x233: {  	v56 =	vmul.f32 v63, v63;
	v57 =	vmul.f32 v60, v60;
	v60 =	vsub.f32 v3, v51  }
0x234: {  	v61 =	vsub.f32 v3, v15;
	v16 =	vmul.f32 v16, v16;
	v51 =	vsub.f32 v6, v51  }
0x235: {  	v18 =	vmul.f32 v18, v18;
	v8 =	vsub.f32 v4, v8;
	v14 =	vsub.f32 v5, v14  }
0x236: {  	v15 =	vsub.f32 v6, v15;
	v20 =	vmul.f32 v20, v20;
	v17 =	vadd.f32 v17, v52  }
0x237: {  	v50 =	vmin.f32 v50, v55;
	v58 =	vmul.f32 v58, v58;
	v59 =	vmul.f32 v59, v59  }
0x238: {  	v56 =	vadd.f32 v57, v56;
	v57 =	vmul.f32 v60, v60;
	v60 =	vsub.f32 v1, v9  }
0x239: {  	v46 =	vmin.f32 v46, v11;
	v11 =	vmin.f32 v22, v11;
	v16 =	vadd.f32 v18, v16  }
0x23a: {  	v51 =	vmul.f32 v51, v51;
	v9 =	vsub.f32 v4, v9;
	v8 =	vmul.f32 v8, v8  }
0x23b: {  	v14 =	vmul.f32 v14, v14;
	v58 =	vadd.f32 v59, v58;
	v59 =	vmul.f32 v61, v61  }
0x23c: {  	v61 =	vadd.f32 v56, v57;
	v63 =	vmul.f32 v60, v60;
	v56 =	vmul.f32 v62, v62  }
0x23d: {  	v8 =	vadd.f32 v14, v8;
	v14 =	vmul.f32 v15, v15;
	v15 =	vadd.f32 v16, v51  }
0x23e: {  	v11 =	vmin.f32 v11, v17;
	v57 =	vadd.f32 v58, v59;
	v58 =	vsub.f32 v3, v0  }
0x23f: {  	v9 =	vmul.f32 v9, v9;
	v22 =	vadd.f32 v56, v63;
	v0 =	vsub.f32 v6, v0  }
0x240: {  	v46 =	vmin.f32 v46, v61;
	v21 =	vmin.f32 v21, v61;
	v19 =	vmul.f32 v58, v58  }
0x241: {  	p1 =	sne.s32 s23, $0x7C0;
	v59 =	vmin.f32 v54, v10;
	v9 =	vadd.f32 v20, v9;
	v0 =	vmul.f32 v0, v0  }
.Ltmp3:
0x242: {  	v8 =	vadd.f32 v8, v14;
	v14 =	vmin.f32 v28, v17;
	v60 =	vadd.f32 v22, v19;
	(pc) =	sbr.rel @p1 .LBB2_5-.Ltmp3, $4  }
0x243: {  	[tilespmem:s7+$0x6000] =	vst v11;
	v61 =	vmin.f32 v21, v15;
	v53 =	vmin.f32 v53, v57;
	v0 =	vadd.f32 v9, v0  }
0x244: {  	v63 =	vmin.f32 v14, v15;
	[tilespmem:s20+$0x0] =	vst v61;
	v14 =	vmin.f32 v53, v8;
	v62 =	vmin.f32 v59, v60  }
0x245: {  	v15 =	vmin.f32 v46, v57;
	v8 =	vmin.f32 v63, v8;
	[tilespmem:s19+$0x0] =	vst v14;
	v9 =	vmin.f32 v62, v0  }
0x246: {  	s6 =	sadd.s32 $0x100, s6;
	s23 =	sadd.s32 $0x40, s23;
	v50 =	vmin.f32 v50, v10;
	v46 =	vmin.f32 v15, v60;
	v28 =	vmin.f32 v8, v0;
	[tilespmem:s22+$0x0] =	vst v9  }
0x247: {  	v6 =	vld [tilespmem:$0x1FFE0];
	_ =	sdelay $0x2  }
0x248: {  	v9 =	vld [tilespmem:$0x1FFF0];
	_ =	sdelay $0x1  }
0x249: {  	v0 =	vperm.xlane v48, v6;
	_ =	sdelay $0x1  }
0x24a: {  	v2 =	vperm.xlane v47, v6;
	v0 =	vmin.f32 v48, v0  }
0x24b: {  	v1 =	vperm.xlane v49, v6;
	v3 =	vperm.xlane v0, v9  }
0x24c: {  	v2 =	vmin.f32 v47, v2  }
0x24d: {  	v1 =	vmin.f32 v49, v1;
	v0 =	vmin.f32 v0, v3;
	v3 =	vperm.xlane v2, v9  }
0x24e: {  	v4 =	vperm.xlane v1, v9;
	v5 =	vperm.xlane v0, v12  }
0x24f: {  	v2 =	vmin.f32 v2, v3  }
0x250: {  	v1 =	vmin.f32 v1, v4;
	v43 =	vmin.f32 v0, v5;
	v0 =	vperm.xlane v2, v12  }
0x251: {  	v4 =	vperm.xlane v1, v12  }
0x252: {  	v3 =	vperm.xlane v7, v6;
	v5 =	vperm.xlane v43, v13;
	v2 =	vmin.f32 v2, v0  }
0x253: {  	v39 =	vmin.f32 v1, v4;
	[tilespmem:$0x1FF10] =	vst v2;
	v2 =	vperm.xlane v2, v13  }
0x254: {  	v1 =	vmin.f32 v7, v3;
	v3 =	vperm.xlane v39, v13;
	[tilespmem:$0x1FEF0] =	vst v5  }
0x255: {  	v0 =	vperm.xlane v1, v9;
	[tilespmem:$0x1FF20] =	vst v2;
	v2 =	vperm.xlane v45, v6  }
0x256: {  	[tilespmem:$0x1FF00] =	vst v3;
	v3 =	vperm.xlane v46, v6;
	v5 =	vperm.xlane v28, v6  }
0x257: {  	v0 =	vmin.f32 v1, v0;
	v1 =	vperm.xlane v50, v6;
	v2 =	vmin.f32 v45, v2  }
0x258: {  	v4 =	vperm.xlane v0, v12;
	v6 =	vperm.xlane v2, v9  }
0x259: {  	v5 =	vmin.f32 v28, v5  }
0x25a: {  	v42 =	vmin.f32 v0, v4;
	v0 =	vmin.f32 v2, v6;
	v2 =	vperm.xlane v5, v9  }
0x25b: {  	v4 =	vperm.xlane v0, v12  }
0x25c: {  	v2 =	vmin.f32 v5, v2  }
0x25d: {  	v4 =	vmin.f32 v0, v4;
	v0 =	vperm.xlane v2, v12;
	_ =	sdelay $0x1  }
0x25e: {  	v3 =	vmin.f32 v46, v3;
	v0 =	vmin.f32 v2, v0  }
0x25f: {  	v1 =	vmin.f32 v50, v1;
	v8 =	vperm.xlane v3, v9;
	[tilespmem:$0x1FFA0] =	vst v0;
	v0 =	vperm.xlane v0, v13  }
0x260: {  	v7 =	vperm.xlane v1, v9  }
0x261: {  	v3 =	vmin.f32 v3, v8;
	[tilespmem:$0x1FFB0] =	vst v0;
	v0 =	vimm.s32 $0x8  }
0x262: {  	v1 =	vmin.f32 v1, v7;
	v7 =	vperm.xlane v3, v12;
	v47 =	vperm.xlane v23, v0  }
0x263: {  	v48 =	vperm.xlane v24, v0;
	v49 =	vperm.xlane v25, v0;
	v0 =	vimm.s32 $0x9  }
0x264: {  	v6 =	vperm.xlane v1, v12;
	v50 =	vperm.xlane v23, v0  }
0x265: {  	v51 =	vperm.xlane v24, v0;
	v52 =	vperm.xlane v25, v0;
	v0 =	vimm.s32 $0xA  }
0x266: {  	[tilespmem:$0x1FF40] =	vst v4;
	v4 =	vperm.xlane v4, v13;
	v53 =	vperm.xlane v23, v0  }
0x267: {  	v54 =	vperm.xlane v24, v0;
	v55 =	vperm.xlane v25, v0;
	v0 =	vimm.s32 $0xB  }
0x268: {  	[tilespmem:$0x1FF50] =	vst v4;
	v4 =	vmin.f32 v1, v6;
	v1 =	vmin.f32 v3, v7;
	v56 =	vperm.xlane v23, v0  }
0x269: {  	v57 =	vperm.xlane v24, v0;
	v58 =	vperm.xlane v25, v0;
	v0 =	vimm.s32 $0xC  }
0x26a: {  	[tilespmem:$0x1FF80] =	vst v1;
	v1 =	vperm.xlane v1, v13;
	v59 =	vperm.xlane v23, v0  }
0x26b: {  	v60 =	vperm.xlane v24, v0;
	v61 =	vperm.xlane v25, v0;
	v0 =	vimm.s32 $0xD  }
0x26c: {  	v26 =	vimm.f32 $+Inf;
	v3 =	vperm.xlane v4, v13;
	v62 =	vperm.xlane v23, v0  }
0x26d: {  	[tilespmem:$0x1FF90] =	vst v1;
	v63 =	vperm.xlane v24, v0;
	v1 =	vperm.xlane v25, v0;
	v0 =	vimm.s32 $0xE  }
0x26e: {  	v27 =	vimm.f32 $+Inf;
	v5 =	vperm.xlane v42, v13;
	[tilespmem:$0x1FF60] =	vst v4;
	v2 =	vperm.xlane v23, v0  }
0x26f: {  	[tilespmem:$0x1FF70] =	vst v3;
	v3 =	vperm.xlane v24, v0;
	v4 =	vperm.xlane v25, v0;
	v0 =	vimm.s32 $0xF  }
0x270: {  	v32 =	vimm.f32 $+Inf;
	v37 =	vimm.f32 $+Inf;
	[tilespmem:$0x1FF30] =	vst v5;
	v5 =	vperm.xlane v23, v0  }
0x271: {  	v45 =	vimm.f32 $+Inf;
	v6 =	vperm.xlane v24, v0;
	v7 =	vperm.xlane v25, v0  }
0x272: {  	s6 =	simm.s32 $0x0;
	s23 =	simm.s32 $0x0;
	v23 =	vimm.f32 $+Inf;
	v24 =	vimm.f32 $+Inf;
	v25 =	vimm.f32 $+Inf  }
.LBB2_7:
0x273: {  	s1 =	sand.u32 $0x40, s23;
	s7 =	sand.u32 $0x1E00, s6  }
0x274: {  	s19 =	sor.u32 s1, s7  }
0x275: {  	v19 =	vld [tilespmem:s19+$0x0]  }
0x276: {  	s20 =	sor.u32 $0x10, s1;
	v21 =	vld [tilespmem:s19+$0x80]  }
0x277: {  	s21 =	sor.u32 s20, s7;
	v14 =	vld [tilespmem:s19+$0x100]  }
0x278: {  	v18 =	vld [tilespmem:s21+$0x0]  }
0x279: {  	v20 =	vld [tilespmem:s21+$0x80]  }
0x27a: {  	v8 =	vld [tilespmem:s21+$0x100]  }
0x27b: {  	s19 =	sor.u32 $0x20, s1  }
0x27c: {  	s21 =	sor.u32 s19, s7;
	v0 =	vsub.f32 v47, v19;
	v10 =	vsub.f32 v48, v21  }
0x27d: {  	s22 =	sor.u32 $0x30, s1;
	v9 =	vld [tilespmem:s21+$0x0];
	v22 =	vsub.f32 v49, v14;
	v11 =	vsub.f32 v47, v18  }
0x27e: {  	s1 =	sor.u32 s22, s7;
	s7 =	sshra.s32 s6, $0x2;
	v16 =	vld [tilespmem:s21+$0x80];
	v17 =	vsub.f32 v48, v20;
	v0 =	vmul.f32 v0, v0;
	v10 =	vmul.f32 v10, v10  }
0x27f: {  	v31 =	vld [tilespmem:s7+$0x6000];
	v44 =	vsub.f32 v50, v19;
	v34 =	vsub.f32 v49, v8;
	v22 =	vmul.f32 v22, v22  }
0x280: {  	v11 =	vmul.f32 v11, v11;
	v29 =	vmul.f32 v17, v17;
	v17 =	vld [tilespmem:s21+$0x100];
	v10 =	vadd.f32 v10, v0  }
0x281: {  	v15 =	vld [tilespmem:s1+$0x0];
	v46 =	vsub.f32 v51, v21;
	v35 =	vsub.f32 v52, v14  }
0x282: {  	v0 =	vld [tilespmem:s1+$0x80];
	v11 =	vadd.f32 v29, v11;
	v29 =	vmul.f32 v34, v34;
	v10 =	vadd.f32 v10, v22  }
0x283: {  	v38 =	vsub.f32 v50, v18;
	s21 =	sand.u32 $0x780, s23;
	v22 =	vsub.f32 v47, v9  }
0x284: {  	v41 =	vsub.f32 v48, v16;
	s21 =	sor.u32 $0x6000, s21;
	v11 =	vadd.f32 v11, v29;
	v40 =	vmin.f32 v45, v10  }
0x285: {  	s20 =	sor.u32 s20, s21;
	v29 =	vld [tilespmem:s1+$0x100];
	v10 =	vmin.f32 v31, v10;
	v22 =	vmul.f32 v22, v22;
	v36 =	vsub.f32 v49, v17  }
0x286: {  	v45 =	vld [tilespmem:s20+$0x0];
	v31 =	vmul.f32 v41, v41;
	v34 =	vmin.f32 v40, v11;
	v40 =	vsub.f32 v47, v15  }
0x287: {  	v44 =	vmul.f32 v44, v44;
	v46 =	vmul.f32 v46, v46;
	s19 =	sor.u32 s19, s21;
	v41 =	vsub.f32 v48, v0  }
0x288: {  	v28 =	vld [tilespmem:s19+$0x0];
	v36 =	vmul.f32 v36, v36;
	v22 =	vadd.f32 v31, v22;
	v31 =	vmul.f32 v40, v40  }
0x289: {  	v40 =	vmul.f32 v41, v41;
	v41 =	vadd.f32 v46, v44;
	v46 =	vsub.f32 v51, v16  }
0x28a: {  	v33 =	vsub.f32 v49, v29;
	v22 =	vadd.f32 v22, v36;
	v36 =	vmul.f32 v35, v35  }
0x28b: {  	s22 =	sor.u32 s22, s21;
	v11 =	vmin.f32 v45, v11;
	v31 =	vadd.f32 v40, v31;
	v45 =	vsub.f32 v51, v20  }
0x28c: {  	v30 =	vld [tilespmem:s22+$0x0];
	v35 =	vmul.f32 v46, v46;
	v46 =	vsub.f32 v51, v0;
	v40 =	vmul.f32 v33, v33  }
0x28d: {  	v34 =	vmin.f32 v34, v22;
	v22 =	vmin.f32 v28, v22;
	v33 =	vsub.f32 v54, v21  }
0x28e: {  	v28 =	vadd.f32 v31, v40;
	v31 =	vadd.f32 v41, v36;
	v36 =	vmul.f32 v38, v38  }
0x28f: {  	v44 =	vsub.f32 v50, v9;
	v38 =	vmul.f32 v45, v45;
	v41 =	vmul.f32 v46, v46  }
0x290: {  	v46 =	vsub.f32 v53, v19;
	v33 =	vmul.f32 v33, v33;
	v45 =	vmin.f32 v34, v28  }
0x291: {  	v28 =	vmin.f32 v30, v28;
	v30 =	vmin.f32 v37, v31;
	v37 =	vsub.f32 v52, v8  }
0x292: {  	v36 =	vadd.f32 v38, v36;
	v34 =	vmul.f32 v44, v44;
	v44 =	vsub.f32 v50, v15  }
0x293: {  	v10 =	vmin.f32 v10, v31;
	v38 =	vsub.f32 v52, v17;
	v37 =	vmul.f32 v37, v37  }
0x294: {  	v34 =	vadd.f32 v35, v34;
	v31 =	vmul.f32 v44, v44;
	v44 =	vsub.f32 v52, v29  }
0x295: {  	v40 =	vmul.f32 v38, v38;
	v38 =	vmul.f32 v46, v46;
	v46 =	vsub.f32 v54, v20  }
0x296: {  	v36 =	vadd.f32 v36, v37;
	v31 =	vadd.f32 v41, v31  }
0x297: {  	v34 =	vadd.f32 v34, v40;
	v33 =	vadd.f32 v33, v38  }
0x298: {  	v44 =	vmul.f32 v44, v44;
	v41 =	vsub.f32 v55, v14;
	v40 =	vsub.f32 v53, v9  }
0x299: {  	v37 =	vmul.f32 v46, v46;
	v38 =	vsub.f32 v55, v8;
	v46 =	vsub.f32 v55, v17  }
0x29a: {  	v30 =	vmin.f32 v30, v36;
	v11 =	vmin.f32 v11, v36;
	v31 =	vadd.f32 v31, v44  }
0x29b: {  	v44 =	vsub.f32 v53, v18;
	v36 =	vmul.f32 v41, v41;
	v41 =	vsub.f32 v54, v16  }
0x29c: {  	v22 =	vmin.f32 v22, v34;
	v40 =	vmul.f32 v40, v40;
	v35 =	vmul.f32 v38, v38  }
0x29d: {  	v30 =	vmin.f32 v30, v34;
	v34 =	vmul.f32 v44, v44;
	v41 =	vmul.f32 v41, v41  }
0x29e: {  	v33 =	vadd.f32 v33, v36;
	v44 =	vmul.f32 v46, v46;
	v28 =	vmin.f32 v28, v31  }
0x29f: {  	v34 =	vadd.f32 v37, v34;
	v37 =	vmin.f32 v30, v31;
	v30 =	vadd.f32 v41, v40  }
0x2a0: {  	v36 =	vsub.f32 v56, v19;
	v46 =	vmin.f32 v32, v33;
	v41 =	vsub.f32 v53, v15  }
0x2a1: {  	v10 =	vmin.f32 v10, v33;
	v38 =	vadd.f32 v34, v35;
	v30 =	vadd.f32 v30, v44  }
0x2a2: {  	v44 =	vsub.f32 v54, v0;
	v33 =	vmul.f32 v41, v41;
	v41 =	vsub.f32 v56, v18  }
0x2a3: {  	v31 =	vmin.f32 v46, v38;
	v11 =	vmin.f32 v11, v38;
	v46 =	vsub.f32 v55, v29  }
0x2a4: {  	v32 =	vmul.f32 v44, v44;
	v38 =	vsub.f32 v57, v21;
	v44 =	vsub.f32 v57, v20  }
0x2a5: {  	v41 =	vmul.f32 v41, v41;
	v22 =	vmin.f32 v22, v30;
	v34 =	vmul.f32 v46, v46  }
0x2a6: {  	v32 =	vadd.f32 v32, v33;
	v33 =	vmul.f32 v36, v36;
	v36 =	vmul.f32 v38, v38  }
0x2a7: {  	v38 =	vsub.f32 v58, v14;
	v44 =	vmul.f32 v44, v44;
	v46 =	vsub.f32 v58, v8  }
0x2a8: {  	v31 =	vmin.f32 v31, v30;
	v30 =	vadd.f32 v32, v34;
	v33 =	vadd.f32 v36, v33  }
0x2a9: {  	v34 =	vmul.f32 v38, v38;
	v36 =	vadd.f32 v44, v41;
	v41 =	vsub.f32 v56, v9  }
0x2aa: {  	v40 =	vmul.f32 v46, v46;
	v38 =	vsub.f32 v57, v16;
	v44 =	vsub.f32 v56, v15  }
0x2ab: {  	v32 =	vmin.f32 v31, v30;
	v28 =	vmin.f32 v28, v30;
	v30 =	vadd.f32 v33, v34  }
0x2ac: {  	v31 =	vadd.f32 v36, v40;
	v33 =	vmul.f32 v41, v41;
	v46 =	vmul.f32 v38, v38  }
0x2ad: {  	v36 =	vsub.f32 v58, v17;
	v40 =	vsub.f32 v58, v29;
	v27 =	vmin.f32 v27, v30  }
0x2ae: {  	v10 =	vmin.f32 v10, v30;
	v30 =	vadd.f32 v46, v33;
	v46 =	vsub.f32 v57, v0  }
0x2af: {  	v38 =	vsub.f32 v59, v19;
	v41 =	vsub.f32 v61, v14;
	v34 =	vmul.f32 v36, v36  }
0x2b0: {  	v36 =	vmul.f32 v44, v44;
	v44 =	vsub.f32 v60, v21;
	v33 =	vmul.f32 v46, v46  }
0x2b1: {  	v35 =	vmul.f32 v38, v38;
	v11 =	vmin.f32 v11, v31;
	v27 =	vmin.f32 v27, v31  }
0x2b2: {  	v30 =	vadd.f32 v30, v34;
	v46 =	vmul.f32 v40, v40;
	v33 =	vadd.f32 v33, v36  }
0x2b3: {  	v38 =	vmul.f32 v44, v44;
	v44 =	vsub.f32 v59, v18;
	v40 =	vsub.f32 v59, v9  }
0x2b4: {  	v27 =	vmin.f32 v27, v30;
	v22 =	vmin.f32 v22, v30;
	v30 =	vadd.f32 v33, v46  }
0x2b5: {  	v31 =	vmul.f32 v41, v41;
	v33 =	vadd.f32 v38, v35;
	v46 =	vsub.f32 v60, v20  }
0x2b6: {  	v44 =	vmul.f32 v44, v44;
	v40 =	vmul.f32 v40, v40;
	v38 =	vsub.f32 v60, v16  }
0x2b7: {  	v36 =	vsub.f32 v59, v15;
	v31 =	vadd.f32 v33, v31;
	v46 =	vmul.f32 v46, v46  }
0x2b8: {  	v27 =	vmin.f32 v27, v30;
	v28 =	vmin.f32 v28, v30;
	v41 =	vmul.f32 v38, v38  }
0x2b9: {  	v38 =	vsub.f32 v60, v0;
	v25 =	vmin.f32 v25, v31;
	v33 =	vadd.f32 v46, v44  }
0x2ba: {  	v44 =	vsub.f32 v61, v8;
	v10 =	vmin.f32 v10, v31;
	v46 =	vsub.f32 v61, v17  }
0x2bb: {  	v30 =	vadd.f32 v41, v40;
	v41 =	vsub.f32 v62, v19;
	v35 =	vmul.f32 v38, v38  }
0x2bc: {  	v38 =	vsub.f32 v62, v18;
	v34 =	vmul.f32 v44, v44;
	v31 =	vmul.f32 v46, v46  }
0x2bd: {  	v40 =	vsub.f32 v1, v8;
	v44 =	vsub.f32 v63, v21  }
0x2be: {  	v33 =	vadd.f32 v33, v34;
	v34 =	vmul.f32 v36, v36;
	v30 =	vadd.f32 v30, v31  }
0x2bf: {  	v31 =	vmul.f32 v41, v41;
	v46 =	vmul.f32 v44, v44;
	v44 =	vsub.f32 v61, v29  }
0x2c0: {  	v40 =	vmul.f32 v40, v40;
	v41 =	vsub.f32 v63, v20;
	v34 =	vadd.f32 v35, v34  }
0x2c1: {  	v25 =	vmin.f32 v25, v33;
	v31 =	vadd.f32 v46, v31;
	v46 =	vsub.f32 v1, v14  }
0x2c2: {  	v11 =	vmin.f32 v11, v33;
	v36 =	vmul.f32 v44, v44;
	v44 =	vsub.f32 v62, v9  }
0x2c3: {  	v25 =	vmin.f32 v25, v30;
	v33 =	vmul.f32 v46, v46;
	v46 =	vsub.f32 v63, v16  }
0x2c4: {  	v34 =	vadd.f32 v34, v36;
	v36 =	vmul.f32 v38, v38;
	v38 =	vmul.f32 v41, v41  }
0x2c5: {  	v44 =	vmul.f32 v44, v44;
	v41 =	vsub.f32 v62, v15;
	v31 =	vadd.f32 v31, v33  }
0x2c6: {  	v35 =	vmul.f32 v46, v46;
	v36 =	vadd.f32 v38, v36;
	v33 =	vsub.f32 v1, v17  }
0x2c7: {  	v25 =	vmin.f32 v25, v34;
	v28 =	vmin.f32 v28, v34;
	v34 =	vsub.f32 v2, v19  }
0x2c8: {  	v22 =	vmin.f32 v22, v30;
	v38 =	vsub.f32 v3, v21;
	v19 =	vsub.f32 v5, v19  }
0x2c9: {  	v41 =	vmul.f32 v41, v41;
	v21 =	vsub.f32 v6, v21;
	v30 =	vadd.f32 v35, v44  }
0x2ca: {  	v44 =	vsub.f32 v63, v0;
	v35 =	vsub.f32 v1, v29;
	v34 =	vmul.f32 v34, v34  }
0x2cb: {  	v46 =	vmul.f32 v38, v38;
	v38 =	vsub.f32 v4, v14;
	v33 =	vmul.f32 v33, v33  }
0x2cc: {  	v26 =	vmin.f32 v26, v31;
	v36 =	vadd.f32 v36, v40;
	v10 =	vmin.f32 v10, v31  }
0x2cd: {  	v19 =	vmul.f32 v19, v19;
	v21 =	vmul.f32 v21, v21;
	v14 =	vsub.f32 v7, v14  }
0x2ce: {  	v44 =	vmul.f32 v44, v44;
	v34 =	vadd.f32 v46, v34;
	v30 =	vadd.f32 v30, v33  }
0x2cf: {  	v26 =	vmin.f32 v26, v36;
	v11 =	vmin.f32 v11, v36;
	v36 =	vsub.f32 v2, v9  }
0x2d0: {  	v35 =	vmul.f32 v35, v35;
	v46 =	vsub.f32 v3, v16;
	v19 =	vadd.f32 v21, v19  }
0x2d1: {  	v38 =	vmul.f32 v38, v38;
	v21 =	vsub.f32 v4, v29;
	v9 =	vsub.f32 v5, v9  }
0x2d2: {  	v14 =	vmul.f32 v14, v14;
	v16 =	vsub.f32 v6, v16;
	v41 =	vadd.f32 v44, v41  }
0x2d3: {  	v33 =	vadd.f32 v34, v38;
	v44 =	vsub.f32 v3, v20;
	v36 =	vmul.f32 v36, v36  }
0x2d4: {  	v38 =	vmul.f32 v46, v46;
	v46 =	vsub.f32 v4, v17;
	v26 =	vmin.f32 v26, v30  }
0x2d5: {  	v22 =	vmin.f32 v22, v30;
	v20 =	vsub.f32 v6, v20;
	v21 =	vmul.f32 v21, v21  }
0x2d6: {  	v9 =	vmul.f32 v9, v9;
	v17 =	vsub.f32 v7, v17;
	v14 =	vadd.f32 v19, v14  }
0x2d7: {  	v16 =	vmul.f32 v16, v16;
	v31 =	vadd.f32 v41, v35;
	v41 =	vsub.f32 v2, v18  }
0x2d8: {  	v35 =	vmul.f32 v44, v44;
	v44 =	vsub.f32 v4, v8;
	v36 =	vadd.f32 v38, v36  }
0x2d9: {  	v24 =	vmin.f32 v24, v33;
	v10 =	vmin.f32 v10, v33;
	v18 =	vsub.f32 v5, v18  }
0x2da: {  	v20 =	vmul.f32 v20, v20;
	v8 =	vsub.f32 v7, v8;
	v9 =	vadd.f32 v16, v9  }
0x2db: {  	v38 =	vmul.f32 v17, v17;
	v10 =	vmin.f32 v10, v14;
	v34 =	vmul.f32 v41, v41  }
0x2dc: {  	v41 =	vsub.f32 v3, v0;
	v18 =	vmul.f32 v18, v18;
	v0 =	vsub.f32 v6, v0  }
0x2dd: {  	v8 =	vmul.f32 v8, v8;
	v9 =	vadd.f32 v9, v38;
	v34 =	vadd.f32 v35, v34  }
0x2de: {  	v35 =	vmul.f32 v44, v44;
	v44 =	vmul.f32 v46, v46;
	v46 =	vsub.f32 v2, v15  }
0x2df: {  	v18 =	vadd.f32 v20, v18;
	v20 =	vmin.f32 v28, v31;
	v15 =	vsub.f32 v5, v15  }
0x2e0: {  	v30 =	vadd.f32 v34, v35;
	v46 =	vmul.f32 v46, v46;
	v34 =	vmul.f32 v41, v41  }
0x2e1: {  	v0 =	vmul.f32 v0, v0;
	v28 =	vsub.f32 v7, v29;
	v15 =	vmul.f32 v15, v15  }
0x2e2: {  	v14 =	vmin.f32 v23, v14;
	v44 =	vadd.f32 v36, v44;
	v36 =	vadd.f32 v34, v46  }
0x2e3: {  	p1 =	sne.s32 s23, $0x7C0;
	v8 =	vadd.f32 v18, v8;
	v0 =	vadd.f32 v0, v15;
	v15 =	vmul.f32 v28, v28  }
.Ltmp4:
0x2e4: {  	v24 =	vmin.f32 v24, v30;
	v11 =	vmin.f32 v11, v30;
	v40 =	vadd.f32 v36, v21;
	(pc) =	sbr.rel @p1 .LBB2_7-.Ltmp4, $4  }
0x2e5: {  	[tilespmem:s7+$0x6000] =	vst v10;
	v22 =	vmin.f32 v22, v44;
	v11 =	vmin.f32 v11, v8;
	v0 =	vadd.f32 v0, v15  }
0x2e6: {  	v8 =	vmin.f32 v14, v8;
	v14 =	vmin.f32 v22, v9;
	[tilespmem:s20+$0x0] =	vst v11;
	v41 =	vmin.f32 v20, v40  }
0x2e7: {  	v44 =	vmin.f32 v24, v44;
	v8 =	vmin.f32 v8, v9;
	[tilespmem:s19+$0x0] =	vst v14;
	v46 =	vmin.f32 v41, v0  }
0x2e8: {  	s6 =	sadd.s32 $0x100, s6;
	s23 =	sadd.s32 $0x40, s23;
	v26 =	vmin.f32 v26, v31;
	v24 =	vmin.f32 v44, v40;
	v23 =	vmin.f32 v8, v0;
	[tilespmem:s22+$0x0] =	vst v46  }
0x2e9: {  	v0 =	vld [tilespmem:$0x1FEF0];
	_ =	sdelay $0x4  }
0x2ea: {  	v0 =	vmin.f32 v43, v0  }
0x2eb: {  	v0 =	vmax.f32 v0, $1.000000000e-30  }
0x2ec: {  	v1 =	vshra.s32 v0, $0x1;
	v2 =	vmul.f32 $5.000000000e-01, v0  }
0x2ed: {  	v1 =	vsub.s32 $0x5F3759DF, v1  }
0x2ee: {  	v4 =	vld [tilespmem:$0x1FF00];
	v3 =	vmul.f32 v1, v2;
	_ =	sdelay $0x1  }
0x2ef: {  	v3 =	vmul.f32 v1, v3;
	_ =	sdelay $0x1  }
0x2f0: {  	v3 =	vsub.f32 $1.500000000e+00, v3  }
0x2f1: {  	v4 =	vmin.f32 v39, v4  }
0x2f2: {  	v20 =	vld [tilespmem:$0x1FF10];
	v1 =	vmul.f32 v1, v3;
	v3 =	vmax.f32 v4, $1.000000000e-30  }
0x2f3: {  	v17 =	vld [tilespmem:$0x1FF40];
	v4 =	vshra.s32 v3, $0x1;
	v5 =	vmul.f32 $5.000000000e-01, v3  }
0x2f4: {  	v18 =	vld [tilespmem:$0x1FF50];
	v6 =	vmul.f32 v1, v2;
	v4 =	vsub.s32 $0x5F3759DF, v4  }
0x2f5: {  	v8 =	vld [tilespmem:$0x1FF20];
	v7 =	vmul.f32 v4, v5  }
0x2f6: {  	v21 =	vld [tilespmem:$0x1FF30];
	v6 =	vmul.f32 v6, v1  }
0x2f7: {  	v7 =	vmul.f32 v4, v7  }
0x2f8: {  	v6 =	vsub.f32 $1.500000000e+00, v6  }
0x2f9: {  	v17 =	vmin.f32 v17, v18;
	v7 =	vsub.f32 $1.500000000e+00, v7  }
0x2fa: {  	v17 =	vmax.f32 v17, $1.000000000e-30;
	v1 =	vmul.f32 v6, v1;
	v6 =	vmin.f32 v20, v8  }
0x2fb: {  	v20 =	vld [tilespmem:$0x1FF60];
	v4 =	vmul.f32 v4, v7;
	v6 =	vmax.f32 v6, $1.000000000e-30;
	v7 =	vmin.f32 v42, v21  }
0x2fc: {  	v21 =	vld [tilespmem:$0x1FF70];
	v22 =	vshra.s32 v6, $0x1;
	v9 =	vmul.f32 $5.000000000e-01, v6;
	v7 =	vmax.f32 v7, $1.000000000e-30  }
0x2fd: {  	v8 =	vsub.s32 $0x5F3759DF, v22;
	v10 =	vshra.s32 v7, $0x1;
	v11 =	vmul.f32 $5.000000000e-01, v7  }
0x2fe: {  	v19 =	vmul.f32 $5.000000000e-01, v17;
	v14 =	vmul.f32 v8, v9;
	v10 =	vsub.s32 $0x5F3759DF, v10  }
0x2ff: {  	v28 =	vshra.s32 v17, $0x1;
	v15 =	vmul.f32 v4, v5;
	v16 =	vmul.f32 v10, v11  }
0x300: {  	v18 =	vsub.s32 $0x5F3759DF, v28;
	v2 =	vmul.f32 v1, v2;
	v14 =	vmul.f32 v8, v14  }
0x301: {  	v15 =	vmul.f32 v15, v4;
	v20 =	vmin.f32 v20, v21;
	v16 =	vmul.f32 v10, v16  }
0x302: {  	v2 =	vmul.f32 v2, v1;
	v20 =	vmax.f32 v20, $1.000000000e-30;
	v14 =	vsub.f32 $1.500000000e+00, v14  }
0x303: {  	v15 =	vsub.f32 $1.500000000e+00, v15;
	v22 =	vmul.f32 $5.000000000e-01, v20;
	v16 =	vsub.f32 $1.500000000e+00, v16  }
0x304: {  	v8 =	vmul.f32 v8, v14;
	v14 =	vmul.f32 v18, v19  }
0x305: {  	v2 =	vsub.f32 $1.500000000e+00, v2;
	v4 =	vmul.f32 v15, v4;
	v10 =	vmul.f32 v10, v16  }
0x306: {  	v29 =	vshra.s32 v20, $0x1;
	v15 =	vmul.f32 v8, v9;
	v14 =	vmul.f32 v18, v14  }
0x307: {  	v1 =	vmul.f32 v2, v1;
	v30 =	vsub.s32 $0x5F3759DF, v29;
	v16 =	vmul.f32 v10, v11  }
0x308: {  	v29 =	vld [tilespmem:$0x1FFE0];
	v21 =	vmul.f32 v30, v22;
	v15 =	vmul.f32 v15, v8;
	v14 =	vsub.f32 $1.500000000e+00, v14  }
0x309: {  	v5 =	vmul.f32 v4, v5;
	v16 =	vmul.f32 v16, v10  }
0x30a: {  	v0 =	vmul.f32 v1, v0;
	v15 =	vsub.f32 $1.500000000e+00, v15;
	v14 =	vmul.f32 v18, v14  }
0x30b: {  	v31 =	vmul.f32 v30, v21;
	v5 =	vmul.f32 v5, v4;
	v16 =	vsub.f32 $1.500000000e+00, v16  }
0x30c: {  	v8 =	vmul.f32 v15, v8;
	v15 =	vmul.f32 v14, v19  }
0x30d: {  	v33 =	vsub.f32 $1.500000000e+00, v31;
	v42 =	vperm.xlane v45, v29;
	v10 =	vmul.f32 v16, v10  }
0x30e: {  	v5 =	vsub.f32 $1.500000000e+00, v5;
	v9 =	vmul.f32 v8, v9;
	v15 =	vmul.f32 v15, v14  }
0x30f: {  	v40 =	vld [tilespmem:$0x1FF80];
	v2 =	vmul.f32 v10, v11;
	v11 =	vmul.f32 v30, v33  }
0x310: {  	v41 =	vld [tilespmem:$0x1FF90];
	v4 =	vmul.f32 v5, v4;
	v34 =	vmul.f32 v9, v8;
	v35 =	vsub.f32 $1.500000000e+00, v15  }
0x311: {  	v30 =	vld [tilespmem:$0x1FFF0];
	v2 =	vmul.f32 v2, v10;
	v36 =	vmul.f32 v11, v22  }
0x312: {  	v46 =	vld [tilespmem:$0x1FFA0];
	v62 =	vperm.xlane v32, v29;
	v1 =	vmul.f32 v35, v14;
	v5 =	vsub.f32 $1.500000000e+00, v34  }
0x313: {  	v3 =	vmul.f32 v4, v3;
	v14 =	vld [tilespmem:$0x1FFB0];
	v2 =	vsub.f32 $1.500000000e+00, v2;
	v4 =	vmul.f32 v36, v11  }
0x314: {  	v5 =	vmul.f32 v5, v8;
	v38 =	vmul.f32 v1, v19  }
0x315: {  	v8 =	vmin.f32 v45, v42;
	v42 =	vperm.xlane v27, v29;
	v2 =	vmul.f32 v2, v10  }
0x316: {  	v4 =	vsub.f32 $1.500000000e+00, v4;
	v15 =	vperm.xlane v8, v30;
	v5 =	vmul.f32 v5, v6  }
0x317: {  	v39 =	vmul.f32 v38, v1;
	v2 =	vmul.f32 v2, v7  }
0x318: {  	v28 =	vld [tilespmem:$0x1FFC0];
	v7 =	vmin.f32 v40, v41;
	v4 =	vmul.f32 v4, v11;
	v11 =	vmin.f32 v46, v14  }
0x319: {  	v8 =	vmin.f32 v8, v15;
	v6 =	vsub.f32 $1.500000000e+00, v39;
	v7 =	vmax.f32 v7, $1.000000000e-30  }
0x31a: {  	v11 =	vmax.f32 v11, $1.000000000e-30;
	v43 =	vshra.s32 v7, $0x1;
	v44 =	vmul.f32 $5.000000000e-01, v7  }
0x31b: {  	v48 =	vshra.s32 v11, $0x1;
	v49 =	vmul.f32 $5.000000000e-01, v11;
	v9 =	vsub.s32 $0x5F3759DF, v43  }
0x31c: {  	v50 =	vperm.xlane v8, v12;
	v18 =	vsub.s32 $0x5F3759DF, v48;
	v14 =	vmul.f32 v9, v44  }
0x31d: {  	v0 =	vadd.f32 v0, v28;
	v47 =	vmul.f32 v4, v22;
	v15 =	vmul.f32 v18, v49  }
0x31e: {  	v1 =	vmul.f32 v6, v1;
	v8 =	vmin.f32 v8, v50;
	v14 =	vmul.f32 v9, v14  }
0x31f: {  	v0 =	vadd.f32 v3, v0;
	v52 =	vperm.xlane v8, v13;
	v15 =	vmul.f32 v18, v15  }
0x320: {  	v16 =	vmul.f32 v47, v4;
	v51 =	vsub.f32 $1.500000000e+00, v14;
	v14 =	vperm.xlane v37, v29  }
0x321: {  	v1 =	vmul.f32 v1, v17;
	v8 =	vmin.f32 v8, v52;
	v15 =	vsub.f32 $1.500000000e+00, v15  }
0x322: {  	v8 =	vmax.f32 v8, $1.000000000e-30;
	v6 =	vmul.f32 v9, v51;
	v14 =	vmin.f32 v37, v14  }
0x323: {  	v55 =	vmul.f32 v18, v15;
	v15 =	vshra.s32 v8, $0x1;
	v53 =	vperm.xlane v14, v30  }
0x324: {  	v16 =	vsub.f32 $1.500000000e+00, v16;
	v56 =	vmul.f32 $5.000000000e-01, v8;
	v15 =	vsub.s32 $0x5F3759DF, v15  }
0x325: {  	v54 =	vmul.f32 v6, v44;
	v59 =	vmul.f32 v55, v49;
	v14 =	vmin.f32 v14, v53  }
0x326: {  	v60 =	vmul.f32 v15, v56;
	v57 =	vperm.xlane v14, v12  }
0x327: {  	v5 =	vadd.f32 v5, v0;
	v4 =	vmul.f32 v16, v4;
	v58 =	vmul.f32 v54, v6  }
0x328: {  	v21 =	vmul.f32 v59, v55;
	v18 =	vmul.f32 v15, v60;
	v14 =	vmin.f32 v14, v57  }
0x329: {  	v52 =	vperm.xlane v25, v29;
	v16 =	vsub.f32 $1.500000000e+00, v58;
	v61 =	vperm.xlane v14, v13  }
0x32a: {  	v4 =	vmul.f32 v4, v20;
	v63 =	vsub.f32 $1.500000000e+00, v21;
	v18 =	vsub.f32 $1.500000000e+00, v18  }
0x32b: {  	v6 =	vmul.f32 v16, v6;
	v16 =	vmin.f32 v32, v62;
	v14 =	vmin.f32 v14, v61  }
0x32c: {  	v15 =	vmul.f32 v15, v18;
	v9 =	vmul.f32 v63, v55;
	v14 =	vmax.f32 v14, $1.000000000e-30  }
0x32d: {  	v34 =	vperm.xlane v16, v30;
	v31 =	vshra.s32 v14, $0x1;
	v32 =	vmul.f32 $5.000000000e-01, v14  }
0x32e: {  	v10 =	vmul.f32 v6, v44;
	v36 =	vmul.f32 v15, v56;
	v33 =	vsub.s32 $0x5F3759DF, v31  }
0x32f: {  	v39 =	vmul.f32 v9, v49;
	v16 =	vmin.f32 v16, v34;
	v35 =	vmul.f32 v33, v32  }
0x330: {  	v43 =	vmin.f32 v27, v42;
	v38 =	vperm.xlane v16, v12;
	v40 =	vmul.f32 v36, v15  }
0x331: {  	v2 =	vadd.f32 v2, v5;
	v3 =	vmul.f32 v10, v6;
	v37 =	vmul.f32 v33, v35  }
0x332: {  	v10 =	vmul.f32 v39, v9;
	v16 =	vmin.f32 v16, v38;
	v19 =	vsub.f32 $1.500000000e+00, v40  }
0x333: {  	v21 =	vperm.xlane v43, v30;
	v0 =	vperm.xlane v16, v13;
	v41 =	vsub.f32 $1.500000000e+00, v37  }
0x334: {  	v3 =	vsub.f32 $1.500000000e+00, v3;
	v47 =	vsub.f32 $1.500000000e+00, v10;
	v15 =	vmul.f32 v19, v15  }
0x335: {  	v0 =	vmin.f32 v16, v0;
	v16 =	vmin.f32 v43, v21;
	v18 =	vmul.f32 v33, v41  }
0x336: {  	v3 =	vmul.f32 v3, v6;
	v0 =	vmax.f32 v0, $1.000000000e-30;
	v21 =	vperm.xlane v16, v12  }
0x337: {  	v44 =	vshra.s32 v0, $0x1;
	v45 =	vmul.f32 $5.000000000e-01, v0;
	v20 =	vmul.f32 v18, v32  }
0x338: {  	v6 =	vmul.f32 v47, v9;
	v17 =	vmul.f32 v15, v56;
	v19 =	vsub.s32 $0x5F3759DF, v44  }
0x339: {  	v16 =	vmin.f32 v16, v21;
	v46 =	vmul.f32 v19, v45;
	v20 =	vmul.f32 v20, v18  }
0x33a: {  	v1 =	vadd.f32 v1, v2;
	v50 =	vmul.f32 v17, v15;
	v49 =	vperm.xlane v16, v13  }
0x33b: {  	v3 =	vmul.f32 v3, v7;
	v5 =	vmul.f32 v19, v46;
	v48 =	vsub.f32 $1.500000000e+00, v20  }
0x33c: {  	v7 =	vsub.f32 $1.500000000e+00, v50;
	v10 =	vmin.f32 v16, v49;
	v16 =	vmin.f32 v25, v52  }
0x33d: {  	v10 =	vmax.f32 v10, $1.000000000e-30;
	v5 =	vsub.f32 $1.500000000e+00, v5;
	v2 =	vmul.f32 v48, v18  }
0x33e: {  	v56 =	vperm.xlane v16, v30;
	v53 =	vshra.s32 v10, $0x1;
	v54 =	vmul.f32 $5.000000000e-01, v10  }
0x33f: {  	v17 =	vsub.s32 $0x5F3759DF, v53;
	v5 =	vmul.f32 v19, v5;
	v51 =	vmul.f32 v2, v32  }
0x340: {  	v7 =	vmul.f32 v7, v15;
	v55 =	vmul.f32 v17, v54  }
0x341: {  	v16 =	vmin.f32 v16, v56;
	v19 =	vmul.f32 v5, v45;
	v9 =	vmul.f32 v51, v2  }
0x342: {  	v59 =	vperm.xlane v16, v12;
	v15 =	vmul.f32 v17, v55  }
0x343: {  	v6 =	vmul.f32 v6, v11;
	v57 =	vmul.f32 v19, v5;
	v9 =	vsub.f32 $1.500000000e+00, v9  }
0x344: {  	v7 =	vmul.f32 v7, v8;
	v61 =	vmin.f32 v16, v59;
	v60 =	vsub.f32 $1.500000000e+00, v15  }
0x345: {  	v15 =	vperm.xlane v26, v29;
	v58 =	vsub.f32 $1.500000000e+00, v57;
	v2 =	vmul.f32 v9, v2  }
0x346: {  	v11 =	vperm.xlane v61, v13;
	v8 =	vmul.f32 v17, v60  }
0x347: {  	v5 =	vmul.f32 v58, v5;
	v2 =	vmul.f32 v2, v14;
	v14 =	vmin.f32 v26, v15  }
0x348: {  	v1 =	vadd.f32 v4, v1;
	v15 =	vperm.xlane v24, v29;
	v62 =	vperm.xlane v14, v30  }
0x349: {  	v17 =	vmul.f32 v8, v54;
	v9 =	vmin.f32 v61, v11;
	v63 =	vmul.f32 v5, v45  }
0x34a: {  	v31 =	vmin.f32 v24, v15;
	v4 =	vmin.f32 v14, v62;
	v14 =	vperm.xlane v23, v29  }
0x34b: {  	v9 =	vmax.f32 v9, $1.000000000e-30;
	v32 =	vperm.xlane v31, v30;
	v15 =	vperm.xlane v4, v12  }
0x34c: {  	v33 =	vshra.s32 v9, $0x1;
	v34 =	vmul.f32 $5.000000000e-01, v9;
	v14 =	vmin.f32 v23, v14  }
0x34d: {  	v11 =	vmin.f32 v31, v32;
	v4 =	vmin.f32 v4, v15;
	v15 =	vperm.xlane v14, v30  }
0x34e: {  	v35 =	vsub.s32 $0x5F3759DF, v33;
	v37 =	vperm.xlane v11, v12;
	v36 =	vperm.xlane v4, v13  }
0x34f: {  	v17 =	vmul.f32 v17, v8;
	v38 =	vmul.f32 v35, v34;
	v14 =	vmin.f32 v14, v15  }
0x350: {  	v11 =	vmin.f32 v11, v37;
	v4 =	vmin.f32 v4, v36;
	v15 =	vperm.xlane v14, v12  }
0x351: {  	v39 =	vmul.f32 v35, v38;
	v22 =	vperm.xlane v11, v13;
	v4 =	vmax.f32 v4, $1.000000000e-30  }
0x352: {  	v40 =	vshra.s32 v4, $0x1;
	v41 =	vmul.f32 $5.000000000e-01, v4;
	v14 =	vmin.f32 v14, v15  }
0x353: {  	v11 =	vmin.f32 v11, v22;
	v15 =	vsub.s32 $0x5F3759DF, v40;
	v42 =	vperm.xlane v14, v13  }
0x354: {  	v20 =	vsub.f32 $1.500000000e+00, v39;
	v11 =	vmax.f32 v11, $1.000000000e-30;
	v23 =	vmul.f32 v15, v41  }
0x355: {  	v43 =	vshra.s32 v11, $0x1;
	v44 =	vmul.f32 $5.000000000e-01, v11;
	v14 =	vmin.f32 v14, v42  }
0x356: {  	v46 =	vsub.s32 $0x5F3759DF, v43;
	v45 =	vmul.f32 v15, v23;
	v14 =	vmax.f32 v14, $1.000000000e-30  }
0x357: {  	v25 =	vmul.f32 v46, v44;
	v47 =	vshra.s32 v14, $0x1;
	v48 =	vmul.f32 $5.000000000e-01, v14  }
0x358: {  	v19 =	vmul.f32 v35, v20;
	v49 =	vsub.f32 $1.500000000e+00, v45;
	v50 =	vsub.s32 $0x5F3759DF, v47  }
0x359: {  	v17 =	vsub.f32 $1.500000000e+00, v17;
	v25 =	vmul.f32 v46, v25;
	v27 =	vmul.f32 v50, v48  }
0x35a: {  	v1 =	vadd.f32 v3, v1;
	v3 =	vmul.f32 v19, v34;
	v15 =	vmul.f32 v15, v49  }
0x35b: {  	v8 =	vmul.f32 v17, v8;
	v51 =	vsub.f32 $1.500000000e+00, v25;
	v52 =	vmul.f32 v50, v27  }
0x35c: {  	v1 =	vadd.f32 v6, v1;
	v3 =	vmul.f32 v3, v19;
	v53 =	vmul.f32 v15, v41  }
0x35d: {  	v16 =	vmul.f32 v63, v5;
	v17 =	vmul.f32 v46, v51;
	v20 =	vsub.f32 $1.500000000e+00, v52  }
0x35e: {  	v18 =	vmul.f32 v8, v54;
	v3 =	vsub.f32 $1.500000000e+00, v3;
	v6 =	vmul.f32 v53, v15  }
0x35f: {  	v1 =	vadd.f32 v7, v1;
	v54 =	vmul.f32 v17, v44;
	v20 =	vmul.f32 v50, v20  }
0x360: {  	v18 =	vmul.f32 v18, v8;
	v3 =	vmul.f32 v3, v19;
	v6 =	vsub.f32 $1.500000000e+00, v6  }
0x361: {  	v16 =	vsub.f32 $1.500000000e+00, v16;
	v7 =	vmul.f32 v54, v17;
	v55 =	vmul.f32 v20, v48  }
0x362: {  	v1 =	vadd.f32 v2, v1;
	v2 =	vmul.f32 v3, v34;
	v6 =	vmul.f32 v6, v15  }
0x363: {  	v5 =	vmul.f32 v16, v5;
	v7 =	vsub.f32 $1.500000000e+00, v7;
	v15 =	vmul.f32 v55, v20  }
0x364: {  	v56 =	vsub.f32 $1.500000000e+00, v18;
	v2 =	vmul.f32 v2, v3;
	v57 =	vmul.f32 v6, v41  }
0x365: {  	v0 =	vmul.f32 v5, v0;
	v58 =	vmul.f32 v7, v17;
	v59 =	vsub.f32 $1.500000000e+00, v15  }
0x366: {  	v8 =	vmul.f32 v56, v8;
	v2 =	vsub.f32 $1.500000000e+00, v2;
	v15 =	vmul.f32 v57, v6  }
0x367: {  	v60 =	vmul.f32 v58, v44;
	v7 =	vmul.f32 v59, v20  }
0x368: {  	v0 =	vadd.f32 v0, v1;
	v1 =	vmul.f32 v8, v10;
	v2 =	vmul.f32 v2, v3  }
0x369: {  	v3 =	vsub.f32 $1.500000000e+00, v15;
	v61 =	vmul.f32 v60, v58;
	v62 =	vmul.f32 v7, v48  }
0x36a: {  	v0 =	vadd.f32 v1, v0;
	v1 =	vmul.f32 v2, v9  }
0x36b: {  	v2 =	vmul.f32 v3, v6;
	v3 =	vsub.f32 $1.500000000e+00, v61;
	v63 =	vmul.f32 v62, v7  }
0x36c: {  	v0 =	vadd.f32 v1, v0  }
0x36d: {  	v1 =	vmul.f32 v2, v4;
	v2 =	vmul.f32 v3, v58;
	v3 =	vsub.f32 $1.500000000e+00, v63  }
0x36e: {  	s4 =	sadd.s32 $0x1, s4  }
0x36f: {  	p1 =	sne.s32 s4, $0x8;
	v0 =	vadd.f32 v1, v0;
	v1 =	vmul.f32 v2, v11;
	v2 =	vmul.f32 v3, v7  }
.Ltmp5:
0x370: {  	_ = 	snop;
	(pc) =	sbr.rel @p1 .LBB2_4-.Ltmp5, $2  }
0x371: {  	v0 =	vadd.f32 v1, v0;
	v1 =	vmul.f32 v2, v14;
	_ =	sdelay $0x1  }
0x372: {  	v0 =	vadd.f32 v1, v0;
	_ =	sdelay $0x1  }
0x373: {  	[tilespmem:$0x6800] =	vst v0;
	s21 =	simm.s32 $0x0;
	s1 =	rddreg [dreg:$0x6];
	s4 =	simm.s32 $0x6800  }
0x374: {  	[hbm4b:s1+s21] =	stream.linear.scatter [tilespmem:s4], [sflag:$0x1], $0x80, $0x38;
	[tilespmem:$0xF100] =	vst v63  }
0x375: {  	_ =	swait.ge [sflag:s12], $0x80  }
0x376: {  	s23 =	simm.s32 $0x80;
	s6 =	simm.s32 $0x400;
	[sflag:s12] =	ssyncset.done $0x0  }
0x377: {  	s7 =	simm.s32 $0x6000;
	s22 =	rddreg [dreg:$0x7];
	[sflag:s12] =	ssyncadd.s32 $0xFFFFFF80  }
0x378: {  	[spmem:s22] =	stream.strided.scatter [tilespmem:s7], [sflag:$0x1], $0x800, s6, s23, $0x38;
	[tilespmem:$0xF100] =	vst v63  }
.Ltmp6:
0x379: {  	_ =	swait.ge [sflag:s12], $0x800;
	(pc) =	sbr.rel @p0 .LBB2_13-.Ltmp6, $3  }
0x37a: {  	[sflag:s12] =	ssyncset.done $0x0  }
0x37b: {  	[sflag:s12] =	ssyncadd.s32 $0xFFFFF800  }
0x37c: {  	[bflag:$0x0] =	sbarrier.arrive $0xFFFF;
	_ =	sdelay $0x1  }
0x37d: {  	s1 =	rddreg [dreg:$0x7]  }
0x37e: {  	s4 =	simm.s32 $0x6900;
	s22 =	sld [smem:$0x7EF]  }
0x37f: {  	[tilespmem:s4], [sflag:$0x1] =	stream.linear.gather [spmem:s1], $0x80, $0x38;
	[tilespmem:$0xF100] =	vst v63  }
0x380: {  	s23 =	simm.s32 $0x6D00;
	s6 =	sld [smem:$0x7F0]  }
0x381: {  	[tilespmem:s23], [sflag:$0x1] =	stream.linear.gather [spmem:s22], $0x80, $0x38;
	[tilespmem:$0xF100] =	vst v63  }
0x382: {  	s7 =	simm.s32 $0x7100;
	s19 =	sld [smem:$0x7F1]  }
0x383: {  	[tilespmem:s7], [sflag:$0x1] =	stream.linear.gather [spmem:s6], $0x80, $0x38;
	[tilespmem:$0xF100] =	vst v63  }
0x384: {  	s20 =	simm.s32 $0x7500;
	s22 =	sld [smem:$0x7F2]  }
0x385: {  	[tilespmem:s20], [sflag:$0x1] =	stream.linear.gather [spmem:s19], $0x80, $0x38;
	[tilespmem:$0xF100] =	vst v63  }
0x386: {  	s23 =	simm.s32 $0x7900;
	s6 =	sld [smem:$0x7F3]  }
0x387: {  	[tilespmem:s23], [sflag:$0x1] =	stream.linear.gather [spmem:s22], $0x80, $0x38;
	[tilespmem:$0xF100] =	vst v63  }
0x388: {  	s7 =	simm.s32 $0x7D00;
	s19 =	sld [smem:$0x7F4]  }
0x389: {  	[tilespmem:s7], [sflag:$0x1] =	stream.linear.gather [spmem:s6], $0x80, $0x38;
	[tilespmem:$0xF100] =	vst v63  }
0x38a: {  	s20 =	simm.s32 $0x8100;
	s22 =	sld [smem:$0x7F5]  }
0x38b: {  	[tilespmem:s20], [sflag:$0x1] =	stream.linear.gather [spmem:s19], $0x80, $0x38;
	[tilespmem:$0xF100] =	vst v63  }
0x38c: {  	s23 =	simm.s32 $0x8500;
	s6 =	sld [smem:$0x7F6]  }
0x38d: {  	[tilespmem:s23], [sflag:$0x1] =	stream.linear.gather [spmem:s22], $0x80, $0x38;
	[tilespmem:$0xF100] =	vst v63  }
0x38e: {  	s7 =	simm.s32 $0x8900;
	s19 =	sld [smem:$0x7F7]  }
0x38f: {  	[tilespmem:s7], [sflag:$0x1] =	stream.linear.gather [spmem:s6], $0x80, $0x38;
	[tilespmem:$0xF100] =	vst v63  }
0x390: {  	s20 =	simm.s32 $0x8D00;
	s22 =	sld [smem:$0x7F8]  }
0x391: {  	[tilespmem:s20], [sflag:$0x1] =	stream.linear.gather [spmem:s19], $0x80, $0x38;
	[tilespmem:$0xF100] =	vst v63  }
0x392: {  	s23 =	simm.s32 $0x9100;
	s6 =	sld [smem:$0x7F9]  }
0x393: {  	[tilespmem:s23], [sflag:$0x1] =	stream.linear.gather [spmem:s22], $0x80, $0x38;
	[tilespmem:$0xF100] =	vst v63  }
0x394: {  	s7 =	simm.s32 $0x9500;
	s19 =	sld [smem:$0x7FA]  }
0x395: {  	[tilespmem:s7], [sflag:$0x1] =	stream.linear.gather [spmem:s6], $0x80, $0x38;
	[tilespmem:$0xF100] =	vst v63  }
0x396: {  	s20 =	simm.s32 $0x9900;
	s22 =	sld [smem:$0x7FB]  }
0x397: {  	[tilespmem:s20], [sflag:$0x1] =	stream.linear.gather [spmem:s19], $0x80, $0x38;
	[tilespmem:$0xF100] =	vst v63  }
0x398: {  	s23 =	simm.s32 $0x9D00;
	s6 =	sld [smem:$0x7FC]  }
0x399: {  	[tilespmem:s23], [sflag:$0x1] =	stream.linear.gather [spmem:s22], $0x80, $0x38;
	[tilespmem:$0xF100] =	vst v63  }
0x39a: {  	s7 =	simm.s32 $0xA100;
	s19 =	sld [smem:$0x7FD]  }
0x39b: {  	[tilespmem:s7], [sflag:$0x1] =	stream.linear.gather [spmem:s6], $0x80, $0x38;
	[tilespmem:$0xF100] =	vst v63  }
0x39c: {  	s20 =	simm.s32 $0xA500  }
0x39d: {  	[tilespmem:s20], [sflag:$0x1] =	stream.linear.gather [spmem:s19], $0x80, $0x38;
	[tilespmem:$0xF100] =	vst v63  }
0x39e: {  	_ =	swait.ge [sflag:s12], $0x800  }
0x39f: {  	[sflag:s12] =	ssyncset.done $0x0;
	s22 =	rddreg [dreg:$0x8]  }
0x3a0: {  	s23 =	simm.s32 $0x6980;
	s6 =	rddreg [dreg:$0x19];
	[sflag:s12] =	ssyncadd.s32 $0xFFFFF800  }
0x3a1: {  	[tilespmem:s23], [sflag:$0x1] =	stream.linear.gather [spmem:s22], $0x80, $0x38;
	[tilespmem:$0xF100] =	vst v63  }
0x3a2: {  	s7 =	simm.s32 $0x6D80;
	s19 =	rddreg [dreg:$0x1a]  }
0x3a3: {  	[tilespmem:s7], [sflag:$0x1] =	stream.linear.gather [spmem:s6], $0x80, $0x38;
	[tilespmem:$0xF100] =	vst v63  }
0x3a4: {  	s20 =	simm.s32 $0x7180;
	s22 =	rddreg [dreg:$0x1b]  }
0x3a5: {  	[tilespmem:s20], [sflag:$0x1] =	stream.linear.gather [spmem:s19], $0x80, $0x38;
	[tilespmem:$0xF100] =	vst v63  }
0x3a6: {  	s23 =	simm.s32 $0x7580;
	s6 =	rddreg [dreg:$0x1c]  }
0x3a7: {  	[tilespmem:s23], [sflag:$0x1] =	stream.linear.gather [spmem:s22], $0x80, $0x38;
	[tilespmem:$0xF100] =	vst v63  }
0x3a8: {  	s7 =	simm.s32 $0x7980;
	s19 =	rddreg [dreg:$0x1d]  }
0x3a9: {  	[tilespmem:s7], [sflag:$0x1] =	stream.linear.gather [spmem:s6], $0x80, $0x38;
	[tilespmem:$0xF100] =	vst v63  }
0x3aa: {  	s20 =	simm.s32 $0x7D80;
	s22 =	rddreg [dreg:$0x1e]  }
0x3ab: {  	[tilespmem:s20], [sflag:$0x1] =	stream.linear.gather [spmem:s19], $0x80, $0x38;
	[tilespmem:$0xF100] =	vst v63  }
0x3ac: {  	s23 =	simm.s32 $0x8180;
	s6 =	rddreg [dreg:$0x1f]  }
0x3ad: {  	[tilespmem:s23], [sflag:$0x1] =	stream.linear.gather [spmem:s22], $0x80, $0x38;
	[tilespmem:$0xF100] =	vst v63  }
0x3ae: {  	s7 =	simm.s32 $0x8580;
	s19 =	sld [smem:$0x711]  }
0x3af: {  	[tilespmem:s7], [sflag:$0x1] =	stream.linear.gather [spmem:s6], $0x80, $0x38;
	[tilespmem:$0xF100] =	vst v63  }
0x3b0: {  	s20 =	simm.s32 $0x8980;
	s22 =	sld [smem:$0x712]  }
0x3b1: {  	[tilespmem:s20], [sflag:$0x1] =	stream.linear.gather [spmem:s19], $0x80, $0x38;
	[tilespmem:$0xF100] =	vst v63  }
0x3b2: {  	s23 =	simm.s32 $0x8D80;
	s6 =	sld [smem:$0x713]  }
0x3b3: {  	[tilespmem:s23], [sflag:$0x1] =	stream.linear.gather [spmem:s22], $0x80, $0x38;
	[tilespmem:$0xF100] =	vst v63  }
0x3b4: {  	s7 =	simm.s32 $0x9180;
	s19 =	sld [smem:$0x714]  }
0x3b5: {  	[tilespmem:s7], [sflag:$0x1] =	stream.linear.gather [spmem:s6], $0x80, $0x38;
	[tilespmem:$0xF100] =	vst v63  }
0x3b6: {  	s20 =	simm.s32 $0x9580;
	s22 =	sld [smem:$0x715]  }
0x3b7: {  	[tilespmem:s20], [sflag:$0x1] =	stream.linear.gather [spmem:s19], $0x80, $0x38;
	[tilespmem:$0xF100] =	vst v63  }
0x3b8: {  	s23 =	simm.s32 $0x9980;
	s6 =	sld [smem:$0x716]  }
0x3b9: {  	[tilespmem:s23], [sflag:$0x1] =	stream.linear.gather [spmem:s22], $0x80, $0x38;
	[tilespmem:$0xF100] =	vst v63  }
0x3ba: {  	s7 =	simm.s32 $0x9D80;
	s19 =	sld [smem:$0x717]  }
0x3bb: {  	[tilespmem:s7], [sflag:$0x1] =	stream.linear.gather [spmem:s6], $0x80, $0x38;
	[tilespmem:$0xF100] =	vst v63  }
0x3bc: {  	s20 =	simm.s32 $0xA180;
	s22 =	sld [smem:$0x718]  }
0x3bd: {  	[tilespmem:s20], [sflag:$0x1] =	stream.linear.gather [spmem:s19], $0x80, $0x38;
	[tilespmem:$0xF100] =	vst v63  }
0x3be: {  	s23 =	simm.s32 $0xA580  }
0x3bf: {  	[tilespmem:s23], [sflag:$0x1] =	stream.linear.gather [spmem:s22], $0x80, $0x38;
	[tilespmem:$0xF100] =	vst v63  }
0x3c0: {  	_ =	swait.ge [sflag:s12], $0x800  }
0x3c1: {  	[sflag:s12] =	ssyncset.done $0x0;
	s6 =	rddreg [dreg:$0x9]  }
0x3c2: {  	s7 =	simm.s32 $0x6A00;
	s19 =	sld [smem:$0x719];
	[sflag:s12] =	ssyncadd.s32 $0xFFFFF800  }
0x3c3: {  	[tilespmem:s7], [sflag:$0x1] =	stream.linear.gather [spmem:s6], $0x80, $0x38;
	[tilespmem:$0xF100] =	vst v63  }
0x3c4: {  	s20 =	simm.s32 $0x6E00;
	s22 =	sld [smem:$0x71A]  }
0x3c5: {  	[tilespmem:s20], [sflag:$0x1] =	stream.linear.gather [spmem:s19], $0x80, $0x38;
	[tilespmem:$0xF100] =	vst v63  }
0x3c6: {  	s23 =	simm.s32 $0x7200;
	s6 =	sld [smem:$0x71B]  }
0x3c7: {  	[tilespmem:s23], [sflag:$0x1] =	stream.linear.gather [spmem:s22], $0x80, $0x38;
	[tilespmem:$0xF100] =	vst v63  }
0x3c8: {  	s7 =	simm.s32 $0x7600;
	s19 =	sld [smem:$0x71C]  }
0x3c9: {  	[tilespmem:s7], [sflag:$0x1] =	stream.linear.gather [spmem:s6], $0x80, $0x38;
	[tilespmem:$0xF100] =	vst v63  }
0x3ca: {  	s20 =	simm.s32 $0x7A00;
	s22 =	sld [smem:$0x71D]  }
0x3cb: {  	[tilespmem:s20], [sflag:$0x1] =	stream.linear.gather [spmem:s19], $0x80, $0x38;
	[tilespmem:$0xF100] =	vst v63  }
0x3cc: {  	s23 =	simm.s32 $0x7E00;
	s6 =	sld [smem:$0x71E]  }
0x3cd: {  	[tilespmem:s23], [sflag:$0x1] =	stream.linear.gather [spmem:s22], $0x80, $0x38;
	[tilespmem:$0xF100] =	vst v63  }
0x3ce: {  	s7 =	simm.s32 $0x8200;
	s19 =	sld [smem:$0x71F]  }
0x3cf: {  	[tilespmem:s7], [sflag:$0x1] =	stream.linear.gather [spmem:s6], $0x80, $0x38;
	[tilespmem:$0xF100] =	vst v63  }
0x3d0: {  	s20 =	simm.s32 $0x8600;
	s22 =	sld [smem:$0x720]  }
0x3d1: {  	[tilespmem:s20], [sflag:$0x1] =	stream.linear.gather [spmem:s19], $0x80, $0x38;
	[tilespmem:$0xF100] =	vst v63  }
0x3d2: {  	s23 =	simm.s32 $0x8A00;
	s6 =	sld [smem:$0x721]  }
0x3d3: {  	[tilespmem:s23], [sflag:$0x1] =	stream.linear.gather [spmem:s22], $0x80, $0x38;
	[tilespmem:$0xF100] =	vst v63  }
0x3d4: {  	s7 =	simm.s32 $0x8E00;
	s19 =	sld [smem:$0x722]  }
0x3d5: {  	[tilespmem:s7], [sflag:$0x1] =	stream.linear.gather [spmem:s6], $0x80, $0x38;
	[tilespmem:$0xF100] =	vst v63  }
0x3d6: {  	s20 =	simm.s32 $0x9200;
	s22 =	sld [smem:$0x723]  }
0x3d7: {  	[tilespmem:s20], [sflag:$0x1] =	stream.linear.gather [spmem:s19], $0x80, $0x38;
	[tilespmem:$0xF100] =	vst v63  }
0x3d8: {  	s4 =	sld [smem:$0x724];
	s23 =	simm.s32 $0x9600  }
0x3d9: {  	[tilespmem:s23], [sflag:$0x1] =	stream.linear.gather [spmem:s22], $0x80, $0x38;
	[tilespmem:$0xF100] =	vst v63  }
0x3da: {  	s6 =	simm.s32 $0x9A00  }
0x3db: {  	[tilespmem:s6], [sflag:$0x1] =	stream.linear.gather [spmem:s4], $0x80, $0x38;
	[tilespmem:$0xF100] =	vst v63  }
0x3dc: {  	s1 =	sld [smem:$0x725];
	_ =	sdelay $0x1  }
0x3dd: {  	s7 =	simm.s32 $0x9E00;
	s19 =	sld [smem:$0x726]  }
0x3de: {  	[tilespmem:s7], [sflag:$0x1] =	stream.linear.gather [spmem:s1], $0x80, $0x38;
	[tilespmem:$0xF100] =	vst v63  }
0x3df: {  	s20 =	simm.s32 $0xA200;
	s22 =	sld [smem:$0x727]  }
0x3e0: {  	[tilespmem:s20], [sflag:$0x1] =	stream.linear.gather [spmem:s19], $0x80, $0x38;
	[tilespmem:$0xF100] =	vst v63  }
0x3e1: {  	s23 =	simm.s32 $0xA600  }
0x3e2: {  	[tilespmem:s23], [sflag:$0x1] =	stream.linear.gather [spmem:s22], $0x80, $0x38;
	[tilespmem:$0xF100] =	vst v63  }
0x3e3: {  	_ =	swait.ge [sflag:s12], $0x800  }
0x3e4: {  	[sflag:s12] =	ssyncset.done $0x0;
	s6 =	rddreg [dreg:$0xa]  }
0x3e5: {  	s7 =	simm.s32 $0x6A80;
	s19 =	sld [smem:$0x728];
	[sflag:s12] =	ssyncadd.s32 $0xFFFFF800  }
0x3e6: {  	[tilespmem:s7], [sflag:$0x1] =	stream.linear.gather [spmem:s6], $0x80, $0x38;
	[tilespmem:$0xF100] =	vst v63  }
0x3e7: {  	s20 =	simm.s32 $0x6E80;
	s22 =	sld [smem:$0x729]  }
0x3e8: {  	[tilespmem:s20], [sflag:$0x1] =	stream.linear.gather [spmem:s19], $0x80, $0x38;
	[tilespmem:$0xF100] =	vst v63  }
0x3e9: {  	s23 =	simm.s32 $0x7280;
	s6 =	sld [smem:$0x72A]  }
0x3ea: {  	[tilespmem:s23], [sflag:$0x1] =	stream.linear.gather [spmem:s22], $0x80, $0x38;
	[tilespmem:$0xF100] =	vst v63  }
0x3eb: {  	s7 =	simm.s32 $0x7680;
	s19 =	sld [smem:$0x72B]  }
0x3ec: {  	[tilespmem:s7], [sflag:$0x1] =	stream.linear.gather [spmem:s6], $0x80, $0x38;
	[tilespmem:$0xF100] =	vst v63  }
0x3ed: {  	s20 =	simm.s32 $0x7A80;
	s22 =	sld [smem:$0x72C]  }
0x3ee: {  	[tilespmem:s20], [sflag:$0x1] =	stream.linear.gather [spmem:s19], $0x80, $0x38;
	[tilespmem:$0xF100] =	vst v63  }
0x3ef: {  	s23 =	simm.s32 $0x7E80;
	s6 =	sld [smem:$0x72D]  }
0x3f0: {  	[tilespmem:s23], [sflag:$0x1] =	stream.linear.gather [spmem:s22], $0x80, $0x38;
	[tilespmem:$0xF100] =	vst v63  }
0x3f1: {  	s7 =	simm.s32 $0x8280;
	s19 =	sld [smem:$0x72E]  }
0x3f2: {  	[tilespmem:s7], [sflag:$0x1] =	stream.linear.gather [spmem:s6], $0x80, $0x38;
	[tilespmem:$0xF100] =	vst v63  }
0x3f3: {  	s20 =	simm.s32 $0x8680;
	s22 =	sld [smem:$0x72F]  }
0x3f4: {  	[tilespmem:s20], [sflag:$0x1] =	stream.linear.gather [spmem:s19], $0x80, $0x38;
	[tilespmem:$0xF100] =	vst v63  }
0x3f5: {  	s23 =	simm.s32 $0x8A80;
	s6 =	sld [smem:$0x730]  }
0x3f6: {  	[tilespmem:s23], [sflag:$0x1] =	stream.linear.gather [spmem:s22], $0x80, $0x38;
	[tilespmem:$0xF100] =	vst v63  }
0x3f7: {  	s7 =	simm.s32 $0x8E80;
	s19 =	sld [smem:$0x731]  }
0x3f8: {  	[tilespmem:s7], [sflag:$0x1] =	stream.linear.gather [spmem:s6], $0x80, $0x38;
	[tilespmem:$0xF100] =	vst v63  }
0x3f9: {  	s20 =	simm.s32 $0x9280;
	s22 =	sld [smem:$0x732]  }
0x3fa: {  	[tilespmem:s20], [sflag:$0x1] =	stream.linear.gather [spmem:s19], $0x80, $0x38;
	[tilespmem:$0xF100] =	vst v63  }
0x3fb: {  	s23 =	simm.s32 $0x9680;
	s6 =	sld [smem:$0x733]  }
0x3fc: {  	[tilespmem:s23], [sflag:$0x1] =	stream.linear.gather [spmem:s22], $0x80, $0x38;
	[tilespmem:$0xF100] =	vst v63  }
0x3fd: {  	s7 =	simm.s32 $0x9A80;
	s19 =	sld [smem:$0x734]  }
0x3fe: {  	[tilespmem:s7], [sflag:$0x1] =	stream.linear.gather [spmem:s6], $0x80, $0x38;
	[tilespmem:$0xF100] =	vst v63  }
0x3ff: {  	s20 =	simm.s32 $0x9E80;
	s22 =	sld [smem:$0x735]  }
0x400: {  	[tilespmem:s20], [sflag:$0x1] =	stream.linear.gather [spmem:s19], $0x80, $0x38;
	[tilespmem:$0xF100] =	vst v63  }
0x401: {  	s23 =	simm.s32 $0xA280;
	s6 =	sld [smem:$0x736]  }
0x402: {  	[tilespmem:s23], [sflag:$0x1] =	stream.linear.gather [spmem:s22], $0x80, $0x38;
	[tilespmem:$0xF100] =	vst v63  }
0x403: {  	s7 =	simm.s32 $0xA680  }
0x404: {  	[tilespmem:s7], [sflag:$0x1] =	stream.linear.gather [spmem:s6], $0x80, $0x38;
	[tilespmem:$0xF100] =	vst v63  }
0x405: {  	_ =	swait.ge [sflag:s12], $0x800  }
0x406: {  	[sflag:s12] =	ssyncset.done $0x0;
	s19 =	rddreg [dreg:$0xb]  }
0x407: {  	s20 =	simm.s32 $0x6B00;
	s22 =	sld [smem:$0x737];
	[sflag:s12] =	ssyncadd.s32 $0xFFFFF800  }
0x408: {  	[tilespmem:s20], [sflag:$0x1] =	stream.linear.gather [spmem:s19], $0x80, $0x38;
	[tilespmem:$0xF100] =	vst v63  }
0x409: {  	s23 =	simm.s32 $0x6F00;
	s6 =	sld [smem:$0x738]  }
0x40a: {  	[tilespmem:s23], [sflag:$0x1] =	stream.linear.gather [spmem:s22], $0x80, $0x38;
	[tilespmem:$0xF100] =	vst v63  }
0x40b: {  	s7 =	simm.s32 $0x7300;
	s19 =	sld [smem:$0x739]  }
0x40c: {  	[tilespmem:s7], [sflag:$0x1] =	stream.linear.gather [spmem:s6], $0x80, $0x38;
	[tilespmem:$0xF100] =	vst v63  }
0x40d: {  	s20 =	simm.s32 $0x7700;
	s22 =	sld [smem:$0x73A]  }
0x40e: {  	[tilespmem:s20], [sflag:$0x1] =	stream.linear.gather [spmem:s19], $0x80, $0x38;
	[tilespmem:$0xF100] =	vst v63  }
0x40f: {  	s23 =	simm.s32 $0x7B00;
	s6 =	sld [smem:$0x73B]  }
0x410: {  	[tilespmem:s23], [sflag:$0x1] =	stream.linear.gather [spmem:s22], $0x80, $0x38;
	[tilespmem:$0xF100] =	vst v63  }
0x411: {  	s7 =	simm.s32 $0x7F00;
	s19 =	sld [smem:$0x73C]  }
0x412: {  	[tilespmem:s7], [sflag:$0x1] =	stream.linear.gather [spmem:s6], $0x80, $0x38;
	[tilespmem:$0xF100] =	vst v63  }
0x413: {  	s20 =	simm.s32 $0x8300;
	s22 =	sld [smem:$0x73D]  }
0x414: {  	[tilespmem:s20], [sflag:$0x1] =	stream.linear.gather [spmem:s19], $0x80, $0x38;
	[tilespmem:$0xF100] =	vst v63  }
0x415: {  	s23 =	simm.s32 $0x8700;
	s6 =	sld [smem:$0x73E]  }
0x416: {  	[tilespmem:s23], [sflag:$0x1] =	stream.linear.gather [spmem:s22], $0x80, $0x38;
	[tilespmem:$0xF100] =	vst v63  }
0x417: {  	s7 =	simm.s32 $0x8B00;
	s19 =	sld [smem:$0x73F]  }
0x418: {  	[tilespmem:s7], [sflag:$0x1] =	stream.linear.gather [spmem:s6], $0x80, $0x38;
	[tilespmem:$0xF100] =	vst v63  }
0x419: {  	s20 =	simm.s32 $0x8F00;
	s22 =	sld [smem:$0x740]  }
0x41a: {  	[tilespmem:s20], [sflag:$0x1] =	stream.linear.gather [spmem:s19], $0x80, $0x38;
	[tilespmem:$0xF100] =	vst v63  }
0x41b: {  	s23 =	simm.s32 $0x9300;
	s6 =	sld [smem:$0x741]  }
0x41c: {  	[tilespmem:s23], [sflag:$0x1] =	stream.linear.gather [spmem:s22], $0x80, $0x38;
	[tilespmem:$0xF100] =	vst v63  }
0x41d: {  	s7 =	simm.s32 $0x9700;
	s19 =	sld [smem:$0x742]  }
0x41e: {  	[tilespmem:s7], [sflag:$0x1] =	stream.linear.gather [spmem:s6], $0x80, $0x38;
	[tilespmem:$0xF100] =	vst v63  }
0x41f: {  	s20 =	simm.s32 $0x9B00;
	s22 =	sld [smem:$0x743]  }
0x420: {  	[tilespmem:s20], [sflag:$0x1] =	stream.linear.gather [spmem:s19], $0x80, $0x38;
	[tilespmem:$0xF100] =	vst v63  }
0x421: {  	s23 =	simm.s32 $0x9F00;
	s6 =	sld [smem:$0x744]  }
0x422: {  	[tilespmem:s23], [sflag:$0x1] =	stream.linear.gather [spmem:s22], $0x80, $0x38;
	[tilespmem:$0xF100] =	vst v63  }
0x423: {  	s7 =	simm.s32 $0xA300;
	s19 =	sld [smem:$0x745]  }
0x424: {  	[tilespmem:s7], [sflag:$0x1] =	stream.linear.gather [spmem:s6], $0x80, $0x38;
	[tilespmem:$0xF100] =	vst v63  }
0x425: {  	s20 =	simm.s32 $0xA700  }
0x426: {  	[tilespmem:s20], [sflag:$0x1] =	stream.linear.gather [spmem:s19], $0x80, $0x38;
	[tilespmem:$0xF100] =	vst v63  }
0x427: {  	_ =	swait.ge [sflag:s12], $0x800  }
0x428: {  	[sflag:s12] =	ssyncset.done $0x0;
	s22 =	rddreg [dreg:$0xc]  }
0x429: {  	s23 =	simm.s32 $0x6B80;
	s6 =	sld [smem:$0x746];
	[sflag:s12] =	ssyncadd.s32 $0xFFFFF800  }
0x42a: {  	[tilespmem:s23], [sflag:$0x1] =	stream.linear.gather [spmem:s22], $0x80, $0x38;
	[tilespmem:$0xF100] =	vst v63  }
0x42b: {  	s7 =	simm.s32 $0x6F80;
	s19 =	sld [smem:$0x747]  }
0x42c: {  	[tilespmem:s7], [sflag:$0x1] =	stream.linear.gather [spmem:s6], $0x80, $0x38;
	[tilespmem:$0xF100] =	vst v63  }
0x42d: {  	s20 =	simm.s32 $0x7380;
	s22 =	sld [smem:$0x748]  }
0x42e: {  	[tilespmem:s20], [sflag:$0x1] =	stream.linear.gather [spmem:s19], $0x80, $0x38;
	[tilespmem:$0xF100] =	vst v63  }
0x42f: {  	s23 =	simm.s32 $0x7780;
	s6 =	sld [smem:$0x749]  }
0x430: {  	[tilespmem:s23], [sflag:$0x1] =	stream.linear.gather [spmem:s22], $0x80, $0x38;
	[tilespmem:$0xF100] =	vst v63  }
0x431: {  	s7 =	simm.s32 $0x7B80;
	s19 =	sld [smem:$0x74A]  }
0x432: {  	[tilespmem:s7], [sflag:$0x1] =	stream.linear.gather [spmem:s6], $0x80, $0x38;
	[tilespmem:$0xF100] =	vst v63  }
0x433: {  	s20 =	simm.s32 $0x7F80;
	s22 =	sld [smem:$0x74B]  }
0x434: {  	[tilespmem:s20], [sflag:$0x1] =	stream.linear.gather [spmem:s19], $0x80, $0x38;
	[tilespmem:$0xF100] =	vst v63  }
0x435: {  	s23 =	simm.s32 $0x8380;
	s6 =	sld [smem:$0x74C]  }
0x436: {  	[tilespmem:s23], [sflag:$0x1] =	stream.linear.gather [spmem:s22], $0x80, $0x38;
	[tilespmem:$0xF100] =	vst v63  }
0x437: {  	s7 =	simm.s32 $0x8780;
	s19 =	sld [smem:$0x74D]  }
0x438: {  	[tilespmem:s7], [sflag:$0x1] =	stream.linear.gather [spmem:s6], $0x80, $0x38;
	[tilespmem:$0xF100] =	vst v63  }
0x439: {  	s20 =	simm.s32 $0x8B80;
	s22 =	sld [smem:$0x74E]  }
0x43a: {  	[tilespmem:s20], [sflag:$0x1] =	stream.linear.gather [spmem:s19], $0x80, $0x38;
	[tilespmem:$0xF100] =	vst v63  }
0x43b: {  	s23 =	simm.s32 $0x8F80;
	s6 =	sld [smem:$0x74F]  }
0x43c: {  	[tilespmem:s23], [sflag:$0x1] =	stream.linear.gather [spmem:s22], $0x80, $0x38;
	[tilespmem:$0xF100] =	vst v63  }
0x43d: {  	s7 =	simm.s32 $0x9380;
	s19 =	sld [smem:$0x750]  }
0x43e: {  	[tilespmem:s7], [sflag:$0x1] =	stream.linear.gather [spmem:s6], $0x80, $0x38;
	[tilespmem:$0xF100] =	vst v63  }
0x43f: {  	s20 =	simm.s32 $0x9780;
	s22 =	sld [smem:$0x751]  }
0x440: {  	[tilespmem:s20], [sflag:$0x1] =	stream.linear.gather [spmem:s19], $0x80, $0x38;
	[tilespmem:$0xF100] =	vst v63  }
0x441: {  	s23 =	simm.s32 $0x9B80;
	s6 =	sld [smem:$0x752]  }
0x442: {  	[tilespmem:s23], [sflag:$0x1] =	stream.linear.gather [spmem:s22], $0x80, $0x38;
	[tilespmem:$0xF100] =	vst v63  }
0x443: {  	s7 =	simm.s32 $0x9F80;
	s19 =	sld [smem:$0x753]  }
0x444: {  	[tilespmem:s7], [sflag:$0x1] =	stream.linear.gather [spmem:s6], $0x80, $0x38;
	[tilespmem:$0xF100] =	vst v63  }
0x445: {  	s20 =	simm.s32 $0xA380;
	s22 =	sld [smem:$0x754]  }
0x446: {  	[tilespmem:s20], [sflag:$0x1] =	stream.linear.gather [spmem:s19], $0x80, $0x38;
	[tilespmem:$0xF100] =	vst v63  }
0x447: {  	s23 =	simm.s32 $0xA780  }
0x448: {  	[tilespmem:s23], [sflag:$0x1] =	stream.linear.gather [spmem:s22], $0x80, $0x38;
	[tilespmem:$0xF100] =	vst v63  }
0x449: {  	_ =	swait.ge [sflag:s12], $0x800  }
0x44a: {  	[sflag:s12] =	ssyncset.done $0x0;
	s6 =	rddreg [dreg:$0xd]  }
0x44b: {  	s7 =	simm.s32 $0x6C00;
	s19 =	sld [smem:$0x755];
	[sflag:s12] =	ssyncadd.s32 $0xFFFFF800  }
0x44c: {  	[tilespmem:s7], [sflag:$0x1] =	stream.linear.gather [spmem:s6], $0x80, $0x38;
	[tilespmem:$0xF100] =	vst v63  }
0x44d: {  	s20 =	simm.s32 $0x7000;
	s22 =	sld [smem:$0x756]  }
0x44e: {  	[tilespmem:s20], [sflag:$0x1] =	stream.linear.gather [spmem:s19], $0x80, $0x38;
	[tilespmem:$0xF100] =	vst v63  }
0x44f: {  	s23 =	simm.s32 $0x7400;
	s6 =	sld [smem:$0x757]  }
0x450: {  	[tilespmem:s23], [sflag:$0x1] =	stream.linear.gather [spmem:s22], $0x80, $0x38;
	[tilespmem:$0xF100] =	vst v63  }
0x451: {  	s7 =	simm.s32 $0x7800;
	s19 =	sld [smem:$0x758]  }
0x452: {  	[tilespmem:s7], [sflag:$0x1] =	stream.linear.gather [spmem:s6], $0x80, $0x38;
	[tilespmem:$0xF100] =	vst v63  }
0x453: {  	s20 =	simm.s32 $0x7C00;
	s22 =	sld [smem:$0x759]  }
0x454: {  	[tilespmem:s20], [sflag:$0x1] =	stream.linear.gather [spmem:s19], $0x80, $0x38;
	[tilespmem:$0xF100] =	vst v63  }
0x455: {  	s23 =	simm.s32 $0x8000;
	s6 =	sld [smem:$0x75A]  }
0x456: {  	[tilespmem:s23], [sflag:$0x1] =	stream.linear.gather [spmem:s22], $0x80, $0x38;
	[tilespmem:$0xF100] =	vst v63  }
0x457: {  	s7 =	simm.s32 $0x8400;
	s19 =	sld [smem:$0x75B]  }
0x458: {  	[tilespmem:s7], [sflag:$0x1] =	stream.linear.gather [spmem:s6], $0x80, $0x38;
	[tilespmem:$0xF100] =	vst v63  }
0x459: {  	s20 =	simm.s32 $0x8800;
	s22 =	sld [smem:$0x75C]  }
0x45a: {  	[tilespmem:s20], [sflag:$0x1] =	stream.linear.gather [spmem:s19], $0x80, $0x38;
	[tilespmem:$0xF100] =	vst v63  }
0x45b: {  	s23 =	simm.s32 $0x8C00;
	s6 =	sld [smem:$0x75D]  }
0x45c: {  	[tilespmem:s23], [sflag:$0x1] =	stream.linear.gather [spmem:s22], $0x80, $0x38;
	[tilespmem:$0xF100] =	vst v63  }
0x45d: {  	s7 =	simm.s32 $0x9000;
	s19 =	sld [smem:$0x75E]  }
0x45e: {  	[tilespmem:s7], [sflag:$0x1] =	stream.linear.gather [spmem:s6], $0x80, $0x38;
	[tilespmem:$0xF100] =	vst v63  }
0x45f: {  	s20 =	simm.s32 $0x9400;
	s22 =	sld [smem:$0x75F]  }
0x460: {  	[tilespmem:s20], [sflag:$0x1] =	stream.linear.gather [spmem:s19], $0x80, $0x38;
	[tilespmem:$0xF100] =	vst v63  }
0x461: {  	s23 =	simm.s32 $0x9800;
	s6 =	sld [smem:$0x760]  }
0x462: {  	[tilespmem:s23], [sflag:$0x1] =	stream.linear.gather [spmem:s22], $0x80, $0x38;
	[tilespmem:$0xF100] =	vst v63  }
0x463: {  	s7 =	simm.s32 $0x9C00;
	s19 =	sld [smem:$0x761]  }
0x464: {  	[tilespmem:s7], [sflag:$0x1] =	stream.linear.gather [spmem:s6], $0x80, $0x38;
	[tilespmem:$0xF100] =	vst v63  }
0x465: {  	s20 =	simm.s32 $0xA000;
	s22 =	sld [smem:$0x762]  }
0x466: {  	[tilespmem:s20], [sflag:$0x1] =	stream.linear.gather [spmem:s19], $0x80, $0x38;
	[tilespmem:$0xF100] =	vst v63  }
0x467: {  	s23 =	simm.s32 $0xA400;
	s6 =	sld [smem:$0x763]  }
0x468: {  	[tilespmem:s23], [sflag:$0x1] =	stream.linear.gather [spmem:s22], $0x80, $0x38;
	[tilespmem:$0xF100] =	vst v63  }
0x469: {  	s7 =	simm.s32 $0xA800  }
0x46a: {  	[tilespmem:s7], [sflag:$0x1] =	stream.linear.gather [spmem:s6], $0x80, $0x38;
	[tilespmem:$0xF100] =	vst v63  }
0x46b: {  	_ =	swait.ge [sflag:s12], $0x800  }
0x46c: {  	[sflag:s12] =	ssyncset.done $0x0;
	s19 =	rddreg [dreg:$0xe]  }
0x46d: {  	s20 =	simm.s32 $0x6C80;
	s22 =	sld [smem:$0x764];
	[sflag:s12] =	ssyncadd.s32 $0xFFFFF800  }
0x46e: {  	[tilespmem:s20], [sflag:$0x1] =	stream.linear.gather [spmem:s19], $0x80, $0x38;
	[tilespmem:$0xF100] =	vst v63  }
0x46f: {  	s23 =	simm.s32 $0x7080;
	s6 =	sld [smem:$0x765]  }
0x470: {  	[tilespmem:s23], [sflag:$0x1] =	stream.linear.gather [spmem:s22], $0x80, $0x38;
	[tilespmem:$0xF100] =	vst v63  }
0x471: {  	s7 =	simm.s32 $0x7480;
	s19 =	sld [smem:$0x766]  }
0x472: {  	[tilespmem:s7], [sflag:$0x1] =	stream.linear.gather [spmem:s6], $0x80, $0x38;
	[tilespmem:$0xF100] =	vst v63  }
0x473: {  	s20 =	simm.s32 $0x7880;
	s22 =	sld [smem:$0x767]  }
0x474: {  	[tilespmem:s20], [sflag:$0x1] =	stream.linear.gather [spmem:s19], $0x80, $0x38;
	[tilespmem:$0xF100] =	vst v63  }
0x475: {  	s23 =	simm.s32 $0x7C80;
	s6 =	sld [smem:$0x768]  }
0x476: {  	[tilespmem:s23], [sflag:$0x1] =	stream.linear.gather [spmem:s22], $0x80, $0x38;
	[tilespmem:$0xF100] =	vst v63  }
0x477: {  	s7 =	simm.s32 $0x8080;
	s19 =	sld [smem:$0x769]  }
0x478: {  	[tilespmem:s7], [sflag:$0x1] =	stream.linear.gather [spmem:s6], $0x80, $0x38;
	[tilespmem:$0xF100] =	vst v63  }
0x479: {  	s20 =	simm.s32 $0x8480;
	s22 =	sld [smem:$0x76A]  }
0x47a: {  	[tilespmem:s20], [sflag:$0x1] =	stream.linear.gather [spmem:s19], $0x80, $0x38;
	[tilespmem:$0xF100] =	vst v63  }
0x47b: {  	s23 =	simm.s32 $0x8880;
	s6 =	sld [smem:$0x76B]  }
0x47c: {  	[tilespmem:s23], [sflag:$0x1] =	stream.linear.gather [spmem:s22], $0x80, $0x38;
	[tilespmem:$0xF100] =	vst v63  }
0x47d: {  	s7 =	simm.s32 $0x8C80;
	s19 =	sld [smem:$0x76C]  }
0x47e: {  	[tilespmem:s7], [sflag:$0x1] =	stream.linear.gather [spmem:s6], $0x80, $0x38;
	[tilespmem:$0xF100] =	vst v63  }
0x47f: {  	s20 =	simm.s32 $0x9080;
	s22 =	sld [smem:$0x76D]  }
0x480: {  	[tilespmem:s20], [sflag:$0x1] =	stream.linear.gather [spmem:s19], $0x80, $0x38;
	[tilespmem:$0xF100] =	vst v63  }
0x481: {  	s23 =	simm.s32 $0x9480;
	s6 =	sld [smem:$0x76E]  }
0x482: {  	[tilespmem:s23], [sflag:$0x1] =	stream.linear.gather [spmem:s22], $0x80, $0x38;
	[tilespmem:$0xF100] =	vst v63  }
0x483: {  	s7 =	simm.s32 $0x9880;
	s19 =	sld [smem:$0x76F]  }
0x484: {  	[tilespmem:s7], [sflag:$0x1] =	stream.linear.gather [spmem:s6], $0x80, $0x38;
	[tilespmem:$0xF100] =	vst v63  }
0x485: {  	s20 =	simm.s32 $0x9C80;
	s22 =	sld [smem:$0x770]  }
0x486: {  	[tilespmem:s20], [sflag:$0x1] =	stream.linear.gather [spmem:s19], $0x80, $0x38;
	[tilespmem:$0xF100] =	vst v63  }
0x487: {  	s23 =	simm.s32 $0xA080;
	s6 =	sld [smem:$0x771]  }
0x488: {  	[tilespmem:s23], [sflag:$0x1] =	stream.linear.gather [spmem:s22], $0x80, $0x38;
	[tilespmem:$0xF100] =	vst v63  }
0x489: {  	s7 =	simm.s32 $0xA480;
	s19 =	sld [smem:$0x772]  }
0x48a: {  	[tilespmem:s7], [sflag:$0x1] =	stream.linear.gather [spmem:s6], $0x80, $0x38;
	[tilespmem:$0xF100] =	vst v63  }
0x48b: {  	s20 =	simm.s32 $0xA880  }
0x48c: {  	[tilespmem:s20], [sflag:$0x1] =	stream.linear.gather [spmem:s19], $0x80, $0x38;
	[tilespmem:$0xF100] =	vst v63  }
0x48d: {  	_ =	swait.ge [sflag:s12], $0x800  }
0x48e: {  	[sflag:s12] =	ssyncset.done $0x0;
	s22 =	rddreg [dreg:$0xf]  }
0x48f: {  	s23 =	simm.s32 $0xA900;
	s6 =	sld [smem:$0x773];
	[sflag:s12] =	ssyncadd.s32 $0xFFFFF800  }
0x490: {  	[tilespmem:s23], [sflag:$0x1] =	stream.linear.gather [spmem:s22], $0x80, $0x38;
	[tilespmem:$0xF100] =	vst v63  }
0x491: {  	s7 =	simm.s32 $0xAD00;
	s19 =	sld [smem:$0x774]  }
0x492: {  	[tilespmem:s7], [sflag:$0x1] =	stream.linear.gather [spmem:s6], $0x80, $0x38;
	[tilespmem:$0xF100] =	vst v63  }
0x493: {  	s20 =	simm.s32 $0xB100;
	s22 =	sld [smem:$0x775]  }
0x494: {  	[tilespmem:s20], [sflag:$0x1] =	stream.linear.gather [spmem:s19], $0x80, $0x38;
	[tilespmem:$0xF100] =	vst v63  }
0x495: {  	s23 =	simm.s32 $0xB500;
	s6 =	sld [smem:$0x776]  }
0x496: {  	[tilespmem:s23], [sflag:$0x1] =	stream.linear.gather [spmem:s22], $0x80, $0x38;
	[tilespmem:$0xF100] =	vst v63  }
0x497: {  	s7 =	simm.s32 $0xB900;
	s19 =	sld [smem:$0x777]  }
0x498: {  	[tilespmem:s7], [sflag:$0x1] =	stream.linear.gather [spmem:s6], $0x80, $0x38;
	[tilespmem:$0xF100] =	vst v63  }
0x499: {  	s20 =	simm.s32 $0xBD00;
	s22 =	sld [smem:$0x778]  }
0x49a: {  	[tilespmem:s20], [sflag:$0x1] =	stream.linear.gather [spmem:s19], $0x80, $0x38;
	[tilespmem:$0xF100] =	vst v63  }
0x49b: {  	s23 =	simm.s32 $0xC100;
	s6 =	sld [smem:$0x779]  }
0x49c: {  	[tilespmem:s23], [sflag:$0x1] =	stream.linear.gather [spmem:s22], $0x80, $0x38;
	[tilespmem:$0xF100] =	vst v63  }
0x49d: {  	s7 =	simm.s32 $0xC500;
	s19 =	sld [smem:$0x77A]  }
0x49e: {  	[tilespmem:s7], [sflag:$0x1] =	stream.linear.gather [spmem:s6], $0x80, $0x38;
	[tilespmem:$0xF100] =	vst v63  }
0x49f: {  	s20 =	simm.s32 $0xC900;
	s22 =	sld [smem:$0x77B]  }
0x4a0: {  	[tilespmem:s20], [sflag:$0x1] =	stream.linear.gather [spmem:s19], $0x80, $0x38;
	[tilespmem:$0xF100] =	vst v63  }
0x4a1: {  	s23 =	simm.s32 $0xCD00;
	s6 =	sld [smem:$0x77C]  }
0x4a2: {  	[tilespmem:s23], [sflag:$0x1] =	stream.linear.gather [spmem:s22], $0x80, $0x38;
	[tilespmem:$0xF100] =	vst v63  }
0x4a3: {  	s7 =	simm.s32 $0xD100;
	s19 =	sld [smem:$0x77D]  }
0x4a4: {  	[tilespmem:s7], [sflag:$0x1] =	stream.linear.gather [spmem:s6], $0x80, $0x38;
	[tilespmem:$0xF100] =	vst v63  }
0x4a5: {  	s20 =	simm.s32 $0xD500;
	s22 =	sld [smem:$0x77E]  }
0x4a6: {  	[tilespmem:s20], [sflag:$0x1] =	stream.linear.gather [spmem:s19], $0x80, $0x38;
	[tilespmem:$0xF100] =	vst v63  }
0x4a7: {  	s23 =	simm.s32 $0xD900;
	s6 =	sld [smem:$0x77F]  }
0x4a8: {  	[tilespmem:s23], [sflag:$0x1] =	stream.linear.gather [spmem:s22], $0x80, $0x38;
	[tilespmem:$0xF100] =	vst v63  }
0x4a9: {  	s7 =	simm.s32 $0xDD00;
	s19 =	sld [smem:$0x780]  }
0x4aa: {  	[tilespmem:s7], [sflag:$0x1] =	stream.linear.gather [spmem:s6], $0x80, $0x38;
	[tilespmem:$0xF100] =	vst v63  }
0x4ab: {  	s20 =	simm.s32 $0xE100;
	s22 =	sld [smem:$0x781]  }
0x4ac: {  	[tilespmem:s20], [sflag:$0x1] =	stream.linear.gather [spmem:s19], $0x80, $0x38;
	[tilespmem:$0xF100] =	vst v63  }
0x4ad: {  	s23 =	simm.s32 $0xE500  }
0x4ae: {  	[tilespmem:s23], [sflag:$0x1] =	stream.linear.gather [spmem:s22], $0x80, $0x38;
	[tilespmem:$0xF100] =	vst v63  }
0x4af: {  	_ =	swait.ge [sflag:s12], $0x800  }
0x4b0: {  	[sflag:s12] =	ssyncset.done $0x0;
	s6 =	rddreg [dreg:$0x10]  }
0x4b1: {  	s7 =	simm.s32 $0xA980;
	s19 =	sld [smem:$0x782];
	[sflag:s12] =	ssyncadd.s32 $0xFFFFF800  }
0x4b2: {  	[tilespmem:s7], [sflag:$0x1] =	stream.linear.gather [spmem:s6], $0x80, $0x38;
	[tilespmem:$0xF100] =	vst v63  }
0x4b3: {  	s20 =	simm.s32 $0xAD80;
	s22 =	sld [smem:$0x783]  }
0x4b4: {  	[tilespmem:s20], [sflag:$0x1] =	stream.linear.gather [spmem:s19], $0x80, $0x38;
	[tilespmem:$0xF100] =	vst v63  }
0x4b5: {  	s23 =	simm.s32 $0xB180;
	s6 =	sld [smem:$0x784]  }
0x4b6: {  	[tilespmem:s23], [sflag:$0x1] =	stream.linear.gather [spmem:s22], $0x80, $0x38;
	[tilespmem:$0xF100] =	vst v63  }
0x4b7: {  	s7 =	simm.s32 $0xB580;
	s19 =	sld [smem:$0x785]  }
0x4b8: {  	[tilespmem:s7], [sflag:$0x1] =	stream.linear.gather [spmem:s6], $0x80, $0x38;
	[tilespmem:$0xF100] =	vst v63  }
0x4b9: {  	s20 =	simm.s32 $0xB980;
	s22 =	sld [smem:$0x786]  }
0x4ba: {  	[tilespmem:s20], [sflag:$0x1] =	stream.linear.gather [spmem:s19], $0x80, $0x38;
	[tilespmem:$0xF100] =	vst v63  }
0x4bb: {  	s23 =	simm.s32 $0xBD80;
	s6 =	sld [smem:$0x787]  }
0x4bc: {  	[tilespmem:s23], [sflag:$0x1] =	stream.linear.gather [spmem:s22], $0x80, $0x38;
	[tilespmem:$0xF100] =	vst v63  }
0x4bd: {  	s7 =	simm.s32 $0xC180;
	s19 =	sld [smem:$0x788]  }
0x4be: {  	[tilespmem:s7], [sflag:$0x1] =	stream.linear.gather [spmem:s6], $0x80, $0x38;
	[tilespmem:$0xF100] =	vst v63  }
0x4bf: {  	s20 =	simm.s32 $0xC580;
	s22 =	sld [smem:$0x789]  }
0x4c0: {  	[tilespmem:s20], [sflag:$0x1] =	stream.linear.gather [spmem:s19], $0x80, $0x38;
	[tilespmem:$0xF100] =	vst v63  }
0x4c1: {  	s23 =	simm.s32 $0xC980;
	s6 =	sld [smem:$0x78A]  }
0x4c2: {  	[tilespmem:s23], [sflag:$0x1] =	stream.linear.gather [spmem:s22], $0x80, $0x38;
	[tilespmem:$0xF100] =	vst v63  }
0x4c3: {  	s7 =	simm.s32 $0xCD80;
	s19 =	sld [smem:$0x78B]  }
0x4c4: {  	[tilespmem:s7], [sflag:$0x1] =	stream.linear.gather [spmem:s6], $0x80, $0x38;
	[tilespmem:$0xF100] =	vst v63  }
0x4c5: {  	s20 =	simm.s32 $0xD180;
	s22 =	sld [smem:$0x78C]  }
0x4c6: {  	[tilespmem:s20], [sflag:$0x1] =	stream.linear.gather [spmem:s19], $0x80, $0x38;
	[tilespmem:$0xF100] =	vst v63  }
0x4c7: {  	s23 =	simm.s32 $0xD580;
	s6 =	sld [smem:$0x78D]  }
0x4c8: {  	[tilespmem:s23], [sflag:$0x1] =	stream.linear.gather [spmem:s22], $0x80, $0x38;
	[tilespmem:$0xF100] =	vst v63  }
0x4c9: {  	s7 =	simm.s32 $0xD980;
	s19 =	sld [smem:$0x78E]  }
0x4ca: {  	[tilespmem:s7], [sflag:$0x1] =	stream.linear.gather [spmem:s6], $0x80, $0x38;
	[tilespmem:$0xF100] =	vst v63  }
0x4cb: {  	s20 =	simm.s32 $0xDD80;
	s22 =	sld [smem:$0x78F]  }
0x4cc: {  	[tilespmem:s20], [sflag:$0x1] =	stream.linear.gather [spmem:s19], $0x80, $0x38;
	[tilespmem:$0xF100] =	vst v63  }
0x4cd: {  	s23 =	simm.s32 $0xE180;
	s6 =	sld [smem:$0x790]  }
0x4ce: {  	[tilespmem:s23], [sflag:$0x1] =	stream.linear.gather [spmem:s22], $0x80, $0x38;
	[tilespmem:$0xF100] =	vst v63  }
0x4cf: {  	s7 =	simm.s32 $0xE580  }
0x4d0: {  	[tilespmem:s7], [sflag:$0x1] =	stream.linear.gather [spmem:s6], $0x80, $0x38;
	[tilespmem:$0xF100] =	vst v63  }
0x4d1: {  	_ =	swait.ge [sflag:s12], $0x800  }
0x4d2: {  	[sflag:s12] =	ssyncset.done $0x0;
	s19 =	rddreg [dreg:$0x11]  }
0x4d3: {  	s20 =	simm.s32 $0xAA00;
	s22 =	sld [smem:$0x791];
	[sflag:s12] =	ssyncadd.s32 $0xFFFFF800  }
0x4d4: {  	[tilespmem:s20], [sflag:$0x1] =	stream.linear.gather [spmem:s19], $0x80, $0x38;
	[tilespmem:$0xF100] =	vst v63  }
0x4d5: {  	s23 =	simm.s32 $0xAE00;
	s6 =	sld [smem:$0x792]  }
0x4d6: {  	[tilespmem:s23], [sflag:$0x1] =	stream.linear.gather [spmem:s22], $0x80, $0x38;
	[tilespmem:$0xF100] =	vst v63  }
0x4d7: {  	s7 =	simm.s32 $0xB200;
	s19 =	sld [smem:$0x793]  }
0x4d8: {  	[tilespmem:s7], [sflag:$0x1] =	stream.linear.gather [spmem:s6], $0x80, $0x38;
	[tilespmem:$0xF100] =	vst v63  }
0x4d9: {  	s20 =	simm.s32 $0xB600;
	s22 =	sld [smem:$0x794]  }
0x4da: {  	[tilespmem:s20], [sflag:$0x1] =	stream.linear.gather [spmem:s19], $0x80, $0x38;
	[tilespmem:$0xF100] =	vst v63  }
0x4db: {  	s23 =	simm.s32 $0xBA00;
	s6 =	sld [smem:$0x795]  }
0x4dc: {  	[tilespmem:s23], [sflag:$0x1] =	stream.linear.gather [spmem:s22], $0x80, $0x38;
	[tilespmem:$0xF100] =	vst v63  }
0x4dd: {  	s7 =	simm.s32 $0xBE00;
	s19 =	sld [smem:$0x796]  }
0x4de: {  	[tilespmem:s7], [sflag:$0x1] =	stream.linear.gather [spmem:s6], $0x80, $0x38;
	[tilespmem:$0xF100] =	vst v63  }
0x4df: {  	s20 =	simm.s32 $0xC200;
	s22 =	sld [smem:$0x797]  }
0x4e0: {  	[tilespmem:s20], [sflag:$0x1] =	stream.linear.gather [spmem:s19], $0x80, $0x38;
	[tilespmem:$0xF100] =	vst v63  }
0x4e1: {  	s23 =	simm.s32 $0xC600;
	s6 =	sld [smem:$0x798]  }
0x4e2: {  	[tilespmem:s23], [sflag:$0x1] =	stream.linear.gather [spmem:s22], $0x80, $0x38;
	[tilespmem:$0xF100] =	vst v63  }
0x4e3: {  	s7 =	simm.s32 $0xCA00;
	s19 =	sld [smem:$0x799]  }
0x4e4: {  	[tilespmem:s7], [sflag:$0x1] =	stream.linear.gather [spmem:s6], $0x80, $0x38;
	[tilespmem:$0xF100] =	vst v63  }
0x4e5: {  	s20 =	simm.s32 $0xCE00;
	s22 =	sld [smem:$0x79A]  }
0x4e6: {  	[tilespmem:s20], [sflag:$0x1] =	stream.linear.gather [spmem:s19], $0x80, $0x38;
	[tilespmem:$0xF100] =	vst v63  }
0x4e7: {  	s23 =	simm.s32 $0xD200;
	s6 =	sld [smem:$0x79B]  }
0x4e8: {  	[tilespmem:s23], [sflag:$0x1] =	stream.linear.gather [spmem:s22], $0x80, $0x38;
	[tilespmem:$0xF100] =	vst v63  }
0x4e9: {  	s7 =	simm.s32 $0xD600;
	s19 =	sld [smem:$0x79C]  }
0x4ea: {  	[tilespmem:s7], [sflag:$0x1] =	stream.linear.gather [spmem:s6], $0x80, $0x38;
	[tilespmem:$0xF100] =	vst v63  }
0x4eb: {  	s20 =	simm.s32 $0xDA00;
	s22 =	sld [smem:$0x79D]  }
0x4ec: {  	[tilespmem:s20], [sflag:$0x1] =	stream.linear.gather [spmem:s19], $0x80, $0x38;
	[tilespmem:$0xF100] =	vst v63  }
0x4ed: {  	s23 =	simm.s32 $0xDE00;
	s6 =	sld [smem:$0x79E]  }
0x4ee: {  	[tilespmem:s23], [sflag:$0x1] =	stream.linear.gather [spmem:s22], $0x80, $0x38;
	[tilespmem:$0xF100] =	vst v63  }
0x4ef: {  	s7 =	simm.s32 $0xE200;
	s19 =	sld [smem:$0x79F]  }
0x4f0: {  	[tilespmem:s7], [sflag:$0x1] =	stream.linear.gather [spmem:s6], $0x80, $0x38;
	[tilespmem:$0xF100] =	vst v63  }
0x4f1: {  	s20 =	simm.s32 $0xE600  }
0x4f2: {  	[tilespmem:s20], [sflag:$0x1] =	stream.linear.gather [spmem:s19], $0x80, $0x38;
	[tilespmem:$0xF100] =	vst v63  }
0x4f3: {  	_ =	swait.ge [sflag:s12], $0x800  }
0x4f4: {  	[sflag:s12] =	ssyncset.done $0x0;
	s22 =	rddreg [dreg:$0x12]  }
0x4f5: {  	s23 =	simm.s32 $0xAA80;
	s6 =	sld [smem:$0x7A0];
	[sflag:s12] =	ssyncadd.s32 $0xFFFFF800  }
0x4f6: {  	[tilespmem:s23], [sflag:$0x1] =	stream.linear.gather [spmem:s22], $0x80, $0x38;
	[tilespmem:$0xF100] =	vst v63  }
0x4f7: {  	s7 =	simm.s32 $0xAE80;
	s19 =	sld [smem:$0x7A1]  }
0x4f8: {  	[tilespmem:s7], [sflag:$0x1] =	stream.linear.gather [spmem:s6], $0x80, $0x38;
	[tilespmem:$0xF100] =	vst v63  }
0x4f9: {  	s20 =	simm.s32 $0xB280;
	s22 =	sld [smem:$0x7A2]  }
0x4fa: {  	[tilespmem:s20], [sflag:$0x1] =	stream.linear.gather [spmem:s19], $0x80, $0x38;
	[tilespmem:$0xF100] =	vst v63  }
0x4fb: {  	s23 =	simm.s32 $0xB680;
	s6 =	sld [smem:$0x7A3]  }
0x4fc: {  	[tilespmem:s23], [sflag:$0x1] =	stream.linear.gather [spmem:s22], $0x80, $0x38;
	[tilespmem:$0xF100] =	vst v63  }
0x4fd: {  	s7 =	simm.s32 $0xBA80;
	s19 =	sld [smem:$0x7A4]  }
0x4fe: {  	[tilespmem:s7], [sflag:$0x1] =	stream.linear.gather [spmem:s6], $0x80, $0x38;
	[tilespmem:$0xF100] =	vst v63  }
0x4ff: {  	s20 =	simm.s32 $0xBE80;
	s22 =	sld [smem:$0x7A5]  }
0x500: {  	[tilespmem:s20], [sflag:$0x1] =	stream.linear.gather [spmem:s19], $0x80, $0x38;
	[tilespmem:$0xF100] =	vst v63  }
0x501: {  	s23 =	simm.s32 $0xC280;
	s6 =	sld [smem:$0x7A6]  }
0x502: {  	[tilespmem:s23], [sflag:$0x1] =	stream.linear.gather [spmem:s22], $0x80, $0x38;
	[tilespmem:$0xF100] =	vst v63  }
0x503: {  	s7 =	simm.s32 $0xC680;
	s19 =	sld [smem:$0x7A7]  }
0x504: {  	[tilespmem:s7], [sflag:$0x1] =	stream.linear.gather [spmem:s6], $0x80, $0x38;
	[tilespmem:$0xF100] =	vst v63  }
0x505: {  	s20 =	simm.s32 $0xCA80;
	s22 =	sld [smem:$0x7A8]  }
0x506: {  	[tilespmem:s20], [sflag:$0x1] =	stream.linear.gather [spmem:s19], $0x80, $0x38;
	[tilespmem:$0xF100] =	vst v63  }
0x507: {  	s23 =	simm.s32 $0xCE80;
	s6 =	sld [smem:$0x7A9]  }
0x508: {  	[tilespmem:s23], [sflag:$0x1] =	stream.linear.gather [spmem:s22], $0x80, $0x38;
	[tilespmem:$0xF100] =	vst v63  }
0x509: {  	s7 =	simm.s32 $0xD280;
	s19 =	sld [smem:$0x7AA]  }
0x50a: {  	[tilespmem:s7], [sflag:$0x1] =	stream.linear.gather [spmem:s6], $0x80, $0x38;
	[tilespmem:$0xF100] =	vst v63  }
0x50b: {  	s20 =	simm.s32 $0xD680;
	s22 =	sld [smem:$0x7AB]  }
0x50c: {  	[tilespmem:s20], [sflag:$0x1] =	stream.linear.gather [spmem:s19], $0x80, $0x38;
	[tilespmem:$0xF100] =	vst v63  }
0x50d: {  	s23 =	simm.s32 $0xDA80;
	s6 =	sld [smem:$0x7AC]  }
0x50e: {  	[tilespmem:s23], [sflag:$0x1] =	stream.linear.gather [spmem:s22], $0x80, $0x38;
	[tilespmem:$0xF100] =	vst v63  }
0x50f: {  	s7 =	simm.s32 $0xDE80;
	s19 =	sld [smem:$0x7AD]  }
0x510: {  	[tilespmem:s7], [sflag:$0x1] =	stream.linear.gather [spmem:s6], $0x80, $0x38;
	[tilespmem:$0xF100] =	vst v63  }
0x511: {  	s20 =	simm.s32 $0xE280;
	s22 =	sld [smem:$0x7AE]  }
0x512: {  	[tilespmem:s20], [sflag:$0x1] =	stream.linear.gather [spmem:s19], $0x80, $0x38;
	[tilespmem:$0xF100] =	vst v63  }
0x513: {  	s23 =	simm.s32 $0xE680  }
0x514: {  	[tilespmem:s23], [sflag:$0x1] =	stream.linear.gather [spmem:s22], $0x80, $0x38;
	[tilespmem:$0xF100] =	vst v63  }
0x515: {  	_ =	swait.ge [sflag:s12], $0x800  }
0x516: {  	[sflag:s12] =	ssyncset.done $0x0;
	s6 =	rddreg [dreg:$0x13]  }
0x517: {  	s7 =	simm.s32 $0xAB00;
	s19 =	sld [smem:$0x7AF];
	[sflag:s12] =	ssyncadd.s32 $0xFFFFF800  }
0x518: {  	[tilespmem:s7], [sflag:$0x1] =	stream.linear.gather [spmem:s6], $0x80, $0x38;
	[tilespmem:$0xF100] =	vst v63  }
0x519: {  	s20 =	simm.s32 $0xAF00;
	s22 =	sld [smem:$0x7B0]  }
0x51a: {  	[tilespmem:s20], [sflag:$0x1] =	stream.linear.gather [spmem:s19], $0x80, $0x38;
	[tilespmem:$0xF100] =	vst v63  }
0x51b: {  	s23 =	simm.s32 $0xB300;
	s6 =	sld [smem:$0x7B1]  }
0x51c: {  	[tilespmem:s23], [sflag:$0x1] =	stream.linear.gather [spmem:s22], $0x80, $0x38;
	[tilespmem:$0xF100] =	vst v63  }
0x51d: {  	s7 =	simm.s32 $0xB700;
	s19 =	sld [smem:$0x7B2]  }
0x51e: {  	[tilespmem:s7], [sflag:$0x1] =	stream.linear.gather [spmem:s6], $0x80, $0x38;
	[tilespmem:$0xF100] =	vst v63  }
0x51f: {  	s20 =	simm.s32 $0xBB00;
	s22 =	sld [smem:$0x7B3]  }
0x520: {  	[tilespmem:s20], [sflag:$0x1] =	stream.linear.gather [spmem:s19], $0x80, $0x38;
	[tilespmem:$0xF100] =	vst v63  }
0x521: {  	s23 =	simm.s32 $0xBF00;
	s6 =	sld [smem:$0x7B4]  }
0x522: {  	[tilespmem:s23], [sflag:$0x1] =	stream.linear.gather [spmem:s22], $0x80, $0x38;
	[tilespmem:$0xF100] =	vst v63  }
0x523: {  	s7 =	simm.s32 $0xC300;
	s19 =	sld [smem:$0x7B5]  }
0x524: {  	[tilespmem:s7], [sflag:$0x1] =	stream.linear.gather [spmem:s6], $0x80, $0x38;
	[tilespmem:$0xF100] =	vst v63  }
0x525: {  	s20 =	simm.s32 $0xC700;
	s22 =	sld [smem:$0x7B6]  }
0x526: {  	[tilespmem:s20], [sflag:$0x1] =	stream.linear.gather [spmem:s19], $0x80, $0x38;
	[tilespmem:$0xF100] =	vst v63  }
0x527: {  	s23 =	simm.s32 $0xCB00;
	s6 =	sld [smem:$0x7B7]  }
0x528: {  	[tilespmem:s23], [sflag:$0x1] =	stream.linear.gather [spmem:s22], $0x80, $0x38;
	[tilespmem:$0xF100] =	vst v63  }
0x529: {  	s7 =	simm.s32 $0xCF00;
	s19 =	sld [smem:$0x7B8]  }
0x52a: {  	[tilespmem:s7], [sflag:$0x1] =	stream.linear.gather [spmem:s6], $0x80, $0x38;
	[tilespmem:$0xF100] =	vst v63  }
0x52b: {  	s20 =	simm.s32 $0xD300;
	s22 =	sld [smem:$0x7B9]  }
0x52c: {  	[tilespmem:s20], [sflag:$0x1] =	stream.linear.gather [spmem:s19], $0x80, $0x38;
	[tilespmem:$0xF100] =	vst v63  }
0x52d: {  	s23 =	simm.s32 $0xD700;
	s6 =	sld [smem:$0x7BA]  }
0x52e: {  	[tilespmem:s23], [sflag:$0x1] =	stream.linear.gather [spmem:s22], $0x80, $0x38;
	[tilespmem:$0xF100] =	vst v63  }
0x52f: {  	s7 =	simm.s32 $0xDB00;
	s19 =	sld [smem:$0x7BB]  }
0x530: {  	[tilespmem:s7], [sflag:$0x1] =	stream.linear.gather [spmem:s6], $0x80, $0x38;
	[tilespmem:$0xF100] =	vst v63  }
0x531: {  	s20 =	simm.s32 $0xDF00;
	s22 =	sld [smem:$0x7BC]  }
0x532: {  	[tilespmem:s20], [sflag:$0x1] =	stream.linear.gather [spmem:s19], $0x80, $0x38;
	[tilespmem:$0xF100] =	vst v63  }
0x533: {  	s23 =	simm.s32 $0xE300;
	s6 =	sld [smem:$0x7BD]  }
0x534: {  	[tilespmem:s23], [sflag:$0x1] =	stream.linear.gather [spmem:s22], $0x80, $0x38;
	[tilespmem:$0xF100] =	vst v63  }
0x535: {  	s7 =	simm.s32 $0xE700  }
0x536: {  	[tilespmem:s7], [sflag:$0x1] =	stream.linear.gather [spmem:s6], $0x80, $0x38;
	[tilespmem:$0xF100] =	vst v63  }
0x537: {  	_ =	swait.ge [sflag:s12], $0x800  }
0x538: {  	[sflag:s12] =	ssyncset.done $0x0;
	s19 =	rddreg [dreg:$0x14]  }
0x539: {  	s20 =	simm.s32 $0xAB80;
	s22 =	sld [smem:$0x7BE];
	[sflag:s12] =	ssyncadd.s32 $0xFFFFF800  }
0x53a: {  	[tilespmem:s20], [sflag:$0x1] =	stream.linear.gather [spmem:s19], $0x80, $0x38;
	[tilespmem:$0xF100] =	vst v63  }
0x53b: {  	s23 =	simm.s32 $0xAF80;
	s6 =	sld [smem:$0x7BF]  }
0x53c: {  	[tilespmem:s23], [sflag:$0x1] =	stream.linear.gather [spmem:s22], $0x80, $0x38;
	[tilespmem:$0xF100] =	vst v63  }
0x53d: {  	s7 =	simm.s32 $0xB380;
	s19 =	sld [smem:$0x7C0]  }
0x53e: {  	[tilespmem:s7], [sflag:$0x1] =	stream.linear.gather [spmem:s6], $0x80, $0x38;
	[tilespmem:$0xF100] =	vst v63  }
0x53f: {  	s20 =	simm.s32 $0xB780;
	s22 =	sld [smem:$0x7C1]  }
0x540: {  	[tilespmem:s20], [sflag:$0x1] =	stream.linear.gather [spmem:s19], $0x80, $0x38;
	[tilespmem:$0xF100] =	vst v63  }
0x541: {  	s23 =	simm.s32 $0xBB80;
	s6 =	sld [smem:$0x7C2]  }
0x542: {  	[tilespmem:s23], [sflag:$0x1] =	stream.linear.gather [spmem:s22], $0x80, $0x38;
	[tilespmem:$0xF100] =	vst v63  }
0x543: {  	s7 =	simm.s32 $0xBF80;
	s19 =	sld [smem:$0x7C3]  }
0x544: {  	[tilespmem:s7], [sflag:$0x1] =	stream.linear.gather [spmem:s6], $0x80, $0x38;
	[tilespmem:$0xF100] =	vst v63  }
0x545: {  	s20 =	simm.s32 $0xC380;
	s22 =	sld [smem:$0x7C4]  }
0x546: {  	[tilespmem:s20], [sflag:$0x1] =	stream.linear.gather [spmem:s19], $0x80, $0x38;
	[tilespmem:$0xF100] =	vst v63  }
0x547: {  	s23 =	simm.s32 $0xC780;
	s6 =	sld [smem:$0x7C5]  }
0x548: {  	[tilespmem:s23], [sflag:$0x1] =	stream.linear.gather [spmem:s22], $0x80, $0x38;
	[tilespmem:$0xF100] =	vst v63  }
0x549: {  	s7 =	simm.s32 $0xCB80;
	s19 =	sld [smem:$0x7C6]  }
0x54a: {  	[tilespmem:s7], [sflag:$0x1] =	stream.linear.gather [spmem:s6], $0x80, $0x38;
	[tilespmem:$0xF100] =	vst v63  }
0x54b: {  	s20 =	simm.s32 $0xCF80;
	s22 =	sld [smem:$0x7C7]  }
0x54c: {  	[tilespmem:s20], [sflag:$0x1] =	stream.linear.gather [spmem:s19], $0x80, $0x38;
	[tilespmem:$0xF100] =	vst v63  }
0x54d: {  	s23 =	simm.s32 $0xD380;
	s6 =	sld [smem:$0x7C8]  }
0x54e: {  	[tilespmem:s23], [sflag:$0x1] =	stream.linear.gather [spmem:s22], $0x80, $0x38;
	[tilespmem:$0xF100] =	vst v63  }
0x54f: {  	s7 =	simm.s32 $0xD780;
	s19 =	sld [smem:$0x7C9]  }
0x550: {  	[tilespmem:s7], [sflag:$0x1] =	stream.linear.gather [spmem:s6], $0x80, $0x38;
	[tilespmem:$0xF100] =	vst v63  }
0x551: {  	s20 =	simm.s32 $0xDB80;
	s22 =	sld [smem:$0x7CA]  }
0x552: {  	[tilespmem:s20], [sflag:$0x1] =	stream.linear.gather [spmem:s19], $0x80, $0x38;
	[tilespmem:$0xF100] =	vst v63  }
0x553: {  	s23 =	simm.s32 $0xDF80;
	s6 =	sld [smem:$0x7CB]  }
0x554: {  	[tilespmem:s23], [sflag:$0x1] =	stream.linear.gather [spmem:s22], $0x80, $0x38;
	[tilespmem:$0xF100] =	vst v63  }
0x555: {  	s7 =	simm.s32 $0xE380;
	s19 =	sld [smem:$0x7CC]  }
0x556: {  	[tilespmem:s7], [sflag:$0x1] =	stream.linear.gather [spmem:s6], $0x80, $0x38;
	[tilespmem:$0xF100] =	vst v63  }
0x557: {  	s20 =	simm.s32 $0xE780  }
0x558: {  	[tilespmem:s20], [sflag:$0x1] =	stream.linear.gather [spmem:s19], $0x80, $0x38;
	[tilespmem:$0xF100] =	vst v63  }
0x559: {  	_ =	swait.ge [sflag:s12], $0x800  }
0x55a: {  	[sflag:s12] =	ssyncset.done $0x0;
	s22 =	rddreg [dreg:$0x15]  }
0x55b: {  	s23 =	simm.s32 $0xAC00;
	s6 =	sld [smem:$0x7CD];
	[sflag:s12] =	ssyncadd.s32 $0xFFFFF800  }
0x55c: {  	[tilespmem:s23], [sflag:$0x1] =	stream.linear.gather [spmem:s22], $0x80, $0x38;
	[tilespmem:$0xF100] =	vst v63  }
0x55d: {  	s7 =	simm.s32 $0xB000;
	s19 =	sld [smem:$0x7CE]  }
0x55e: {  	[tilespmem:s7], [sflag:$0x1] =	stream.linear.gather [spmem:s6], $0x80, $0x38;
	[tilespmem:$0xF100] =	vst v63  }
0x55f: {  	s20 =	simm.s32 $0xB400;
	s22 =	sld [smem:$0x7CF]  }
0x560: {  	[tilespmem:s20], [sflag:$0x1] =	stream.linear.gather [spmem:s19], $0x80, $0x38;
	[tilespmem:$0xF100] =	vst v63  }
0x561: {  	s23 =	simm.s32 $0xB800;
	s6 =	sld [smem:$0x7D0]  }
0x562: {  	[tilespmem:s23], [sflag:$0x1] =	stream.linear.gather [spmem:s22], $0x80, $0x38;
	[tilespmem:$0xF100] =	vst v63  }
0x563: {  	s7 =	simm.s32 $0xBC00;
	s19 =	sld [smem:$0x7D1]  }
0x564: {  	[tilespmem:s7], [sflag:$0x1] =	stream.linear.gather [spmem:s6], $0x80, $0x38;
	[tilespmem:$0xF100] =	vst v63  }
0x565: {  	s20 =	simm.s32 $0xC000;
	s22 =	sld [smem:$0x7D2]  }
0x566: {  	[tilespmem:s20], [sflag:$0x1] =	stream.linear.gather [spmem:s19], $0x80, $0x38;
	[tilespmem:$0xF100] =	vst v63  }
0x567: {  	s23 =	simm.s32 $0xC400;
	s6 =	sld [smem:$0x7D3]  }
0x568: {  	[tilespmem:s23], [sflag:$0x1] =	stream.linear.gather [spmem:s22], $0x80, $0x38;
	[tilespmem:$0xF100] =	vst v63  }
0x569: {  	s7 =	simm.s32 $0xC800;
	s19 =	sld [smem:$0x7D4]  }
0x56a: {  	[tilespmem:s7], [sflag:$0x1] =	stream.linear.gather [spmem:s6], $0x80, $0x38;
	[tilespmem:$0xF100] =	vst v63  }
0x56b: {  	s20 =	simm.s32 $0xCC00;
	s22 =	sld [smem:$0x7D5]  }
0x56c: {  	[tilespmem:s20], [sflag:$0x1] =	stream.linear.gather [spmem:s19], $0x80, $0x38;
	[tilespmem:$0xF100] =	vst v63  }
0x56d: {  	s23 =	simm.s32 $0xD000;
	s6 =	sld [smem:$0x7D6]  }
0x56e: {  	[tilespmem:s23], [sflag:$0x1] =	stream.linear.gather [spmem:s22], $0x80, $0x38;
	[tilespmem:$0xF100] =	vst v63  }
0x56f: {  	s7 =	simm.s32 $0xD400;
	s19 =	sld [smem:$0x7D7]  }
0x570: {  	[tilespmem:s7], [sflag:$0x1] =	stream.linear.gather [spmem:s6], $0x80, $0x38;
	[tilespmem:$0xF100] =	vst v63  }
0x571: {  	s20 =	simm.s32 $0xD800;
	s22 =	sld [smem:$0x7D8]  }
0x572: {  	[tilespmem:s20], [sflag:$0x1] =	stream.linear.gather [spmem:s19], $0x80, $0x38;
	[tilespmem:$0xF100] =	vst v63  }
0x573: {  	s23 =	simm.s32 $0xDC00;
	s6 =	sld [smem:$0x7D9]  }
0x574: {  	[tilespmem:s23], [sflag:$0x1] =	stream.linear.gather [spmem:s22], $0x80, $0x38;
	[tilespmem:$0xF100] =	vst v63  }
0x575: {  	s7 =	simm.s32 $0xE000;
	s19 =	sld [smem:$0x7DA]  }
0x576: {  	[tilespmem:s7], [sflag:$0x1] =	stream.linear.gather [spmem:s6], $0x80, $0x38;
	[tilespmem:$0xF100] =	vst v63  }
0x577: {  	s20 =	simm.s32 $0xE400;
	s22 =	sld [smem:$0x7DB]  }
0x578: {  	[tilespmem:s20], [sflag:$0x1] =	stream.linear.gather [spmem:s19], $0x80, $0x38;
	[tilespmem:$0xF100] =	vst v63  }
0x579: {  	s23 =	simm.s32 $0xE800  }
0x57a: {  	[tilespmem:s23], [sflag:$0x1] =	stream.linear.gather [spmem:s22], $0x80, $0x38;
	[tilespmem:$0xF100] =	vst v63  }
0x57b: {  	_ =	swait.ge [sflag:s12], $0x800  }
0x57c: {  	[sflag:s12] =	ssyncset.done $0x0;
	s6 =	rddreg [dreg:$0x18]  }
0x57d: {  	s7 =	simm.s32 $0xAC80;
	s19 =	sld [smem:$0x7DC];
	[sflag:s12] =	ssyncadd.s32 $0xFFFFF800  }
0x57e: {  	[tilespmem:s7], [sflag:$0x1] =	stream.linear.gather [spmem:s6], $0x80, $0x38;
	[tilespmem:$0xF100] =	vst v63  }
0x57f: {  	s20 =	simm.s32 $0xB080;
	s22 =	sld [smem:$0x7DD]  }
0x580: {  	[tilespmem:s20], [sflag:$0x1] =	stream.linear.gather [spmem:s19], $0x80, $0x38;
	[tilespmem:$0xF100] =	vst v63  }
0x581: {  	s23 =	simm.s32 $0xB480;
	s6 =	sld [smem:$0x7DE]  }
0x582: {  	[tilespmem:s23], [sflag:$0x1] =	stream.linear.gather [spmem:s22], $0x80, $0x38;
	[tilespmem:$0xF100] =	vst v63  }
0x583: {  	s7 =	simm.s32 $0xB880;
	s19 =	sld [smem:$0x7DF]  }
0x584: {  	[tilespmem:s7], [sflag:$0x1] =	stream.linear.gather [spmem:s6], $0x80, $0x38;
	[tilespmem:$0xF100] =	vst v63  }
0x585: {  	s20 =	simm.s32 $0xBC80;
	s22 =	sld [smem:$0x7E0]  }
0x586: {  	[tilespmem:s20], [sflag:$0x1] =	stream.linear.gather [spmem:s19], $0x80, $0x38;
	[tilespmem:$0xF100] =	vst v63  }
0x587: {  	s23 =	simm.s32 $0xC080;
	s6 =	sld [smem:$0x7E1]  }
0x588: {  	[tilespmem:s23], [sflag:$0x1] =	stream.linear.gather [spmem:s22], $0x80, $0x38;
	[tilespmem:$0xF100] =	vst v63  }
0x589: {  	s7 =	simm.s32 $0xC480;
	s19 =	sld [smem:$0x7E2]  }
0x58a: {  	[tilespmem:s7], [sflag:$0x1] =	stream.linear.gather [spmem:s6], $0x80, $0x38;
	[tilespmem:$0xF100] =	vst v63  }
0x58b: {  	s20 =	simm.s32 $0xC880;
	s22 =	sld [smem:$0x7E3]  }
0x58c: {  	[tilespmem:s20], [sflag:$0x1] =	stream.linear.gather [spmem:s19], $0x80, $0x38;
	[tilespmem:$0xF100] =	vst v63  }
0x58d: {  	s23 =	simm.s32 $0xCC80;
	s6 =	sld [smem:$0x7E4]  }
0x58e: {  	[tilespmem:s23], [sflag:$0x1] =	stream.linear.gather [spmem:s22], $0x80, $0x38;
	[tilespmem:$0xF100] =	vst v63  }
0x58f: {  	s7 =	simm.s32 $0xD080;
	s19 =	sld [smem:$0x7E5]  }
0x590: {  	[tilespmem:s7], [sflag:$0x1] =	stream.linear.gather [spmem:s6], $0x80, $0x38;
	[tilespmem:$0xF100] =	vst v63  }
0x591: {  	s20 =	simm.s32 $0xD480;
	s22 =	sld [smem:$0x7E6]  }
0x592: {  	[tilespmem:s20], [sflag:$0x1] =	stream.linear.gather [spmem:s19], $0x80, $0x38;
	[tilespmem:$0xF100] =	vst v63  }
0x593: {  	s23 =	simm.s32 $0xD880;
	s6 =	sld [smem:$0x7E7]  }
0x594: {  	[tilespmem:s23], [sflag:$0x1] =	stream.linear.gather [spmem:s22], $0x80, $0x38;
	[tilespmem:$0xF100] =	vst v63  }
0x595: {  	s7 =	simm.s32 $0xDC80;
	s19 =	sld [smem:$0x7E8]  }
0x596: {  	[tilespmem:s7], [sflag:$0x1] =	stream.linear.gather [spmem:s6], $0x80, $0x38;
	[tilespmem:$0xF100] =	vst v63  }
0x597: {  	s20 =	simm.s32 $0xE080;
	s22 =	sld [smem:$0x7E9]  }
0x598: {  	[tilespmem:s20], [sflag:$0x1] =	stream.linear.gather [spmem:s19], $0x80, $0x38;
	[tilespmem:$0xF100] =	vst v63  }
0x599: {  	s23 =	simm.s32 $0xE480;
	s6 =	sld [smem:$0x7EA]  }
0x59a: {  	[tilespmem:s23], [sflag:$0x1] =	stream.linear.gather [spmem:s22], $0x80, $0x38;
	[tilespmem:$0xF100] =	vst v63  }
0x59b: {  	s7 =	simm.s32 $0xE880  }
0x59c: {  	[tilespmem:s7], [sflag:$0x1] =	stream.linear.gather [spmem:s6], $0x80, $0x38;
	[tilespmem:$0xF100] =	vst v63  }
0x59d: {  	s19 =	simm.s32 $0x0;
	_ =	swait.ge [sflag:s12], $0x800  }
0x59e: {  	s20 =	sand.u32 $0x70, s19;
	s6 =	sand.u32 $0x3C00, s19;
	[sflag:s12] =	ssyncset.done $0x0  }
0x59f: {  	s4 =	sor.u32 s20, s6;
	[sflag:s12] =	ssyncadd.s32 $0xFFFFF800  }
0x5a0: {  	v0 =	vld [tilespmem:s4+$0x6900]  }
0x5a1: {  	v1 =	vld [tilespmem:s4+$0x6980]  }
0x5a2: {  	v2 =	vld [tilespmem:s4+$0xAC80]  }
0x5a3: {  	v3 =	vld [tilespmem:s4+$0x6A00]  }
0x5a4: {  	s1 =	sand.u32 $0x7, s19;
	v4 =	vld [tilespmem:s4+$0x6A80]  }
0x5a5: {  	s1 =	sshll.u32 s1, $0x4;
	v5 =	vld [tilespmem:s4+$0x6B00]  }
0x5a6: {  	s1 =	sadd.s32 $0x0, s1;
	v6 =	vld [tilespmem:s4+$0x6B80]  }
0x5a7: {  	s1 =	sor.u32 $0x380, s1;
	v7 =	vld [tilespmem:s4+$0x6C00];
	v0 =	vmin.f32 v0, v1  }
0x5a8: {  	v1 =	vld [tilespmem:s1+$0x6900];
	v0 =	vmin.f32 v0, v3  }
0x5a9: {  	v3 =	vld [tilespmem:s4+$0xA900];
	v0 =	vmin.f32 v0, v4  }
0x5aa: {  	v4 =	vld [tilespmem:s4+$0xA980];
	v0 =	vmin.f32 v0, v5  }
0x5ab: {  	v5 =	vld [tilespmem:s4+$0xAA00];
	v0 =	vmin.f32 v0, v6  }
0x5ac: {  	v6 =	vld [tilespmem:s4+$0xAA80];
	v0 =	vmin.f32 v0, v7  }
0x5ad: {  	s22 =	simm.s32 $0x10;
	s23 =	simm.s32 $0x80;
	v7 =	vld [tilespmem:s4+$0xAB00];
	v0 =	vmin.f32 v0, v1  }
0x5ae: {  	s6 =	sand.u32 $0x3C00, s23;
	s1 =	sand.u32 $0x70, s22;
	v1 =	vld [tilespmem:s4+$0xAB80];
	v0 =	vmin.f32 v0, v3  }
0x5af: {  	s1 =	sor.u32 s1, s6;
	v3 =	vld [tilespmem:s4+$0xAC00];
	v0 =	vmin.f32 v0, v4  }
0x5b0: {  	v11 =	vld [tilespmem:s1+$0xAB80];
	v0 =	vmin.f32 v0, v5  }
0x5b1: {  	v4 =	vld [tilespmem:s1+$0x6900];
	v0 =	vmin.f32 v0, v6  }
0x5b2: {  	v5 =	vld [tilespmem:s1+$0x6980];
	v0 =	vmin.f32 v0, v7  }
0x5b3: {  	s7 =	simm.s32 $0x1;
	v7 =	vld [tilespmem:s1+$0x6A00];
	v0 =	vmin.f32 v0, v1  }
0x5b4: {  	s4 =	sand.u32 $0x7, s7;
	v1 =	vld [tilespmem:s1+$0x6A80];
	v0 =	vmin.f32 v0, v3  }
0x5b5: {  	s4 =	sshll.u32 s4, $0x4;
	v3 =	vld [tilespmem:s1+$0x6B00];
	v0 =	vmin.f32 v0, v2  }
0x5b6: {  	s4 =	sadd.s32 $0x80, s4;
	v2 =	vld [tilespmem:s1+$0x6B80];
	v0 =	vmax.f32 v0, $1.000000000e-30  }
0x5b7: {  	s4 =	sor.u32 $0x380, s4;
	v4 =	vmin.f32 v4, v5;
	v5 =	vld [tilespmem:s1+$0x6C00];
	v8 =	vshra.s32 v0, $0x1;
	v9 =	vmul.f32 $5.000000000e-01, v0  }
0x5b8: {  	v4 =	vmin.f32 v4, v7;
	v7 =	vld [tilespmem:s4+$0x6900];
	v8 =	vsub.s32 $0x5F3759DF, v8  }
0x5b9: {  	v1 =	vmin.f32 v4, v1;
	v4 =	vld [tilespmem:s1+$0xA900];
	v10 =	vmul.f32 v8, v9  }
0x5ba: {  	v1 =	vmin.f32 v1, v3;
	v3 =	vld [tilespmem:s1+$0xA980]  }
0x5bb: {  	v1 =	vmin.f32 v1, v2;
	v2 =	vld [tilespmem:s1+$0xAA00];
	v10 =	vmul.f32 v8, v10  }
0x5bc: {  	v1 =	vmin.f32 v1, v5;
	v5 =	vld [tilespmem:s1+$0xAA80]  }
0x5bd: {  	s19 =	simm.s32 $0x20;
	s20 =	simm.s32 $0x100;
	v1 =	vmin.f32 v1, v7;
	v7 =	vld [tilespmem:s1+$0xAB00];
	v10 =	vsub.f32 $1.500000000e+00, v10  }
0x5be: {  	s6 =	sand.u32 $0x3C00, s20;
	v6 =	vld [tilespmem:s1+$0xAC80];
	s4 =	sand.u32 $0x70, s19;
	v1 =	vmin.f32 v1, v4  }
0x5bf: {  	s7 =	sor.u32 s4, s6;
	v1 =	vmin.f32 v1, v3;
	v3 =	vld [tilespmem:s1+$0xAC00];
	v8 =	vmul.f32 v8, v10  }
0x5c0: {  	v14 =	vld [tilespmem:s7+$0x6980];
	v1 =	vmin.f32 v1, v2  }
0x5c1: {  	v10 =	vld [tilespmem:s7+$0x6900];
	v1 =	vmin.f32 v1, v5;
	v2 =	vmul.f32 v8, v9  }
0x5c2: {  	v16 =	vld [tilespmem:s7+$0xA900];
	v1 =	vmin.f32 v1, v7  }
0x5c3: {  	s1 =	simm.s32 $0x2;
	v5 =	vld [tilespmem:s7+$0x6A00];
	v1 =	vmin.f32 v1, v11;
	v2 =	vmul.f32 v2, v8  }
0x5c4: {  	s22 =	sand.u32 $0x7, s1;
	v7 =	vld [tilespmem:s7+$0x6A80];
	v1 =	vmin.f32 v1, v3  }
0x5c5: {  	s4 =	sshll.u32 s22, $0x4;
	v3 =	vld [tilespmem:s7+$0x6B00];
	v1 =	vmin.f32 v1, v6;
	v6 =	vsub.f32 $1.500000000e+00, v2  }
0x5c6: {  	s4 =	sadd.s32 $0x100, s4;
	v11 =	vld [tilespmem:s7+$0x6B80];
	v10 =	vmin.f32 v10, v14;
	v2 =	vmax.f32 v1, $1.000000000e-30  }
0x5c7: {  	s4 =	sor.u32 $0x380, s4;
	v14 =	vld [tilespmem:s7+$0x6C00];
	v15 =	vshra.s32 v2, $0x1;
	v1 =	vmul.f32 $5.000000000e-01, v2;
	v6 =	vmul.f32 v6, v8  }
0x5c8: {  	v5 =	vmin.f32 v10, v5;
	v10 =	vld [tilespmem:s4+$0x6900];
	v15 =	vsub.s32 $0x5F3759DF, v15  }
0x5c9: {  	v4 =	vld [tilespmem:s7+$0xAC80];
	v5 =	vmin.f32 v5, v7;
	v7 =	vmul.f32 v15, v1;
	v8 =	vmul.f32 v6, v9  }
0x5ca: {  	v3 =	vmin.f32 v5, v3;
	v5 =	vld [tilespmem:s7+$0xA980]  }
0x5cb: {  	v3 =	vmin.f32 v3, v11;
	v11 =	vld [tilespmem:s7+$0xAA00];
	v9 =	vmul.f32 v15, v7;
	v17 =	vmul.f32 v8, v6  }
0x5cc: {  	v3 =	vmin.f32 v3, v14;
	v8 =	vld [tilespmem:s7+$0xAA80]  }
0x5cd: {  	s23 =	simm.s32 $0x30;
	s6 =	simm.s32 $0x180;
	v7 =	vld [tilespmem:s7+$0xAB00];
	v3 =	vmin.f32 v3, v10;
	v10 =	vsub.f32 $1.500000000e+00, v9;
	v17 =	vsub.f32 $1.500000000e+00, v17  }
0x5ce: {  	s19 =	sand.u32 $0x3C00, s6;
	s4 =	sand.u32 $0x70, s23;
	v14 =	vld [tilespmem:s7+$0xAB80];
	v9 =	vmin.f32 v3, v16  }
0x5cf: {  	s4 =	sor.u32 s4, s19;
	v16 =	vmin.f32 v9, v5;
	v9 =	vld [tilespmem:s7+$0xAC00];
	v5 =	vmul.f32 v15, v10;
	v6 =	vmul.f32 v17, v6  }
0x5d0: {  	v3 =	vimm.f32 $0.0e+00;
	s7 =	simm.s32 $0x40;
	v15 =	vld [tilespmem:s4+$0x6900];
	v16 =	vmin.f32 v16, v11  }
.LBB2_11:
0x5d1: {  	p1 =	sne.s32 s7, $0x7F0;
	v10 =	vld [tilespmem:s4+$0x6980];
	v8 =	vmin.f32 v16, v8;
	v11 =	vmul.f32 v5, v1;
	v6 =	vmul.f32 v6, v0;
	v0 =	vmovc v2  }
0x5d2: {  	v16 =	vld [tilespmem:s4+$0xAC80];
	v2 =	vmin.f32 v8, v7  }
0x5d3: {  	s1 =	sadd.s32 $0x1, s1;
	v7 =	vld [tilespmem:s4+$0x6A00];
	v2 =	vmin.f32 v2, v14;
	v8 =	vmul.f32 v11, v5;
	v3 =	vadd.f32 v6, v3  }
0x5d4: {  	s19 =	sand.u32 $0x7, s1;
	v6 =	vld [tilespmem:s4+$0x6A80];
	v2 =	vmin.f32 v2, v9  }
0x5d5: {  	s19 =	sshll.u32 s19, $0x4;
	v9 =	vld [tilespmem:s4+$0x6B00];
	v2 =	vmin.f32 v2, v4;
	v18 =	vsub.f32 $1.500000000e+00, v8  }
0x5d6: {  	s19 =	sadd.s32 s19, s6;
	v8 =	vmin.f32 v15, v10;
	v10 =	vld [tilespmem:s4+$0x6B80];
	v2 =	vmax.f32 v2, $1.000000000e-30  }
0x5d7: {  	s19 =	sor.u32 $0x380, s19;
	v11 =	vld [tilespmem:s4+$0x6C00];
	v14 =	vshra.s32 v2, $0x1;
	v15 =	vmul.f32 $5.000000000e-01, v2;
	v17 =	vmul.f32 v18, v5;
	v4 =	vmovc v16  }
0x5d8: {  	v5 =	vmin.f32 v8, v7;
	v7 =	vld [tilespmem:s19+$0x6900];
	v16 =	vsub.s32 $0x5F3759DF, v14  }
0x5d9: {  	v5 =	vmin.f32 v5, v6;
	v6 =	vld [tilespmem:s4+$0xA900];
	v8 =	vmul.f32 v16, v15;
	v14 =	vmul.f32 v17, v1;
	v1 =	vmovc v15  }
0x5da: {  	v5 =	vmin.f32 v5, v9;
	v9 =	vld [tilespmem:s4+$0xA980]  }
0x5db: {  	v5 =	vmin.f32 v5, v10;
	v10 =	vld [tilespmem:s4+$0xAA00];
	v15 =	vmul.f32 v16, v8;
	v14 =	vmul.f32 v14, v17  }
.Ltmp7:
0x5dc: {  	v5 =	vmin.f32 v5, v11;
	v8 =	vld [tilespmem:s4+$0xAA80];
	(pc) =	sbr.rel @p1 .LBB2_11-.Ltmp7, $4  }
0x5dd: {  	s6 =	sadd.s32 $0x80, s6;
	v5 =	vmin.f32 v5, v7;
	v7 =	vld [tilespmem:s4+$0xAB00];
	v11 =	vsub.f32 $1.500000000e+00, v15;
	v15 =	vsub.f32 $1.500000000e+00, v14  }
0x5de: {  	s20 =	sand.u32 $0x3C00, s6;
	s19 =	sand.u32 $0x70, s7;
	v5 =	vmin.f32 v5, v6;
	v14 =	vld [tilespmem:s4+$0xAB80]  }
0x5df: {  	v18 =	vmin.f32 v5, v9;
	v9 =	vld [tilespmem:s4+$0xAC00];
	s4 =	sor.u32 s19, s20;
	v5 =	vmul.f32 v16, v11;
	v6 =	vmul.f32 v15, v17  }
0x5e0: {  	s7 =	sadd.s32 $0x10, s7;
	v15 =	vld [tilespmem:s4+$0x6900];
	v16 =	vmin.f32 v18, v10  }
.Ltmp8:
0x5e1: {  	_ = 	snop;
	(pc) =	sbr.rel .LBB2_12-.Ltmp8, $1  }
0x5e2: {  	_ =	sdelay $0x3  }
.LBB2_14:
0x5e3: {  	_ =	sfence.sel $0x180000  }
0x5e4: {  	[bflag:$0x0] =	sbarrier.arrive $0xFFFF  }
0x5e5: {  	_ =	strace $0x90000047  }
0x5e6: {  	[bflag:$0x2] =	sbarrier.arrive $0xFFFF  }
0x5e7: {  	s0 =	rddreg [dreg:$0x2]  }
0x5e8: {  	s0 =	sadd.s32 @!p0 $0x100000, s0  }
0x5e9: {  	[sflag:s0] =	ssyncadd.tile.s32 @!p0 $0x1;
	_ =	shalt  }
.Lfunc_end2:
_tile_overlayer_lowered:
.L_overlay_start_2:
0x5ea: {  	(tag) =	ssettag $0x2  }
0x5eb: {  	s0 =	rddreg [dreg:$0x0];
	s2 =	stileid.u32  }
0x5ec: {  	s1 =	rddreg [dreg:$0x1];
	p0 =	sne.s32 s2, $0x0  }
0x5ed: {  	s3 =	rddreg [dreg:$0x2];
	[bflag:$0x3] =	sbarrier.arrive $0xFFFF;
	s2 =	simm.s32 @!p0 $0x1C01  }
0x5ee: {  	[timem:s3], [sflag:s2] =	dma.local @!p0 [hbm:s0], s1  }
0x5ef: {  	s0 =	simm.s32 @!p0 $0x1  }
0x5f0: {  	_ =	swait.ge @!p0 [sflag:s0], s1  }
0x5f1: {  	s1 =	ssub.s32 @!p0 $0x0, s1;
	[sflag:s0] =	ssyncset.done @!p0 $0x0  }
0x5f2: {  	[sflag:s0] =	ssyncadd.s32 @!p0 s1  }
0x5f3: {  	[bflag:$0x3] =	sbarrier.arrive $0xFFFF  }
0x5f4: {  	_ =	shalt  }

</sc_bundles>
